<compile_context>
chip_gen: v7x
topology: tpu7x:2x2x1
jax: 0.10.2.dev20260603
libtpu: 0.0.44.dev20260713+nightly
codegen_flags: <defaults>
</compile_context>

<pallas_src>
import functools

import jax
import jax.numpy as jnp
from jax import lax
from jax.experimental import pallas as pl
from jax.experimental.pallas import tpu as pltpu
from jax.experimental.pallas import tpu_sc as plsc

B = 64
C = 1000000
L = 16
NS = 16
T0 = 4712
SCB = T0 * 128
TPW = 775
CT = 31
NCH = TPW // CT
CW = CT * 128
VPC = CW // L
TAIL0 = 7812 * 128
TCB = 15872
TNB = SCB // TCB
NEG_INF = float("-inf")
IMAX = 2147483647

_mesh = plsc.VectorSubcoreMesh(core_axis_name="c", subcore_axis_name="s")


@functools.partial(
    pl.kernel,
    out_type=(
        jax.ShapeDtypeStruct((B * L,), jnp.int32),
        jax.ShapeDtypeStruct((B * L,), jnp.float32),
        jax.ShapeDtypeStruct((B * 4 * L,), jnp.float32),
        jax.ShapeDtypeStruct((B * 4 * L,), jnp.int32),
    ),
    mesh=_mesh,
    scratch_types=[
        pltpu.VMEM((8, CW), jnp.float32),
        pltpu.VMEM((8, CW), jnp.float32),
        pltpu.VMEM((8, 64), jnp.float32),
        pltpu.VMEM((8 * L,), jnp.float32),
        pltpu.VMEM((8 * L,), jnp.int32),
        pltpu.VMEM((4 * 8 * L,), jnp.float32),
        pltpu.VMEM((4 * 8 * L,), jnp.int32),
        pltpu.VMEM((L,), jnp.int32),
        pltpu.VMEM((L,), jnp.float32),
        pltpu.SemaphoreType.DMA,
        pltpu.SemaphoreType.DMA,
    ],
)
def _argmax_kernel(logits, out, outval, pv, pi, buf0, buf1, tailb, mv, mi,
                   gv, gi, outrow, outrowv, sem0, sem1):
    cid = lax.axis_index("c")
    sid = lax.axis_index("s")
    wid = cid * NS + sid
    g = wid // 4
    q = wid % 4
    r0 = pl.multiple_of(g * 8, 8)
    cb = pl.multiple_of(SCB + q * TPW * 128, 128)
    lane = lax.iota(jnp.int32, L)

    def src(ch):
        return logits.at[pl.ds(r0, 8), pl.ds(cb + ch * CW, CW)]

    def scan_chunk(buf, step_base, carry):
        def body(jj, c):
            bvs, bjs = list(c[:8]), list(c[8:])
            base = step_base + jj * 8
            jvs = [lax.broadcast(base + c16, (L,)) for c16 in range(8)]
            col0 = jj * 128
            for r in range(8):
                bv, bj = bvs[r], bjs[r]
                for c16 in range(8):
                    v = buf[r, pl.ds(col0 + c16 * L, L)]
                    gt = v > bv
                    bv = jnp.where(gt, v, bv)
                    bj = jnp.where(gt, jvs[c16], bj)
                bvs[r], bjs[r] = bv, bj
            return tuple(bvs) + tuple(bjs)

        return lax.fori_loop(0, CT, body, carry)

    init = tuple(jnp.full((L,), NEG_INF, jnp.float32) for _ in range(8)) + \
        tuple(jnp.zeros((L,), jnp.int32) for _ in range(8))

    pltpu.make_async_copy(src(0), buf0, sem0).start()
    pltpu.make_async_copy(
        logits.at[pl.ds(r0, 8), pl.ds(TAIL0, 64)], tailb, sem1).start()
    pltpu.make_async_copy(
        logits.at[pl.ds(r0, 8), pl.ds(TAIL0, 64)], tailb, sem1).wait()

    def pair_body(cc, carry):
        c0 = 2 * cc
        pltpu.make_async_copy(src(c0 + 1), buf1, sem1).start()
        pltpu.make_async_copy(src(c0), buf0, sem0).wait()
        carry = scan_chunk(buf0, c0 * VPC, carry)
        pltpu.make_async_copy(src(c0 + 2), buf0, sem0).start()
        pltpu.make_async_copy(src(c0 + 1), buf1, sem1).wait()
        carry = scan_chunk(buf1, (c0 + 1) * VPC, carry)
        return carry

    carry = lax.fori_loop(0, (NCH - 1) // 2, pair_body, init)
    pltpu.make_async_copy(src(NCH - 1), buf0, sem0).wait()
    carry = scan_chunk(buf0, (NCH - 1) * VPC, carry)

    bvs, bjs = list(carry[:8]), list(carry[8:])
    qmask = lax.broadcast(
        jnp.where(q == 3, jnp.float32(0.0), jnp.float32(NEG_INF)), (L,))
    tail_base = NCH * VPC
    for r in range(8):
        bv, bj = bvs[r], bjs[r]
        for c16 in range(4):
            v = tailb[r, pl.ds(c16 * L, L)] + qmask
            jv = lax.broadcast(tail_base + c16, (L,))
            gt = v > bv
            bv = jnp.where(gt, v, bv)
            bj = jnp.where(gt, jv, bj)
        bvs[r], bjs[r] = bv, bj

    def perm_gather(x, p):
        return lax.gather(
            x, p[:, None],
            lax.GatherDimensionNumbers(
                offset_dims=(), collapsed_slice_dims=(0,),
                start_index_map=(0,)),
            (1,), mode=lax.GatherScatterMode.PROMISE_IN_BOUNDS)

    for r in range(8):
        bv, bj = bvs[r], bjs[r]
        m = bv
        for s in (1, 2, 4, 8):
            m = jnp.maximum(m, perm_gather(m, lane ^ s))
        idx = cb + bj * L + lane
        cand = jnp.where(bv == m, idx, jnp.int32(IMAX))
        for s in (1, 2, 4, 8):
            cand = jnp.minimum(cand, perm_gather(cand, lane ^ s))
        mv[pl.ds(r * L, L)] = m
        mi[pl.ds(r * L, L)] = cand

    pslot = pl.multiple_of((g * 4 + q) * 8 * L, 16)
    pltpu.sync_copy(mv, pv.at[pl.ds(pslot, 8 * L)])
    pltpu.sync_copy(mi, pi.at[pl.ds(pslot, 8 * L)])
    plsc.subcore_barrier()

    @pl.when(q == 0)
    def _():
        gbase = pl.multiple_of(g * 4 * 8 * L, 16)
        pltpu.sync_copy(pv.at[pl.ds(gbase, 4 * 8 * L)], gv)
        pltpu.sync_copy(pi.at[pl.ds(gbase, 4 * 8 * L)], gi)
        for r in range(8):
            bv = gv[pl.ds(r * L, L)]
            bi = gi[pl.ds(r * L, L)]
            for qq in range(1, 4):
                o = (qq * 8 + r) * L
                v = gv[pl.ds(o, L)]
                i = gi[pl.ds(o, L)]
                take = (v > bv) | ((v == bv) & (i < bi))
                bv = jnp.where(take, v, bv)
                bi = jnp.where(take, i, bi)
            outrow[...] = bi
            outrowv[...] = bv
            row = g * 8 + r
            pltpu.sync_copy(
                outrow, out.at[pl.ds(pl.multiple_of(row * L, 16), L)])
            pltpu.sync_copy(
                outrowv, outval.at[pl.ds(pl.multiple_of(row * L, 16), L)])


def _tc_partial_body(x_ref, val_ref, idx_ref):
    i = pl.program_id(0)
    v = x_ref[...]
    m = jnp.max(v, axis=1, keepdims=True)
    io = lax.broadcasted_iota(jnp.int32, (B, TCB), 1) + i * TCB
    cand = jnp.where(v == m, io, jnp.int32(IMAX))
    bi = jnp.min(cand, axis=1, keepdims=True)

    @pl.when(i == 0)
    def _():
        val_ref[...] = m
        idx_ref[...] = bi

    @pl.when(i > 0)
    def _():
        take = m > val_ref[...]
        val_ref[...] = jnp.where(take, m, val_ref[...])
        idx_ref[...] = jnp.where(take, bi, idx_ref[...])


_tc_partial = pl.pallas_call(
    _tc_partial_body,
    grid=(TNB,),
    in_specs=[pl.BlockSpec((B, TCB), lambda i: (0, i))],
    out_specs=(pl.BlockSpec((B, 1), lambda i: (0, 0)),
               pl.BlockSpec((B, 1), lambda i: (0, 0))),
    out_shape=(jax.ShapeDtypeStruct((B, 1), jnp.float32),
               jax.ShapeDtypeStruct((B, 1), jnp.int32)),
)


def _merge_body(scv_ref, sci_ref, tcv_ref, tci_ref, out_ref):
    scv, sci = scv_ref[...], sci_ref[...]
    tcv, tci = tcv_ref[...], tci_ref[...]
    take = (tcv > scv) | ((tcv == scv) & (tci < sci))
    out_ref[...] = jnp.where(take, tci, sci)


_merge = pl.pallas_call(
    _merge_body,
    out_shape=jax.ShapeDtypeStruct((B, 1), jnp.int32),
)


def kernel(m_logits):
    sc_idx, sc_val, _, _ = _argmax_kernel(m_logits)
    tc_val, tc_idx = _tc_partial(m_logits)
    sci = sc_idx.reshape(B, L)[:, :1]
    scv = sc_val.reshape(B, L)[:, :1]
    return _merge(scv, sci, tc_val, tc_idx)

# --- scband reference (transcript-rebuilt; emitter-appended) ---
"""Pipeline reference for scband-greedy-head-5506148073533 (READ-ONLY COPY).

The authoritative reference and input builder live on the scoring server;
editing this copy changes nothing except your own understanding.
"""

import jax, jax.numpy as jnp
import numpy as np

def setup_inputs(seed: int = 0) -> dict:
    key = jax.random.key(seed)
    m_logits = jax.random.normal(key, (64, 1000000), dtype=jnp.float32)
    return {"m_logits": m_logits}

def reference(m_logits):
    # GreedyHead: token = topk(logits.float(), 1) indices -> shape [B, 1]
    _, token = jax.lax.top_k(m_logits.astype(jnp.float32), 1)
    return token

if __name__ == "__main__":
    import jax
    _d = setup_inputs()
    print(jax.jit(kernel)(*tuple(_d.values())))

</pallas_src>

<mosaic_0001>
#map = affine_map<(d0, d1) -> (0, 0)>
#map1 = affine_map<(d0, d1) -> (0)>
module attributes {stable_mosaic.version = 14 : i64} {
  func.func @_argmax_kernel(%arg0: i32, %arg1: i32, %arg2: memref<64x1000000xf32, #tpu.memory_space<hbm>>, %arg3: memref<1024xi32, #tpu.memory_space<hbm>>, %arg4: memref<1024xf32, #tpu.memory_space<hbm>>, %arg5: memref<4096xf32, #tpu.memory_space<hbm>>, %arg6: memref<4096xi32, #tpu.memory_space<hbm>>, %arg7: memref<8x3968xf32, #tpu.memory_space<vmem>>, %arg8: memref<8x3968xf32, #tpu.memory_space<vmem>>, %arg9: memref<8x64xf32, #tpu.memory_space<vmem>>, %arg10: memref<128xf32, #tpu.memory_space<vmem>>, %arg11: memref<128xi32, #tpu.memory_space<vmem>>, %arg12: memref<512xf32, #tpu.memory_space<vmem>>, %arg13: memref<512xi32, #tpu.memory_space<vmem>>, %arg14: memref<16xi32, #tpu.memory_space<vmem>>, %arg15: memref<16xf32, #tpu.memory_space<vmem>>, %arg16: memref<!tpu.dma_semaphore, #tpu.memory_space<semaphore_mem>>, %arg17: memref<!tpu.dma_semaphore, #tpu.memory_space<semaphore_mem>>) attributes {dimension_semantics = [#tpu.dimension_semantics<core_parallel>, #tpu.dimension_semantics<subcore_parallel>], iteration_bounds = array<i64: 2, 16>, scalar_prefetch = 0 : i64, scratch_operands = 11 : i64, tpu.core_type = #tpu.core_type<sc_vector_subcore>, window_params = [{transform_indices = #map}, {transform_indices = #map1}, {transform_indices = #map1}, {transform_indices = #map1}, {transform_indices = #map1}]} {
    %mul3A = arith.constant 16 : i32
    %mul3A_0 = arith.muli %arg0, %mul3A : i32
    %add3A = arith.addi %mul3A_0, %arg1 : i32
    %jit3A = arith.constant 4 : i32
    %div3A = arith.divsi %add3A, %jit3A : i32
    %sign3A = arith.constant 0 : i32
    %sign3A_1 = arith.cmpi sgt, %add3A, %sign3A : i32
    %sign3A_2 = arith.extui %sign3A_1 : i1 to i32
    %sign3A_3 = arith.constant 0 : i32
    %sign3A_4 = arith.cmpi slt, %add3A, %sign3A_3 : i32
    %sign3A_5 = arith.extui %sign3A_4 : i1 to i32
    %sign3A_6 = arith.subi %sign3A_2, %sign3A_5 : i32
    %sign3A_7 = arith.constant 0 : i32
    %sign3A_8 = arith.cmpi sgt, %jit3A, %sign3A_7 : i32
    %sign3A_9 = arith.extui %sign3A_8 : i1 to i32
    %sign3A_10 = arith.constant 0 : i32
    %sign3A_11 = arith.cmpi slt, %jit3A, %sign3A_10 : i32
    %sign3A_12 = arith.extui %sign3A_11 : i1 to i32
    %sign3A_13 = arith.subi %sign3A_9, %sign3A_12 : i32
    %ne3A = arith.cmpi ne, %sign3A_6, %sign3A_13 : i32
    %rem3A = arith.remsi %add3A, %jit3A : i32
    %ne3A_14 = arith.constant 0 : i32
    %ne3A_15 = arith.cmpi ne, %rem3A, %ne3A_14 : i32
    %and3A = arith.andi %ne3A, %ne3A_15 : i1
    %sub3A = arith.constant 1 : i32
    %sub3A_16 = arith.subi %div3A, %sub3A : i32
    %select_n3A = arith.select %and3A, %sub3A_16, %div3A : i32
    %jit3A_17 = arith.constant 4 : i32
    %eq3A = arith.constant 0 : i32
    %eq3A_18 = arith.cmpi eq, %jit3A_17, %eq3A : i32
    %jit3A_19 = arith.constant 1 : i32
    %select_n3A_20 = arith.select %eq3A_18, %jit3A_19, %jit3A_17 : i32
    %rem3A_21 = arith.remsi %add3A, %select_n3A_20 : i32
    %ne3A_22 = arith.constant 0 : i32
    %ne3A_23 = arith.cmpi ne, %rem3A_21, %ne3A_22 : i32
    %lt3A = arith.constant 0 : i32
    %lt3A_24 = arith.cmpi slt, %rem3A_21, %lt3A : i32
    %lt3A_25 = arith.constant 0 : i32
    %lt3A_26 = arith.cmpi slt, %select_n3A_20, %lt3A_25 : i32
    %ne3A_27 = arith.xori %lt3A_24, %lt3A_26 : i1
    %and3A_28 = arith.andi %ne3A_27, %ne3A_23 : i1
    %add3A_29 = arith.addi %rem3A_21, %select_n3A_20 : i32
    %select_n3A_30 = arith.select %and3A_28, %add3A_29, %rem3A_21 : i32
    %mul3A_31 = arith.constant 8 : i32
    %mul3A_32 = arith.muli %select_n3A, %mul3A_31 : i32
    %multiple_of3A = tpu.assume_multiple %mul3A_32, 8 : i32
    %mul3A_33 = arith.constant 775 : i32
    %mul3A_34 = arith.muli %select_n3A_30, %mul3A_33 : i32
    %mul3A_35 = arith.constant 128 : i32
    %mul3A_36 = arith.muli %mul3A_34, %mul3A_35 : i32
    %add3A_37 = arith.constant 603136 : i32
    %add3A_38 = arith.addi %add3A_37, %mul3A_36 : i32
    %multiple_of3A_39 = tpu.assume_multiple %add3A_38, 128 : i32
    %iota3A = tpu.iota {dimensions = array<i32: 0>} : vector<16xi32>
    %broadcast_in_dim3A = arith.constant 0xFF800000 : f32
    %broadcast_in_dim3A_40 = vector.broadcast %broadcast_in_dim3A : f32 to vector<16xf32>
    %broadcast_in_dim3A_41 = arith.constant 0xFF800000 : f32
    %broadcast_in_dim3A_42 = vector.broadcast %broadcast_in_dim3A_41 : f32 to vector<16xf32>
    %broadcast_in_dim3A_43 = arith.constant 0xFF800000 : f32
    %broadcast_in_dim3A_44 = vector.broadcast %broadcast_in_dim3A_43 : f32 to vector<16xf32>
    %broadcast_in_dim3A_45 = arith.constant 0xFF800000 : f32
    %broadcast_in_dim3A_46 = vector.broadcast %broadcast_in_dim3A_45 : f32 to vector<16xf32>
    %broadcast_in_dim3A_47 = arith.constant 0xFF800000 : f32
    %broadcast_in_dim3A_48 = vector.broadcast %broadcast_in_dim3A_47 : f32 to vector<16xf32>
    %broadcast_in_dim3A_49 = arith.constant 0xFF800000 : f32
    %broadcast_in_dim3A_50 = vector.broadcast %broadcast_in_dim3A_49 : f32 to vector<16xf32>
    %broadcast_in_dim3A_51 = arith.constant 0xFF800000 : f32
    %broadcast_in_dim3A_52 = vector.broadcast %broadcast_in_dim3A_51 : f32 to vector<16xf32>
    %broadcast_in_dim3A_53 = arith.constant 0xFF800000 : f32
    %broadcast_in_dim3A_54 = vector.broadcast %broadcast_in_dim3A_53 : f32 to vector<16xf32>
    %broadcast_in_dim3A_55 = arith.constant 0 : i32
    %broadcast_in_dim3A_56 = vector.broadcast %broadcast_in_dim3A_55 : i32 to vector<16xi32>
    %broadcast_in_dim3A_57 = arith.constant 0 : i32
    %broadcast_in_dim3A_58 = vector.broadcast %broadcast_in_dim3A_57 : i32 to vector<16xi32>
    %broadcast_in_dim3A_59 = arith.constant 0 : i32
    %broadcast_in_dim3A_60 = vector.broadcast %broadcast_in_dim3A_59 : i32 to vector<16xi32>
    %broadcast_in_dim3A_61 = arith.constant 0 : i32
    %broadcast_in_dim3A_62 = vector.broadcast %broadcast_in_dim3A_61 : i32 to vector<16xi32>
    %broadcast_in_dim3A_63 = arith.constant 0 : i32
    %broadcast_in_dim3A_64 = vector.broadcast %broadcast_in_dim3A_63 : i32 to vector<16xi32>
    %broadcast_in_dim3A_65 = arith.constant 0 : i32
    %broadcast_in_dim3A_66 = vector.broadcast %broadcast_in_dim3A_65 : i32 to vector<16xi32>
    %broadcast_in_dim3A_67 = arith.constant 0 : i32
    %broadcast_in_dim3A_68 = vector.broadcast %broadcast_in_dim3A_67 : i32 to vector<16xi32>
    %broadcast_in_dim3A_69 = arith.constant 0 : i32
    %broadcast_in_dim3A_70 = vector.broadcast %broadcast_in_dim3A_69 : i32 to vector<16xi32>
    %add3A_71 = arith.constant 0 : i32
    %add3A_72 = arith.addi %multiple_of3A_39, %add3A_71 : i32
    %dma_start3A = tpu.memref_slice %arg2[%multiple_of3A, %add3A_72] : memref<64x1000000xf32, #tpu.memory_space<hbm>> -> memref<8x3968xf32, #tpu.memory_space<hbm>>
    %dma_start3A_73 = tpu.memref_slice %arg2[%multiple_of3A, %add3A_72] : memref<64x1000000xf32, #tpu.memory_space<hbm>> -> memref<8x3968xf32, #tpu.memory_space<hbm>>
    tpu.enqueue_dma source(%dma_start3A_73 : memref<8x3968xf32, #tpu.memory_space<hbm>>) target(%arg7 : memref<8x3968xf32, #tpu.memory_space<vmem>>) target_semaphore(%arg16 : memref<!tpu.dma_semaphore, #tpu.memory_space<semaphore_mem>>)
    %dma_start3A_74 = arith.constant 999936 : i32
    %dma_start3A_75 = tpu.memref_slice %arg2[%multiple_of3A, %dma_start3A_74] : memref<64x1000000xf32, #tpu.memory_space<hbm>> -> memref<8x64xf32, #tpu.memory_space<hbm>>
    %dma_start3A_76 = arith.constant 999936 : i32
    %dma_start3A_77 = tpu.memref_slice %arg2[%multiple_of3A, %dma_start3A_76] : memref<64x1000000xf32, #tpu.memory_space<hbm>> -> memref<8x64xf32, #tpu.memory_space<hbm>>
    tpu.enqueue_dma source(%dma_start3A_77 : memref<8x64xf32, #tpu.memory_space<hbm>>) target(%arg9 : memref<8x64xf32, #tpu.memory_space<vmem>>) target_semaphore(%arg17 : memref<!tpu.dma_semaphore, #tpu.memory_space<semaphore_mem>>)
    %dma_wait3A = arith.constant 999936 : i32
    %dma_wait3A_78 = tpu.memref_slice %arg2[%multiple_of3A, %dma_wait3A] : memref<64x1000000xf32, #tpu.memory_space<hbm>> -> memref<8x64xf32, #tpu.memory_space<hbm>>
    %dma_wait3A_79 = arith.constant 999936 : i32
    %dma_wait3A_80 = tpu.memref_slice %arg2[%multiple_of3A, %dma_wait3A_79] : memref<64x1000000xf32, #tpu.memory_space<hbm>> -> memref<8x64xf32, #tpu.memory_space<hbm>>
    tpu.wait_dma2 semaphore(%arg17 : memref<!tpu.dma_semaphore, #tpu.memory_space<semaphore_mem>>) src(%dma_wait3A_80 : memref<8x64xf32, #tpu.memory_space<hbm>>) dst(%arg9 : memref<8x64xf32, #tpu.memory_space<vmem>>)
    %scan3A = arith.constant 0 : i32
    %scan3A_81 = arith.constant 12 : i32
    %scan3A_82 = arith.addi %scan3A, %scan3A_81 : i32
    %scan3A_83 = arith.constant 1 : i32
    %scan3A_84:16 = scf.for %scan3A_1050 = %scan3A to %scan3A_82 step %scan3A_83 iter_args(%scan3A_1051 = %broadcast_in_dim3A_40, %scan3A_1052 = %broadcast_in_dim3A_42, %scan3A_1053 = %broadcast_in_dim3A_44, %scan3A_1054 = %broadcast_in_dim3A_46, %scan3A_1055 = %broadcast_in_dim3A_48, %scan3A_1056 = %broadcast_in_dim3A_50, %scan3A_1057 = %broadcast_in_dim3A_52, %scan3A_1058 = %broadcast_in_dim3A_54, %scan3A_1059 = %broadcast_in_dim3A_56, %scan3A_1060 = %broadcast_in_dim3A_58, %scan3A_1061 = %broadcast_in_dim3A_60, %scan3A_1062 = %broadcast_in_dim3A_62, %scan3A_1063 = %broadcast_in_dim3A_64, %scan3A_1064 = %broadcast_in_dim3A_66, %scan3A_1065 = %broadcast_in_dim3A_68, %scan3A_1066 = %broadcast_in_dim3A_70) -> (vector<16xf32>, vector<16xf32>, vector<16xf32>, vector<16xf32>, vector<16xf32>, vector<16xf32>, vector<16xf32>, vector<16xf32>, vector<16xi32>, vector<16xi32>, vector<16xi32>, vector<16xi32>, vector<16xi32>, vector<16xi32>, vector<16xi32>, vector<16xi32>)  : i32 {
      %mul3A_1067 = arith.constant 2 : i32
      %mul3A_1068 = arith.muli %mul3A_1067, %scan3A_1050 : i32
      %add3A_1069 = arith.constant 1 : i32
      %add3A_1070 = arith.addi %mul3A_1068, %add3A_1069 : i32
      %mul3A_1071 = arith.constant 3968 : i32
      %mul3A_1072 = arith.muli %add3A_1070, %mul3A_1071 : i32
      %add3A_1073 = arith.addi %multiple_of3A_39, %mul3A_1072 : i32
      %dma_start3A_1074 = tpu.memref_slice %arg2[%multiple_of3A, %add3A_1073] : memref<64x1000000xf32, #tpu.memory_space<hbm>> -> memref<8x3968xf32, #tpu.memory_space<hbm>>
      %dma_start3A_1075 = tpu.memref_slice %arg2[%multiple_of3A, %add3A_1073] : memref<64x1000000xf32, #tpu.memory_space<hbm>> -> memref<8x3968xf32, #tpu.memory_space<hbm>>
      tpu.enqueue_dma source(%dma_start3A_1075 : memref<8x3968xf32, #tpu.memory_space<hbm>>) target(%arg8 : memref<8x3968xf32, #tpu.memory_space<vmem>>) target_semaphore(%arg17 : memref<!tpu.dma_semaphore, #tpu.memory_space<semaphore_mem>>)
      %mul3A_1076 = arith.constant 3968 : i32
      %mul3A_1077 = arith.muli %mul3A_1068, %mul3A_1076 : i32
      %add3A_1078 = arith.addi %multiple_of3A_39, %mul3A_1077 : i32
      %dma_wait3A_1079 = tpu.memref_slice %arg2[%multiple_of3A, %add3A_1078] : memref<64x1000000xf32, #tpu.memory_space<hbm>> -> memref<8x3968xf32, #tpu.memory_space<hbm>>
      %dma_wait3A_1080 = tpu.memref_slice %arg2[%multiple_of3A, %add3A_1078] : memref<64x1000000xf32, #tpu.memory_space<hbm>> -> memref<8x3968xf32, #tpu.memory_space<hbm>>
      tpu.wait_dma2 semaphore(%arg16 : memref<!tpu.dma_semaphore, #tpu.memory_space<semaphore_mem>>) src(%dma_wait3A_1080 : memref<8x3968xf32, #tpu.memory_space<hbm>>) dst(%arg7 : memref<8x3968xf32, #tpu.memory_space<vmem>>)
      %mul3A_1081 = arith.constant 248 : i32
      %mul3A_1082 = arith.muli %mul3A_1068, %mul3A_1081 : i32
      %scan3A_1083 = arith.constant 0 : i32
      %scan3A_1084 = arith.constant 31 : i32
      %scan3A_1085 = arith.addi %scan3A_1083, %scan3A_1084 : i32
      %scan3A_1086 = arith.constant 1 : i32
      %scan3A_1087:16 = scf.for %scan3A_1113 = %scan3A_1083 to %scan3A_1085 step %scan3A_1086 iter_args(%scan3A_1114 = %scan3A_1051, %scan3A_1115 = %scan3A_1052, %scan3A_1116 = %scan3A_1053, %scan3A_1117 = %scan3A_1054, %scan3A_1118 = %scan3A_1055, %scan3A_1119 = %scan3A_1056, %scan3A_1120 = %scan3A_1057, %scan3A_1121 = %scan3A_1058, %scan3A_1122 = %scan3A_1059, %scan3A_1123 = %scan3A_1060, %scan3A_1124 = %scan3A_1061, %scan3A_1125 = %scan3A_1062, %scan3A_1126 = %scan3A_1063, %scan3A_1127 = %scan3A_1064, %scan3A_1128 = %scan3A_1065, %scan3A_1129 = %scan3A_1066) -> (vector<16xf32>, vector<16xf32>, vector<16xf32>, vector<16xf32>, vector<16xf32>, vector<16xf32>, vector<16xf32>, vector<16xf32>, vector<16xi32>, vector<16xi32>, vector<16xi32>, vector<16xi32>, vector<16xi32>, vector<16xi32>, vector<16xi32>, vector<16xi32>)  : i32 {
        %mul3A_1130 = arith.constant 8 : i32
        %mul3A_1131 = arith.muli %scan3A_1113, %mul3A_1130 : i32
        %add3A_1132 = arith.addi %mul3A_1082, %mul3A_1131 : i32
        %add3A_1133 = arith.constant 0 : i32
        %add3A_1134 = arith.addi %add3A_1132, %add3A_1133 : i32
        %broadcast_in_dim3A_1135 = vector.broadcast %add3A_1134 : i32 to vector<16xi32>
        %add3A_1136 = arith.constant 1 : i32
        %add3A_1137 = arith.addi %add3A_1132, %add3A_1136 : i32
        %broadcast_in_dim3A_1138 = vector.broadcast %add3A_1137 : i32 to vector<16xi32>
        %add3A_1139 = arith.constant 2 : i32
        %add3A_1140 = arith.addi %add3A_1132, %add3A_1139 : i32
        %broadcast_in_dim3A_1141 = vector.broadcast %add3A_1140 : i32 to vector<16xi32>
        %add3A_1142 = arith.constant 3 : i32
        %add3A_1143 = arith.addi %add3A_1132, %add3A_1142 : i32
        %broadcast_in_dim3A_1144 = vector.broadcast %add3A_1143 : i32 to vector<16xi32>
        %add3A_1145 = arith.constant 4 : i32
        %add3A_1146 = arith.addi %add3A_1132, %add3A_1145 : i32
        %broadcast_in_dim3A_1147 = vector.broadcast %add3A_1146 : i32 to vector<16xi32>
        %add3A_1148 = arith.constant 5 : i32
        %add3A_1149 = arith.addi %add3A_1132, %add3A_1148 : i32
        %broadcast_in_dim3A_1150 = vector.broadcast %add3A_1149 : i32 to vector<16xi32>
        %add3A_1151 = arith.constant 6 : i32
        %add3A_1152 = arith.addi %add3A_1132, %add3A_1151 : i32
        %broadcast_in_dim3A_1153 = vector.broadcast %add3A_1152 : i32 to vector<16xi32>
        %add3A_1154 = arith.constant 7 : i32
        %add3A_1155 = arith.addi %add3A_1132, %add3A_1154 : i32
        %broadcast_in_dim3A_1156 = vector.broadcast %add3A_1155 : i32 to vector<16xi32>
        %mul3A_1157 = arith.constant 128 : i32
        %mul3A_1158 = arith.muli %scan3A_1113, %mul3A_1157 : i32
        %add3A_1159 = arith.constant 0 : i32
        %add3A_1160 = arith.addi %mul3A_1158, %add3A_1159 : i32
        %get3A_1161 = arith.constant 0 : i32
        %get3A_1162 = arith.index_cast %get3A_1161 : i32 to index
        %get3A_1163 = arith.index_cast %add3A_1160 : i32 to index
        %get3A_1164 = tpu.vector_load %arg7[%get3A_1162, %get3A_1163] {strides = array<i32>} : memref<8x3968xf32, #tpu.memory_space<vmem>>, vector<1x16xf32>,
        %get3A_1165 = vector.shape_cast %get3A_1164 : vector<1x16xf32> to vector<16xf32>
        %gt3A_1166 = arith.cmpf ogt, %get3A_1165, %scan3A_1114 : vector<16xf32>
        %select_n3A_1167 = arith.select %gt3A_1166, %get3A_1165, %scan3A_1114 : vector<16xi1>, vector<16xf32>
        %select_n3A_1168 = arith.select %gt3A_1166, %broadcast_in_dim3A_1135, %scan3A_1122 : vector<16xi1>, vector<16xi32>
        %add3A_1169 = arith.constant 16 : i32
        %add3A_1170 = arith.addi %mul3A_1158, %add3A_1169 : i32
        %get3A_1171 = arith.constant 0 : i32
        %get3A_1172 = arith.index_cast %get3A_1171 : i32 to index
        %get3A_1173 = arith.index_cast %add3A_1170 : i32 to index
        %get3A_1174 = tpu.vector_load %arg7[%get3A_1172, %get3A_1173] {strides = array<i32>} : memref<8x3968xf32, #tpu.memory_space<vmem>>, vector<1x16xf32>,
        %get3A_1175 = vector.shape_cast %get3A_1174 : vector<1x16xf32> to vector<16xf32>
        %gt3A_1176 = arith.cmpf ogt, %get3A_1175, %select_n3A_1167 : vector<16xf32>
        %select_n3A_1177 = arith.select %gt3A_1176, %get3A_1175, %select_n3A_1167 : vector<16xi1>, vector<16xf32>
        %select_n3A_1178 = arith.select %gt3A_1176, %broadcast_in_dim3A_1138, %select_n3A_1168 : vector<16xi1>, vector<16xi32>
        %add3A_1179 = arith.constant 32 : i32
        %add3A_1180 = arith.addi %mul3A_1158, %add3A_1179 : i32
        %get3A_1181 = arith.constant 0 : i32
        %get3A_1182 = arith.index_cast %get3A_1181 : i32 to index
        %get3A_1183 = arith.index_cast %add3A_1180 : i32 to index
        %get3A_1184 = tpu.vector_load %arg7[%get3A_1182, %get3A_1183] {strides = array<i32>} : memref<8x3968xf32, #tpu.memory_space<vmem>>, vector<1x16xf32>,
        %get3A_1185 = vector.shape_cast %get3A_1184 : vector<1x16xf32> to vector<16xf32>
        %gt3A_1186 = arith.cmpf ogt, %get3A_1185, %select_n3A_1177 : vector<16xf32>
        %select_n3A_1187 = arith.select %gt3A_1186, %get3A_1185, %select_n3A_1177 : vector<16xi1>, vector<16xf32>
        %select_n3A_1188 = arith.select %gt3A_1186, %broadcast_in_dim3A_1141, %select_n3A_1178 : vector<16xi1>, vector<16xi32>
        %add3A_1189 = arith.constant 48 : i32
        %add3A_1190 = arith.addi %mul3A_1158, %add3A_1189 : i32
        %get3A_1191 = arith.constant 0 : i32
        %get3A_1192 = arith.index_cast %get3A_1191 : i32 to index
        %get3A_1193 = arith.index_cast %add3A_1190 : i32 to index
        %get3A_1194 = tpu.vector_load %arg7[%get3A_1192, %get3A_1193] {strides = array<i32>} : memref<8x3968xf32, #tpu.memory_space<vmem>>, vector<1x16xf32>,
        %get3A_1195 = vector.shape_cast %get3A_1194 : vector<1x16xf32> to vector<16xf32>
        %gt3A_1196 = arith.cmpf ogt, %get3A_1195, %select_n3A_1187 : vector<16xf32>
        %select_n3A_1197 = arith.select %gt3A_1196, %get3A_1195, %select_n3A_1187 : vector<16xi1>, vector<16xf32>
        %select_n3A_1198 = arith.select %gt3A_1196, %broadcast_in_dim3A_1144, %select_n3A_1188 : vector<16xi1>, vector<16xi32>
        %add3A_1199 = arith.constant 64 : i32
        %add3A_1200 = arith.addi %mul3A_1158, %add3A_1199 : i32
        %get3A_1201 = arith.constant 0 : i32
        %get3A_1202 = arith.index_cast %get3A_1201 : i32 to index
        %get3A_1203 = arith.index_cast %add3A_1200 : i32 to index
        %get3A_1204 = tpu.vector_load %arg7[%get3A_1202, %get3A_1203] {strides = array<i32>} : memref<8x3968xf32, #tpu.memory_space<vmem>>, vector<1x16xf32>,
        %get3A_1205 = vector.shape_cast %get3A_1204 : vector<1x16xf32> to vector<16xf32>
        %gt3A_1206 = arith.cmpf ogt, %get3A_1205, %select_n3A_1197 : vector<16xf32>
        %select_n3A_1207 = arith.select %gt3A_1206, %get3A_1205, %select_n3A_1197 : vector<16xi1>, vector<16xf32>
        %select_n3A_1208 = arith.select %gt3A_1206, %broadcast_in_dim3A_1147, %select_n3A_1198 : vector<16xi1>, vector<16xi32>
        %add3A_1209 = arith.constant 80 : i32
        %add3A_1210 = arith.addi %mul3A_1158, %add3A_1209 : i32
        %get3A_1211 = arith.constant 0 : i32
        %get3A_1212 = arith.index_cast %get3A_1211 : i32 to index
        %get3A_1213 = arith.index_cast %add3A_1210 : i32 to index
        %get3A_1214 = tpu.vector_load %arg7[%get3A_1212, %get3A_1213] {strides = array<i32>} : memref<8x3968xf32, #tpu.memory_space<vmem>>, vector<1x16xf32>,
        %get3A_1215 = vector.shape_cast %get3A_1214 : vector<1x16xf32> to vector<16xf32>
        %gt3A_1216 = arith.cmpf ogt, %get3A_1215, %select_n3A_1207 : vector<16xf32>
        %select_n3A_1217 = arith.select %gt3A_1216, %get3A_1215, %select_n3A_1207 : vector<16xi1>, vector<16xf32>
        %select_n3A_1218 = arith.select %gt3A_1216, %broadcast_in_dim3A_1150, %select_n3A_1208 : vector<16xi1>, vector<16xi32>
        %add3A_1219 = arith.constant 96 : i32
        %add3A_1220 = arith.addi %mul3A_1158, %add3A_1219 : i32
        %get3A_1221 = arith.constant 0 : i32
        %get3A_1222 = arith.index_cast %get3A_1221 : i32 to index
        %get3A_1223 = arith.index_cast %add3A_1220 : i32 to index
        %get3A_1224 = tpu.vector_load %arg7[%get3A_1222, %get3A_1223] {strides = array<i32>} : memref<8x3968xf32, #tpu.memory_space<vmem>>, vector<1x16xf32>,
        %get3A_1225 = vector.shape_cast %get3A_1224 : vector<1x16xf32> to vector<16xf32>
        %gt3A_1226 = arith.cmpf ogt, %get3A_1225, %select_n3A_1217 : vector<16xf32>
        %select_n3A_1227 = arith.select %gt3A_1226, %get3A_1225, %select_n3A_1217 : vector<16xi1>, vector<16xf32>
        %select_n3A_1228 = arith.select %gt3A_1226, %broadcast_in_dim3A_1153, %select_n3A_1218 : vector<16xi1>, vector<16xi32>
        %add3A_1229 = arith.constant 112 : i32
        %add3A_1230 = arith.addi %mul3A_1158, %add3A_1229 : i32
        %get3A_1231 = arith.constant 0 : i32
        %get3A_1232 = arith.index_cast %get3A_1231 : i32 to index
        %get3A_1233 = arith.index_cast %add3A_1230 : i32 to index
        %get3A_1234 = tpu.vector_load %arg7[%get3A_1232, %get3A_1233] {strides = array<i32>} : memref<8x3968xf32, #tpu.memory_space<vmem>>, vector<1x16xf32>,
        %get3A_1235 = vector.shape_cast %get3A_1234 : vector<1x16xf32> to vector<16xf32>
        %gt3A_1236 = arith.cmpf ogt, %get3A_1235, %select_n3A_1227 : vector<16xf32>
        %select_n3A_1237 = arith.select %gt3A_1236, %get3A_1235, %select_n3A_1227 : vector<16xi1>, vector<16xf32>
        %select_n3A_1238 = arith.select %gt3A_1236, %broadcast_in_dim3A_1156, %select_n3A_1228 : vector<16xi1>, vector<16xi32>
        %add3A_1239 = arith.constant 0 : i32
        %add3A_1240 = arith.addi %mul3A_1158, %add3A_1239 : i32
        %get3A_1241 = arith.constant 1 : i32
        %get3A_1242 = arith.index_cast %get3A_1241 : i32 to index
        %get3A_1243 = arith.index_cast %add3A_1240 : i32 to index
        %get3A_1244 = tpu.vector_load %arg7[%get3A_1242, %get3A_1243] {strides = array<i32>} : memref<8x3968xf32, #tpu.memory_space<vmem>>, vector<1x16xf32>,
        %get3A_1245 = vector.shape_cast %get3A_1244 : vector<1x16xf32> to vector<16xf32>
        %gt3A_1246 = arith.cmpf ogt, %get3A_1245, %scan3A_1115 : vector<16xf32>
        %select_n3A_1247 = arith.select %gt3A_1246, %get3A_1245, %scan3A_1115 : vector<16xi1>, vector<16xf32>
        %select_n3A_1248 = arith.select %gt3A_1246, %broadcast_in_dim3A_1135, %scan3A_1123 : vector<16xi1>, vector<16xi32>
        %add3A_1249 = arith.constant 16 : i32
        %add3A_1250 = arith.addi %mul3A_1158, %add3A_1249 : i32
        %get3A_1251 = arith.constant 1 : i32
        %get3A_1252 = arith.index_cast %get3A_1251 : i32 to index
        %get3A_1253 = arith.index_cast %add3A_1250 : i32 to index
        %get3A_1254 = tpu.vector_load %arg7[%get3A_1252, %get3A_1253] {strides = array<i32>} : memref<8x3968xf32, #tpu.memory_space<vmem>>, vector<1x16xf32>,
        %get3A_1255 = vector.shape_cast %get3A_1254 : vector<1x16xf32> to vector<16xf32>
        %gt3A_1256 = arith.cmpf ogt, %get3A_1255, %select_n3A_1247 : vector<16xf32>
        %select_n3A_1257 = arith.select %gt3A_1256, %get3A_1255, %select_n3A_1247 : vector<16xi1>, vector<16xf32>
        %select_n3A_1258 = arith.select %gt3A_1256, %broadcast_in_dim3A_1138, %select_n3A_1248 : vector<16xi1>, vector<16xi32>
        %add3A_1259 = arith.constant 32 : i32
        %add3A_1260 = arith.addi %mul3A_1158, %add3A_1259 : i32
        %get3A_1261 = arith.constant 1 : i32
        %get3A_1262 = arith.index_cast %get3A_1261 : i32 to index
        %get3A_1263 = arith.index_cast %add3A_1260 : i32 to index
        %get3A_1264 = tpu.vector_load %arg7[%get3A_1262, %get3A_1263] {strides = array<i32>} : memref<8x3968xf32, #tpu.memory_space<vmem>>, vector<1x16xf32>,
        %get3A_1265 = vector.shape_cast %get3A_1264 : vector<1x16xf32> to vector<16xf32>
        %gt3A_1266 = arith.cmpf ogt, %get3A_1265, %select_n3A_1257 : vector<16xf32>
        %select_n3A_1267 = arith.select %gt3A_1266, %get3A_1265, %select_n3A_1257 : vector<16xi1>, vector<16xf32>
        %select_n3A_1268 = arith.select %gt3A_1266, %broadcast_in_dim3A_1141, %select_n3A_1258 : vector<16xi1>, vector<16xi32>
        %add3A_1269 = arith.constant 48 : i32
        %add3A_1270 = arith.addi %mul3A_1158, %add3A_1269 : i32
        %get3A_1271 = arith.constant 1 : i32
        %get3A_1272 = arith.index_cast %get3A_1271 : i32 to index
        %get3A_1273 = arith.index_cast %add3A_1270 : i32 to index
        %get3A_1274 = tpu.vector_load %arg7[%get3A_1272, %get3A_1273] {strides = array<i32>} : memref<8x3968xf32, #tpu.memory_space<vmem>>, vector<1x16xf32>,
        %get3A_1275 = vector.shape_cast %get3A_1274 : vector<1x16xf32> to vector<16xf32>
        %gt3A_1276 = arith.cmpf ogt, %get3A_1275, %select_n3A_1267 : vector<16xf32>
        %select_n3A_1277 = arith.select %gt3A_1276, %get3A_1275, %select_n3A_1267 : vector<16xi1>, vector<16xf32>
        %select_n3A_1278 = arith.select %gt3A_1276, %broadcast_in_dim3A_1144, %select_n3A_1268 : vector<16xi1>, vector<16xi32>
        %add3A_1279 = arith.constant 64 : i32
        %add3A_1280 = arith.addi %mul3A_1158, %add3A_1279 : i32
        %get3A_1281 = arith.constant 1 : i32
        %get3A_1282 = arith.index_cast %get3A_1281 : i32 to index
        %get3A_1283 = arith.index_cast %add3A_1280 : i32 to index
        %get3A_1284 = tpu.vector_load %arg7[%get3A_1282, %get3A_1283] {strides = array<i32>} : memref<8x3968xf32, #tpu.memory_space<vmem>>, vector<1x16xf32>,
        %get3A_1285 = vector.shape_cast %get3A_1284 : vector<1x16xf32> to vector<16xf32>
        %gt3A_1286 = arith.cmpf ogt, %get3A_1285, %select_n3A_1277 : vector<16xf32>
        %select_n3A_1287 = arith.select %gt3A_1286, %get3A_1285, %select_n3A_1277 : vector<16xi1>, vector<16xf32>
        %select_n3A_1288 = arith.select %gt3A_1286, %broadcast_in_dim3A_1147, %select_n3A_1278 : vector<16xi1>, vector<16xi32>
        %add3A_1289 = arith.constant 80 : i32
        %add3A_1290 = arith.addi %mul3A_1158, %add3A_1289 : i32
        %get3A_1291 = arith.constant 1 : i32
        %get3A_1292 = arith.index_cast %get3A_1291 : i32 to index
        %get3A_1293 = arith.index_cast %add3A_1290 : i32 to index
        %get3A_1294 = tpu.vector_load %arg7[%get3A_1292, %get3A_1293] {strides = array<i32>} : memref<8x3968xf32, #tpu.memory_space<vmem>>, vector<1x16xf32>,
        %get3A_1295 = vector.shape_cast %get3A_1294 : vector<1x16xf32> to vector<16xf32>
        %gt3A_1296 = arith.cmpf ogt, %get3A_1295, %select_n3A_1287 : vector<16xf32>
        %select_n3A_1297 = arith.select %gt3A_1296, %get3A_1295, %select_n3A_1287 : vector<16xi1>, vector<16xf32>
        %select_n3A_1298 = arith.select %gt3A_1296, %broadcast_in_dim3A_1150, %select_n3A_1288 : vector<16xi1>, vector<16xi32>
        %add3A_1299 = arith.constant 96 : i32
        %add3A_1300 = arith.addi %mul3A_1158, %add3A_1299 : i32
        %get3A_1301 = arith.constant 1 : i32
        %get3A_1302 = arith.index_cast %get3A_1301 : i32 to index
        %get3A_1303 = arith.index_cast %add3A_1300 : i32 to index
        %get3A_1304 = tpu.vector_load %arg7[%get3A_1302, %get3A_1303] {strides = array<i32>} : memref<8x3968xf32, #tpu.memory_space<vmem>>, vector<1x16xf32>,
        %get3A_1305 = vector.shape_cast %get3A_1304 : vector<1x16xf32> to vector<16xf32>
        %gt3A_1306 = arith.cmpf ogt, %get3A_1305, %select_n3A_1297 : vector<16xf32>
        %select_n3A_1307 = arith.select %gt3A_1306, %get3A_1305, %select_n3A_1297 : vector<16xi1>, vector<16xf32>
        %select_n3A_1308 = arith.select %gt3A_1306, %broadcast_in_dim3A_1153, %select_n3A_1298 : vector<16xi1>, vector<16xi32>
        %add3A_1309 = arith.constant 112 : i32
        %add3A_1310 = arith.addi %mul3A_1158, %add3A_1309 : i32
        %get3A_1311 = arith.constant 1 : i32
        %get3A_1312 = arith.index_cast %get3A_1311 : i32 to index
        %get3A_1313 = arith.index_cast %add3A_1310 : i32 to index
        %get3A_1314 = tpu.vector_load %arg7[%get3A_1312, %get3A_1313] {strides = array<i32>} : memref<8x3968xf32, #tpu.memory_space<vmem>>, vector<1x16xf32>,
        %get3A_1315 = vector.shape_cast %get3A_1314 : vector<1x16xf32> to vector<16xf32>
        %gt3A_1316 = arith.cmpf ogt, %get3A_1315, %select_n3A_1307 : vector<16xf32>
        %select_n3A_1317 = arith.select %gt3A_1316, %get3A_1315, %select_n3A_1307 : vector<16xi1>, vector<16xf32>
        %select_n3A_1318 = arith.select %gt3A_1316, %broadcast_in_dim3A_1156, %select_n3A_1308 : vector<16xi1>, vector<16xi32>
        %add3A_1319 = arith.constant 0 : i32
        %add3A_1320 = arith.addi %mul3A_1158, %add3A_1319 : i32
        %get3A_1321 = arith.constant 2 : i32
        %get3A_1322 = arith.index_cast %get3A_1321 : i32 to index
        %get3A_1323 = arith.index_cast %add3A_1320 : i32 to index
        %get3A_1324 = tpu.vector_load %arg7[%get3A_1322, %get3A_1323] {strides = array<i32>} : memref<8x3968xf32, #tpu.memory_space<vmem>>, vector<1x16xf32>,
        %get3A_1325 = vector.shape_cast %get3A_1324 : vector<1x16xf32> to vector<16xf32>
        %gt3A_1326 = arith.cmpf ogt, %get3A_1325, %scan3A_1116 : vector<16xf32>
        %select_n3A_1327 = arith.select %gt3A_1326, %get3A_1325, %scan3A_1116 : vector<16xi1>, vector<16xf32>
        %select_n3A_1328 = arith.select %gt3A_1326, %broadcast_in_dim3A_1135, %scan3A_1124 : vector<16xi1>, vector<16xi32>
        %add3A_1329 = arith.constant 16 : i32
        %add3A_1330 = arith.addi %mul3A_1158, %add3A_1329 : i32
        %get3A_1331 = arith.constant 2 : i32
        %get3A_1332 = arith.index_cast %get3A_1331 : i32 to index
        %get3A_1333 = arith.index_cast %add3A_1330 : i32 to index
        %get3A_1334 = tpu.vector_load %arg7[%get3A_1332, %get3A_1333] {strides = array<i32>} : memref<8x3968xf32, #tpu.memory_space<vmem>>, vector<1x16xf32>,
        %get3A_1335 = vector.shape_cast %get3A_1334 : vector<1x16xf32> to vector<16xf32>
        %gt3A_1336 = arith.cmpf ogt, %get3A_1335, %select_n3A_1327 : vector<16xf32>
        %select_n3A_1337 = arith.select %gt3A_1336, %get3A_1335, %select_n3A_1327 : vector<16xi1>, vector<16xf32>
        %select_n3A_1338 = arith.select %gt3A_1336, %broadcast_in_dim3A_1138, %select_n3A_1328 : vector<16xi1>, vector<16xi32>
        %add3A_1339 = arith.constant 32 : i32
        %add3A_1340 = arith.addi %mul3A_1158, %add3A_1339 : i32
        %get3A_1341 = arith.constant 2 : i32
        %get3A_1342 = arith.index_cast %get3A_1341 : i32 to index
        %get3A_1343 = arith.index_cast %add3A_1340 : i32 to index
        %get3A_1344 = tpu.vector_load %arg7[%get3A_1342, %get3A_1343] {strides = array<i32>} : memref<8x3968xf32, #tpu.memory_space<vmem>>, vector<1x16xf32>,
        %get3A_1345 = vector.shape_cast %get3A_1344 : vector<1x16xf32> to vector<16xf32>
        %gt3A_1346 = arith.cmpf ogt, %get3A_1345, %select_n3A_1337 : vector<16xf32>
        %select_n3A_1347 = arith.select %gt3A_1346, %get3A_1345, %select_n3A_1337 : vector<16xi1>, vector<16xf32>
        %select_n3A_1348 = arith.select %gt3A_1346, %broadcast_in_dim3A_1141, %select_n3A_1338 : vector<16xi1>, vector<16xi32>
        %add3A_1349 = arith.constant 48 : i32
        %add3A_1350 = arith.addi %mul3A_1158, %add3A_1349 : i32
        %get3A_1351 = arith.constant 2 : i32
        %get3A_1352 = arith.index_cast %get3A_1351 : i32 to index
        %get3A_1353 = arith.index_cast %add3A_1350 : i32 to index
        %get3A_1354 = tpu.vector_load %arg7[%get3A_1352, %get3A_1353] {strides = array<i32>} : memref<8x3968xf32, #tpu.memory_space<vmem>>, vector<1x16xf32>,
        %get3A_1355 = vector.shape_cast %get3A_1354 : vector<1x16xf32> to vector<16xf32>
        %gt3A_1356 = arith.cmpf ogt, %get3A_1355, %select_n3A_1347 : vector<16xf32>
        %select_n3A_1357 = arith.select %gt3A_1356, %get3A_1355, %select_n3A_1347 : vector<16xi1>, vector<16xf32>
        %select_n3A_1358 = arith.select %gt3A_1356, %broadcast_in_dim3A_1144, %select_n3A_1348 : vector<16xi1>, vector<16xi32>
        %add3A_1359 = arith.constant 64 : i32
        %add3A_1360 = arith.addi %mul3A_1158, %add3A_1359 : i32
        %get3A_1361 = arith.constant 2 : i32
        %get3A_1362 = arith.index_cast %get3A_1361 : i32 to index
        %get3A_1363 = arith.index_cast %add3A_1360 : i32 to index
        %get3A_1364 = tpu.vector_load %arg7[%get3A_1362, %get3A_1363] {strides = array<i32>} : memref<8x3968xf32, #tpu.memory_space<vmem>>, vector<1x16xf32>,
        %get3A_1365 = vector.shape_cast %get3A_1364 : vector<1x16xf32> to vector<16xf32>
        %gt3A_1366 = arith.cmpf ogt, %get3A_1365, %select_n3A_1357 : vector<16xf32>
        %select_n3A_1367 = arith.select %gt3A_1366, %get3A_1365, %select_n3A_1357 : vector<16xi1>, vector<16xf32>
        %select_n3A_1368 = arith.select %gt3A_1366, %broadcast_in_dim3A_1147, %select_n3A_1358 : vector<16xi1>, vector<16xi32>
        %add3A_1369 = arith.constant 80 : i32
        %add3A_1370 = arith.addi %mul3A_1158, %add3A_1369 : i32
        %get3A_1371 = arith.constant 2 : i32
        %get3A_1372 = arith.index_cast %get3A_1371 : i32 to index
        %get3A_1373 = arith.index_cast %add3A_1370 : i32 to index
        %get3A_1374 = tpu.vector_load %arg7[%get3A_1372, %get3A_1373] {strides = array<i32>} : memref<8x3968xf32, #tpu.memory_space<vmem>>, vector<1x16xf32>,
        %get3A_1375 = vector.shape_cast %get3A_1374 : vector<1x16xf32> to vector<16xf32>
        %gt3A_1376 = arith.cmpf ogt, %get3A_1375, %select_n3A_1367 : vector<16xf32>
        %select_n3A_1377 = arith.select %gt3A_1376, %get3A_1375, %select_n3A_1367 : vector<16xi1>, vector<16xf32>
        %select_n3A_1378 = arith.select %gt3A_1376, %broadcast_in_dim3A_1150, %select_n3A_1368 : vector<16xi1>, vector<16xi32>
        %add3A_1379 = arith.constant 96 : i32
        %add3A_1380 = arith.addi %mul3A_1158, %add3A_1379 : i32
        %get3A_1381 = arith.constant 2 : i32
        %get3A_1382 = arith.index_cast %get3A_1381 : i32 to index
        %get3A_1383 = arith.index_cast %add3A_1380 : i32 to index
        %get3A_1384 = tpu.vector_load %arg7[%get3A_1382, %get3A_1383] {strides = array<i32>} : memref<8x3968xf32, #tpu.memory_space<vmem>>, vector<1x16xf32>,
        %get3A_1385 = vector.shape_cast %get3A_1384 : vector<1x16xf32> to vector<16xf32>
        %gt3A_1386 = arith.cmpf ogt, %get3A_1385, %select_n3A_1377 : vector<16xf32>
        %select_n3A_1387 = arith.select %gt3A_1386, %get3A_1385, %select_n3A_1377 : vector<16xi1>, vector<16xf32>
        %select_n3A_1388 = arith.select %gt3A_1386, %broadcast_in_dim3A_1153, %select_n3A_1378 : vector<16xi1>, vector<16xi32>
        %add3A_1389 = arith.constant 112 : i32
        %add3A_1390 = arith.addi %mul3A_1158, %add3A_1389 : i32
        %get3A_1391 = arith.constant 2 : i32
        %get3A_1392 = arith.index_cast %get3A_1391 : i32 to index
        %get3A_1393 = arith.index_cast %add3A_1390 : i32 to index
        %get3A_1394 = tpu.vector_load %arg7[%get3A_1392, %get3A_1393] {strides = array<i32>} : memref<8x3968xf32, #tpu.memory_space<vmem>>, vector<1x16xf32>,
        %get3A_1395 = vector.shape_cast %get3A_1394 : vector<1x16xf32> to vector<16xf32>
        %gt3A_1396 = arith.cmpf ogt, %get3A_1395, %select_n3A_1387 : vector<16xf32>
        %select_n3A_1397 = arith.select %gt3A_1396, %get3A_1395, %select_n3A_1387 : vector<16xi1>, vector<16xf32>
        %select_n3A_1398 = arith.select %gt3A_1396, %broadcast_in_dim3A_1156, %select_n3A_1388 : vector<16xi1>, vector<16xi32>
        %add3A_1399 = arith.constant 0 : i32
        %add3A_1400 = arith.addi %mul3A_1158, %add3A_1399 : i32
        %get3A_1401 = arith.constant 3 : i32
        %get3A_1402 = arith.index_cast %get3A_1401 : i32 to index
        %get3A_1403 = arith.index_cast %add3A_1400 : i32 to index
        %get3A_1404 = tpu.vector_load %arg7[%get3A_1402, %get3A_1403] {strides = array<i32>} : memref<8x3968xf32, #tpu.memory_space<vmem>>, vector<1x16xf32>,
        %get3A_1405 = vector.shape_cast %get3A_1404 : vector<1x16xf32> to vector<16xf32>
        %gt3A_1406 = arith.cmpf ogt, %get3A_1405, %scan3A_1117 : vector<16xf32>
        %select_n3A_1407 = arith.select %gt3A_1406, %get3A_1405, %scan3A_1117 : vector<16xi1>, vector<16xf32>
        %select_n3A_1408 = arith.select %gt3A_1406, %broadcast_in_dim3A_1135, %scan3A_1125 : vector<16xi1>, vector<16xi32>
        %add3A_1409 = arith.constant 16 : i32
        %add3A_1410 = arith.addi %mul3A_1158, %add3A_1409 : i32
        %get3A_1411 = arith.constant 3 : i32
        %get3A_1412 = arith.index_cast %get3A_1411 : i32 to index
        %get3A_1413 = arith.index_cast %add3A_1410 : i32 to index
        %get3A_1414 = tpu.vector_load %arg7[%get3A_1412, %get3A_1413] {strides = array<i32>} : memref<8x3968xf32, #tpu.memory_space<vmem>>, vector<1x16xf32>,
        %get3A_1415 = vector.shape_cast %get3A_1414 : vector<1x16xf32> to vector<16xf32>
        %gt3A_1416 = arith.cmpf ogt, %get3A_1415, %select_n3A_1407 : vector<16xf32>
        %select_n3A_1417 = arith.select %gt3A_1416, %get3A_1415, %select_n3A_1407 : vector<16xi1>, vector<16xf32>
        %select_n3A_1418 = arith.select %gt3A_1416, %broadcast_in_dim3A_1138, %select_n3A_1408 : vector<16xi1>, vector<16xi32>
        %add3A_1419 = arith.constant 32 : i32
        %add3A_1420 = arith.addi %mul3A_1158, %add3A_1419 : i32
        %get3A_1421 = arith.constant 3 : i32
        %get3A_1422 = arith.index_cast %get3A_1421 : i32 to index
        %get3A_1423 = arith.index_cast %add3A_1420 : i32 to index
        %get3A_1424 = tpu.vector_load %arg7[%get3A_1422, %get3A_1423] {strides = array<i32>} : memref<8x3968xf32, #tpu.memory_space<vmem>>, vector<1x16xf32>,
        %get3A_1425 = vector.shape_cast %get3A_1424 : vector<1x16xf32> to vector<16xf32>
        %gt3A_1426 = arith.cmpf ogt, %get3A_1425, %select_n3A_1417 : vector<16xf32>
        %select_n3A_1427 = arith.select %gt3A_1426, %get3A_1425, %select_n3A_1417 : vector<16xi1>, vector<16xf32>
        %select_n3A_1428 = arith.select %gt3A_1426, %broadcast_in_dim3A_1141, %select_n3A_1418 : vector<16xi1>, vector<16xi32>
        %add3A_1429 = arith.constant 48 : i32
        %add3A_1430 = arith.addi %mul3A_1158, %add3A_1429 : i32
        %get3A_1431 = arith.constant 3 : i32
        %get3A_1432 = arith.index_cast %get3A_1431 : i32 to index
        %get3A_1433 = arith.index_cast %add3A_1430 : i32 to index
        %get3A_1434 = tpu.vector_load %arg7[%get3A_1432, %get3A_1433] {strides = array<i32>} : memref<8x3968xf32, #tpu.memory_space<vmem>>, vector<1x16xf32>,
        %get3A_1435 = vector.shape_cast %get3A_1434 : vector<1x16xf32> to vector<16xf32>
        %gt3A_1436 = arith.cmpf ogt, %get3A_1435, %select_n3A_1427 : vector<16xf32>
        %select_n3A_1437 = arith.select %gt3A_1436, %get3A_1435, %select_n3A_1427 : vector<16xi1>, vector<16xf32>
        %select_n3A_1438 = arith.select %gt3A_1436, %broadcast_in_dim3A_1144, %select_n3A_1428 : vector<16xi1>, vector<16xi32>
        %add3A_1439 = arith.constant 64 : i32
        %add3A_1440 = arith.addi %mul3A_1158, %add3A_1439 : i32
        %get3A_1441 = arith.constant 3 : i32
        %get3A_1442 = arith.index_cast %get3A_1441 : i32 to index
        %get3A_1443 = arith.index_cast %add3A_1440 : i32 to index
        %get3A_1444 = tpu.vector_load %arg7[%get3A_1442, %get3A_1443] {strides = array<i32>} : memref<8x3968xf32, #tpu.memory_space<vmem>>, vector<1x16xf32>,
        %get3A_1445 = vector.shape_cast %get3A_1444 : vector<1x16xf32> to vector<16xf32>
        %gt3A_1446 = arith.cmpf ogt, %get3A_1445, %select_n3A_1437 : vector<16xf32>
        %select_n3A_1447 = arith.select %gt3A_1446, %get3A_1445, %select_n3A_1437 : vector<16xi1>, vector<16xf32>
        %select_n3A_1448 = arith.select %gt3A_1446, %broadcast_in_dim3A_1147, %select_n3A_1438 : vector<16xi1>, vector<16xi32>
        %add3A_1449 = arith.constant 80 : i32
        %add3A_1450 = arith.addi %mul3A_1158, %add3A_1449 : i32
        %get3A_1451 = arith.constant 3 : i32
        %get3A_1452 = arith.index_cast %get3A_1451 : i32 to index
        %get3A_1453 = arith.index_cast %add3A_1450 : i32 to index
        %get3A_1454 = tpu.vector_load %arg7[%get3A_1452, %get3A_1453] {strides = array<i32>} : memref<8x3968xf32, #tpu.memory_space<vmem>>, vector<1x16xf32>,
        %get3A_1455 = vector.shape_cast %get3A_1454 : vector<1x16xf32> to vector<16xf32>
        %gt3A_1456 = arith.cmpf ogt, %get3A_1455, %select_n3A_1447 : vector<16xf32>
        %select_n3A_1457 = arith.select %gt3A_1456, %get3A_1455, %select_n3A_1447 : vector<16xi1>, vector<16xf32>
        %select_n3A_1458 = arith.select %gt3A_1456, %broadcast_in_dim3A_1150, %select_n3A_1448 : vector<16xi1>, vector<16xi32>
        %add3A_1459 = arith.constant 96 : i32
        %add3A_1460 = arith.addi %mul3A_1158, %add3A_1459 : i32
        %get3A_1461 = arith.constant 3 : i32
        %get3A_1462 = arith.index_cast %get3A_1461 : i32 to index
        %get3A_1463 = arith.index_cast %add3A_1460 : i32 to index
        %get3A_1464 = tpu.vector_load %arg7[%get3A_1462, %get3A_1463] {strides = array<i32>} : memref<8x3968xf32, #tpu.memory_space<vmem>>, vector<1x16xf32>,
        %get3A_1465 = vector.shape_cast %get3A_1464 : vector<1x16xf32> to vector<16xf32>
        %gt3A_1466 = arith.cmpf ogt, %get3A_1465, %select_n3A_1457 : vector<16xf32>
        %select_n3A_1467 = arith.select %gt3A_1466, %get3A_1465, %select_n3A_1457 : vector<16xi1>, vector<16xf32>
        %select_n3A_1468 = arith.select %gt3A_1466, %broadcast_in_dim3A_1153, %select_n3A_1458 : vector<16xi1>, vector<16xi32>
        %add3A_1469 = arith.constant 112 : i32
        %add3A_1470 = arith.addi %mul3A_1158, %add3A_1469 : i32
        %get3A_1471 = arith.constant 3 : i32
        %get3A_1472 = arith.index_cast %get3A_1471 : i32 to index
        %get3A_1473 = arith.index_cast %add3A_1470 : i32 to index
        %get3A_1474 = tpu.vector_load %arg7[%get3A_1472, %get3A_1473] {strides = array<i32>} : memref<8x3968xf32, #tpu.memory_space<vmem>>, vector<1x16xf32>,
        %get3A_1475 = vector.shape_cast %get3A_1474 : vector<1x16xf32> to vector<16xf32>
        %gt3A_1476 = arith.cmpf ogt, %get3A_1475, %select_n3A_1467 : vector<16xf32>
        %select_n3A_1477 = arith.select %gt3A_1476, %get3A_1475, %select_n3A_1467 : vector<16xi1>, vector<16xf32>
        %select_n3A_1478 = arith.select %gt3A_1476, %broadcast_in_dim3A_1156, %select_n3A_1468 : vector<16xi1>, vector<16xi32>
        %add3A_1479 = arith.constant 0 : i32
        %add3A_1480 = arith.addi %mul3A_1158, %add3A_1479 : i32
        %get3A_1481 = arith.constant 4 : i32
        %get3A_1482 = arith.index_cast %get3A_1481 : i32 to index
        %get3A_1483 = arith.index_cast %add3A_1480 : i32 to index
        %get3A_1484 = tpu.vector_load %arg7[%get3A_1482, %get3A_1483] {strides = array<i32>} : memref<8x3968xf32, #tpu.memory_space<vmem>>, vector<1x16xf32>,
        %get3A_1485 = vector.shape_cast %get3A_1484 : vector<1x16xf32> to vector<16xf32>
        %gt3A_1486 = arith.cmpf ogt, %get3A_1485, %scan3A_1118 : vector<16xf32>
        %select_n3A_1487 = arith.select %gt3A_1486, %get3A_1485, %scan3A_1118 : vector<16xi1>, vector<16xf32>
        %select_n3A_1488 = arith.select %gt3A_1486, %broadcast_in_dim3A_1135, %scan3A_1126 : vector<16xi1>, vector<16xi32>
        %add3A_1489 = arith.constant 16 : i32
        %add3A_1490 = arith.addi %mul3A_1158, %add3A_1489 : i32
        %get3A_1491 = arith.constant 4 : i32
        %get3A_1492 = arith.index_cast %get3A_1491 : i32 to index
        %get3A_1493 = arith.index_cast %add3A_1490 : i32 to index
        %get3A_1494 = tpu.vector_load %arg7[%get3A_1492, %get3A_1493] {strides = array<i32>} : memref<8x3968xf32, #tpu.memory_space<vmem>>, vector<1x16xf32>,
        %get3A_1495 = vector.shape_cast %get3A_1494 : vector<1x16xf32> to vector<16xf32>
        %gt3A_1496 = arith.cmpf ogt, %get3A_1495, %select_n3A_1487 : vector<16xf32>
        %select_n3A_1497 = arith.select %gt3A_1496, %get3A_1495, %select_n3A_1487 : vector<16xi1>, vector<16xf32>
        %select_n3A_1498 = arith.select %gt3A_1496, %broadcast_in_dim3A_1138, %select_n3A_1488 : vector<16xi1>, vector<16xi32>
        %add3A_1499 = arith.constant 32 : i32
        %add3A_1500 = arith.addi %mul3A_1158, %add3A_1499 : i32
        %get3A_1501 = arith.constant 4 : i32
        %get3A_1502 = arith.index_cast %get3A_1501 : i32 to index
        %get3A_1503 = arith.index_cast %add3A_1500 : i32 to index
        %get3A_1504 = tpu.vector_load %arg7[%get3A_1502, %get3A_1503] {strides = array<i32>} : memref<8x3968xf32, #tpu.memory_space<vmem>>, vector<1x16xf32>,
        %get3A_1505 = vector.shape_cast %get3A_1504 : vector<1x16xf32> to vector<16xf32>
        %gt3A_1506 = arith.cmpf ogt, %get3A_1505, %select_n3A_1497 : vector<16xf32>
        %select_n3A_1507 = arith.select %gt3A_1506, %get3A_1505, %select_n3A_1497 : vector<16xi1>, vector<16xf32>
        %select_n3A_1508 = arith.select %gt3A_1506, %broadcast_in_dim3A_1141, %select_n3A_1498 : vector<16xi1>, vector<16xi32>
        %add3A_1509 = arith.constant 48 : i32
        %add3A_1510 = arith.addi %mul3A_1158, %add3A_1509 : i32
        %get3A_1511 = arith.constant 4 : i32
        %get3A_1512 = arith.index_cast %get3A_1511 : i32 to index
        %get3A_1513 = arith.index_cast %add3A_1510 : i32 to index
        %get3A_1514 = tpu.vector_load %arg7[%get3A_1512, %get3A_1513] {strides = array<i32>} : memref<8x3968xf32, #tpu.memory_space<vmem>>, vector<1x16xf32>,
        %get3A_1515 = vector.shape_cast %get3A_1514 : vector<1x16xf32> to vector<16xf32>
        %gt3A_1516 = arith.cmpf ogt, %get3A_1515, %select_n3A_1507 : vector<16xf32>
        %select_n3A_1517 = arith.select %gt3A_1516, %get3A_1515, %select_n3A_1507 : vector<16xi1>, vector<16xf32>
        %select_n3A_1518 = arith.select %gt3A_1516, %broadcast_in_dim3A_1144, %select_n3A_1508 : vector<16xi1>, vector<16xi32>
        %add3A_1519 = arith.constant 64 : i32
        %add3A_1520 = arith.addi %mul3A_1158, %add3A_1519 : i32
        %get3A_1521 = arith.constant 4 : i32
        %get3A_1522 = arith.index_cast %get3A_1521 : i32 to index
        %get3A_1523 = arith.index_cast %add3A_1520 : i32 to index
        %get3A_1524 = tpu.vector_load %arg7[%get3A_1522, %get3A_1523] {strides = array<i32>} : memref<8x3968xf32, #tpu.memory_space<vmem>>, vector<1x16xf32>,
        %get3A_1525 = vector.shape_cast %get3A_1524 : vector<1x16xf32> to vector<16xf32>
        %gt3A_1526 = arith.cmpf ogt, %get3A_1525, %select_n3A_1517 : vector<16xf32>
        %select_n3A_1527 = arith.select %gt3A_1526, %get3A_1525, %select_n3A_1517 : vector<16xi1>, vector<16xf32>
        %select_n3A_1528 = arith.select %gt3A_1526, %broadcast_in_dim3A_1147, %select_n3A_1518 : vector<16xi1>, vector<16xi32>
        %add3A_1529 = arith.constant 80 : i32
        %add3A_1530 = arith.addi %mul3A_1158, %add3A_1529 : i32
        %get3A_1531 = arith.constant 4 : i32
        %get3A_1532 = arith.index_cast %get3A_1531 : i32 to index
        %get3A_1533 = arith.index_cast %add3A_1530 : i32 to index
        %get3A_1534 = tpu.vector_load %arg7[%get3A_1532, %get3A_1533] {strides = array<i32>} : memref<8x3968xf32, #tpu.memory_space<vmem>>, vector<1x16xf32>,
        %get3A_1535 = vector.shape_cast %get3A_1534 : vector<1x16xf32> to vector<16xf32>
        %gt3A_1536 = arith.cmpf ogt, %get3A_1535, %select_n3A_1527 : vector<16xf32>
        %select_n3A_1537 = arith.select %gt3A_1536, %get3A_1535, %select_n3A_1527 : vector<16xi1>, vector<16xf32>
        %select_n3A_1538 = arith.select %gt3A_1536, %broadcast_in_dim3A_1150, %select_n3A_1528 : vector<16xi1>, vector<16xi32>
        %add3A_1539 = arith.constant 96 : i32
        %add3A_1540 = arith.addi %mul3A_1158, %add3A_1539 : i32
        %get3A_1541 = arith.constant 4 : i32
        %get3A_1542 = arith.index_cast %get3A_1541 : i32 to index
        %get3A_1543 = arith.index_cast %add3A_1540 : i32 to index
        %get3A_1544 = tpu.vector_load %arg7[%get3A_1542, %get3A_1543] {strides = array<i32>} : memref<8x3968xf32, #tpu.memory_space<vmem>>, vector<1x16xf32>,
        %get3A_1545 = vector.shape_cast %get3A_1544 : vector<1x16xf32> to vector<16xf32>
        %gt3A_1546 = arith.cmpf ogt, %get3A_1545, %select_n3A_1537 : vector<16xf32>
        %select_n3A_1547 = arith.select %gt3A_1546, %get3A_1545, %select_n3A_1537 : vector<16xi1>, vector<16xf32>
        %select_n3A_1548 = arith.select %gt3A_1546, %broadcast_in_dim3A_1153, %select_n3A_1538 : vector<16xi1>, vector<16xi32>
        %add3A_1549 = arith.constant 112 : i32
        %add3A_1550 = arith.addi %mul3A_1158, %add3A_1549 : i32
        %get3A_1551 = arith.constant 4 : i32
        %get3A_1552 = arith.index_cast %get3A_1551 : i32 to index
        %get3A_1553 = arith.index_cast %add3A_1550 : i32 to index
        %get3A_1554 = tpu.vector_load %arg7[%get3A_1552, %get3A_1553] {strides = array<i32>} : memref<8x3968xf32, #tpu.memory_space<vmem>>, vector<1x16xf32>,
        %get3A_1555 = vector.shape_cast %get3A_1554 : vector<1x16xf32> to vector<16xf32>
        %gt3A_1556 = arith.cmpf ogt, %get3A_1555, %select_n3A_1547 : vector<16xf32>
        %select_n3A_1557 = arith.select %gt3A_1556, %get3A_1555, %select_n3A_1547 : vector<16xi1>, vector<16xf32>
        %select_n3A_1558 = arith.select %gt3A_1556, %broadcast_in_dim3A_1156, %select_n3A_1548 : vector<16xi1>, vector<16xi32>
        %add3A_1559 = arith.constant 0 : i32
        %add3A_1560 = arith.addi %mul3A_1158, %add3A_1559 : i32
        %get3A_1561 = arith.constant 5 : i32
        %get3A_1562 = arith.index_cast %get3A_1561 : i32 to index
        %get3A_1563 = arith.index_cast %add3A_1560 : i32 to index
        %get3A_1564 = tpu.vector_load %arg7[%get3A_1562, %get3A_1563] {strides = array<i32>} : memref<8x3968xf32, #tpu.memory_space<vmem>>, vector<1x16xf32>,
        %get3A_1565 = vector.shape_cast %get3A_1564 : vector<1x16xf32> to vector<16xf32>
        %gt3A_1566 = arith.cmpf ogt, %get3A_1565, %scan3A_1119 : vector<16xf32>
        %select_n3A_1567 = arith.select %gt3A_1566, %get3A_1565, %scan3A_1119 : vector<16xi1>, vector<16xf32>
        %select_n3A_1568 = arith.select %gt3A_1566, %broadcast_in_dim3A_1135, %scan3A_1127 : vector<16xi1>, vector<16xi32>
        %add3A_1569 = arith.constant 16 : i32
        %add3A_1570 = arith.addi %mul3A_1158, %add3A_1569 : i32
        %get3A_1571 = arith.constant 5 : i32
        %get3A_1572 = arith.index_cast %get3A_1571 : i32 to index
        %get3A_1573 = arith.index_cast %add3A_1570 : i32 to index
        %get3A_1574 = tpu.vector_load %arg7[%get3A_1572, %get3A_1573] {strides = array<i32>} : memref<8x3968xf32, #tpu.memory_space<vmem>>, vector<1x16xf32>,
        %get3A_1575 = vector.shape_cast %get3A_1574 : vector<1x16xf32> to vector<16xf32>
        %gt3A_1576 = arith.cmpf ogt, %get3A_1575, %select_n3A_1567 : vector<16xf32>
        %select_n3A_1577 = arith.select %gt3A_1576, %get3A_1575, %select_n3A_1567 : vector<16xi1>, vector<16xf32>
        %select_n3A_1578 = arith.select %gt3A_1576, %broadcast_in_dim3A_1138, %select_n3A_1568 : vector<16xi1>, vector<16xi32>
        %add3A_1579 = arith.constant 32 : i32
        %add3A_1580 = arith.addi %mul3A_1158, %add3A_1579 : i32
        %get3A_1581 = arith.constant 5 : i32
        %get3A_1582 = arith.index_cast %get3A_1581 : i32 to index
        %get3A_1583 = arith.index_cast %add3A_1580 : i32 to index
        %get3A_1584 = tpu.vector_load %arg7[%get3A_1582, %get3A_1583] {strides = array<i32>} : memref<8x3968xf32, #tpu.memory_space<vmem>>, vector<1x16xf32>,
        %get3A_1585 = vector.shape_cast %get3A_1584 : vector<1x16xf32> to vector<16xf32>
        %gt3A_1586 = arith.cmpf ogt, %get3A_1585, %select_n3A_1577 : vector<16xf32>
        %select_n3A_1587 = arith.select %gt3A_1586, %get3A_1585, %select_n3A_1577 : vector<16xi1>, vector<16xf32>
        %select_n3A_1588 = arith.select %gt3A_1586, %broadcast_in_dim3A_1141, %select_n3A_1578 : vector<16xi1>, vector<16xi32>
        %add3A_1589 = arith.constant 48 : i32
        %add3A_1590 = arith.addi %mul3A_1158, %add3A_1589 : i32
        %get3A_1591 = arith.constant 5 : i32
        %get3A_1592 = arith.index_cast %get3A_1591 : i32 to index
        %get3A_1593 = arith.index_cast %add3A_1590 : i32 to index
        %get3A_1594 = tpu.vector_load %arg7[%get3A_1592, %get3A_1593] {strides = array<i32>} : memref<8x3968xf32, #tpu.memory_space<vmem>>, vector<1x16xf32>,
        %get3A_1595 = vector.shape_cast %get3A_1594 : vector<1x16xf32> to vector<16xf32>
        %gt3A_1596 = arith.cmpf ogt, %get3A_1595, %select_n3A_1587 : vector<16xf32>
        %select_n3A_1597 = arith.select %gt3A_1596, %get3A_1595, %select_n3A_1587 : vector<16xi1>, vector<16xf32>
        %select_n3A_1598 = arith.select %gt3A_1596, %broadcast_in_dim3A_1144, %select_n3A_1588 : vector<16xi1>, vector<16xi32>
        %add3A_1599 = arith.constant 64 : i32
        %add3A_1600 = arith.addi %mul3A_1158, %add3A_1599 : i32
        %get3A_1601 = arith.constant 5 : i32
        %get3A_1602 = arith.index_cast %get3A_1601 : i32 to index
        %get3A_1603 = arith.index_cast %add3A_1600 : i32 to index
        %get3A_1604 = tpu.vector_load %arg7[%get3A_1602, %get3A_1603] {strides = array<i32>} : memref<8x3968xf32, #tpu.memory_space<vmem>>, vector<1x16xf32>,
        %get3A_1605 = vector.shape_cast %get3A_1604 : vector<1x16xf32> to vector<16xf32>
        %gt3A_1606 = arith.cmpf ogt, %get3A_1605, %select_n3A_1597 : vector<16xf32>
        %select_n3A_1607 = arith.select %gt3A_1606, %get3A_1605, %select_n3A_1597 : vector<16xi1>, vector<16xf32>
        %select_n3A_1608 = arith.select %gt3A_1606, %broadcast_in_dim3A_1147, %select_n3A_1598 : vector<16xi1>, vector<16xi32>
        %add3A_1609 = arith.constant 80 : i32
        %add3A_1610 = arith.addi %mul3A_1158, %add3A_1609 : i32
        %get3A_1611 = arith.constant 5 : i32
        %get3A_1612 = arith.index_cast %get3A_1611 : i32 to index
        %get3A_1613 = arith.index_cast %add3A_1610 : i32 to index
        %get3A_1614 = tpu.vector_load %arg7[%get3A_1612, %get3A_1613] {strides = array<i32>} : memref<8x3968xf32, #tpu.memory_space<vmem>>, vector<1x16xf32>,
        %get3A_1615 = vector.shape_cast %get3A_1614 : vector<1x16xf32> to vector<16xf32>
        %gt3A_1616 = arith.cmpf ogt, %get3A_1615, %select_n3A_1607 : vector<16xf32>
        %select_n3A_1617 = arith.select %gt3A_1616, %get3A_1615, %select_n3A_1607 : vector<16xi1>, vector<16xf32>
        %select_n3A_1618 = arith.select %gt3A_1616, %broadcast_in_dim3A_1150, %select_n3A_1608 : vector<16xi1>, vector<16xi32>
        %add3A_1619 = arith.constant 96 : i32
        %add3A_1620 = arith.addi %mul3A_1158, %add3A_1619 : i32
        %get3A_1621 = arith.constant 5 : i32
        %get3A_1622 = arith.index_cast %get3A_1621 : i32 to index
        %get3A_1623 = arith.index_cast %add3A_1620 : i32 to index
        %get3A_1624 = tpu.vector_load %arg7[%get3A_1622, %get3A_1623] {strides = array<i32>} : memref<8x3968xf32, #tpu.memory_space<vmem>>, vector<1x16xf32>,
        %get3A_1625 = vector.shape_cast %get3A_1624 : vector<1x16xf32> to vector<16xf32>
        %gt3A_1626 = arith.cmpf ogt, %get3A_1625, %select_n3A_1617 : vector<16xf32>
        %select_n3A_1627 = arith.select %gt3A_1626, %get3A_1625, %select_n3A_1617 : vector<16xi1>, vector<16xf32>
        %select_n3A_1628 = arith.select %gt3A_1626, %broadcast_in_dim3A_1153, %select_n3A_1618 : vector<16xi1>, vector<16xi32>
        %add3A_1629 = arith.constant 112 : i32
        %add3A_1630 = arith.addi %mul3A_1158, %add3A_1629 : i32
        %get3A_1631 = arith.constant 5 : i32
        %get3A_1632 = arith.index_cast %get3A_1631 : i32 to index
        %get3A_1633 = arith.index_cast %add3A_1630 : i32 to index
        %get3A_1634 = tpu.vector_load %arg7[%get3A_1632, %get3A_1633] {strides = array<i32>} : memref<8x3968xf32, #tpu.memory_space<vmem>>, vector<1x16xf32>,
        %get3A_1635 = vector.shape_cast %get3A_1634 : vector<1x16xf32> to vector<16xf32>
        %gt3A_1636 = arith.cmpf ogt, %get3A_1635, %select_n3A_1627 : vector<16xf32>
        %select_n3A_1637 = arith.select %gt3A_1636, %get3A_1635, %select_n3A_1627 : vector<16xi1>, vector<16xf32>
        %select_n3A_1638 = arith.select %gt3A_1636, %broadcast_in_dim3A_1156, %select_n3A_1628 : vector<16xi1>, vector<16xi32>
        %add3A_1639 = arith.constant 0 : i32
        %add3A_1640 = arith.addi %mul3A_1158, %add3A_1639 : i32
        %get3A_1641 = arith.constant 6 : i32
        %get3A_1642 = arith.index_cast %get3A_1641 : i32 to index
        %get3A_1643 = arith.index_cast %add3A_1640 : i32 to index
        %get3A_1644 = tpu.vector_load %arg7[%get3A_1642, %get3A_1643] {strides = array<i32>} : memref<8x3968xf32, #tpu.memory_space<vmem>>, vector<1x16xf32>,
        %get3A_1645 = vector.shape_cast %get3A_1644 : vector<1x16xf32> to vector<16xf32>
        %gt3A_1646 = arith.cmpf ogt, %get3A_1645, %scan3A_1120 : vector<16xf32>
        %select_n3A_1647 = arith.select %gt3A_1646, %get3A_1645, %scan3A_1120 : vector<16xi1>, vector<16xf32>
        %select_n3A_1648 = arith.select %gt3A_1646, %broadcast_in_dim3A_1135, %scan3A_1128 : vector<16xi1>, vector<16xi32>
        %add3A_1649 = arith.constant 16 : i32
        %add3A_1650 = arith.addi %mul3A_1158, %add3A_1649 : i32
        %get3A_1651 = arith.constant 6 : i32
        %get3A_1652 = arith.index_cast %get3A_1651 : i32 to index
        %get3A_1653 = arith.index_cast %add3A_1650 : i32 to index
        %get3A_1654 = tpu.vector_load %arg7[%get3A_1652, %get3A_1653] {strides = array<i32>} : memref<8x3968xf32, #tpu.memory_space<vmem>>, vector<1x16xf32>,
        %get3A_1655 = vector.shape_cast %get3A_1654 : vector<1x16xf32> to vector<16xf32>
        %gt3A_1656 = arith.cmpf ogt, %get3A_1655, %select_n3A_1647 : vector<16xf32>
        %select_n3A_1657 = arith.select %gt3A_1656, %get3A_1655, %select_n3A_1647 : vector<16xi1>, vector<16xf32>
        %select_n3A_1658 = arith.select %gt3A_1656, %broadcast_in_dim3A_1138, %select_n3A_1648 : vector<16xi1>, vector<16xi32>
        %add3A_1659 = arith.constant 32 : i32
        %add3A_1660 = arith.addi %mul3A_1158, %add3A_1659 : i32
        %get3A_1661 = arith.constant 6 : i32
        %get3A_1662 = arith.index_cast %get3A_1661 : i32 to index
        %get3A_1663 = arith.index_cast %add3A_1660 : i32 to index
        %get3A_1664 = tpu.vector_load %arg7[%get3A_1662, %get3A_1663] {strides = array<i32>} : memref<8x3968xf32, #tpu.memory_space<vmem>>, vector<1x16xf32>,
        %get3A_1665 = vector.shape_cast %get3A_1664 : vector<1x16xf32> to vector<16xf32>
        %gt3A_1666 = arith.cmpf ogt, %get3A_1665, %select_n3A_1657 : vector<16xf32>
        %select_n3A_1667 = arith.select %gt3A_1666, %get3A_1665, %select_n3A_1657 : vector<16xi1>, vector<16xf32>
        %select_n3A_1668 = arith.select %gt3A_1666, %broadcast_in_dim3A_1141, %select_n3A_1658 : vector<16xi1>, vector<16xi32>
        %add3A_1669 = arith.constant 48 : i32
        %add3A_1670 = arith.addi %mul3A_1158, %add3A_1669 : i32
        %get3A_1671 = arith.constant 6 : i32
        %get3A_1672 = arith.index_cast %get3A_1671 : i32 to index
        %get3A_1673 = arith.index_cast %add3A_1670 : i32 to index
        %get3A_1674 = tpu.vector_load %arg7[%get3A_1672, %get3A_1673] {strides = array<i32>} : memref<8x3968xf32, #tpu.memory_space<vmem>>, vector<1x16xf32>,
        %get3A_1675 = vector.shape_cast %get3A_1674 : vector<1x16xf32> to vector<16xf32>
        %gt3A_1676 = arith.cmpf ogt, %get3A_1675, %select_n3A_1667 : vector<16xf32>
        %select_n3A_1677 = arith.select %gt3A_1676, %get3A_1675, %select_n3A_1667 : vector<16xi1>, vector<16xf32>
        %select_n3A_1678 = arith.select %gt3A_1676, %broadcast_in_dim3A_1144, %select_n3A_1668 : vector<16xi1>, vector<16xi32>
        %add3A_1679 = arith.constant 64 : i32
        %add3A_1680 = arith.addi %mul3A_1158, %add3A_1679 : i32
        %get3A_1681 = arith.constant 6 : i32
        %get3A_1682 = arith.index_cast %get3A_1681 : i32 to index
        %get3A_1683 = arith.index_cast %add3A_1680 : i32 to index
        %get3A_1684 = tpu.vector_load %arg7[%get3A_1682, %get3A_1683] {strides = array<i32>} : memref<8x3968xf32, #tpu.memory_space<vmem>>, vector<1x16xf32>,
        %get3A_1685 = vector.shape_cast %get3A_1684 : vector<1x16xf32> to vector<16xf32>
        %gt3A_1686 = arith.cmpf ogt, %get3A_1685, %select_n3A_1677 : vector<16xf32>
        %select_n3A_1687 = arith.select %gt3A_1686, %get3A_1685, %select_n3A_1677 : vector<16xi1>, vector<16xf32>
        %select_n3A_1688 = arith.select %gt3A_1686, %broadcast_in_dim3A_1147, %select_n3A_1678 : vector<16xi1>, vector<16xi32>
        %add3A_1689 = arith.constant 80 : i32
        %add3A_1690 = arith.addi %mul3A_1158, %add3A_1689 : i32
        %get3A_1691 = arith.constant 6 : i32
        %get3A_1692 = arith.index_cast %get3A_1691 : i32 to index
        %get3A_1693 = arith.index_cast %add3A_1690 : i32 to index
        %get3A_1694 = tpu.vector_load %arg7[%get3A_1692, %get3A_1693] {strides = array<i32>} : memref<8x3968xf32, #tpu.memory_space<vmem>>, vector<1x16xf32>,
        %get3A_1695 = vector.shape_cast %get3A_1694 : vector<1x16xf32> to vector<16xf32>
        %gt3A_1696 = arith.cmpf ogt, %get3A_1695, %select_n3A_1687 : vector<16xf32>
        %select_n3A_1697 = arith.select %gt3A_1696, %get3A_1695, %select_n3A_1687 : vector<16xi1>, vector<16xf32>
        %select_n3A_1698 = arith.select %gt3A_1696, %broadcast_in_dim3A_1150, %select_n3A_1688 : vector<16xi1>, vector<16xi32>
        %add3A_1699 = arith.constant 96 : i32
        %add3A_1700 = arith.addi %mul3A_1158, %add3A_1699 : i32
        %get3A_1701 = arith.constant 6 : i32
        %get3A_1702 = arith.index_cast %get3A_1701 : i32 to index
        %get3A_1703 = arith.index_cast %add3A_1700 : i32 to index
        %get3A_1704 = tpu.vector_load %arg7[%get3A_1702, %get3A_1703] {strides = array<i32>} : memref<8x3968xf32, #tpu.memory_space<vmem>>, vector<1x16xf32>,
        %get3A_1705 = vector.shape_cast %get3A_1704 : vector<1x16xf32> to vector<16xf32>
        %gt3A_1706 = arith.cmpf ogt, %get3A_1705, %select_n3A_1697 : vector<16xf32>
        %select_n3A_1707 = arith.select %gt3A_1706, %get3A_1705, %select_n3A_1697 : vector<16xi1>, vector<16xf32>
        %select_n3A_1708 = arith.select %gt3A_1706, %broadcast_in_dim3A_1153, %select_n3A_1698 : vector<16xi1>, vector<16xi32>
        %add3A_1709 = arith.constant 112 : i32
        %add3A_1710 = arith.addi %mul3A_1158, %add3A_1709 : i32
        %get3A_1711 = arith.constant 6 : i32
        %get3A_1712 = arith.index_cast %get3A_1711 : i32 to index
        %get3A_1713 = arith.index_cast %add3A_1710 : i32 to index
        %get3A_1714 = tpu.vector_load %arg7[%get3A_1712, %get3A_1713] {strides = array<i32>} : memref<8x3968xf32, #tpu.memory_space<vmem>>, vector<1x16xf32>,
        %get3A_1715 = vector.shape_cast %get3A_1714 : vector<1x16xf32> to vector<16xf32>
        %gt3A_1716 = arith.cmpf ogt, %get3A_1715, %select_n3A_1707 : vector<16xf32>
        %select_n3A_1717 = arith.select %gt3A_1716, %get3A_1715, %select_n3A_1707 : vector<16xi1>, vector<16xf32>
        %select_n3A_1718 = arith.select %gt3A_1716, %broadcast_in_dim3A_1156, %select_n3A_1708 : vector<16xi1>, vector<16xi32>
        %add3A_1719 = arith.constant 0 : i32
        %add3A_1720 = arith.addi %mul3A_1158, %add3A_1719 : i32
        %get3A_1721 = arith.constant 7 : i32
        %get3A_1722 = arith.index_cast %get3A_1721 : i32 to index
        %get3A_1723 = arith.index_cast %add3A_1720 : i32 to index
        %get3A_1724 = tpu.vector_load %arg7[%get3A_1722, %get3A_1723] {strides = array<i32>} : memref<8x3968xf32, #tpu.memory_space<vmem>>, vector<1x16xf32>,
        %get3A_1725 = vector.shape_cast %get3A_1724 : vector<1x16xf32> to vector<16xf32>
        %gt3A_1726 = arith.cmpf ogt, %get3A_1725, %scan3A_1121 : vector<16xf32>
        %select_n3A_1727 = arith.select %gt3A_1726, %get3A_1725, %scan3A_1121 : vector<16xi1>, vector<16xf32>
        %select_n3A_1728 = arith.select %gt3A_1726, %broadcast_in_dim3A_1135, %scan3A_1129 : vector<16xi1>, vector<16xi32>
        %add3A_1729 = arith.constant 16 : i32
        %add3A_1730 = arith.addi %mul3A_1158, %add3A_1729 : i32
        %get3A_1731 = arith.constant 7 : i32
        %get3A_1732 = arith.index_cast %get3A_1731 : i32 to index
        %get3A_1733 = arith.index_cast %add3A_1730 : i32 to index
        %get3A_1734 = tpu.vector_load %arg7[%get3A_1732, %get3A_1733] {strides = array<i32>} : memref<8x3968xf32, #tpu.memory_space<vmem>>, vector<1x16xf32>,
        %get3A_1735 = vector.shape_cast %get3A_1734 : vector<1x16xf32> to vector<16xf32>
        %gt3A_1736 = arith.cmpf ogt, %get3A_1735, %select_n3A_1727 : vector<16xf32>
        %select_n3A_1737 = arith.select %gt3A_1736, %get3A_1735, %select_n3A_1727 : vector<16xi1>, vector<16xf32>
        %select_n3A_1738 = arith.select %gt3A_1736, %broadcast_in_dim3A_1138, %select_n3A_1728 : vector<16xi1>, vector<16xi32>
        %add3A_1739 = arith.constant 32 : i32
        %add3A_1740 = arith.addi %mul3A_1158, %add3A_1739 : i32
        %get3A_1741 = arith.constant 7 : i32
        %get3A_1742 = arith.index_cast %get3A_1741 : i32 to index
        %get3A_1743 = arith.index_cast %add3A_1740 : i32 to index
        %get3A_1744 = tpu.vector_load %arg7[%get3A_1742, %get3A_1743] {strides = array<i32>} : memref<8x3968xf32, #tpu.memory_space<vmem>>, vector<1x16xf32>,
        %get3A_1745 = vector.shape_cast %get3A_1744 : vector<1x16xf32> to vector<16xf32>
        %gt3A_1746 = arith.cmpf ogt, %get3A_1745, %select_n3A_1737 : vector<16xf32>
        %select_n3A_1747 = arith.select %gt3A_1746, %get3A_1745, %select_n3A_1737 : vector<16xi1>, vector<16xf32>
        %select_n3A_1748 = arith.select %gt3A_1746, %broadcast_in_dim3A_1141, %select_n3A_1738 : vector<16xi1>, vector<16xi32>
        %add3A_1749 = arith.constant 48 : i32
        %add3A_1750 = arith.addi %mul3A_1158, %add3A_1749 : i32
        %get3A_1751 = arith.constant 7 : i32
        %get3A_1752 = arith.index_cast %get3A_1751 : i32 to index
        %get3A_1753 = arith.index_cast %add3A_1750 : i32 to index
        %get3A_1754 = tpu.vector_load %arg7[%get3A_1752, %get3A_1753] {strides = array<i32>} : memref<8x3968xf32, #tpu.memory_space<vmem>>, vector<1x16xf32>,
        %get3A_1755 = vector.shape_cast %get3A_1754 : vector<1x16xf32> to vector<16xf32>
        %gt3A_1756 = arith.cmpf ogt, %get3A_1755, %select_n3A_1747 : vector<16xf32>
        %select_n3A_1757 = arith.select %gt3A_1756, %get3A_1755, %select_n3A_1747 : vector<16xi1>, vector<16xf32>
        %select_n3A_1758 = arith.select %gt3A_1756, %broadcast_in_dim3A_1144, %select_n3A_1748 : vector<16xi1>, vector<16xi32>
        %add3A_1759 = arith.constant 64 : i32
        %add3A_1760 = arith.addi %mul3A_1158, %add3A_1759 : i32
        %get3A_1761 = arith.constant 7 : i32
        %get3A_1762 = arith.index_cast %get3A_1761 : i32 to index
        %get3A_1763 = arith.index_cast %add3A_1760 : i32 to index
        %get3A_1764 = tpu.vector_load %arg7[%get3A_1762, %get3A_1763] {strides = array<i32>} : memref<8x3968xf32, #tpu.memory_space<vmem>>, vector<1x16xf32>,
        %get3A_1765 = vector.shape_cast %get3A_1764 : vector<1x16xf32> to vector<16xf32>
        %gt3A_1766 = arith.cmpf ogt, %get3A_1765, %select_n3A_1757 : vector<16xf32>
        %select_n3A_1767 = arith.select %gt3A_1766, %get3A_1765, %select_n3A_1757 : vector<16xi1>, vector<16xf32>
        %select_n3A_1768 = arith.select %gt3A_1766, %broadcast_in_dim3A_1147, %select_n3A_1758 : vector<16xi1>, vector<16xi32>
        %add3A_1769 = arith.constant 80 : i32
        %add3A_1770 = arith.addi %mul3A_1158, %add3A_1769 : i32
        %get3A_1771 = arith.constant 7 : i32
        %get3A_1772 = arith.index_cast %get3A_1771 : i32 to index
        %get3A_1773 = arith.index_cast %add3A_1770 : i32 to index
        %get3A_1774 = tpu.vector_load %arg7[%get3A_1772, %get3A_1773] {strides = array<i32>} : memref<8x3968xf32, #tpu.memory_space<vmem>>, vector<1x16xf32>,
        %get3A_1775 = vector.shape_cast %get3A_1774 : vector<1x16xf32> to vector<16xf32>
        %gt3A_1776 = arith.cmpf ogt, %get3A_1775, %select_n3A_1767 : vector<16xf32>
        %select_n3A_1777 = arith.select %gt3A_1776, %get3A_1775, %select_n3A_1767 : vector<16xi1>, vector<16xf32>
        %select_n3A_1778 = arith.select %gt3A_1776, %broadcast_in_dim3A_1150, %select_n3A_1768 : vector<16xi1>, vector<16xi32>
        %add3A_1779 = arith.constant 96 : i32
        %add3A_1780 = arith.addi %mul3A_1158, %add3A_1779 : i32
        %get3A_1781 = arith.constant 7 : i32
        %get3A_1782 = arith.index_cast %get3A_1781 : i32 to index
        %get3A_1783 = arith.index_cast %add3A_1780 : i32 to index
        %get3A_1784 = tpu.vector_load %arg7[%get3A_1782, %get3A_1783] {strides = array<i32>} : memref<8x3968xf32, #tpu.memory_space<vmem>>, vector<1x16xf32>,
        %get3A_1785 = vector.shape_cast %get3A_1784 : vector<1x16xf32> to vector<16xf32>
        %gt3A_1786 = arith.cmpf ogt, %get3A_1785, %select_n3A_1777 : vector<16xf32>
        %select_n3A_1787 = arith.select %gt3A_1786, %get3A_1785, %select_n3A_1777 : vector<16xi1>, vector<16xf32>
        %select_n3A_1788 = arith.select %gt3A_1786, %broadcast_in_dim3A_1153, %select_n3A_1778 : vector<16xi1>, vector<16xi32>
        %add3A_1789 = arith.constant 112 : i32
        %add3A_1790 = arith.addi %mul3A_1158, %add3A_1789 : i32
        %get3A_1791 = arith.constant 7 : i32
        %get3A_1792 = arith.index_cast %get3A_1791 : i32 to index
        %get3A_1793 = arith.index_cast %add3A_1790 : i32 to index
        %get3A_1794 = tpu.vector_load %arg7[%get3A_1792, %get3A_1793] {strides = array<i32>} : memref<8x3968xf32, #tpu.memory_space<vmem>>, vector<1x16xf32>,
        %get3A_1795 = vector.shape_cast %get3A_1794 : vector<1x16xf32> to vector<16xf32>
        %gt3A_1796 = arith.cmpf ogt, %get3A_1795, %select_n3A_1787 : vector<16xf32>
        %select_n3A_1797 = arith.select %gt3A_1796, %get3A_1795, %select_n3A_1787 : vector<16xi1>, vector<16xf32>
        %select_n3A_1798 = arith.select %gt3A_1796, %broadcast_in_dim3A_1156, %select_n3A_1788 : vector<16xi1>, vector<16xi32>
        scf.yield %select_n3A_1237, %select_n3A_1317, %select_n3A_1397, %select_n3A_1477, %select_n3A_1557, %select_n3A_1637, %select_n3A_1717, %select_n3A_1797, %select_n3A_1238, %select_n3A_1318, %select_n3A_1398, %select_n3A_1478, %select_n3A_1558, %select_n3A_1638, %select_n3A_1718, %select_n3A_1798 : vector<16xf32>, vector<16xf32>, vector<16xf32>, vector<16xf32>, vector<16xf32>, vector<16xf32>, vector<16xf32>, vector<16xf32>, vector<16xi32>, vector<16xi32>, vector<16xi32>, vector<16xi32>, vector<16xi32>, vector<16xi32>, vector<16xi32>, vector<16xi32>
      }
      %scan3A_1088 = arith.constant 31 : i32
      %add3A_1089 = arith.constant 2 : i32
      %add3A_1090 = arith.addi %mul3A_1068, %add3A_1089 : i32
      %mul3A_1091 = arith.constant 3968 : i32
      %mul3A_1092 = arith.muli %add3A_1090, %mul3A_1091 : i32
      %add3A_1093 = arith.addi %multiple_of3A_39, %mul3A_1092 : i32
      %dma_start3A_1094 = tpu.memref_slice %arg2[%multiple_of3A, %add3A_1093] : memref<64x1000000xf32, #tpu.memory_space<hbm>> -> memref<8x3968xf32, #tpu.memory_space<hbm>>
      %dma_start3A_1095 = tpu.memref_slice %arg2[%multiple_of3A, %add3A_1093] : memref<64x1000000xf32, #tpu.memory_space<hbm>> -> memref<8x3968xf32, #tpu.memory_space<hbm>>
      tpu.enqueue_dma source(%dma_start3A_1095 : memref<8x3968xf32, #tpu.memory_space<hbm>>) target(%arg7 : memref<8x3968xf32, #tpu.memory_space<vmem>>) target_semaphore(%arg16 : memref<!tpu.dma_semaphore, #tpu.memory_space<semaphore_mem>>)
      %add3A_1096 = arith.constant 1 : i32
      %add3A_1097 = arith.addi %mul3A_1068, %add3A_1096 : i32
      %mul3A_1098 = arith.constant 3968 : i32
      %mul3A_1099 = arith.muli %add3A_1097, %mul3A_1098 : i32
      %add3A_1100 = arith.addi %multiple_of3A_39, %mul3A_1099 : i32
      %dma_wait3A_1101 = tpu.memref_slice %arg2[%multiple_of3A, %add3A_1100] : memref<64x1000000xf32, #tpu.memory_space<hbm>> -> memref<8x3968xf32, #tpu.memory_space<hbm>>
      %dma_wait3A_1102 = tpu.memref_slice %arg2[%multiple_of3A, %add3A_1100] : memref<64x1000000xf32, #tpu.memory_space<hbm>> -> memref<8x3968xf32, #tpu.memory_space<hbm>>
      tpu.wait_dma2 semaphore(%arg17 : memref<!tpu.dma_semaphore, #tpu.memory_space<semaphore_mem>>) src(%dma_wait3A_1102 : memref<8x3968xf32, #tpu.memory_space<hbm>>) dst(%arg8 : memref<8x3968xf32, #tpu.memory_space<vmem>>)
      %add3A_1103 = arith.constant 1 : i32
      %add3A_1104 = arith.addi %mul3A_1068, %add3A_1103 : i32
      %mul3A_1105 = arith.constant 248 : i32
      %mul3A_1106 = arith.muli %add3A_1104, %mul3A_1105 : i32
      %scan3A_1107 = arith.constant 0 : i32
      %scan3A_1108 = arith.constant 31 : i32
      %scan3A_1109 = arith.addi %scan3A_1107, %scan3A_1108 : i32
      %scan3A_1110 = arith.constant 1 : i32
      %scan3A_1111:16 = scf.for %scan3A_1113 = %scan3A_1107 to %scan3A_1109 step %scan3A_1110 iter_args(%scan3A_1114 = %scan3A_1087#0, %scan3A_1115 = %scan3A_1087#1, %scan3A_1116 = %scan3A_1087#2, %scan3A_1117 = %scan3A_1087#3, %scan3A_1118 = %scan3A_1087#4, %scan3A_1119 = %scan3A_1087#5, %scan3A_1120 = %scan3A_1087#6, %scan3A_1121 = %scan3A_1087#7, %scan3A_1122 = %scan3A_1087#8, %scan3A_1123 = %scan3A_1087#9, %scan3A_1124 = %scan3A_1087#10, %scan3A_1125 = %scan3A_1087#11, %scan3A_1126 = %scan3A_1087#12, %scan3A_1127 = %scan3A_1087#13, %scan3A_1128 = %scan3A_1087#14, %scan3A_1129 = %scan3A_1087#15) -> (vector<16xf32>, vector<16xf32>, vector<16xf32>, vector<16xf32>, vector<16xf32>, vector<16xf32>, vector<16xf32>, vector<16xf32>, vector<16xi32>, vector<16xi32>, vector<16xi32>, vector<16xi32>, vector<16xi32>, vector<16xi32>, vector<16xi32>, vector<16xi32>)  : i32 {
        %mul3A_1130 = arith.constant 8 : i32
        %mul3A_1131 = arith.muli %scan3A_1113, %mul3A_1130 : i32
        %add3A_1132 = arith.addi %mul3A_1106, %mul3A_1131 : i32
        %add3A_1133 = arith.constant 0 : i32
        %add3A_1134 = arith.addi %add3A_1132, %add3A_1133 : i32
        %broadcast_in_dim3A_1135 = vector.broadcast %add3A_1134 : i32 to vector<16xi32>
        %add3A_1136 = arith.constant 1 : i32
        %add3A_1137 = arith.addi %add3A_1132, %add3A_1136 : i32
        %broadcast_in_dim3A_1138 = vector.broadcast %add3A_1137 : i32 to vector<16xi32>
        %add3A_1139 = arith.constant 2 : i32
        %add3A_1140 = arith.addi %add3A_1132, %add3A_1139 : i32
        %broadcast_in_dim3A_1141 = vector.broadcast %add3A_1140 : i32 to vector<16xi32>
        %add3A_1142 = arith.constant 3 : i32
        %add3A_1143 = arith.addi %add3A_1132, %add3A_1142 : i32
        %broadcast_in_dim3A_1144 = vector.broadcast %add3A_1143 : i32 to vector<16xi32>
        %add3A_1145 = arith.constant 4 : i32
        %add3A_1146 = arith.addi %add3A_1132, %add3A_1145 : i32
        %broadcast_in_dim3A_1147 = vector.broadcast %add3A_1146 : i32 to vector<16xi32>
        %add3A_1148 = arith.constant 5 : i32
        %add3A_1149 = arith.addi %add3A_1132, %add3A_1148 : i32
        %broadcast_in_dim3A_1150 = vector.broadcast %add3A_1149 : i32 to vector<16xi32>
        %add3A_1151 = arith.constant 6 : i32
        %add3A_1152 = arith.addi %add3A_1132, %add3A_1151 : i32
        %broadcast_in_dim3A_1153 = vector.broadcast %add3A_1152 : i32 to vector<16xi32>
        %add3A_1154 = arith.constant 7 : i32
        %add3A_1155 = arith.addi %add3A_1132, %add3A_1154 : i32
        %broadcast_in_dim3A_1156 = vector.broadcast %add3A_1155 : i32 to vector<16xi32>
        %mul3A_1157 = arith.constant 128 : i32
        %mul3A_1158 = arith.muli %scan3A_1113, %mul3A_1157 : i32
        %add3A_1159 = arith.constant 0 : i32
        %add3A_1160 = arith.addi %mul3A_1158, %add3A_1159 : i32
        %get3A_1161 = arith.constant 0 : i32
        %get3A_1162 = arith.index_cast %get3A_1161 : i32 to index
        %get3A_1163 = arith.index_cast %add3A_1160 : i32 to index
        %get3A_1164 = tpu.vector_load %arg8[%get3A_1162, %get3A_1163] {strides = array<i32>} : memref<8x3968xf32, #tpu.memory_space<vmem>>, vector<1x16xf32>,
        %get3A_1165 = vector.shape_cast %get3A_1164 : vector<1x16xf32> to vector<16xf32>
        %gt3A_1166 = arith.cmpf ogt, %get3A_1165, %scan3A_1114 : vector<16xf32>
        %select_n3A_1167 = arith.select %gt3A_1166, %get3A_1165, %scan3A_1114 : vector<16xi1>, vector<16xf32>
        %select_n3A_1168 = arith.select %gt3A_1166, %broadcast_in_dim3A_1135, %scan3A_1122 : vector<16xi1>, vector<16xi32>
        %add3A_1169 = arith.constant 16 : i32
        %add3A_1170 = arith.addi %mul3A_1158, %add3A_1169 : i32
        %get3A_1171 = arith.constant 0 : i32
        %get3A_1172 = arith.index_cast %get3A_1171 : i32 to index
        %get3A_1173 = arith.index_cast %add3A_1170 : i32 to index
        %get3A_1174 = tpu.vector_load %arg8[%get3A_1172, %get3A_1173] {strides = array<i32>} : memref<8x3968xf32, #tpu.memory_space<vmem>>, vector<1x16xf32>,
        %get3A_1175 = vector.shape_cast %get3A_1174 : vector<1x16xf32> to vector<16xf32>
        %gt3A_1176 = arith.cmpf ogt, %get3A_1175, %select_n3A_1167 : vector<16xf32>
        %select_n3A_1177 = arith.select %gt3A_1176, %get3A_1175, %select_n3A_1167 : vector<16xi1>, vector<16xf32>
        %select_n3A_1178 = arith.select %gt3A_1176, %broadcast_in_dim3A_1138, %select_n3A_1168 : vector<16xi1>, vector<16xi32>
        %add3A_1179 = arith.constant 32 : i32
        %add3A_1180 = arith.addi %mul3A_1158, %add3A_1179 : i32
        %get3A_1181 = arith.constant 0 : i32
        %get3A_1182 = arith.index_cast %get3A_1181 : i32 to index
        %get3A_1183 = arith.index_cast %add3A_1180 : i32 to index
        %get3A_1184 = tpu.vector_load %arg8[%get3A_1182, %get3A_1183] {strides = array<i32>} : memref<8x3968xf32, #tpu.memory_space<vmem>>, vector<1x16xf32>,
        %get3A_1185 = vector.shape_cast %get3A_1184 : vector<1x16xf32> to vector<16xf32>
        %gt3A_1186 = arith.cmpf ogt, %get3A_1185, %select_n3A_1177 : vector<16xf32>
        %select_n3A_1187 = arith.select %gt3A_1186, %get3A_1185, %select_n3A_1177 : vector<16xi1>, vector<16xf32>
        %select_n3A_1188 = arith.select %gt3A_1186, %broadcast_in_dim3A_1141, %select_n3A_1178 : vector<16xi1>, vector<16xi32>
        %add3A_1189 = arith.constant 48 : i32
        %add3A_1190 = arith.addi %mul3A_1158, %add3A_1189 : i32
        %get3A_1191 = arith.constant 0 : i32
        %get3A_1192 = arith.index_cast %get3A_1191 : i32 to index
        %get3A_1193 = arith.index_cast %add3A_1190 : i32 to index
        %get3A_1194 = tpu.vector_load %arg8[%get3A_1192, %get3A_1193] {strides = array<i32>} : memref<8x3968xf32, #tpu.memory_space<vmem>>, vector<1x16xf32>,
        %get3A_1195 = vector.shape_cast %get3A_1194 : vector<1x16xf32> to vector<16xf32>
        %gt3A_1196 = arith.cmpf ogt, %get3A_1195, %select_n3A_1187 : vector<16xf32>
        %select_n3A_1197 = arith.select %gt3A_1196, %get3A_1195, %select_n3A_1187 : vector<16xi1>, vector<16xf32>
        %select_n3A_1198 = arith.select %gt3A_1196, %broadcast_in_dim3A_1144, %select_n3A_1188 : vector<16xi1>, vector<16xi32>
        %add3A_1199 = arith.constant 64 : i32
        %add3A_1200 = arith.addi %mul3A_1158, %add3A_1199 : i32
        %get3A_1201 = arith.constant 0 : i32
        %get3A_1202 = arith.index_cast %get3A_1201 : i32 to index
        %get3A_1203 = arith.index_cast %add3A_1200 : i32 to index
        %get3A_1204 = tpu.vector_load %arg8[%get3A_1202, %get3A_1203] {strides = array<i32>} : memref<8x3968xf32, #tpu.memory_space<vmem>>, vector<1x16xf32>,
        %get3A_1205 = vector.shape_cast %get3A_1204 : vector<1x16xf32> to vector<16xf32>
        %gt3A_1206 = arith.cmpf ogt, %get3A_1205, %select_n3A_1197 : vector<16xf32>
        %select_n3A_1207 = arith.select %gt3A_1206, %get3A_1205, %select_n3A_1197 : vector<16xi1>, vector<16xf32>
        %select_n3A_1208 = arith.select %gt3A_1206, %broadcast_in_dim3A_1147, %select_n3A_1198 : vector<16xi1>, vector<16xi32>
        %add3A_1209 = arith.constant 80 : i32
        %add3A_1210 = arith.addi %mul3A_1158, %add3A_1209 : i32
        %get3A_1211 = arith.constant 0 : i32
        %get3A_1212 = arith.index_cast %get3A_1211 : i32 to index
        %get3A_1213 = arith.index_cast %add3A_1210 : i32 to index
        %get3A_1214 = tpu.vector_load %arg8[%get3A_1212, %get3A_1213] {strides = array<i32>} : memref<8x3968xf32, #tpu.memory_space<vmem>>, vector<1x16xf32>,
        %get3A_1215 = vector.shape_cast %get3A_1214 : vector<1x16xf32> to vector<16xf32>
        %gt3A_1216 = arith.cmpf ogt, %get3A_1215, %select_n3A_1207 : vector<16xf32>
        %select_n3A_1217 = arith.select %gt3A_1216, %get3A_1215, %select_n3A_1207 : vector<16xi1>, vector<16xf32>
        %select_n3A_1218 = arith.select %gt3A_1216, %broadcast_in_dim3A_1150, %select_n3A_1208 : vector<16xi1>, vector<16xi32>
        %add3A_1219 = arith.constant 96 : i32
        %add3A_1220 = arith.addi %mul3A_1158, %add3A_1219 : i32
        %get3A_1221 = arith.constant 0 : i32
        %get3A_1222 = arith.index_cast %get3A_1221 : i32 to index
        %get3A_1223 = arith.index_cast %add3A_1220 : i32 to index
        %get3A_1224 = tpu.vector_load %arg8[%get3A_1222, %get3A_1223] {strides = array<i32>} : memref<8x3968xf32, #tpu.memory_space<vmem>>, vector<1x16xf32>,
        %get3A_1225 = vector.shape_cast %get3A_1224 : vector<1x16xf32> to vector<16xf32>
        %gt3A_1226 = arith.cmpf ogt, %get3A_1225, %select_n3A_1217 : vector<16xf32>
        %select_n3A_1227 = arith.select %gt3A_1226, %get3A_1225, %select_n3A_1217 : vector<16xi1>, vector<16xf32>
        %select_n3A_1228 = arith.select %gt3A_1226, %broadcast_in_dim3A_1153, %select_n3A_1218 : vector<16xi1>, vector<16xi32>
        %add3A_1229 = arith.constant 112 : i32
        %add3A_1230 = arith.addi %mul3A_1158, %add3A_1229 : i32
        %get3A_1231 = arith.constant 0 : i32
        %get3A_1232 = arith.index_cast %get3A_1231 : i32 to index
        %get3A_1233 = arith.index_cast %add3A_1230 : i32 to index
        %get3A_1234 = tpu.vector_load %arg8[%get3A_1232, %get3A_1233] {strides = array<i32>} : memref<8x3968xf32, #tpu.memory_space<vmem>>, vector<1x16xf32>,
        %get3A_1235 = vector.shape_cast %get3A_1234 : vector<1x16xf32> to vector<16xf32>
        %gt3A_1236 = arith.cmpf ogt, %get3A_1235, %select_n3A_1227 : vector<16xf32>
        %select_n3A_1237 = arith.select %gt3A_1236, %get3A_1235, %select_n3A_1227 : vector<16xi1>, vector<16xf32>
        %select_n3A_1238 = arith.select %gt3A_1236, %broadcast_in_dim3A_1156, %select_n3A_1228 : vector<16xi1>, vector<16xi32>
        %add3A_1239 = arith.constant 0 : i32
        %add3A_1240 = arith.addi %mul3A_1158, %add3A_1239 : i32
        %get3A_1241 = arith.constant 1 : i32
        %get3A_1242 = arith.index_cast %get3A_1241 : i32 to index
        %get3A_1243 = arith.index_cast %add3A_1240 : i32 to index
        %get3A_1244 = tpu.vector_load %arg8[%get3A_1242, %get3A_1243] {strides = array<i32>} : memref<8x3968xf32, #tpu.memory_space<vmem>>, vector<1x16xf32>,
        %get3A_1245 = vector.shape_cast %get3A_1244 : vector<1x16xf32> to vector<16xf32>
        %gt3A_1246 = arith.cmpf ogt, %get3A_1245, %scan3A_1115 : vector<16xf32>
        %select_n3A_1247 = arith.select %gt3A_1246, %get3A_1245, %scan3A_1115 : vector<16xi1>, vector<16xf32>
        %select_n3A_1248 = arith.select %gt3A_1246, %broadcast_in_dim3A_1135, %scan3A_1123 : vector<16xi1>, vector<16xi32>
        %add3A_1249 = arith.constant 16 : i32
        %add3A_1250 = arith.addi %mul3A_1158, %add3A_1249 : i32
        %get3A_1251 = arith.constant 1 : i32
        %get3A_1252 = arith.index_cast %get3A_1251 : i32 to index
        %get3A_1253 = arith.index_cast %add3A_1250 : i32 to index
        %get3A_1254 = tpu.vector_load %arg8[%get3A_1252, %get3A_1253] {strides = array<i32>} : memref<8x3968xf32, #tpu.memory_space<vmem>>, vector<1x16xf32>,
        %get3A_1255 = vector.shape_cast %get3A_1254 : vector<1x16xf32> to vector<16xf32>
        %gt3A_1256 = arith.cmpf ogt, %get3A_1255, %select_n3A_1247 : vector<16xf32>
        %select_n3A_1257 = arith.select %gt3A_1256, %get3A_1255, %select_n3A_1247 : vector<16xi1>, vector<16xf32>
        %select_n3A_1258 = arith.select %gt3A_1256, %broadcast_in_dim3A_1138, %select_n3A_1248 : vector<16xi1>, vector<16xi32>
        %add3A_1259 = arith.constant 32 : i32
        %add3A_1260 = arith.addi %mul3A_1158, %add3A_1259 : i32
        %get3A_1261 = arith.constant 1 : i32
        %get3A_1262 = arith.index_cast %get3A_1261 : i32 to index
        %get3A_1263 = arith.index_cast %add3A_1260 : i32 to index
        %get3A_1264 = tpu.vector_load %arg8[%get3A_1262, %get3A_1263] {strides = array<i32>} : memref<8x3968xf32, #tpu.memory_space<vmem>>, vector<1x16xf32>,
        %get3A_1265 = vector.shape_cast %get3A_1264 : vector<1x16xf32> to vector<16xf32>
        %gt3A_1266 = arith.cmpf ogt, %get3A_1265, %select_n3A_1257 : vector<16xf32>
        %select_n3A_1267 = arith.select %gt3A_1266, %get3A_1265, %select_n3A_1257 : vector<16xi1>, vector<16xf32>
        %select_n3A_1268 = arith.select %gt3A_1266, %broadcast_in_dim3A_1141, %select_n3A_1258 : vector<16xi1>, vector<16xi32>
        %add3A_1269 = arith.constant 48 : i32
        %add3A_1270 = arith.addi %mul3A_1158, %add3A_1269 : i32
        %get3A_1271 = arith.constant 1 : i32
        %get3A_1272 = arith.index_cast %get3A_1271 : i32 to index
        %get3A_1273 = arith.index_cast %add3A_1270 : i32 to index
        %get3A_1274 = tpu.vector_load %arg8[%get3A_1272, %get3A_1273] {strides = array<i32>} : memref<8x3968xf32, #tpu.memory_space<vmem>>, vector<1x16xf32>,
        %get3A_1275 = vector.shape_cast %get3A_1274 : vector<1x16xf32> to vector<16xf32>
        %gt3A_1276 = arith.cmpf ogt, %get3A_1275, %select_n3A_1267 : vector<16xf32>
        %select_n3A_1277 = arith.select %gt3A_1276, %get3A_1275, %select_n3A_1267 : vector<16xi1>, vector<16xf32>
        %select_n3A_1278 = arith.select %gt3A_1276, %broadcast_in_dim3A_1144, %select_n3A_1268 : vector<16xi1>, vector<16xi32>
        %add3A_1279 = arith.constant 64 : i32
        %add3A_1280 = arith.addi %mul3A_1158, %add3A_1279 : i32
        %get3A_1281 = arith.constant 1 : i32
        %get3A_1282 = arith.index_cast %get3A_1281 : i32 to index
        %get3A_1283 = arith.index_cast %add3A_1280 : i32 to index
        %get3A_1284 = tpu.vector_load %arg8[%get3A_1282, %get3A_1283] {strides = array<i32>} : memref<8x3968xf32, #tpu.memory_space<vmem>>, vector<1x16xf32>,
        %get3A_1285 = vector.shape_cast %get3A_1284 : vector<1x16xf32> to vector<16xf32>
        %gt3A_1286 = arith.cmpf ogt, %get3A_1285, %select_n3A_1277 : vector<16xf32>
        %select_n3A_1287 = arith.select %gt3A_1286, %get3A_1285, %select_n3A_1277 : vector<16xi1>, vector<16xf32>
        %select_n3A_1288 = arith.select %gt3A_1286, %broadcast_in_dim3A_1147, %select_n3A_1278 : vector<16xi1>, vector<16xi32>
        %add3A_1289 = arith.constant 80 : i32
        %add3A_1290 = arith.addi %mul3A_1158, %add3A_1289 : i32
        %get3A_1291 = arith.constant 1 : i32
        %get3A_1292 = arith.index_cast %get3A_1291 : i32 to index
        %get3A_1293 = arith.index_cast %add3A_1290 : i32 to index
        %get3A_1294 = tpu.vector_load %arg8[%get3A_1292, %get3A_1293] {strides = array<i32>} : memref<8x3968xf32, #tpu.memory_space<vmem>>, vector<1x16xf32>,
        %get3A_1295 = vector.shape_cast %get3A_1294 : vector<1x16xf32> to vector<16xf32>
        %gt3A_1296 = arith.cmpf ogt, %get3A_1295, %select_n3A_1287 : vector<16xf32>
        %select_n3A_1297 = arith.select %gt3A_1296, %get3A_1295, %select_n3A_1287 : vector<16xi1>, vector<16xf32>
        %select_n3A_1298 = arith.select %gt3A_1296, %broadcast_in_dim3A_1150, %select_n3A_1288 : vector<16xi1>, vector<16xi32>
        %add3A_1299 = arith.constant 96 : i32
        %add3A_1300 = arith.addi %mul3A_1158, %add3A_1299 : i32
        %get3A_1301 = arith.constant 1 : i32
        %get3A_1302 = arith.index_cast %get3A_1301 : i32 to index
        %get3A_1303 = arith.index_cast %add3A_1300 : i32 to index
        %get3A_1304 = tpu.vector_load %arg8[%get3A_1302, %get3A_1303] {strides = array<i32>} : memref<8x3968xf32, #tpu.memory_space<vmem>>, vector<1x16xf32>,
        %get3A_1305 = vector.shape_cast %get3A_1304 : vector<1x16xf32> to vector<16xf32>
        %gt3A_1306 = arith.cmpf ogt, %get3A_1305, %select_n3A_1297 : vector<16xf32>
        %select_n3A_1307 = arith.select %gt3A_1306, %get3A_1305, %select_n3A_1297 : vector<16xi1>, vector<16xf32>
        %select_n3A_1308 = arith.select %gt3A_1306, %broadcast_in_dim3A_1153, %select_n3A_1298 : vector<16xi1>, vector<16xi32>
        %add3A_1309 = arith.constant 112 : i32
        %add3A_1310 = arith.addi %mul3A_1158, %add3A_1309 : i32
        %get3A_1311 = arith.constant 1 : i32
        %get3A_1312 = arith.index_cast %get3A_1311 : i32 to index
        %get3A_1313 = arith.index_cast %add3A_1310 : i32 to index
        %get3A_1314 = tpu.vector_load %arg8[%get3A_1312, %get3A_1313] {strides = array<i32>} : memref<8x3968xf32, #tpu.memory_space<vmem>>, vector<1x16xf32>,
        %get3A_1315 = vector.shape_cast %get3A_1314 : vector<1x16xf32> to vector<16xf32>
        %gt3A_1316 = arith.cmpf ogt, %get3A_1315, %select_n3A_1307 : vector<16xf32>
        %select_n3A_1317 = arith.select %gt3A_1316, %get3A_1315, %select_n3A_1307 : vector<16xi1>, vector<16xf32>
        %select_n3A_1318 = arith.select %gt3A_1316, %broadcast_in_dim3A_1156, %select_n3A_1308 : vector<16xi1>, vector<16xi32>
        %add3A_1319 = arith.constant 0 : i32
        %add3A_1320 = arith.addi %mul3A_1158, %add3A_1319 : i32
        %get3A_1321 = arith.constant 2 : i32
        %get3A_1322 = arith.index_cast %get3A_1321 : i32 to index
        %get3A_1323 = arith.index_cast %add3A_1320 : i32 to index
        %get3A_1324 = tpu.vector_load %arg8[%get3A_1322, %get3A_1323] {strides = array<i32>} : memref<8x3968xf32, #tpu.memory_space<vmem>>, vector<1x16xf32>,
        %get3A_1325 = vector.shape_cast %get3A_1324 : vector<1x16xf32> to vector<16xf32>
        %gt3A_1326 = arith.cmpf ogt, %get3A_1325, %scan3A_1116 : vector<16xf32>
        %select_n3A_1327 = arith.select %gt3A_1326, %get3A_1325, %scan3A_1116 : vector<16xi1>, vector<16xf32>
        %select_n3A_1328 = arith.select %gt3A_1326, %broadcast_in_dim3A_1135, %scan3A_1124 : vector<16xi1>, vector<16xi32>
        %add3A_1329 = arith.constant 16 : i32
        %add3A_1330 = arith.addi %mul3A_1158, %add3A_1329 : i32
        %get3A_1331 = arith.constant 2 : i32
        %get3A_1332 = arith.index_cast %get3A_1331 : i32 to index
        %get3A_1333 = arith.index_cast %add3A_1330 : i32 to index
        %get3A_1334 = tpu.vector_load %arg8[%get3A_1332, %get3A_1333] {strides = array<i32>} : memref<8x3968xf32, #tpu.memory_space<vmem>>, vector<1x16xf32>,
        %get3A_1335 = vector.shape_cast %get3A_1334 : vector<1x16xf32> to vector<16xf32>
        %gt3A_1336 = arith.cmpf ogt, %get3A_1335, %select_n3A_1327 : vector<16xf32>
        %select_n3A_1337 = arith.select %gt3A_1336, %get3A_1335, %select_n3A_1327 : vector<16xi1>, vector<16xf32>
        %select_n3A_1338 = arith.select %gt3A_1336, %broadcast_in_dim3A_1138, %select_n3A_1328 : vector<16xi1>, vector<16xi32>
        %add3A_1339 = arith.constant 32 : i32
        %add3A_1340 = arith.addi %mul3A_1158, %add3A_1339 : i32
        %get3A_1341 = arith.constant 2 : i32
        %get3A_1342 = arith.index_cast %get3A_1341 : i32 to index
        %get3A_1343 = arith.index_cast %add3A_1340 : i32 to index
        %get3A_1344 = tpu.vector_load %arg8[%get3A_1342, %get3A_1343] {strides = array<i32>} : memref<8x3968xf32, #tpu.memory_space<vmem>>, vector<1x16xf32>,
        %get3A_1345 = vector.shape_cast %get3A_1344 : vector<1x16xf32> to vector<16xf32>
        %gt3A_1346 = arith.cmpf ogt, %get3A_1345, %select_n3A_1337 : vector<16xf32>
        %select_n3A_1347 = arith.select %gt3A_1346, %get3A_1345, %select_n3A_1337 : vector<16xi1>, vector<16xf32>
        %select_n3A_1348 = arith.select %gt3A_1346, %broadcast_in_dim3A_1141, %select_n3A_1338 : vector<16xi1>, vector<16xi32>
        %add3A_1349 = arith.constant 48 : i32
        %add3A_1350 = arith.addi %mul3A_1158, %add3A_1349 : i32
        %get3A_1351 = arith.constant 2 : i32
        %get3A_1352 = arith.index_cast %get3A_1351 : i32 to index
        %get3A_1353 = arith.index_cast %add3A_1350 : i32 to index
        %get3A_1354 = tpu.vector_load %arg8[%get3A_1352, %get3A_1353] {strides = array<i32>} : memref<8x3968xf32, #tpu.memory_space<vmem>>, vector<1x16xf32>,
        %get3A_1355 = vector.shape_cast %get3A_1354 : vector<1x16xf32> to vector<16xf32>
        %gt3A_1356 = arith.cmpf ogt, %get3A_1355, %select_n3A_1347 : vector<16xf32>
        %select_n3A_1357 = arith.select %gt3A_1356, %get3A_1355, %select_n3A_1347 : vector<16xi1>, vector<16xf32>
        %select_n3A_1358 = arith.select %gt3A_1356, %broadcast_in_dim3A_1144, %select_n3A_1348 : vector<16xi1>, vector<16xi32>
        %add3A_1359 = arith.constant 64 : i32
        %add3A_1360 = arith.addi %mul3A_1158, %add3A_1359 : i32
        %get3A_1361 = arith.constant 2 : i32
        %get3A_1362 = arith.index_cast %get3A_1361 : i32 to index
        %get3A_1363 = arith.index_cast %add3A_1360 : i32 to index
        %get3A_1364 = tpu.vector_load %arg8[%get3A_1362, %get3A_1363] {strides = array<i32>} : memref<8x3968xf32, #tpu.memory_space<vmem>>, vector<1x16xf32>,
        %get3A_1365 = vector.shape_cast %get3A_1364 : vector<1x16xf32> to vector<16xf32>
        %gt3A_1366 = arith.cmpf ogt, %get3A_1365, %select_n3A_1357 : vector<16xf32>
        %select_n3A_1367 = arith.select %gt3A_1366, %get3A_1365, %select_n3A_1357 : vector<16xi1>, vector<16xf32>
        %select_n3A_1368 = arith.select %gt3A_1366, %broadcast_in_dim3A_1147, %select_n3A_1358 : vector<16xi1>, vector<16xi32>
        %add3A_1369 = arith.constant 80 : i32
        %add3A_1370 = arith.addi %mul3A_1158, %add3A_1369 : i32
        %get3A_1371 = arith.constant 2 : i32
        %get3A_1372 = arith.index_cast %get3A_1371 : i32 to index
        %get3A_1373 = arith.index_cast %add3A_1370 : i32 to index
        %get3A_1374 = tpu.vector_load %arg8[%get3A_1372, %get3A_1373] {strides = array<i32>} : memref<8x3968xf32, #tpu.memory_space<vmem>>, vector<1x16xf32>,
        %get3A_1375 = vector.shape_cast %get3A_1374 : vector<1x16xf32> to vector<16xf32>
        %gt3A_1376 = arith.cmpf ogt, %get3A_1375, %select_n3A_1367 : vector<16xf32>
        %select_n3A_1377 = arith.select %gt3A_1376, %get3A_1375, %select_n3A_1367 : vector<16xi1>, vector<16xf32>
        %select_n3A_1378 = arith.select %gt3A_1376, %broadcast_in_dim3A_1150, %select_n3A_1368 : vector<16xi1>, vector<16xi32>
        %add3A_1379 = arith.constant 96 : i32
        %add3A_1380 = arith.addi %mul3A_1158, %add3A_1379 : i32
        %get3A_1381 = arith.constant 2 : i32
        %get3A_1382 = arith.index_cast %get3A_1381 : i32 to index
        %get3A_1383 = arith.index_cast %add3A_1380 : i32 to index
        %get3A_1384 = tpu.vector_load %arg8[%get3A_1382, %get3A_1383] {strides = array<i32>} : memref<8x3968xf32, #tpu.memory_space<vmem>>, vector<1x16xf32>,
        %get3A_1385 = vector.shape_cast %get3A_1384 : vector<1x16xf32> to vector<16xf32>
        %gt3A_1386 = arith.cmpf ogt, %get3A_1385, %select_n3A_1377 : vector<16xf32>
        %select_n3A_1387 = arith.select %gt3A_1386, %get3A_1385, %select_n3A_1377 : vector<16xi1>, vector<16xf32>
        %select_n3A_1388 = arith.select %gt3A_1386, %broadcast_in_dim3A_1153, %select_n3A_1378 : vector<16xi1>, vector<16xi32>
        %add3A_1389 = arith.constant 112 : i32
        %add3A_1390 = arith.addi %mul3A_1158, %add3A_1389 : i32
        %get3A_1391 = arith.constant 2 : i32
        %get3A_1392 = arith.index_cast %get3A_1391 : i32 to index
        %get3A_1393 = arith.index_cast %add3A_1390 : i32 to index
        %get3A_1394 = tpu.vector_load %arg8[%get3A_1392, %get3A_1393] {strides = array<i32>} : memref<8x3968xf32, #tpu.memory_space<vmem>>, vector<1x16xf32>,
        %get3A_1395 = vector.shape_cast %get3A_1394 : vector<1x16xf32> to vector<16xf32>
        %gt3A_1396 = arith.cmpf ogt, %get3A_1395, %select_n3A_1387 : vector<16xf32>
        %select_n3A_1397 = arith.select %gt3A_1396, %get3A_1395, %select_n3A_1387 : vector<16xi1>, vector<16xf32>
        %select_n3A_1398 = arith.select %gt3A_1396, %broadcast_in_dim3A_1156, %select_n3A_1388 : vector<16xi1>, vector<16xi32>
        %add3A_1399 = arith.constant 0 : i32
        %add3A_1400 = arith.addi %mul3A_1158, %add3A_1399 : i32
        %get3A_1401 = arith.constant 3 : i32
        %get3A_1402 = arith.index_cast %get3A_1401 : i32 to index
        %get3A_1403 = arith.index_cast %add3A_1400 : i32 to index
        %get3A_1404 = tpu.vector_load %arg8[%get3A_1402, %get3A_1403] {strides = array<i32>} : memref<8x3968xf32, #tpu.memory_space<vmem>>, vector<1x16xf32>,
        %get3A_1405 = vector.shape_cast %get3A_1404 : vector<1x16xf32> to vector<16xf32>
        %gt3A_1406 = arith.cmpf ogt, %get3A_1405, %scan3A_1117 : vector<16xf32>
        %select_n3A_1407 = arith.select %gt3A_1406, %get3A_1405, %scan3A_1117 : vector<16xi1>, vector<16xf32>
        %select_n3A_1408 = arith.select %gt3A_1406, %broadcast_in_dim3A_1135, %scan3A_1125 : vector<16xi1>, vector<16xi32>
        %add3A_1409 = arith.constant 16 : i32
        %add3A_1410 = arith.addi %mul3A_1158, %add3A_1409 : i32
        %get3A_1411 = arith.constant 3 : i32
        %get3A_1412 = arith.index_cast %get3A_1411 : i32 to index
        %get3A_1413 = arith.index_cast %add3A_1410 : i32 to index
        %get3A_1414 = tpu.vector_load %arg8[%get3A_1412, %get3A_1413] {strides = array<i32>} : memref<8x3968xf32, #tpu.memory_space<vmem>>, vector<1x16xf32>,
        %get3A_1415 = vector.shape_cast %get3A_1414 : vector<1x16xf32> to vector<16xf32>
        %gt3A_1416 = arith.cmpf ogt, %get3A_1415, %select_n3A_1407 : vector<16xf32>
        %select_n3A_1417 = arith.select %gt3A_1416, %get3A_1415, %select_n3A_1407 : vector<16xi1>, vector<16xf32>
        %select_n3A_1418 = arith.select %gt3A_1416, %broadcast_in_dim3A_1138, %select_n3A_1408 : vector<16xi1>, vector<16xi32>
        %add3A_1419 = arith.constant 32 : i32
        %add3A_1420 = arith.addi %mul3A_1158, %add3A_1419 : i32
        %get3A_1421 = arith.constant 3 : i32
        %get3A_1422 = arith.index_cast %get3A_1421 : i32 to index
        %get3A_1423 = arith.index_cast %add3A_1420 : i32 to index
        %get3A_1424 = tpu.vector_load %arg8[%get3A_1422, %get3A_1423] {strides = array<i32>} : memref<8x3968xf32, #tpu.memory_space<vmem>>, vector<1x16xf32>,
        %get3A_1425 = vector.shape_cast %get3A_1424 : vector<1x16xf32> to vector<16xf32>
        %gt3A_1426 = arith.cmpf ogt, %get3A_1425, %select_n3A_1417 : vector<16xf32>
        %select_n3A_1427 = arith.select %gt3A_1426, %get3A_1425, %select_n3A_1417 : vector<16xi1>, vector<16xf32>
        %select_n3A_1428 = arith.select %gt3A_1426, %broadcast_in_dim3A_1141, %select_n3A_1418 : vector<16xi1>, vector<16xi32>
        %add3A_1429 = arith.constant 48 : i32
        %add3A_1430 = arith.addi %mul3A_1158, %add3A_1429 : i32
        %get3A_1431 = arith.constant 3 : i32
        %get3A_1432 = arith.index_cast %get3A_1431 : i32 to index
        %get3A_1433 = arith.index_cast %add3A_1430 : i32 to index
        %get3A_1434 = tpu.vector_load %arg8[%get3A_1432, %get3A_1433] {strides = array<i32>} : memref<8x3968xf32, #tpu.memory_space<vmem>>, vector<1x16xf32>,
        %get3A_1435 = vector.shape_cast %get3A_1434 : vector<1x16xf32> to vector<16xf32>
        %gt3A_1436 = arith.cmpf ogt, %get3A_1435, %select_n3A_1427 : vector<16xf32>
        %select_n3A_1437 = arith.select %gt3A_1436, %get3A_1435, %select_n3A_1427 : vector<16xi1>, vector<16xf32>
        %select_n3A_1438 = arith.select %gt3A_1436, %broadcast_in_dim3A_1144, %select_n3A_1428 : vector<16xi1>, vector<16xi32>
        %add3A_1439 = arith.constant 64 : i32
        %add3A_1440 = arith.addi %mul3A_1158, %add3A_1439 : i32
        %get3A_1441 = arith.constant 3 : i32
        %get3A_1442 = arith.index_cast %get3A_1441 : i32 to index
        %get3A_1443 = arith.index_cast %add3A_1440 : i32 to index
        %get3A_1444 = tpu.vector_load %arg8[%get3A_1442, %get3A_1443] {strides = array<i32>} : memref<8x3968xf32, #tpu.memory_space<vmem>>, vector<1x16xf32>,
        %get3A_1445 = vector.shape_cast %get3A_1444 : vector<1x16xf32> to vector<16xf32>
        %gt3A_1446 = arith.cmpf ogt, %get3A_1445, %select_n3A_1437 : vector<16xf32>
        %select_n3A_1447 = arith.select %gt3A_1446, %get3A_1445, %select_n3A_1437 : vector<16xi1>, vector<16xf32>
        %select_n3A_1448 = arith.select %gt3A_1446, %broadcast_in_dim3A_1147, %select_n3A_1438 : vector<16xi1>, vector<16xi32>
        %add3A_1449 = arith.constant 80 : i32
        %add3A_1450 = arith.addi %mul3A_1158, %add3A_1449 : i32
        %get3A_1451 = arith.constant 3 : i32
        %get3A_1452 = arith.index_cast %get3A_1451 : i32 to index
        %get3A_1453 = arith.index_cast %add3A_1450 : i32 to index
        %get3A_1454 = tpu.vector_load %arg8[%get3A_1452, %get3A_1453] {strides = array<i32>} : memref<8x3968xf32, #tpu.memory_space<vmem>>, vector<1x16xf32>,
        %get3A_1455 = vector.shape_cast %get3A_1454 : vector<1x16xf32> to vector<16xf32>
        %gt3A_1456 = arith.cmpf ogt, %get3A_1455, %select_n3A_1447 : vector<16xf32>
        %select_n3A_1457 = arith.select %gt3A_1456, %get3A_1455, %select_n3A_1447 : vector<16xi1>, vector<16xf32>
        %select_n3A_1458 = arith.select %gt3A_1456, %broadcast_in_dim3A_1150, %select_n3A_1448 : vector<16xi1>, vector<16xi32>
        %add3A_1459 = arith.constant 96 : i32
        %add3A_1460 = arith.addi %mul3A_1158, %add3A_1459 : i32
        %get3A_1461 = arith.constant 3 : i32
        %get3A_1462 = arith.index_cast %get3A_1461 : i32 to index
        %get3A_1463 = arith.index_cast %add3A_1460 : i32 to index
        %get3A_1464 = tpu.vector_load %arg8[%get3A_1462, %get3A_1463] {strides = array<i32>} : memref<8x3968xf32, #tpu.memory_space<vmem>>, vector<1x16xf32>,
        %get3A_1465 = vector.shape_cast %get3A_1464 : vector<1x16xf32> to vector<16xf32>
        %gt3A_1466 = arith.cmpf ogt, %get3A_1465, %select_n3A_1457 : vector<16xf32>
        %select_n3A_1467 = arith.select %gt3A_1466, %get3A_1465, %select_n3A_1457 : vector<16xi1>, vector<16xf32>
        %select_n3A_1468 = arith.select %gt3A_1466, %broadcast_in_dim3A_1153, %select_n3A_1458 : vector<16xi1>, vector<16xi32>
        %add3A_1469 = arith.constant 112 : i32
        %add3A_1470 = arith.addi %mul3A_1158, %add3A_1469 : i32
        %get3A_1471 = arith.constant 3 : i32
        %get3A_1472 = arith.index_cast %get3A_1471 : i32 to index
        %get3A_1473 = arith.index_cast %add3A_1470 : i32 to index
        %get3A_1474 = tpu.vector_load %arg8[%get3A_1472, %get3A_1473] {strides = array<i32>} : memref<8x3968xf32, #tpu.memory_space<vmem>>, vector<1x16xf32>,
        %get3A_1475 = vector.shape_cast %get3A_1474 : vector<1x16xf32> to vector<16xf32>
        %gt3A_1476 = arith.cmpf ogt, %get3A_1475, %select_n3A_1467 : vector<16xf32>
        %select_n3A_1477 = arith.select %gt3A_1476, %get3A_1475, %select_n3A_1467 : vector<16xi1>, vector<16xf32>
        %select_n3A_1478 = arith.select %gt3A_1476, %broadcast_in_dim3A_1156, %select_n3A_1468 : vector<16xi1>, vector<16xi32>
        %add3A_1479 = arith.constant 0 : i32
        %add3A_1480 = arith.addi %mul3A_1158, %add3A_1479 : i32
        %get3A_1481 = arith.constant 4 : i32
        %get3A_1482 = arith.index_cast %get3A_1481 : i32 to index
        %get3A_1483 = arith.index_cast %add3A_1480 : i32 to index
        %get3A_1484 = tpu.vector_load %arg8[%get3A_1482, %get3A_1483] {strides = array<i32>} : memref<8x3968xf32, #tpu.memory_space<vmem>>, vector<1x16xf32>,
        %get3A_1485 = vector.shape_cast %get3A_1484 : vector<1x16xf32> to vector<16xf32>
        %gt3A_1486 = arith.cmpf ogt, %get3A_1485, %scan3A_1118 : vector<16xf32>
        %select_n3A_1487 = arith.select %gt3A_1486, %get3A_1485, %scan3A_1118 : vector<16xi1>, vector<16xf32>
        %select_n3A_1488 = arith.select %gt3A_1486, %broadcast_in_dim3A_1135, %scan3A_1126 : vector<16xi1>, vector<16xi32>
        %add3A_1489 = arith.constant 16 : i32
        %add3A_1490 = arith.addi %mul3A_1158, %add3A_1489 : i32
        %get3A_1491 = arith.constant 4 : i32
        %get3A_1492 = arith.index_cast %get3A_1491 : i32 to index
        %get3A_1493 = arith.index_cast %add3A_1490 : i32 to index
        %get3A_1494 = tpu.vector_load %arg8[%get3A_1492, %get3A_1493] {strides = array<i32>} : memref<8x3968xf32, #tpu.memory_space<vmem>>, vector<1x16xf32>,
        %get3A_1495 = vector.shape_cast %get3A_1494 : vector<1x16xf32> to vector<16xf32>
        %gt3A_1496 = arith.cmpf ogt, %get3A_1495, %select_n3A_1487 : vector<16xf32>
        %select_n3A_1497 = arith.select %gt3A_1496, %get3A_1495, %select_n3A_1487 : vector<16xi1>, vector<16xf32>
        %select_n3A_1498 = arith.select %gt3A_1496, %broadcast_in_dim3A_1138, %select_n3A_1488 : vector<16xi1>, vector<16xi32>
        %add3A_1499 = arith.constant 32 : i32
        %add3A_1500 = arith.addi %mul3A_1158, %add3A_1499 : i32
        %get3A_1501 = arith.constant 4 : i32
        %get3A_1502 = arith.index_cast %get3A_1501 : i32 to index
        %get3A_1503 = arith.index_cast %add3A_1500 : i32 to index
        %get3A_1504 = tpu.vector_load %arg8[%get3A_1502, %get3A_1503] {strides = array<i32>} : memref<8x3968xf32, #tpu.memory_space<vmem>>, vector<1x16xf32>,
        %get3A_1505 = vector.shape_cast %get3A_1504 : vector<1x16xf32> to vector<16xf32>
        %gt3A_1506 = arith.cmpf ogt, %get3A_1505, %select_n3A_1497 : vector<16xf32>
        %select_n3A_1507 = arith.select %gt3A_1506, %get3A_1505, %select_n3A_1497 : vector<16xi1>, vector<16xf32>
        %select_n3A_1508 = arith.select %gt3A_1506, %broadcast_in_dim3A_1141, %select_n3A_1498 : vector<16xi1>, vector<16xi32>
        %add3A_1509 = arith.constant 48 : i32
        %add3A_1510 = arith.addi %mul3A_1158, %add3A_1509 : i32
        %get3A_1511 = arith.constant 4 : i32
        %get3A_1512 = arith.index_cast %get3A_1511 : i32 to index
        %get3A_1513 = arith.index_cast %add3A_1510 : i32 to index
        %get3A_1514 = tpu.vector_load %arg8[%get3A_1512, %get3A_1513] {strides = array<i32>} : memref<8x3968xf32, #tpu.memory_space<vmem>>, vector<1x16xf32>,
        %get3A_1515 = vector.shape_cast %get3A_1514 : vector<1x16xf32> to vector<16xf32>
        %gt3A_1516 = arith.cmpf ogt, %get3A_1515, %select_n3A_1507 : vector<16xf32>
        %select_n3A_1517 = arith.select %gt3A_1516, %get3A_1515, %select_n3A_1507 : vector<16xi1>, vector<16xf32>
        %select_n3A_1518 = arith.select %gt3A_1516, %broadcast_in_dim3A_1144, %select_n3A_1508 : vector<16xi1>, vector<16xi32>
        %add3A_1519 = arith.constant 64 : i32
        %add3A_1520 = arith.addi %mul3A_1158, %add3A_1519 : i32
        %get3A_1521 = arith.constant 4 : i32
        %get3A_1522 = arith.index_cast %get3A_1521 : i32 to index
        %get3A_1523 = arith.index_cast %add3A_1520 : i32 to index
        %get3A_1524 = tpu.vector_load %arg8[%get3A_1522, %get3A_1523] {strides = array<i32>} : memref<8x3968xf32, #tpu.memory_space<vmem>>, vector<1x16xf32>,
        %get3A_1525 = vector.shape_cast %get3A_1524 : vector<1x16xf32> to vector<16xf32>
        %gt3A_1526 = arith.cmpf ogt, %get3A_1525, %select_n3A_1517 : vector<16xf32>
        %select_n3A_1527 = arith.select %gt3A_1526, %get3A_1525, %select_n3A_1517 : vector<16xi1>, vector<16xf32>
        %select_n3A_1528 = arith.select %gt3A_1526, %broadcast_in_dim3A_1147, %select_n3A_1518 : vector<16xi1>, vector<16xi32>
        %add3A_1529 = arith.constant 80 : i32
        %add3A_1530 = arith.addi %mul3A_1158, %add3A_1529 : i32
        %get3A_1531 = arith.constant 4 : i32
        %get3A_1532 = arith.index_cast %get3A_1531 : i32 to index
        %get3A_1533 = arith.index_cast %add3A_1530 : i32 to index
        %get3A_1534 = tpu.vector_load %arg8[%get3A_1532, %get3A_1533] {strides = array<i32>} : memref<8x3968xf32, #tpu.memory_space<vmem>>, vector<1x16xf32>,
        %get3A_1535 = vector.shape_cast %get3A_1534 : vector<1x16xf32> to vector<16xf32>
        %gt3A_1536 = arith.cmpf ogt, %get3A_1535, %select_n3A_1527 : vector<16xf32>
        %select_n3A_1537 = arith.select %gt3A_1536, %get3A_1535, %select_n3A_1527 : vector<16xi1>, vector<16xf32>
        %select_n3A_1538 = arith.select %gt3A_1536, %broadcast_in_dim3A_1150, %select_n3A_1528 : vector<16xi1>, vector<16xi32>
        %add3A_1539 = arith.constant 96 : i32
        %add3A_1540 = arith.addi %mul3A_1158, %add3A_1539 : i32
        %get3A_1541 = arith.constant 4 : i32
        %get3A_1542 = arith.index_cast %get3A_1541 : i32 to index
        %get3A_1543 = arith.index_cast %add3A_1540 : i32 to index
        %get3A_1544 = tpu.vector_load %arg8[%get3A_1542, %get3A_1543] {strides = array<i32>} : memref<8x3968xf32, #tpu.memory_space<vmem>>, vector<1x16xf32>,
        %get3A_1545 = vector.shape_cast %get3A_1544 : vector<1x16xf32> to vector<16xf32>
        %gt3A_1546 = arith.cmpf ogt, %get3A_1545, %select_n3A_1537 : vector<16xf32>
        %select_n3A_1547 = arith.select %gt3A_1546, %get3A_1545, %select_n3A_1537 : vector<16xi1>, vector<16xf32>
        %select_n3A_1548 = arith.select %gt3A_1546, %broadcast_in_dim3A_1153, %select_n3A_1538 : vector<16xi1>, vector<16xi32>
        %add3A_1549 = arith.constant 112 : i32
        %add3A_1550 = arith.addi %mul3A_1158, %add3A_1549 : i32
        %get3A_1551 = arith.constant 4 : i32
        %get3A_1552 = arith.index_cast %get3A_1551 : i32 to index
        %get3A_1553 = arith.index_cast %add3A_1550 : i32 to index
        %get3A_1554 = tpu.vector_load %arg8[%get3A_1552, %get3A_1553] {strides = array<i32>} : memref<8x3968xf32, #tpu.memory_space<vmem>>, vector<1x16xf32>,
        %get3A_1555 = vector.shape_cast %get3A_1554 : vector<1x16xf32> to vector<16xf32>
        %gt3A_1556 = arith.cmpf ogt, %get3A_1555, %select_n3A_1547 : vector<16xf32>
        %select_n3A_1557 = arith.select %gt3A_1556, %get3A_1555, %select_n3A_1547 : vector<16xi1>, vector<16xf32>
        %select_n3A_1558 = arith.select %gt3A_1556, %broadcast_in_dim3A_1156, %select_n3A_1548 : vector<16xi1>, vector<16xi32>
        %add3A_1559 = arith.constant 0 : i32
        %add3A_1560 = arith.addi %mul3A_1158, %add3A_1559 : i32
        %get3A_1561 = arith.constant 5 : i32
        %get3A_1562 = arith.index_cast %get3A_1561 : i32 to index
        %get3A_1563 = arith.index_cast %add3A_1560 : i32 to index
        %get3A_1564 = tpu.vector_load %arg8[%get3A_1562, %get3A_1563] {strides = array<i32>} : memref<8x3968xf32, #tpu.memory_space<vmem>>, vector<1x16xf32>,
        %get3A_1565 = vector.shape_cast %get3A_1564 : vector<1x16xf32> to vector<16xf32>
        %gt3A_1566 = arith.cmpf ogt, %get3A_1565, %scan3A_1119 : vector<16xf32>
        %select_n3A_1567 = arith.select %gt3A_1566, %get3A_1565, %scan3A_1119 : vector<16xi1>, vector<16xf32>
        %select_n3A_1568 = arith.select %gt3A_1566, %broadcast_in_dim3A_1135, %scan3A_1127 : vector<16xi1>, vector<16xi32>
        %add3A_1569 = arith.constant 16 : i32
        %add3A_1570 = arith.addi %mul3A_1158, %add3A_1569 : i32
        %get3A_1571 = arith.constant 5 : i32
        %get3A_1572 = arith.index_cast %get3A_1571 : i32 to index
        %get3A_1573 = arith.index_cast %add3A_1570 : i32 to index
        %get3A_1574 = tpu.vector_load %arg8[%get3A_1572, %get3A_1573] {strides = array<i32>} : memref<8x3968xf32, #tpu.memory_space<vmem>>, vector<1x16xf32>,
        %get3A_1575 = vector.shape_cast %get3A_1574 : vector<1x16xf32> to vector<16xf32>
        %gt3A_1576 = arith.cmpf ogt, %get3A_1575, %select_n3A_1567 : vector<16xf32>
        %select_n3A_1577 = arith.select %gt3A_1576, %get3A_1575, %select_n3A_1567 : vector<16xi1>, vector<16xf32>
        %select_n3A_1578 = arith.select %gt3A_1576, %broadcast_in_dim3A_1138, %select_n3A_1568 : vector<16xi1>, vector<16xi32>
        %add3A_1579 = arith.constant 32 : i32
        %add3A_1580 = arith.addi %mul3A_1158, %add3A_1579 : i32
        %get3A_1581 = arith.constant 5 : i32
        %get3A_1582 = arith.index_cast %get3A_1581 : i32 to index
        %get3A_1583 = arith.index_cast %add3A_1580 : i32 to index
        %get3A_1584 = tpu.vector_load %arg8[%get3A_1582, %get3A_1583] {strides = array<i32>} : memref<8x3968xf32, #tpu.memory_space<vmem>>, vector<1x16xf32>,
        %get3A_1585 = vector.shape_cast %get3A_1584 : vector<1x16xf32> to vector<16xf32>
        %gt3A_1586 = arith.cmpf ogt, %get3A_1585, %select_n3A_1577 : vector<16xf32>
        %select_n3A_1587 = arith.select %gt3A_1586, %get3A_1585, %select_n3A_1577 : vector<16xi1>, vector<16xf32>
        %select_n3A_1588 = arith.select %gt3A_1586, %broadcast_in_dim3A_1141, %select_n3A_1578 : vector<16xi1>, vector<16xi32>
        %add3A_1589 = arith.constant 48 : i32
        %add3A_1590 = arith.addi %mul3A_1158, %add3A_1589 : i32
        %get3A_1591 = arith.constant 5 : i32
        %get3A_1592 = arith.index_cast %get3A_1591 : i32 to index
        %get3A_1593 = arith.index_cast %add3A_1590 : i32 to index
        %get3A_1594 = tpu.vector_load %arg8[%get3A_1592, %get3A_1593] {strides = array<i32>} : memref<8x3968xf32, #tpu.memory_space<vmem>>, vector<1x16xf32>,
        %get3A_1595 = vector.shape_cast %get3A_1594 : vector<1x16xf32> to vector<16xf32>
        %gt3A_1596 = arith.cmpf ogt, %get3A_1595, %select_n3A_1587 : vector<16xf32>
        %select_n3A_1597 = arith.select %gt3A_1596, %get3A_1595, %select_n3A_1587 : vector<16xi1>, vector<16xf32>
        %select_n3A_1598 = arith.select %gt3A_1596, %broadcast_in_dim3A_1144, %select_n3A_1588 : vector<16xi1>, vector<16xi32>
        %add3A_1599 = arith.constant 64 : i32
        %add3A_1600 = arith.addi %mul3A_1158, %add3A_1599 : i32
        %get3A_1601 = arith.constant 5 : i32
        %get3A_1602 = arith.index_cast %get3A_1601 : i32 to index
        %get3A_1603 = arith.index_cast %add3A_1600 : i32 to index
        %get3A_1604 = tpu.vector_load %arg8[%get3A_1602, %get3A_1603] {strides = array<i32>} : memref<8x3968xf32, #tpu.memory_space<vmem>>, vector<1x16xf32>,
        %get3A_1605 = vector.shape_cast %get3A_1604 : vector<1x16xf32> to vector<16xf32>
        %gt3A_1606 = arith.cmpf ogt, %get3A_1605, %select_n3A_1597 : vector<16xf32>
        %select_n3A_1607 = arith.select %gt3A_1606, %get3A_1605, %select_n3A_1597 : vector<16xi1>, vector<16xf32>
        %select_n3A_1608 = arith.select %gt3A_1606, %broadcast_in_dim3A_1147, %select_n3A_1598 : vector<16xi1>, vector<16xi32>
        %add3A_1609 = arith.constant 80 : i32
        %add3A_1610 = arith.addi %mul3A_1158, %add3A_1609 : i32
        %get3A_1611 = arith.constant 5 : i32
        %get3A_1612 = arith.index_cast %get3A_1611 : i32 to index
        %get3A_1613 = arith.index_cast %add3A_1610 : i32 to index
        %get3A_1614 = tpu.vector_load %arg8[%get3A_1612, %get3A_1613] {strides = array<i32>} : memref<8x3968xf32, #tpu.memory_space<vmem>>, vector<1x16xf32>,
        %get3A_1615 = vector.shape_cast %get3A_1614 : vector<1x16xf32> to vector<16xf32>
        %gt3A_1616 = arith.cmpf ogt, %get3A_1615, %select_n3A_1607 : vector<16xf32>
        %select_n3A_1617 = arith.select %gt3A_1616, %get3A_1615, %select_n3A_1607 : vector<16xi1>, vector<16xf32>
        %select_n3A_1618 = arith.select %gt3A_1616, %broadcast_in_dim3A_1150, %select_n3A_1608 : vector<16xi1>, vector<16xi32>
        %add3A_1619 = arith.constant 96 : i32
        %add3A_1620 = arith.addi %mul3A_1158, %add3A_1619 : i32
        %get3A_1621 = arith.constant 5 : i32
        %get3A_1622 = arith.index_cast %get3A_1621 : i32 to index
        %get3A_1623 = arith.index_cast %add3A_1620 : i32 to index
        %get3A_1624 = tpu.vector_load %arg8[%get3A_1622, %get3A_1623] {strides = array<i32>} : memref<8x3968xf32, #tpu.memory_space<vmem>>, vector<1x16xf32>,
        %get3A_1625 = vector.shape_cast %get3A_1624 : vector<1x16xf32> to vector<16xf32>
        %gt3A_1626 = arith.cmpf ogt, %get3A_1625, %select_n3A_1617 : vector<16xf32>
        %select_n3A_1627 = arith.select %gt3A_1626, %get3A_1625, %select_n3A_1617 : vector<16xi1>, vector<16xf32>
        %select_n3A_1628 = arith.select %gt3A_1626, %broadcast_in_dim3A_1153, %select_n3A_1618 : vector<16xi1>, vector<16xi32>
        %add3A_1629 = arith.constant 112 : i32
        %add3A_1630 = arith.addi %mul3A_1158, %add3A_1629 : i32
        %get3A_1631 = arith.constant 5 : i32
        %get3A_1632 = arith.index_cast %get3A_1631 : i32 to index
        %get3A_1633 = arith.index_cast %add3A_1630 : i32 to index
        %get3A_1634 = tpu.vector_load %arg8[%get3A_1632, %get3A_1633] {strides = array<i32>} : memref<8x3968xf32, #tpu.memory_space<vmem>>, vector<1x16xf32>,
        %get3A_1635 = vector.shape_cast %get3A_1634 : vector<1x16xf32> to vector<16xf32>
        %gt3A_1636 = arith.cmpf ogt, %get3A_1635, %select_n3A_1627 : vector<16xf32>
        %select_n3A_1637 = arith.select %gt3A_1636, %get3A_1635, %select_n3A_1627 : vector<16xi1>, vector<16xf32>
        %select_n3A_1638 = arith.select %gt3A_1636, %broadcast_in_dim3A_1156, %select_n3A_1628 : vector<16xi1>, vector<16xi32>
        %add3A_1639 = arith.constant 0 : i32
        %add3A_1640 = arith.addi %mul3A_1158, %add3A_1639 : i32
        %get3A_1641 = arith.constant 6 : i32
        %get3A_1642 = arith.index_cast %get3A_1641 : i32 to index
        %get3A_1643 = arith.index_cast %add3A_1640 : i32 to index
        %get3A_1644 = tpu.vector_load %arg8[%get3A_1642, %get3A_1643] {strides = array<i32>} : memref<8x3968xf32, #tpu.memory_space<vmem>>, vector<1x16xf32>,
        %get3A_1645 = vector.shape_cast %get3A_1644 : vector<1x16xf32> to vector<16xf32>
        %gt3A_1646 = arith.cmpf ogt, %get3A_1645, %scan3A_1120 : vector<16xf32>
        %select_n3A_1647 = arith.select %gt3A_1646, %get3A_1645, %scan3A_1120 : vector<16xi1>, vector<16xf32>
        %select_n3A_1648 = arith.select %gt3A_1646, %broadcast_in_dim3A_1135, %scan3A_1128 : vector<16xi1>, vector<16xi32>
        %add3A_1649 = arith.constant 16 : i32
        %add3A_1650 = arith.addi %mul3A_1158, %add3A_1649 : i32
        %get3A_1651 = arith.constant 6 : i32
        %get3A_1652 = arith.index_cast %get3A_1651 : i32 to index
        %get3A_1653 = arith.index_cast %add3A_1650 : i32 to index
        %get3A_1654 = tpu.vector_load %arg8[%get3A_1652, %get3A_1653] {strides = array<i32>} : memref<8x3968xf32, #tpu.memory_space<vmem>>, vector<1x16xf32>,
        %get3A_1655 = vector.shape_cast %get3A_1654 : vector<1x16xf32> to vector<16xf32>
        %gt3A_1656 = arith.cmpf ogt, %get3A_1655, %select_n3A_1647 : vector<16xf32>
        %select_n3A_1657 = arith.select %gt3A_1656, %get3A_1655, %select_n3A_1647 : vector<16xi1>, vector<16xf32>
        %select_n3A_1658 = arith.select %gt3A_1656, %broadcast_in_dim3A_1138, %select_n3A_1648 : vector<16xi1>, vector<16xi32>
        %add3A_1659 = arith.constant 32 : i32
        %add3A_1660 = arith.addi %mul3A_1158, %add3A_1659 : i32
        %get3A_1661 = arith.constant 6 : i32
        %get3A_1662 = arith.index_cast %get3A_1661 : i32 to index
        %get3A_1663 = arith.index_cast %add3A_1660 : i32 to index
        %get3A_1664 = tpu.vector_load %arg8[%get3A_1662, %get3A_1663] {strides = array<i32>} : memref<8x3968xf32, #tpu.memory_space<vmem>>, vector<1x16xf32>,
        %get3A_1665 = vector.shape_cast %get3A_1664 : vector<1x16xf32> to vector<16xf32>
        %gt3A_1666 = arith.cmpf ogt, %get3A_1665, %select_n3A_1657 : vector<16xf32>
        %select_n3A_1667 = arith.select %gt3A_1666, %get3A_1665, %select_n3A_1657 : vector<16xi1>, vector<16xf32>
        %select_n3A_1668 = arith.select %gt3A_1666, %broadcast_in_dim3A_1141, %select_n3A_1658 : vector<16xi1>, vector<16xi32>
        %add3A_1669 = arith.constant 48 : i32
        %add3A_1670 = arith.addi %mul3A_1158, %add3A_1669 : i32
        %get3A_1671 = arith.constant 6 : i32
        %get3A_1672 = arith.index_cast %get3A_1671 : i32 to index
        %get3A_1673 = arith.index_cast %add3A_1670 : i32 to index
        %get3A_1674 = tpu.vector_load %arg8[%get3A_1672, %get3A_1673] {strides = array<i32>} : memref<8x3968xf32, #tpu.memory_space<vmem>>, vector<1x16xf32>,
        %get3A_1675 = vector.shape_cast %get3A_1674 : vector<1x16xf32> to vector<16xf32>
        %gt3A_1676 = arith.cmpf ogt, %get3A_1675, %select_n3A_1667 : vector<16xf32>
        %select_n3A_1677 = arith.select %gt3A_1676, %get3A_1675, %select_n3A_1667 : vector<16xi1>, vector<16xf32>
        %select_n3A_1678 = arith.select %gt3A_1676, %broadcast_in_dim3A_1144, %select_n3A_1668 : vector<16xi1>, vector<16xi32>
        %add3A_1679 = arith.constant 64 : i32
        %add3A_1680 = arith.addi %mul3A_1158, %add3A_1679 : i32
        %get3A_1681 = arith.constant 6 : i32
        %get3A_1682 = arith.index_cast %get3A_1681 : i32 to index
        %get3A_1683 = arith.index_cast %add3A_1680 : i32 to index
        %get3A_1684 = tpu.vector_load %arg8[%get3A_1682, %get3A_1683] {strides = array<i32>} : memref<8x3968xf32, #tpu.memory_space<vmem>>, vector<1x16xf32>,
        %get3A_1685 = vector.shape_cast %get3A_1684 : vector<1x16xf32> to vector<16xf32>
        %gt3A_1686 = arith.cmpf ogt, %get3A_1685, %select_n3A_1677 : vector<16xf32>
        %select_n3A_1687 = arith.select %gt3A_1686, %get3A_1685, %select_n3A_1677 : vector<16xi1>, vector<16xf32>
        %select_n3A_1688 = arith.select %gt3A_1686, %broadcast_in_dim3A_1147, %select_n3A_1678 : vector<16xi1>, vector<16xi32>
        %add3A_1689 = arith.constant 80 : i32
        %add3A_1690 = arith.addi %mul3A_1158, %add3A_1689 : i32
        %get3A_1691 = arith.constant 6 : i32
        %get3A_1692 = arith.index_cast %get3A_1691 : i32 to index
        %get3A_1693 = arith.index_cast %add3A_1690 : i32 to index
        %get3A_1694 = tpu.vector_load %arg8[%get3A_1692, %get3A_1693] {strides = array<i32>} : memref<8x3968xf32, #tpu.memory_space<vmem>>, vector<1x16xf32>,
        %get3A_1695 = vector.shape_cast %get3A_1694 : vector<1x16xf32> to vector<16xf32>
        %gt3A_1696 = arith.cmpf ogt, %get3A_1695, %select_n3A_1687 : vector<16xf32>
        %select_n3A_1697 = arith.select %gt3A_1696, %get3A_1695, %select_n3A_1687 : vector<16xi1>, vector<16xf32>
        %select_n3A_1698 = arith.select %gt3A_1696, %broadcast_in_dim3A_1150, %select_n3A_1688 : vector<16xi1>, vector<16xi32>
        %add3A_1699 = arith.constant 96 : i32
        %add3A_1700 = arith.addi %mul3A_1158, %add3A_1699 : i32
        %get3A_1701 = arith.constant 6 : i32
        %get3A_1702 = arith.index_cast %get3A_1701 : i32 to index
        %get3A_1703 = arith.index_cast %add3A_1700 : i32 to index
        %get3A_1704 = tpu.vector_load %arg8[%get3A_1702, %get3A_1703] {strides = array<i32>} : memref<8x3968xf32, #tpu.memory_space<vmem>>, vector<1x16xf32>,
        %get3A_1705 = vector.shape_cast %get3A_1704 : vector<1x16xf32> to vector<16xf32>
        %gt3A_1706 = arith.cmpf ogt, %get3A_1705, %select_n3A_1697 : vector<16xf32>
        %select_n3A_1707 = arith.select %gt3A_1706, %get3A_1705, %select_n3A_1697 : vector<16xi1>, vector<16xf32>
        %select_n3A_1708 = arith.select %gt3A_1706, %broadcast_in_dim3A_1153, %select_n3A_1698 : vector<16xi1>, vector<16xi32>
        %add3A_1709 = arith.constant 112 : i32
        %add3A_1710 = arith.addi %mul3A_1158, %add3A_1709 : i32
        %get3A_1711 = arith.constant 6 : i32
        %get3A_1712 = arith.index_cast %get3A_1711 : i32 to index
        %get3A_1713 = arith.index_cast %add3A_1710 : i32 to index
        %get3A_1714 = tpu.vector_load %arg8[%get3A_1712, %get3A_1713] {strides = array<i32>} : memref<8x3968xf32, #tpu.memory_space<vmem>>, vector<1x16xf32>,
        %get3A_1715 = vector.shape_cast %get3A_1714 : vector<1x16xf32> to vector<16xf32>
        %gt3A_1716 = arith.cmpf ogt, %get3A_1715, %select_n3A_1707 : vector<16xf32>
        %select_n3A_1717 = arith.select %gt3A_1716, %get3A_1715, %select_n3A_1707 : vector<16xi1>, vector<16xf32>
        %select_n3A_1718 = arith.select %gt3A_1716, %broadcast_in_dim3A_1156, %select_n3A_1708 : vector<16xi1>, vector<16xi32>
        %add3A_1719 = arith.constant 0 : i32
        %add3A_1720 = arith.addi %mul3A_1158, %add3A_1719 : i32
        %get3A_1721 = arith.constant 7 : i32
        %get3A_1722 = arith.index_cast %get3A_1721 : i32 to index
        %get3A_1723 = arith.index_cast %add3A_1720 : i32 to index
        %get3A_1724 = tpu.vector_load %arg8[%get3A_1722, %get3A_1723] {strides = array<i32>} : memref<8x3968xf32, #tpu.memory_space<vmem>>, vector<1x16xf32>,
        %get3A_1725 = vector.shape_cast %get3A_1724 : vector<1x16xf32> to vector<16xf32>
        %gt3A_1726 = arith.cmpf ogt, %get3A_1725, %scan3A_1121 : vector<16xf32>
        %select_n3A_1727 = arith.select %gt3A_1726, %get3A_1725, %scan3A_1121 : vector<16xi1>, vector<16xf32>
        %select_n3A_1728 = arith.select %gt3A_1726, %broadcast_in_dim3A_1135, %scan3A_1129 : vector<16xi1>, vector<16xi32>
        %add3A_1729 = arith.constant 16 : i32
        %add3A_1730 = arith.addi %mul3A_1158, %add3A_1729 : i32
        %get3A_1731 = arith.constant 7 : i32
        %get3A_1732 = arith.index_cast %get3A_1731 : i32 to index
        %get3A_1733 = arith.index_cast %add3A_1730 : i32 to index
        %get3A_1734 = tpu.vector_load %arg8[%get3A_1732, %get3A_1733] {strides = array<i32>} : memref<8x3968xf32, #tpu.memory_space<vmem>>, vector<1x16xf32>,
        %get3A_1735 = vector.shape_cast %get3A_1734 : vector<1x16xf32> to vector<16xf32>
        %gt3A_1736 = arith.cmpf ogt, %get3A_1735, %select_n3A_1727 : vector<16xf32>
        %select_n3A_1737 = arith.select %gt3A_1736, %get3A_1735, %select_n3A_1727 : vector<16xi1>, vector<16xf32>
        %select_n3A_1738 = arith.select %gt3A_1736, %broadcast_in_dim3A_1138, %select_n3A_1728 : vector<16xi1>, vector<16xi32>
        %add3A_1739 = arith.constant 32 : i32
        %add3A_1740 = arith.addi %mul3A_1158, %add3A_1739 : i32
        %get3A_1741 = arith.constant 7 : i32
        %get3A_1742 = arith.index_cast %get3A_1741 : i32 to index
        %get3A_1743 = arith.index_cast %add3A_1740 : i32 to index
        %get3A_1744 = tpu.vector_load %arg8[%get3A_1742, %get3A_1743] {strides = array<i32>} : memref<8x3968xf32, #tpu.memory_space<vmem>>, vector<1x16xf32>,
        %get3A_1745 = vector.shape_cast %get3A_1744 : vector<1x16xf32> to vector<16xf32>
        %gt3A_1746 = arith.cmpf ogt, %get3A_1745, %select_n3A_1737 : vector<16xf32>
        %select_n3A_1747 = arith.select %gt3A_1746, %get3A_1745, %select_n3A_1737 : vector<16xi1>, vector<16xf32>
        %select_n3A_1748 = arith.select %gt3A_1746, %broadcast_in_dim3A_1141, %select_n3A_1738 : vector<16xi1>, vector<16xi32>
        %add3A_1749 = arith.constant 48 : i32
        %add3A_1750 = arith.addi %mul3A_1158, %add3A_1749 : i32
        %get3A_1751 = arith.constant 7 : i32
        %get3A_1752 = arith.index_cast %get3A_1751 : i32 to index
        %get3A_1753 = arith.index_cast %add3A_1750 : i32 to index
        %get3A_1754 = tpu.vector_load %arg8[%get3A_1752, %get3A_1753] {strides = array<i32>} : memref<8x3968xf32, #tpu.memory_space<vmem>>, vector<1x16xf32>,
        %get3A_1755 = vector.shape_cast %get3A_1754 : vector<1x16xf32> to vector<16xf32>
        %gt3A_1756 = arith.cmpf ogt, %get3A_1755, %select_n3A_1747 : vector<16xf32>
        %select_n3A_1757 = arith.select %gt3A_1756, %get3A_1755, %select_n3A_1747 : vector<16xi1>, vector<16xf32>
        %select_n3A_1758 = arith.select %gt3A_1756, %broadcast_in_dim3A_1144, %select_n3A_1748 : vector<16xi1>, vector<16xi32>
        %add3A_1759 = arith.constant 64 : i32
        %add3A_1760 = arith.addi %mul3A_1158, %add3A_1759 : i32
        %get3A_1761 = arith.constant 7 : i32
        %get3A_1762 = arith.index_cast %get3A_1761 : i32 to index
        %get3A_1763 = arith.index_cast %add3A_1760 : i32 to index
        %get3A_1764 = tpu.vector_load %arg8[%get3A_1762, %get3A_1763] {strides = array<i32>} : memref<8x3968xf32, #tpu.memory_space<vmem>>, vector<1x16xf32>,
        %get3A_1765 = vector.shape_cast %get3A_1764 : vector<1x16xf32> to vector<16xf32>
        %gt3A_1766 = arith.cmpf ogt, %get3A_1765, %select_n3A_1757 : vector<16xf32>
        %select_n3A_1767 = arith.select %gt3A_1766, %get3A_1765, %select_n3A_1757 : vector<16xi1>, vector<16xf32>
        %select_n3A_1768 = arith.select %gt3A_1766, %broadcast_in_dim3A_1147, %select_n3A_1758 : vector<16xi1>, vector<16xi32>
        %add3A_1769 = arith.constant 80 : i32
        %add3A_1770 = arith.addi %mul3A_1158, %add3A_1769 : i32
        %get3A_1771 = arith.constant 7 : i32
        %get3A_1772 = arith.index_cast %get3A_1771 : i32 to index
        %get3A_1773 = arith.index_cast %add3A_1770 : i32 to index
        %get3A_1774 = tpu.vector_load %arg8[%get3A_1772, %get3A_1773] {strides = array<i32>} : memref<8x3968xf32, #tpu.memory_space<vmem>>, vector<1x16xf32>,
        %get3A_1775 = vector.shape_cast %get3A_1774 : vector<1x16xf32> to vector<16xf32>
        %gt3A_1776 = arith.cmpf ogt, %get3A_1775, %select_n3A_1767 : vector<16xf32>
        %select_n3A_1777 = arith.select %gt3A_1776, %get3A_1775, %select_n3A_1767 : vector<16xi1>, vector<16xf32>
        %select_n3A_1778 = arith.select %gt3A_1776, %broadcast_in_dim3A_1150, %select_n3A_1768 : vector<16xi1>, vector<16xi32>
        %add3A_1779 = arith.constant 96 : i32
        %add3A_1780 = arith.addi %mul3A_1158, %add3A_1779 : i32
        %get3A_1781 = arith.constant 7 : i32
        %get3A_1782 = arith.index_cast %get3A_1781 : i32 to index
        %get3A_1783 = arith.index_cast %add3A_1780 : i32 to index
        %get3A_1784 = tpu.vector_load %arg8[%get3A_1782, %get3A_1783] {strides = array<i32>} : memref<8x3968xf32, #tpu.memory_space<vmem>>, vector<1x16xf32>,
        %get3A_1785 = vector.shape_cast %get3A_1784 : vector<1x16xf32> to vector<16xf32>
        %gt3A_1786 = arith.cmpf ogt, %get3A_1785, %select_n3A_1777 : vector<16xf32>
        %select_n3A_1787 = arith.select %gt3A_1786, %get3A_1785, %select_n3A_1777 : vector<16xi1>, vector<16xf32>
        %select_n3A_1788 = arith.select %gt3A_1786, %broadcast_in_dim3A_1153, %select_n3A_1778 : vector<16xi1>, vector<16xi32>
        %add3A_1789 = arith.constant 112 : i32
        %add3A_1790 = arith.addi %mul3A_1158, %add3A_1789 : i32
        %get3A_1791 = arith.constant 7 : i32
        %get3A_1792 = arith.index_cast %get3A_1791 : i32 to index
        %get3A_1793 = arith.index_cast %add3A_1790 : i32 to index
        %get3A_1794 = tpu.vector_load %arg8[%get3A_1792, %get3A_1793] {strides = array<i32>} : memref<8x3968xf32, #tpu.memory_space<vmem>>, vector<1x16xf32>,
        %get3A_1795 = vector.shape_cast %get3A_1794 : vector<1x16xf32> to vector<16xf32>
        %gt3A_1796 = arith.cmpf ogt, %get3A_1795, %select_n3A_1787 : vector<16xf32>
        %select_n3A_1797 = arith.select %gt3A_1796, %get3A_1795, %select_n3A_1787 : vector<16xi1>, vector<16xf32>
        %select_n3A_1798 = arith.select %gt3A_1796, %broadcast_in_dim3A_1156, %select_n3A_1788 : vector<16xi1>, vector<16xi32>
        scf.yield %select_n3A_1237, %select_n3A_1317, %select_n3A_1397, %select_n3A_1477, %select_n3A_1557, %select_n3A_1637, %select_n3A_1717, %select_n3A_1797, %select_n3A_1238, %select_n3A_1318, %select_n3A_1398, %select_n3A_1478, %select_n3A_1558, %select_n3A_1638, %select_n3A_1718, %select_n3A_1798 : vector<16xf32>, vector<16xf32>, vector<16xf32>, vector<16xf32>, vector<16xf32>, vector<16xf32>, vector<16xf32>, vector<16xf32>, vector<16xi32>, vector<16xi32>, vector<16xi32>, vector<16xi32>, vector<16xi32>, vector<16xi32>, vector<16xi32>, vector<16xi32>
      }
      %scan3A_1112 = arith.constant 31 : i32
      scf.yield %scan3A_1111#0, %scan3A_1111#1, %scan3A_1111#2, %scan3A_1111#3, %scan3A_1111#4, %scan3A_1111#5, %scan3A_1111#6, %scan3A_1111#7, %scan3A_1111#8, %scan3A_1111#9, %scan3A_1111#10, %scan3A_1111#11, %scan3A_1111#12, %scan3A_1111#13, %scan3A_1111#14, %scan3A_1111#15 : vector<16xf32>, vector<16xf32>, vector<16xf32>, vector<16xf32>, vector<16xf32>, vector<16xf32>, vector<16xf32>, vector<16xf32>, vector<16xi32>, vector<16xi32>, vector<16xi32>, vector<16xi32>, vector<16xi32>, vector<16xi32>, vector<16xi32>, vector<16xi32>
    }
    %scan3A_85 = arith.constant 12 : i32
    %add3A_86 = arith.constant 95232 : i32
    %add3A_87 = arith.addi %multiple_of3A_39, %add3A_86 : i32
    %dma_wait3A_88 = tpu.memref_slice %arg2[%multiple_of3A, %add3A_87] : memref<64x1000000xf32, #tpu.memory_space<hbm>> -> memref<8x3968xf32, #tpu.memory_space<hbm>>
    %dma_wait3A_89 = tpu.memref_slice %arg2[%multiple_of3A, %add3A_87] : memref<64x1000000xf32, #tpu.memory_space<hbm>> -> memref<8x3968xf32, #tpu.memory_space<hbm>>
    tpu.wait_dma2 semaphore(%arg16 : memref<!tpu.dma_semaphore, #tpu.memory_space<semaphore_mem>>) src(%dma_wait3A_89 : memref<8x3968xf32, #tpu.memory_space<hbm>>) dst(%arg7 : memref<8x3968xf32, #tpu.memory_space<vmem>>)
    %scan3A_90 = arith.constant 0 : i32
    %scan3A_91 = arith.constant 31 : i32
    %scan3A_92 = arith.addi %scan3A_90, %scan3A_91 : i32
    %scan3A_93 = arith.constant 1 : i32
    %scan3A_94:16 = scf.for %scan3A_1050 = %scan3A_90 to %scan3A_92 step %scan3A_93 iter_args(%scan3A_1051 = %scan3A_84#0, %scan3A_1052 = %scan3A_84#1, %scan3A_1053 = %scan3A_84#2, %scan3A_1054 = %scan3A_84#3, %scan3A_1055 = %scan3A_84#4, %scan3A_1056 = %scan3A_84#5, %scan3A_1057 = %scan3A_84#6, %scan3A_1058 = %scan3A_84#7, %scan3A_1059 = %scan3A_84#8, %scan3A_1060 = %scan3A_84#9, %scan3A_1061 = %scan3A_84#10, %scan3A_1062 = %scan3A_84#11, %scan3A_1063 = %scan3A_84#12, %scan3A_1064 = %scan3A_84#13, %scan3A_1065 = %scan3A_84#14, %scan3A_1066 = %scan3A_84#15) -> (vector<16xf32>, vector<16xf32>, vector<16xf32>, vector<16xf32>, vector<16xf32>, vector<16xf32>, vector<16xf32>, vector<16xf32>, vector<16xi32>, vector<16xi32>, vector<16xi32>, vector<16xi32>, vector<16xi32>, vector<16xi32>, vector<16xi32>, vector<16xi32>)  : i32 {
      %mul3A_1067 = arith.constant 8 : i32
      %mul3A_1068 = arith.muli %scan3A_1050, %mul3A_1067 : i32
      %add3A_1069 = arith.constant 5952 : i32
      %add3A_1070 = arith.addi %add3A_1069, %mul3A_1068 : i32
      %add3A_1071 = arith.constant 0 : i32
      %add3A_1072 = arith.addi %add3A_1070, %add3A_1071 : i32
      %broadcast_in_dim3A_1073 = vector.broadcast %add3A_1072 : i32 to vector<16xi32>
      %add3A_1074 = arith.constant 1 : i32
      %add3A_1075 = arith.addi %add3A_1070, %add3A_1074 : i32
      %broadcast_in_dim3A_1076 = vector.broadcast %add3A_1075 : i32 to vector<16xi32>
      %add3A_1077 = arith.constant 2 : i32
      %add3A_1078 = arith.addi %add3A_1070, %add3A_1077 : i32
      %broadcast_in_dim3A_1079 = vector.broadcast %add3A_1078 : i32 to vector<16xi32>
      %add3A_1080 = arith.constant 3 : i32
      %add3A_1081 = arith.addi %add3A_1070, %add3A_1080 : i32
      %broadcast_in_dim3A_1082 = vector.broadcast %add3A_1081 : i32 to vector<16xi32>
      %add3A_1083 = arith.constant 4 : i32
      %add3A_1084 = arith.addi %add3A_1070, %add3A_1083 : i32
      %broadcast_in_dim3A_1085 = vector.broadcast %add3A_1084 : i32 to vector<16xi32>
      %add3A_1086 = arith.constant 5 : i32
      %add3A_1087 = arith.addi %add3A_1070, %add3A_1086 : i32
      %broadcast_in_dim3A_1088 = vector.broadcast %add3A_1087 : i32 to vector<16xi32>
      %add3A_1089 = arith.constant 6 : i32
      %add3A_1090 = arith.addi %add3A_1070, %add3A_1089 : i32
      %broadcast_in_dim3A_1091 = vector.broadcast %add3A_1090 : i32 to vector<16xi32>
      %add3A_1092 = arith.constant 7 : i32
      %add3A_1093 = arith.addi %add3A_1070, %add3A_1092 : i32
      %broadcast_in_dim3A_1094 = vector.broadcast %add3A_1093 : i32 to vector<16xi32>
      %mul3A_1095 = arith.constant 128 : i32
      %mul3A_1096 = arith.muli %scan3A_1050, %mul3A_1095 : i32
      %add3A_1097 = arith.constant 0 : i32
      %add3A_1098 = arith.addi %mul3A_1096, %add3A_1097 : i32
      %get3A_1099 = arith.constant 0 : i32
      %get3A_1100 = arith.index_cast %get3A_1099 : i32 to index
      %get3A_1101 = arith.index_cast %add3A_1098 : i32 to index
      %get3A_1102 = tpu.vector_load %arg7[%get3A_1100, %get3A_1101] {strides = array<i32>} : memref<8x3968xf32, #tpu.memory_space<vmem>>, vector<1x16xf32>,
      %get3A_1103 = vector.shape_cast %get3A_1102 : vector<1x16xf32> to vector<16xf32>
      %gt3A_1104 = arith.cmpf ogt, %get3A_1103, %scan3A_1051 : vector<16xf32>
      %select_n3A_1105 = arith.select %gt3A_1104, %get3A_1103, %scan3A_1051 : vector<16xi1>, vector<16xf32>
      %select_n3A_1106 = arith.select %gt3A_1104, %broadcast_in_dim3A_1073, %scan3A_1059 : vector<16xi1>, vector<16xi32>
      %add3A_1107 = arith.constant 16 : i32
      %add3A_1108 = arith.addi %mul3A_1096, %add3A_1107 : i32
      %get3A_1109 = arith.constant 0 : i32
      %get3A_1110 = arith.index_cast %get3A_1109 : i32 to index
      %get3A_1111 = arith.index_cast %add3A_1108 : i32 to index
      %get3A_1112 = tpu.vector_load %arg7[%get3A_1110, %get3A_1111] {strides = array<i32>} : memref<8x3968xf32, #tpu.memory_space<vmem>>, vector<1x16xf32>,
      %get3A_1113 = vector.shape_cast %get3A_1112 : vector<1x16xf32> to vector<16xf32>
      %gt3A_1114 = arith.cmpf ogt, %get3A_1113, %select_n3A_1105 : vector<16xf32>
      %select_n3A_1115 = arith.select %gt3A_1114, %get3A_1113, %select_n3A_1105 : vector<16xi1>, vector<16xf32>
      %select_n3A_1116 = arith.select %gt3A_1114, %broadcast_in_dim3A_1076, %select_n3A_1106 : vector<16xi1>, vector<16xi32>
      %add3A_1117 = arith.constant 32 : i32
      %add3A_1118 = arith.addi %mul3A_1096, %add3A_1117 : i32
      %get3A_1119 = arith.constant 0 : i32
      %get3A_1120 = arith.index_cast %get3A_1119 : i32 to index
      %get3A_1121 = arith.index_cast %add3A_1118 : i32 to index
      %get3A_1122 = tpu.vector_load %arg7[%get3A_1120, %get3A_1121] {strides = array<i32>} : memref<8x3968xf32, #tpu.memory_space<vmem>>, vector<1x16xf32>,
      %get3A_1123 = vector.shape_cast %get3A_1122 : vector<1x16xf32> to vector<16xf32>
      %gt3A_1124 = arith.cmpf ogt, %get3A_1123, %select_n3A_1115 : vector<16xf32>
      %select_n3A_1125 = arith.select %gt3A_1124, %get3A_1123, %select_n3A_1115 : vector<16xi1>, vector<16xf32>
      %select_n3A_1126 = arith.select %gt3A_1124, %broadcast_in_dim3A_1079, %select_n3A_1116 : vector<16xi1>, vector<16xi32>
      %add3A_1127 = arith.constant 48 : i32
      %add3A_1128 = arith.addi %mul3A_1096, %add3A_1127 : i32
      %get3A_1129 = arith.constant 0 : i32
      %get3A_1130 = arith.index_cast %get3A_1129 : i32 to index
      %get3A_1131 = arith.index_cast %add3A_1128 : i32 to index
      %get3A_1132 = tpu.vector_load %arg7[%get3A_1130, %get3A_1131] {strides = array<i32>} : memref<8x3968xf32, #tpu.memory_space<vmem>>, vector<1x16xf32>,
      %get3A_1133 = vector.shape_cast %get3A_1132 : vector<1x16xf32> to vector<16xf32>
      %gt3A_1134 = arith.cmpf ogt, %get3A_1133, %select_n3A_1125 : vector<16xf32>
      %select_n3A_1135 = arith.select %gt3A_1134, %get3A_1133, %select_n3A_1125 : vector<16xi1>, vector<16xf32>
      %select_n3A_1136 = arith.select %gt3A_1134, %broadcast_in_dim3A_1082, %select_n3A_1126 : vector<16xi1>, vector<16xi32>
      %add3A_1137 = arith.constant 64 : i32
      %add3A_1138 = arith.addi %mul3A_1096, %add3A_1137 : i32
      %get3A_1139 = arith.constant 0 : i32
      %get3A_1140 = arith.index_cast %get3A_1139 : i32 to index
      %get3A_1141 = arith.index_cast %add3A_1138 : i32 to index
      %get3A_1142 = tpu.vector_load %arg7[%get3A_1140, %get3A_1141] {strides = array<i32>} : memref<8x3968xf32, #tpu.memory_space<vmem>>, vector<1x16xf32>,
      %get3A_1143 = vector.shape_cast %get3A_1142 : vector<1x16xf32> to vector<16xf32>
      %gt3A_1144 = arith.cmpf ogt, %get3A_1143, %select_n3A_1135 : vector<16xf32>
      %select_n3A_1145 = arith.select %gt3A_1144, %get3A_1143, %select_n3A_1135 : vector<16xi1>, vector<16xf32>
      %select_n3A_1146 = arith.select %gt3A_1144, %broadcast_in_dim3A_1085, %select_n3A_1136 : vector<16xi1>, vector<16xi32>
      %add3A_1147 = arith.constant 80 : i32
      %add3A_1148 = arith.addi %mul3A_1096, %add3A_1147 : i32
      %get3A_1149 = arith.constant 0 : i32
      %get3A_1150 = arith.index_cast %get3A_1149 : i32 to index
      %get3A_1151 = arith.index_cast %add3A_1148 : i32 to index
      %get3A_1152 = tpu.vector_load %arg7[%get3A_1150, %get3A_1151] {strides = array<i32>} : memref<8x3968xf32, #tpu.memory_space<vmem>>, vector<1x16xf32>,
      %get3A_1153 = vector.shape_cast %get3A_1152 : vector<1x16xf32> to vector<16xf32>
      %gt3A_1154 = arith.cmpf ogt, %get3A_1153, %select_n3A_1145 : vector<16xf32>
      %select_n3A_1155 = arith.select %gt3A_1154, %get3A_1153, %select_n3A_1145 : vector<16xi1>, vector<16xf32>
      %select_n3A_1156 = arith.select %gt3A_1154, %broadcast_in_dim3A_1088, %select_n3A_1146 : vector<16xi1>, vector<16xi32>
      %add3A_1157 = arith.constant 96 : i32
      %add3A_1158 = arith.addi %mul3A_1096, %add3A_1157 : i32
      %get3A_1159 = arith.constant 0 : i32
      %get3A_1160 = arith.index_cast %get3A_1159 : i32 to index
      %get3A_1161 = arith.index_cast %add3A_1158 : i32 to index
      %get3A_1162 = tpu.vector_load %arg7[%get3A_1160, %get3A_1161] {strides = array<i32>} : memref<8x3968xf32, #tpu.memory_space<vmem>>, vector<1x16xf32>,
      %get3A_1163 = vector.shape_cast %get3A_1162 : vector<1x16xf32> to vector<16xf32>
      %gt3A_1164 = arith.cmpf ogt, %get3A_1163, %select_n3A_1155 : vector<16xf32>
      %select_n3A_1165 = arith.select %gt3A_1164, %get3A_1163, %select_n3A_1155 : vector<16xi1>, vector<16xf32>
      %select_n3A_1166 = arith.select %gt3A_1164, %broadcast_in_dim3A_1091, %select_n3A_1156 : vector<16xi1>, vector<16xi32>
      %add3A_1167 = arith.constant 112 : i32
      %add3A_1168 = arith.addi %mul3A_1096, %add3A_1167 : i32
      %get3A_1169 = arith.constant 0 : i32
      %get3A_1170 = arith.index_cast %get3A_1169 : i32 to index
      %get3A_1171 = arith.index_cast %add3A_1168 : i32 to index
      %get3A_1172 = tpu.vector_load %arg7[%get3A_1170, %get3A_1171] {strides = array<i32>} : memref<8x3968xf32, #tpu.memory_space<vmem>>, vector<1x16xf32>,
      %get3A_1173 = vector.shape_cast %get3A_1172 : vector<1x16xf32> to vector<16xf32>
      %gt3A_1174 = arith.cmpf ogt, %get3A_1173, %select_n3A_1165 : vector<16xf32>
      %select_n3A_1175 = arith.select %gt3A_1174, %get3A_1173, %select_n3A_1165 : vector<16xi1>, vector<16xf32>
      %select_n3A_1176 = arith.select %gt3A_1174, %broadcast_in_dim3A_1094, %select_n3A_1166 : vector<16xi1>, vector<16xi32>
      %add3A_1177 = arith.constant 0 : i32
      %add3A_1178 = arith.addi %mul3A_1096, %add3A_1177 : i32
      %get3A_1179 = arith.constant 1 : i32
      %get3A_1180 = arith.index_cast %get3A_1179 : i32 to index
      %get3A_1181 = arith.index_cast %add3A_1178 : i32 to index
      %get3A_1182 = tpu.vector_load %arg7[%get3A_1180, %get3A_1181] {strides = array<i32>} : memref<8x3968xf32, #tpu.memory_space<vmem>>, vector<1x16xf32>,
      %get3A_1183 = vector.shape_cast %get3A_1182 : vector<1x16xf32> to vector<16xf32>
      %gt3A_1184 = arith.cmpf ogt, %get3A_1183, %scan3A_1052 : vector<16xf32>
      %select_n3A_1185 = arith.select %gt3A_1184, %get3A_1183, %scan3A_1052 : vector<16xi1>, vector<16xf32>
      %select_n3A_1186 = arith.select %gt3A_1184, %broadcast_in_dim3A_1073, %scan3A_1060 : vector<16xi1>, vector<16xi32>
      %add3A_1187 = arith.constant 16 : i32
      %add3A_1188 = arith.addi %mul3A_1096, %add3A_1187 : i32
      %get3A_1189 = arith.constant 1 : i32
      %get3A_1190 = arith.index_cast %get3A_1189 : i32 to index
      %get3A_1191 = arith.index_cast %add3A_1188 : i32 to index
      %get3A_1192 = tpu.vector_load %arg7[%get3A_1190, %get3A_1191] {strides = array<i32>} : memref<8x3968xf32, #tpu.memory_space<vmem>>, vector<1x16xf32>,
      %get3A_1193 = vector.shape_cast %get3A_1192 : vector<1x16xf32> to vector<16xf32>
      %gt3A_1194 = arith.cmpf ogt, %get3A_1193, %select_n3A_1185 : vector<16xf32>
      %select_n3A_1195 = arith.select %gt3A_1194, %get3A_1193, %select_n3A_1185 : vector<16xi1>, vector<16xf32>
      %select_n3A_1196 = arith.select %gt3A_1194, %broadcast_in_dim3A_1076, %select_n3A_1186 : vector<16xi1>, vector<16xi32>
      %add3A_1197 = arith.constant 32 : i32
      %add3A_1198 = arith.addi %mul3A_1096, %add3A_1197 : i32
      %get3A_1199 = arith.constant 1 : i32
      %get3A_1200 = arith.index_cast %get3A_1199 : i32 to index
      %get3A_1201 = arith.index_cast %add3A_1198 : i32 to index
      %get3A_1202 = tpu.vector_load %arg7[%get3A_1200, %get3A_1201] {strides = array<i32>} : memref<8x3968xf32, #tpu.memory_space<vmem>>, vector<1x16xf32>,
      %get3A_1203 = vector.shape_cast %get3A_1202 : vector<1x16xf32> to vector<16xf32>
      %gt3A_1204 = arith.cmpf ogt, %get3A_1203, %select_n3A_1195 : vector<16xf32>
      %select_n3A_1205 = arith.select %gt3A_1204, %get3A_1203, %select_n3A_1195 : vector<16xi1>, vector<16xf32>
      %select_n3A_1206 = arith.select %gt3A_1204, %broadcast_in_dim3A_1079, %select_n3A_1196 : vector<16xi1>, vector<16xi32>
      %add3A_1207 = arith.constant 48 : i32
      %add3A_1208 = arith.addi %mul3A_1096, %add3A_1207 : i32
      %get3A_1209 = arith.constant 1 : i32
      %get3A_1210 = arith.index_cast %get3A_1209 : i32 to index
      %get3A_1211 = arith.index_cast %add3A_1208 : i32 to index
      %get3A_1212 = tpu.vector_load %arg7[%get3A_1210, %get3A_1211] {strides = array<i32>} : memref<8x3968xf32, #tpu.memory_space<vmem>>, vector<1x16xf32>,
      %get3A_1213 = vector.shape_cast %get3A_1212 : vector<1x16xf32> to vector<16xf32>
      %gt3A_1214 = arith.cmpf ogt, %get3A_1213, %select_n3A_1205 : vector<16xf32>
      %select_n3A_1215 = arith.select %gt3A_1214, %get3A_1213, %select_n3A_1205 : vector<16xi1>, vector<16xf32>
      %select_n3A_1216 = arith.select %gt3A_1214, %broadcast_in_dim3A_1082, %select_n3A_1206 : vector<16xi1>, vector<16xi32>
      %add3A_1217 = arith.constant 64 : i32
      %add3A_1218 = arith.addi %mul3A_1096, %add3A_1217 : i32
      %get3A_1219 = arith.constant 1 : i32
      %get3A_1220 = arith.index_cast %get3A_1219 : i32 to index
      %get3A_1221 = arith.index_cast %add3A_1218 : i32 to index
      %get3A_1222 = tpu.vector_load %arg7[%get3A_1220, %get3A_1221] {strides = array<i32>} : memref<8x3968xf32, #tpu.memory_space<vmem>>, vector<1x16xf32>,
      %get3A_1223 = vector.shape_cast %get3A_1222 : vector<1x16xf32> to vector<16xf32>
      %gt3A_1224 = arith.cmpf ogt, %get3A_1223, %select_n3A_1215 : vector<16xf32>
      %select_n3A_1225 = arith.select %gt3A_1224, %get3A_1223, %select_n3A_1215 : vector<16xi1>, vector<16xf32>
      %select_n3A_1226 = arith.select %gt3A_1224, %broadcast_in_dim3A_1085, %select_n3A_1216 : vector<16xi1>, vector<16xi32>
      %add3A_1227 = arith.constant 80 : i32
      %add3A_1228 = arith.addi %mul3A_1096, %add3A_1227 : i32
      %get3A_1229 = arith.constant 1 : i32
      %get3A_1230 = arith.index_cast %get3A_1229 : i32 to index
      %get3A_1231 = arith.index_cast %add3A_1228 : i32 to index
      %get3A_1232 = tpu.vector_load %arg7[%get3A_1230, %get3A_1231] {strides = array<i32>} : memref<8x3968xf32, #tpu.memory_space<vmem>>, vector<1x16xf32>,
      %get3A_1233 = vector.shape_cast %get3A_1232 : vector<1x16xf32> to vector<16xf32>
      %gt3A_1234 = arith.cmpf ogt, %get3A_1233, %select_n3A_1225 : vector<16xf32>
      %select_n3A_1235 = arith.select %gt3A_1234, %get3A_1233, %select_n3A_1225 : vector<16xi1>, vector<16xf32>
      %select_n3A_1236 = arith.select %gt3A_1234, %broadcast_in_dim3A_1088, %select_n3A_1226 : vector<16xi1>, vector<16xi32>
      %add3A_1237 = arith.constant 96 : i32
      %add3A_1238 = arith.addi %mul3A_1096, %add3A_1237 : i32
      %get3A_1239 = arith.constant 1 : i32
      %get3A_1240 = arith.index_cast %get3A_1239 : i32 to index
      %get3A_1241 = arith.index_cast %add3A_1238 : i32 to index
      %get3A_1242 = tpu.vector_load %arg7[%get3A_1240, %get3A_1241] {strides = array<i32>} : memref<8x3968xf32, #tpu.memory_space<vmem>>, vector<1x16xf32>,
      %get3A_1243 = vector.shape_cast %get3A_1242 : vector<1x16xf32> to vector<16xf32>
      %gt3A_1244 = arith.cmpf ogt, %get3A_1243, %select_n3A_1235 : vector<16xf32>
      %select_n3A_1245 = arith.select %gt3A_1244, %get3A_1243, %select_n3A_1235 : vector<16xi1>, vector<16xf32>
      %select_n3A_1246 = arith.select %gt3A_1244, %broadcast_in_dim3A_1091, %select_n3A_1236 : vector<16xi1>, vector<16xi32>
      %add3A_1247 = arith.constant 112 : i32
      %add3A_1248 = arith.addi %mul3A_1096, %add3A_1247 : i32
      %get3A_1249 = arith.constant 1 : i32
      %get3A_1250 = arith.index_cast %get3A_1249 : i32 to index
      %get3A_1251 = arith.index_cast %add3A_1248 : i32 to index
      %get3A_1252 = tpu.vector_load %arg7[%get3A_1250, %get3A_1251] {strides = array<i32>} : memref<8x3968xf32, #tpu.memory_space<vmem>>, vector<1x16xf32>,
      %get3A_1253 = vector.shape_cast %get3A_1252 : vector<1x16xf32> to vector<16xf32>
      %gt3A_1254 = arith.cmpf ogt, %get3A_1253, %select_n3A_1245 : vector<16xf32>
      %select_n3A_1255 = arith.select %gt3A_1254, %get3A_1253, %select_n3A_1245 : vector<16xi1>, vector<16xf32>
      %select_n3A_1256 = arith.select %gt3A_1254, %broadcast_in_dim3A_1094, %select_n3A_1246 : vector<16xi1>, vector<16xi32>
      %add3A_1257 = arith.constant 0 : i32
      %add3A_1258 = arith.addi %mul3A_1096, %add3A_1257 : i32
      %get3A_1259 = arith.constant 2 : i32
      %get3A_1260 = arith.index_cast %get3A_1259 : i32 to index
      %get3A_1261 = arith.index_cast %add3A_1258 : i32 to index
      %get3A_1262 = tpu.vector_load %arg7[%get3A_1260, %get3A_1261] {strides = array<i32>} : memref<8x3968xf32, #tpu.memory_space<vmem>>, vector<1x16xf32>,
      %get3A_1263 = vector.shape_cast %get3A_1262 : vector<1x16xf32> to vector<16xf32>
      %gt3A_1264 = arith.cmpf ogt, %get3A_1263, %scan3A_1053 : vector<16xf32>
      %select_n3A_1265 = arith.select %gt3A_1264, %get3A_1263, %scan3A_1053 : vector<16xi1>, vector<16xf32>
      %select_n3A_1266 = arith.select %gt3A_1264, %broadcast_in_dim3A_1073, %scan3A_1061 : vector<16xi1>, vector<16xi32>
      %add3A_1267 = arith.constant 16 : i32
      %add3A_1268 = arith.addi %mul3A_1096, %add3A_1267 : i32
      %get3A_1269 = arith.constant 2 : i32
      %get3A_1270 = arith.index_cast %get3A_1269 : i32 to index
      %get3A_1271 = arith.index_cast %add3A_1268 : i32 to index
      %get3A_1272 = tpu.vector_load %arg7[%get3A_1270, %get3A_1271] {strides = array<i32>} : memref<8x3968xf32, #tpu.memory_space<vmem>>, vector<1x16xf32>,
      %get3A_1273 = vector.shape_cast %get3A_1272 : vector<1x16xf32> to vector<16xf32>
      %gt3A_1274 = arith.cmpf ogt, %get3A_1273, %select_n3A_1265 : vector<16xf32>
      %select_n3A_1275 = arith.select %gt3A_1274, %get3A_1273, %select_n3A_1265 : vector<16xi1>, vector<16xf32>
      %select_n3A_1276 = arith.select %gt3A_1274, %broadcast_in_dim3A_1076, %select_n3A_1266 : vector<16xi1>, vector<16xi32>
      %add3A_1277 = arith.constant 32 : i32
      %add3A_1278 = arith.addi %mul3A_1096, %add3A_1277 : i32
      %get3A_1279 = arith.constant 2 : i32
      %get3A_1280 = arith.index_cast %get3A_1279 : i32 to index
      %get3A_1281 = arith.index_cast %add3A_1278 : i32 to index
      %get3A_1282 = tpu.vector_load %arg7[%get3A_1280, %get3A_1281] {strides = array<i32>} : memref<8x3968xf32, #tpu.memory_space<vmem>>, vector<1x16xf32>,
      %get3A_1283 = vector.shape_cast %get3A_1282 : vector<1x16xf32> to vector<16xf32>
      %gt3A_1284 = arith.cmpf ogt, %get3A_1283, %select_n3A_1275 : vector<16xf32>
      %select_n3A_1285 = arith.select %gt3A_1284, %get3A_1283, %select_n3A_1275 : vector<16xi1>, vector<16xf32>
      %select_n3A_1286 = arith.select %gt3A_1284, %broadcast_in_dim3A_1079, %select_n3A_1276 : vector<16xi1>, vector<16xi32>
      %add3A_1287 = arith.constant 48 : i32
      %add3A_1288 = arith.addi %mul3A_1096, %add3A_1287 : i32
      %get3A_1289 = arith.constant 2 : i32
      %get3A_1290 = arith.index_cast %get3A_1289 : i32 to index
      %get3A_1291 = arith.index_cast %add3A_1288 : i32 to index
      %get3A_1292 = tpu.vector_load %arg7[%get3A_1290, %get3A_1291] {strides = array<i32>} : memref<8x3968xf32, #tpu.memory_space<vmem>>, vector<1x16xf32>,
      %get3A_1293 = vector.shape_cast %get3A_1292 : vector<1x16xf32> to vector<16xf32>
      %gt3A_1294 = arith.cmpf ogt, %get3A_1293, %select_n3A_1285 : vector<16xf32>
      %select_n3A_1295 = arith.select %gt3A_1294, %get3A_1293, %select_n3A_1285 : vector<16xi1>, vector<16xf32>
      %select_n3A_1296 = arith.select %gt3A_1294, %broadcast_in_dim3A_1082, %select_n3A_1286 : vector<16xi1>, vector<16xi32>
      %add3A_1297 = arith.constant 64 : i32
      %add3A_1298 = arith.addi %mul3A_1096, %add3A_1297 : i32
      %get3A_1299 = arith.constant 2 : i32
      %get3A_1300 = arith.index_cast %get3A_1299 : i32 to index
      %get3A_1301 = arith.index_cast %add3A_1298 : i32 to index
      %get3A_1302 = tpu.vector_load %arg7[%get3A_1300, %get3A_1301] {strides = array<i32>} : memref<8x3968xf32, #tpu.memory_space<vmem>>, vector<1x16xf32>,
      %get3A_1303 = vector.shape_cast %get3A_1302 : vector<1x16xf32> to vector<16xf32>
      %gt3A_1304 = arith.cmpf ogt, %get3A_1303, %select_n3A_1295 : vector<16xf32>
      %select_n3A_1305 = arith.select %gt3A_1304, %get3A_1303, %select_n3A_1295 : vector<16xi1>, vector<16xf32>
      %select_n3A_1306 = arith.select %gt3A_1304, %broadcast_in_dim3A_1085, %select_n3A_1296 : vector<16xi1>, vector<16xi32>
      %add3A_1307 = arith.constant 80 : i32
      %add3A_1308 = arith.addi %mul3A_1096, %add3A_1307 : i32
      %get3A_1309 = arith.constant 2 : i32
      %get3A_1310 = arith.index_cast %get3A_1309 : i32 to index
      %get3A_1311 = arith.index_cast %add3A_1308 : i32 to index
      %get3A_1312 = tpu.vector_load %arg7[%get3A_1310, %get3A_1311] {strides = array<i32>} : memref<8x3968xf32, #tpu.memory_space<vmem>>, vector<1x16xf32>,
      %get3A_1313 = vector.shape_cast %get3A_1312 : vector<1x16xf32> to vector<16xf32>
      %gt3A_1314 = arith.cmpf ogt, %get3A_1313, %select_n3A_1305 : vector<16xf32>
      %select_n3A_1315 = arith.select %gt3A_1314, %get3A_1313, %select_n3A_1305 : vector<16xi1>, vector<16xf32>
      %select_n3A_1316 = arith.select %gt3A_1314, %broadcast_in_dim3A_1088, %select_n3A_1306 : vector<16xi1>, vector<16xi32>
      %add3A_1317 = arith.constant 96 : i32
      %add3A_1318 = arith.addi %mul3A_1096, %add3A_1317 : i32
      %get3A_1319 = arith.constant 2 : i32
      %get3A_1320 = arith.index_cast %get3A_1319 : i32 to index
      %get3A_1321 = arith.index_cast %add3A_1318 : i32 to index
      %get3A_1322 = tpu.vector_load %arg7[%get3A_1320, %get3A_1321] {strides = array<i32>} : memref<8x3968xf32, #tpu.memory_space<vmem>>, vector<1x16xf32>,
      %get3A_1323 = vector.shape_cast %get3A_1322 : vector<1x16xf32> to vector<16xf32>
      %gt3A_1324 = arith.cmpf ogt, %get3A_1323, %select_n3A_1315 : vector<16xf32>
      %select_n3A_1325 = arith.select %gt3A_1324, %get3A_1323, %select_n3A_1315 : vector<16xi1>, vector<16xf32>
      %select_n3A_1326 = arith.select %gt3A_1324, %broadcast_in_dim3A_1091, %select_n3A_1316 : vector<16xi1>, vector<16xi32>
      %add3A_1327 = arith.constant 112 : i32
      %add3A_1328 = arith.addi %mul3A_1096, %add3A_1327 : i32
      %get3A_1329 = arith.constant 2 : i32
      %get3A_1330 = arith.index_cast %get3A_1329 : i32 to index
      %get3A_1331 = arith.index_cast %add3A_1328 : i32 to index
      %get3A_1332 = tpu.vector_load %arg7[%get3A_1330, %get3A_1331] {strides = array<i32>} : memref<8x3968xf32, #tpu.memory_space<vmem>>, vector<1x16xf32>,
      %get3A_1333 = vector.shape_cast %get3A_1332 : vector<1x16xf32> to vector<16xf32>
      %gt3A_1334 = arith.cmpf ogt, %get3A_1333, %select_n3A_1325 : vector<16xf32>
      %select_n3A_1335 = arith.select %gt3A_1334, %get3A_1333, %select_n3A_1325 : vector<16xi1>, vector<16xf32>
      %select_n3A_1336 = arith.select %gt3A_1334, %broadcast_in_dim3A_1094, %select_n3A_1326 : vector<16xi1>, vector<16xi32>
      %add3A_1337 = arith.constant 0 : i32
      %add3A_1338 = arith.addi %mul3A_1096, %add3A_1337 : i32
      %get3A_1339 = arith.constant 3 : i32
      %get3A_1340 = arith.index_cast %get3A_1339 : i32 to index
      %get3A_1341 = arith.index_cast %add3A_1338 : i32 to index
      %get3A_1342 = tpu.vector_load %arg7[%get3A_1340, %get3A_1341] {strides = array<i32>} : memref<8x3968xf32, #tpu.memory_space<vmem>>, vector<1x16xf32>,
      %get3A_1343 = vector.shape_cast %get3A_1342 : vector<1x16xf32> to vector<16xf32>
      %gt3A_1344 = arith.cmpf ogt, %get3A_1343, %scan3A_1054 : vector<16xf32>
      %select_n3A_1345 = arith.select %gt3A_1344, %get3A_1343, %scan3A_1054 : vector<16xi1>, vector<16xf32>
      %select_n3A_1346 = arith.select %gt3A_1344, %broadcast_in_dim3A_1073, %scan3A_1062 : vector<16xi1>, vector<16xi32>
      %add3A_1347 = arith.constant 16 : i32
      %add3A_1348 = arith.addi %mul3A_1096, %add3A_1347 : i32
      %get3A_1349 = arith.constant 3 : i32
      %get3A_1350 = arith.index_cast %get3A_1349 : i32 to index
      %get3A_1351 = arith.index_cast %add3A_1348 : i32 to index
      %get3A_1352 = tpu.vector_load %arg7[%get3A_1350, %get3A_1351] {strides = array<i32>} : memref<8x3968xf32, #tpu.memory_space<vmem>>, vector<1x16xf32>,
      %get3A_1353 = vector.shape_cast %get3A_1352 : vector<1x16xf32> to vector<16xf32>
      %gt3A_1354 = arith.cmpf ogt, %get3A_1353, %select_n3A_1345 : vector<16xf32>
      %select_n3A_1355 = arith.select %gt3A_1354, %get3A_1353, %select_n3A_1345 : vector<16xi1>, vector<16xf32>
      %select_n3A_1356 = arith.select %gt3A_1354, %broadcast_in_dim3A_1076, %select_n3A_1346 : vector<16xi1>, vector<16xi32>
      %add3A_1357 = arith.constant 32 : i32
      %add3A_1358 = arith.addi %mul3A_1096, %add3A_1357 : i32
      %get3A_1359 = arith.constant 3 : i32
      %get3A_1360 = arith.index_cast %get3A_1359 : i32 to index
      %get3A_1361 = arith.index_cast %add3A_1358 : i32 to index
      %get3A_1362 = tpu.vector_load %arg7[%get3A_1360, %get3A_1361] {strides = array<i32>} : memref<8x3968xf32, #tpu.memory_space<vmem>>, vector<1x16xf32>,
      %get3A_1363 = vector.shape_cast %get3A_1362 : vector<1x16xf32> to vector<16xf32>
      %gt3A_1364 = arith.cmpf ogt, %get3A_1363, %select_n3A_1355 : vector<16xf32>
      %select_n3A_1365 = arith.select %gt3A_1364, %get3A_1363, %select_n3A_1355 : vector<16xi1>, vector<16xf32>
      %select_n3A_1366 = arith.select %gt3A_1364, %broadcast_in_dim3A_1079, %select_n3A_1356 : vector<16xi1>, vector<16xi32>
      %add3A_1367 = arith.constant 48 : i32
      %add3A_1368 = arith.addi %mul3A_1096, %add3A_1367 : i32
      %get3A_1369 = arith.constant 3 : i32
      %get3A_1370 = arith.index_cast %get3A_1369 : i32 to index
      %get3A_1371 = arith.index_cast %add3A_1368 : i32 to index
      %get3A_1372 = tpu.vector_load %arg7[%get3A_1370, %get3A_1371] {strides = array<i32>} : memref<8x3968xf32, #tpu.memory_space<vmem>>, vector<1x16xf32>,
      %get3A_1373 = vector.shape_cast %get3A_1372 : vector<1x16xf32> to vector<16xf32>
      %gt3A_1374 = arith.cmpf ogt, %get3A_1373, %select_n3A_1365 : vector<16xf32>
      %select_n3A_1375 = arith.select %gt3A_1374, %get3A_1373, %select_n3A_1365 : vector<16xi1>, vector<16xf32>
      %select_n3A_1376 = arith.select %gt3A_1374, %broadcast_in_dim3A_1082, %select_n3A_1366 : vector<16xi1>, vector<16xi32>
      %add3A_1377 = arith.constant 64 : i32
      %add3A_1378 = arith.addi %mul3A_1096, %add3A_1377 : i32
      %get3A_1379 = arith.constant 3 : i32
      %get3A_1380 = arith.index_cast %get3A_1379 : i32 to index
      %get3A_1381 = arith.index_cast %add3A_1378 : i32 to index
      %get3A_1382 = tpu.vector_load %arg7[%get3A_1380, %get3A_1381] {strides = array<i32>} : memref<8x3968xf32, #tpu.memory_space<vmem>>, vector<1x16xf32>,
      %get3A_1383 = vector.shape_cast %get3A_1382 : vector<1x16xf32> to vector<16xf32>
      %gt3A_1384 = arith.cmpf ogt, %get3A_1383, %select_n3A_1375 : vector<16xf32>
      %select_n3A_1385 = arith.select %gt3A_1384, %get3A_1383, %select_n3A_1375 : vector<16xi1>, vector<16xf32>
      %select_n3A_1386 = arith.select %gt3A_1384, %broadcast_in_dim3A_1085, %select_n3A_1376 : vector<16xi1>, vector<16xi32>
      %add3A_1387 = arith.constant 80 : i32
      %add3A_1388 = arith.addi %mul3A_1096, %add3A_1387 : i32
      %get3A_1389 = arith.constant 3 : i32
      %get3A_1390 = arith.index_cast %get3A_1389 : i32 to index
      %get3A_1391 = arith.index_cast %add3A_1388 : i32 to index
      %get3A_1392 = tpu.vector_load %arg7[%get3A_1390, %get3A_1391] {strides = array<i32>} : memref<8x3968xf32, #tpu.memory_space<vmem>>, vector<1x16xf32>,
      %get3A_1393 = vector.shape_cast %get3A_1392 : vector<1x16xf32> to vector<16xf32>
      %gt3A_1394 = arith.cmpf ogt, %get3A_1393, %select_n3A_1385 : vector<16xf32>
      %select_n3A_1395 = arith.select %gt3A_1394, %get3A_1393, %select_n3A_1385 : vector<16xi1>, vector<16xf32>
      %select_n3A_1396 = arith.select %gt3A_1394, %broadcast_in_dim3A_1088, %select_n3A_1386 : vector<16xi1>, vector<16xi32>
      %add3A_1397 = arith.constant 96 : i32
      %add3A_1398 = arith.addi %mul3A_1096, %add3A_1397 : i32
      %get3A_1399 = arith.constant 3 : i32
      %get3A_1400 = arith.index_cast %get3A_1399 : i32 to index
      %get3A_1401 = arith.index_cast %add3A_1398 : i32 to index
      %get3A_1402 = tpu.vector_load %arg7[%get3A_1400, %get3A_1401] {strides = array<i32>} : memref<8x3968xf32, #tpu.memory_space<vmem>>, vector<1x16xf32>,
      %get3A_1403 = vector.shape_cast %get3A_1402 : vector<1x16xf32> to vector<16xf32>
      %gt3A_1404 = arith.cmpf ogt, %get3A_1403, %select_n3A_1395 : vector<16xf32>
      %select_n3A_1405 = arith.select %gt3A_1404, %get3A_1403, %select_n3A_1395 : vector<16xi1>, vector<16xf32>
      %select_n3A_1406 = arith.select %gt3A_1404, %broadcast_in_dim3A_1091, %select_n3A_1396 : vector<16xi1>, vector<16xi32>
      %add3A_1407 = arith.constant 112 : i32
      %add3A_1408 = arith.addi %mul3A_1096, %add3A_1407 : i32
      %get3A_1409 = arith.constant 3 : i32
      %get3A_1410 = arith.index_cast %get3A_1409 : i32 to index
      %get3A_1411 = arith.index_cast %add3A_1408 : i32 to index
      %get3A_1412 = tpu.vector_load %arg7[%get3A_1410, %get3A_1411] {strides = array<i32>} : memref<8x3968xf32, #tpu.memory_space<vmem>>, vector<1x16xf32>,
      %get3A_1413 = vector.shape_cast %get3A_1412 : vector<1x16xf32> to vector<16xf32>
      %gt3A_1414 = arith.cmpf ogt, %get3A_1413, %select_n3A_1405 : vector<16xf32>
      %select_n3A_1415 = arith.select %gt3A_1414, %get3A_1413, %select_n3A_1405 : vector<16xi1>, vector<16xf32>
      %select_n3A_1416 = arith.select %gt3A_1414, %broadcast_in_dim3A_1094, %select_n3A_1406 : vector<16xi1>, vector<16xi32>
      %add3A_1417 = arith.constant 0 : i32
      %add3A_1418 = arith.addi %mul3A_1096, %add3A_1417 : i32
      %get3A_1419 = arith.constant 4 : i32
      %get3A_1420 = arith.index_cast %get3A_1419 : i32 to index
      %get3A_1421 = arith.index_cast %add3A_1418 : i32 to index
      %get3A_1422 = tpu.vector_load %arg7[%get3A_1420, %get3A_1421] {strides = array<i32>} : memref<8x3968xf32, #tpu.memory_space<vmem>>, vector<1x16xf32>,
      %get3A_1423 = vector.shape_cast %get3A_1422 : vector<1x16xf32> to vector<16xf32>
      %gt3A_1424 = arith.cmpf ogt, %get3A_1423, %scan3A_1055 : vector<16xf32>
      %select_n3A_1425 = arith.select %gt3A_1424, %get3A_1423, %scan3A_1055 : vector<16xi1>, vector<16xf32>
      %select_n3A_1426 = arith.select %gt3A_1424, %broadcast_in_dim3A_1073, %scan3A_1063 : vector<16xi1>, vector<16xi32>
      %add3A_1427 = arith.constant 16 : i32
      %add3A_1428 = arith.addi %mul3A_1096, %add3A_1427 : i32
      %get3A_1429 = arith.constant 4 : i32
      %get3A_1430 = arith.index_cast %get3A_1429 : i32 to index
      %get3A_1431 = arith.index_cast %add3A_1428 : i32 to index
      %get3A_1432 = tpu.vector_load %arg7[%get3A_1430, %get3A_1431] {strides = array<i32>} : memref<8x3968xf32, #tpu.memory_space<vmem>>, vector<1x16xf32>,
      %get3A_1433 = vector.shape_cast %get3A_1432 : vector<1x16xf32> to vector<16xf32>
      %gt3A_1434 = arith.cmpf ogt, %get3A_1433, %select_n3A_1425 : vector<16xf32>
      %select_n3A_1435 = arith.select %gt3A_1434, %get3A_1433, %select_n3A_1425 : vector<16xi1>, vector<16xf32>
      %select_n3A_1436 = arith.select %gt3A_1434, %broadcast_in_dim3A_1076, %select_n3A_1426 : vector<16xi1>, vector<16xi32>
      %add3A_1437 = arith.constant 32 : i32
      %add3A_1438 = arith.addi %mul3A_1096, %add3A_1437 : i32
      %get3A_1439 = arith.constant 4 : i32
      %get3A_1440 = arith.index_cast %get3A_1439 : i32 to index
      %get3A_1441 = arith.index_cast %add3A_1438 : i32 to index
      %get3A_1442 = tpu.vector_load %arg7[%get3A_1440, %get3A_1441] {strides = array<i32>} : memref<8x3968xf32, #tpu.memory_space<vmem>>, vector<1x16xf32>,
      %get3A_1443 = vector.shape_cast %get3A_1442 : vector<1x16xf32> to vector<16xf32>
      %gt3A_1444 = arith.cmpf ogt, %get3A_1443, %select_n3A_1435 : vector<16xf32>
      %select_n3A_1445 = arith.select %gt3A_1444, %get3A_1443, %select_n3A_1435 : vector<16xi1>, vector<16xf32>
      %select_n3A_1446 = arith.select %gt3A_1444, %broadcast_in_dim3A_1079, %select_n3A_1436 : vector<16xi1>, vector<16xi32>
      %add3A_1447 = arith.constant 48 : i32
      %add3A_1448 = arith.addi %mul3A_1096, %add3A_1447 : i32
      %get3A_1449 = arith.constant 4 : i32
      %get3A_1450 = arith.index_cast %get3A_1449 : i32 to index
      %get3A_1451 = arith.index_cast %add3A_1448 : i32 to index
      %get3A_1452 = tpu.vector_load %arg7[%get3A_1450, %get3A_1451] {strides = array<i32>} : memref<8x3968xf32, #tpu.memory_space<vmem>>, vector<1x16xf32>,
      %get3A_1453 = vector.shape_cast %get3A_1452 : vector<1x16xf32> to vector<16xf32>
      %gt3A_1454 = arith.cmpf ogt, %get3A_1453, %select_n3A_1445 : vector<16xf32>
      %select_n3A_1455 = arith.select %gt3A_1454, %get3A_1453, %select_n3A_1445 : vector<16xi1>, vector<16xf32>
      %select_n3A_1456 = arith.select %gt3A_1454, %broadcast_in_dim3A_1082, %select_n3A_1446 : vector<16xi1>, vector<16xi32>
      %add3A_1457 = arith.constant 64 : i32
      %add3A_1458 = arith.addi %mul3A_1096, %add3A_1457 : i32
      %get3A_1459 = arith.constant 4 : i32
      %get3A_1460 = arith.index_cast %get3A_1459 : i32 to index
      %get3A_1461 = arith.index_cast %add3A_1458 : i32 to index
      %get3A_1462 = tpu.vector_load %arg7[%get3A_1460, %get3A_1461] {strides = array<i32>} : memref<8x3968xf32, #tpu.memory_space<vmem>>, vector<1x16xf32>,
      %get3A_1463 = vector.shape_cast %get3A_1462 : vector<1x16xf32> to vector<16xf32>
      %gt3A_1464 = arith.cmpf ogt, %get3A_1463, %select_n3A_1455 : vector<16xf32>
      %select_n3A_1465 = arith.select %gt3A_1464, %get3A_1463, %select_n3A_1455 : vector<16xi1>, vector<16xf32>
      %select_n3A_1466 = arith.select %gt3A_1464, %broadcast_in_dim3A_1085, %select_n3A_1456 : vector<16xi1>, vector<16xi32>
      %add3A_1467 = arith.constant 80 : i32
      %add3A_1468 = arith.addi %mul3A_1096, %add3A_1467 : i32
      %get3A_1469 = arith.constant 4 : i32
      %get3A_1470 = arith.index_cast %get3A_1469 : i32 to index
      %get3A_1471 = arith.index_cast %add3A_1468 : i32 to index
      %get3A_1472 = tpu.vector_load %arg7[%get3A_1470, %get3A_1471] {strides = array<i32>} : memref<8x3968xf32, #tpu.memory_space<vmem>>, vector<1x16xf32>,
      %get3A_1473 = vector.shape_cast %get3A_1472 : vector<1x16xf32> to vector<16xf32>
      %gt3A_1474 = arith.cmpf ogt, %get3A_1473, %select_n3A_1465 : vector<16xf32>
      %select_n3A_1475 = arith.select %gt3A_1474, %get3A_1473, %select_n3A_1465 : vector<16xi1>, vector<16xf32>
      %select_n3A_1476 = arith.select %gt3A_1474, %broadcast_in_dim3A_1088, %select_n3A_1466 : vector<16xi1>, vector<16xi32>
      %add3A_1477 = arith.constant 96 : i32
      %add3A_1478 = arith.addi %mul3A_1096, %add3A_1477 : i32
      %get3A_1479 = arith.constant 4 : i32
      %get3A_1480 = arith.index_cast %get3A_1479 : i32 to index
      %get3A_1481 = arith.index_cast %add3A_1478 : i32 to index
      %get3A_1482 = tpu.vector_load %arg7[%get3A_1480, %get3A_1481] {strides = array<i32>} : memref<8x3968xf32, #tpu.memory_space<vmem>>, vector<1x16xf32>,
      %get3A_1483 = vector.shape_cast %get3A_1482 : vector<1x16xf32> to vector<16xf32>
      %gt3A_1484 = arith.cmpf ogt, %get3A_1483, %select_n3A_1475 : vector<16xf32>
      %select_n3A_1485 = arith.select %gt3A_1484, %get3A_1483, %select_n3A_1475 : vector<16xi1>, vector<16xf32>
      %select_n3A_1486 = arith.select %gt3A_1484, %broadcast_in_dim3A_1091, %select_n3A_1476 : vector<16xi1>, vector<16xi32>
      %add3A_1487 = arith.constant 112 : i32
      %add3A_1488 = arith.addi %mul3A_1096, %add3A_1487 : i32
      %get3A_1489 = arith.constant 4 : i32
      %get3A_1490 = arith.index_cast %get3A_1489 : i32 to index
      %get3A_1491 = arith.index_cast %add3A_1488 : i32 to index
      %get3A_1492 = tpu.vector_load %arg7[%get3A_1490, %get3A_1491] {strides = array<i32>} : memref<8x3968xf32, #tpu.memory_space<vmem>>, vector<1x16xf32>,
      %get3A_1493 = vector.shape_cast %get3A_1492 : vector<1x16xf32> to vector<16xf32>
      %gt3A_1494 = arith.cmpf ogt, %get3A_1493, %select_n3A_1485 : vector<16xf32>
      %select_n3A_1495 = arith.select %gt3A_1494, %get3A_1493, %select_n3A_1485 : vector<16xi1>, vector<16xf32>
      %select_n3A_1496 = arith.select %gt3A_1494, %broadcast_in_dim3A_1094, %select_n3A_1486 : vector<16xi1>, vector<16xi32>
      %add3A_1497 = arith.constant 0 : i32
      %add3A_1498 = arith.addi %mul3A_1096, %add3A_1497 : i32
      %get3A_1499 = arith.constant 5 : i32
      %get3A_1500 = arith.index_cast %get3A_1499 : i32 to index
      %get3A_1501 = arith.index_cast %add3A_1498 : i32 to index
      %get3A_1502 = tpu.vector_load %arg7[%get3A_1500, %get3A_1501] {strides = array<i32>} : memref<8x3968xf32, #tpu.memory_space<vmem>>, vector<1x16xf32>,
      %get3A_1503 = vector.shape_cast %get3A_1502 : vector<1x16xf32> to vector<16xf32>
      %gt3A_1504 = arith.cmpf ogt, %get3A_1503, %scan3A_1056 : vector<16xf32>
      %select_n3A_1505 = arith.select %gt3A_1504, %get3A_1503, %scan3A_1056 : vector<16xi1>, vector<16xf32>
      %select_n3A_1506 = arith.select %gt3A_1504, %broadcast_in_dim3A_1073, %scan3A_1064 : vector<16xi1>, vector<16xi32>
      %add3A_1507 = arith.constant 16 : i32
      %add3A_1508 = arith.addi %mul3A_1096, %add3A_1507 : i32
      %get3A_1509 = arith.constant 5 : i32
      %get3A_1510 = arith.index_cast %get3A_1509 : i32 to index
      %get3A_1511 = arith.index_cast %add3A_1508 : i32 to index
      %get3A_1512 = tpu.vector_load %arg7[%get3A_1510, %get3A_1511] {strides = array<i32>} : memref<8x3968xf32, #tpu.memory_space<vmem>>, vector<1x16xf32>,
      %get3A_1513 = vector.shape_cast %get3A_1512 : vector<1x16xf32> to vector<16xf32>
      %gt3A_1514 = arith.cmpf ogt, %get3A_1513, %select_n3A_1505 : vector<16xf32>
      %select_n3A_1515 = arith.select %gt3A_1514, %get3A_1513, %select_n3A_1505 : vector<16xi1>, vector<16xf32>
      %select_n3A_1516 = arith.select %gt3A_1514, %broadcast_in_dim3A_1076, %select_n3A_1506 : vector<16xi1>, vector<16xi32>
      %add3A_1517 = arith.constant 32 : i32
      %add3A_1518 = arith.addi %mul3A_1096, %add3A_1517 : i32
      %get3A_1519 = arith.constant 5 : i32
      %get3A_1520 = arith.index_cast %get3A_1519 : i32 to index
      %get3A_1521 = arith.index_cast %add3A_1518 : i32 to index
      %get3A_1522 = tpu.vector_load %arg7[%get3A_1520, %get3A_1521] {strides = array<i32>} : memref<8x3968xf32, #tpu.memory_space<vmem>>, vector<1x16xf32>,
      %get3A_1523 = vector.shape_cast %get3A_1522 : vector<1x16xf32> to vector<16xf32>
      %gt3A_1524 = arith.cmpf ogt, %get3A_1523, %select_n3A_1515 : vector<16xf32>
      %select_n3A_1525 = arith.select %gt3A_1524, %get3A_1523, %select_n3A_1515 : vector<16xi1>, vector<16xf32>
      %select_n3A_1526 = arith.select %gt3A_1524, %broadcast_in_dim3A_1079, %select_n3A_1516 : vector<16xi1>, vector<16xi32>
      %add3A_1527 = arith.constant 48 : i32
      %add3A_1528 = arith.addi %mul3A_1096, %add3A_1527 : i32
      %get3A_1529 = arith.constant 5 : i32
      %get3A_1530 = arith.index_cast %get3A_1529 : i32 to index
      %get3A_1531 = arith.index_cast %add3A_1528 : i32 to index
      %get3A_1532 = tpu.vector_load %arg7[%get3A_1530, %get3A_1531] {strides = array<i32>} : memref<8x3968xf32, #tpu.memory_space<vmem>>, vector<1x16xf32>,
      %get3A_1533 = vector.shape_cast %get3A_1532 : vector<1x16xf32> to vector<16xf32>
      %gt3A_1534 = arith.cmpf ogt, %get3A_1533, %select_n3A_1525 : vector<16xf32>
      %select_n3A_1535 = arith.select %gt3A_1534, %get3A_1533, %select_n3A_1525 : vector<16xi1>, vector<16xf32>
      %select_n3A_1536 = arith.select %gt3A_1534, %broadcast_in_dim3A_1082, %select_n3A_1526 : vector<16xi1>, vector<16xi32>
      %add3A_1537 = arith.constant 64 : i32
      %add3A_1538 = arith.addi %mul3A_1096, %add3A_1537 : i32
      %get3A_1539 = arith.constant 5 : i32
      %get3A_1540 = arith.index_cast %get3A_1539 : i32 to index
      %get3A_1541 = arith.index_cast %add3A_1538 : i32 to index
      %get3A_1542 = tpu.vector_load %arg7[%get3A_1540, %get3A_1541] {strides = array<i32>} : memref<8x3968xf32, #tpu.memory_space<vmem>>, vector<1x16xf32>,
      %get3A_1543 = vector.shape_cast %get3A_1542 : vector<1x16xf32> to vector<16xf32>
      %gt3A_1544 = arith.cmpf ogt, %get3A_1543, %select_n3A_1535 : vector<16xf32>
      %select_n3A_1545 = arith.select %gt3A_1544, %get3A_1543, %select_n3A_1535 : vector<16xi1>, vector<16xf32>
      %select_n3A_1546 = arith.select %gt3A_1544, %broadcast_in_dim3A_1085, %select_n3A_1536 : vector<16xi1>, vector<16xi32>
      %add3A_1547 = arith.constant 80 : i32
      %add3A_1548 = arith.addi %mul3A_1096, %add3A_1547 : i32
      %get3A_1549 = arith.constant 5 : i32
      %get3A_1550 = arith.index_cast %get3A_1549 : i32 to index
      %get3A_1551 = arith.index_cast %add3A_1548 : i32 to index
      %get3A_1552 = tpu.vector_load %arg7[%get3A_1550, %get3A_1551] {strides = array<i32>} : memref<8x3968xf32, #tpu.memory_space<vmem>>, vector<1x16xf32>,
      %get3A_1553 = vector.shape_cast %get3A_1552 : vector<1x16xf32> to vector<16xf32>
      %gt3A_1554 = arith.cmpf ogt, %get3A_1553, %select_n3A_1545 : vector<16xf32>
      %select_n3A_1555 = arith.select %gt3A_1554, %get3A_1553, %select_n3A_1545 : vector<16xi1>, vector<16xf32>
      %select_n3A_1556 = arith.select %gt3A_1554, %broadcast_in_dim3A_1088, %select_n3A_1546 : vector<16xi1>, vector<16xi32>
      %add3A_1557 = arith.constant 96 : i32
      %add3A_1558 = arith.addi %mul3A_1096, %add3A_1557 : i32
      %get3A_1559 = arith.constant 5 : i32
      %get3A_1560 = arith.index_cast %get3A_1559 : i32 to index
      %get3A_1561 = arith.index_cast %add3A_1558 : i32 to index
      %get3A_1562 = tpu.vector_load %arg7[%get3A_1560, %get3A_1561] {strides = array<i32>} : memref<8x3968xf32, #tpu.memory_space<vmem>>, vector<1x16xf32>,
      %get3A_1563 = vector.shape_cast %get3A_1562 : vector<1x16xf32> to vector<16xf32>
      %gt3A_1564 = arith.cmpf ogt, %get3A_1563, %select_n3A_1555 : vector<16xf32>
      %select_n3A_1565 = arith.select %gt3A_1564, %get3A_1563, %select_n3A_1555 : vector<16xi1>, vector<16xf32>
      %select_n3A_1566 = arith.select %gt3A_1564, %broadcast_in_dim3A_1091, %select_n3A_1556 : vector<16xi1>, vector<16xi32>
      %add3A_1567 = arith.constant 112 : i32
      %add3A_1568 = arith.addi %mul3A_1096, %add3A_1567 : i32
      %get3A_1569 = arith.constant 5 : i32
      %get3A_1570 = arith.index_cast %get3A_1569 : i32 to index
      %get3A_1571 = arith.index_cast %add3A_1568 : i32 to index
      %get3A_1572 = tpu.vector_load %arg7[%get3A_1570, %get3A_1571] {strides = array<i32>} : memref<8x3968xf32, #tpu.memory_space<vmem>>, vector<1x16xf32>,
      %get3A_1573 = vector.shape_cast %get3A_1572 : vector<1x16xf32> to vector<16xf32>
      %gt3A_1574 = arith.cmpf ogt, %get3A_1573, %select_n3A_1565 : vector<16xf32>
      %select_n3A_1575 = arith.select %gt3A_1574, %get3A_1573, %select_n3A_1565 : vector<16xi1>, vector<16xf32>
      %select_n3A_1576 = arith.select %gt3A_1574, %broadcast_in_dim3A_1094, %select_n3A_1566 : vector<16xi1>, vector<16xi32>
      %add3A_1577 = arith.constant 0 : i32
      %add3A_1578 = arith.addi %mul3A_1096, %add3A_1577 : i32
      %get3A_1579 = arith.constant 6 : i32
      %get3A_1580 = arith.index_cast %get3A_1579 : i32 to index
      %get3A_1581 = arith.index_cast %add3A_1578 : i32 to index
      %get3A_1582 = tpu.vector_load %arg7[%get3A_1580, %get3A_1581] {strides = array<i32>} : memref<8x3968xf32, #tpu.memory_space<vmem>>, vector<1x16xf32>,
      %get3A_1583 = vector.shape_cast %get3A_1582 : vector<1x16xf32> to vector<16xf32>
      %gt3A_1584 = arith.cmpf ogt, %get3A_1583, %scan3A_1057 : vector<16xf32>
      %select_n3A_1585 = arith.select %gt3A_1584, %get3A_1583, %scan3A_1057 : vector<16xi1>, vector<16xf32>
      %select_n3A_1586 = arith.select %gt3A_1584, %broadcast_in_dim3A_1073, %scan3A_1065 : vector<16xi1>, vector<16xi32>
      %add3A_1587 = arith.constant 16 : i32
      %add3A_1588 = arith.addi %mul3A_1096, %add3A_1587 : i32
      %get3A_1589 = arith.constant 6 : i32
      %get3A_1590 = arith.index_cast %get3A_1589 : i32 to index
      %get3A_1591 = arith.index_cast %add3A_1588 : i32 to index
      %get3A_1592 = tpu.vector_load %arg7[%get3A_1590, %get3A_1591] {strides = array<i32>} : memref<8x3968xf32, #tpu.memory_space<vmem>>, vector<1x16xf32>,
      %get3A_1593 = vector.shape_cast %get3A_1592 : vector<1x16xf32> to vector<16xf32>
      %gt3A_1594 = arith.cmpf ogt, %get3A_1593, %select_n3A_1585 : vector<16xf32>
      %select_n3A_1595 = arith.select %gt3A_1594, %get3A_1593, %select_n3A_1585 : vector<16xi1>, vector<16xf32>
      %select_n3A_1596 = arith.select %gt3A_1594, %broadcast_in_dim3A_1076, %select_n3A_1586 : vector<16xi1>, vector<16xi32>
      %add3A_1597 = arith.constant 32 : i32
      %add3A_1598 = arith.addi %mul3A_1096, %add3A_1597 : i32
      %get3A_1599 = arith.constant 6 : i32
      %get3A_1600 = arith.index_cast %get3A_1599 : i32 to index
      %get3A_1601 = arith.index_cast %add3A_1598 : i32 to index
      %get3A_1602 = tpu.vector_load %arg7[%get3A_1600, %get3A_1601] {strides = array<i32>} : memref<8x3968xf32, #tpu.memory_space<vmem>>, vector<1x16xf32>,
      %get3A_1603 = vector.shape_cast %get3A_1602 : vector<1x16xf32> to vector<16xf32>
      %gt3A_1604 = arith.cmpf ogt, %get3A_1603, %select_n3A_1595 : vector<16xf32>
      %select_n3A_1605 = arith.select %gt3A_1604, %get3A_1603, %select_n3A_1595 : vector<16xi1>, vector<16xf32>
      %select_n3A_1606 = arith.select %gt3A_1604, %broadcast_in_dim3A_1079, %select_n3A_1596 : vector<16xi1>, vector<16xi32>
      %add3A_1607 = arith.constant 48 : i32
      %add3A_1608 = arith.addi %mul3A_1096, %add3A_1607 : i32
      %get3A_1609 = arith.constant 6 : i32
      %get3A_1610 = arith.index_cast %get3A_1609 : i32 to index
      %get3A_1611 = arith.index_cast %add3A_1608 : i32 to index
      %get3A_1612 = tpu.vector_load %arg7[%get3A_1610, %get3A_1611] {strides = array<i32>} : memref<8x3968xf32, #tpu.memory_space<vmem>>, vector<1x16xf32>,
      %get3A_1613 = vector.shape_cast %get3A_1612 : vector<1x16xf32> to vector<16xf32>
      %gt3A_1614 = arith.cmpf ogt, %get3A_1613, %select_n3A_1605 : vector<16xf32>
      %select_n3A_1615 = arith.select %gt3A_1614, %get3A_1613, %select_n3A_1605 : vector<16xi1>, vector<16xf32>
      %select_n3A_1616 = arith.select %gt3A_1614, %broadcast_in_dim3A_1082, %select_n3A_1606 : vector<16xi1>, vector<16xi32>
      %add3A_1617 = arith.constant 64 : i32
      %add3A_1618 = arith.addi %mul3A_1096, %add3A_1617 : i32
      %get3A_1619 = arith.constant 6 : i32
      %get3A_1620 = arith.index_cast %get3A_1619 : i32 to index
      %get3A_1621 = arith.index_cast %add3A_1618 : i32 to index
      %get3A_1622 = tpu.vector_load %arg7[%get3A_1620, %get3A_1621] {strides = array<i32>} : memref<8x3968xf32, #tpu.memory_space<vmem>>, vector<1x16xf32>,
      %get3A_1623 = vector.shape_cast %get3A_1622 : vector<1x16xf32> to vector<16xf32>
      %gt3A_1624 = arith.cmpf ogt, %get3A_1623, %select_n3A_1615 : vector<16xf32>
      %select_n3A_1625 = arith.select %gt3A_1624, %get3A_1623, %select_n3A_1615 : vector<16xi1>, vector<16xf32>
      %select_n3A_1626 = arith.select %gt3A_1624, %broadcast_in_dim3A_1085, %select_n3A_1616 : vector<16xi1>, vector<16xi32>
      %add3A_1627 = arith.constant 80 : i32
      %add3A_1628 = arith.addi %mul3A_1096, %add3A_1627 : i32
      %get3A_1629 = arith.constant 6 : i32
      %get3A_1630 = arith.index_cast %get3A_1629 : i32 to index
      %get3A_1631 = arith.index_cast %add3A_1628 : i32 to index
      %get3A_1632 = tpu.vector_load %arg7[%get3A_1630, %get3A_1631] {strides = array<i32>} : memref<8x3968xf32, #tpu.memory_space<vmem>>, vector<1x16xf32>,
      %get3A_1633 = vector.shape_cast %get3A_1632 : vector<1x16xf32> to vector<16xf32>
      %gt3A_1634 = arith.cmpf ogt, %get3A_1633, %select_n3A_1625 : vector<16xf32>
      %select_n3A_1635 = arith.select %gt3A_1634, %get3A_1633, %select_n3A_1625 : vector<16xi1>, vector<16xf32>
      %select_n3A_1636 = arith.select %gt3A_1634, %broadcast_in_dim3A_1088, %select_n3A_1626 : vector<16xi1>, vector<16xi32>
      %add3A_1637 = arith.constant 96 : i32
      %add3A_1638 = arith.addi %mul3A_1096, %add3A_1637 : i32
      %get3A_1639 = arith.constant 6 : i32
      %get3A_1640 = arith.index_cast %get3A_1639 : i32 to index
      %get3A_1641 = arith.index_cast %add3A_1638 : i32 to index
      %get3A_1642 = tpu.vector_load %arg7[%get3A_1640, %get3A_1641] {strides = array<i32>} : memref<8x3968xf32, #tpu.memory_space<vmem>>, vector<1x16xf32>,
      %get3A_1643 = vector.shape_cast %get3A_1642 : vector<1x16xf32> to vector<16xf32>
      %gt3A_1644 = arith.cmpf ogt, %get3A_1643, %select_n3A_1635 : vector<16xf32>
      %select_n3A_1645 = arith.select %gt3A_1644, %get3A_1643, %select_n3A_1635 : vector<16xi1>, vector<16xf32>
      %select_n3A_1646 = arith.select %gt3A_1644, %broadcast_in_dim3A_1091, %select_n3A_1636 : vector<16xi1>, vector<16xi32>
      %add3A_1647 = arith.constant 112 : i32
      %add3A_1648 = arith.addi %mul3A_1096, %add3A_1647 : i32
      %get3A_1649 = arith.constant 6 : i32
      %get3A_1650 = arith.index_cast %get3A_1649 : i32 to index
      %get3A_1651 = arith.index_cast %add3A_1648 : i32 to index
      %get3A_1652 = tpu.vector_load %arg7[%get3A_1650, %get3A_1651] {strides = array<i32>} : memref<8x3968xf32, #tpu.memory_space<vmem>>, vector<1x16xf32>,
      %get3A_1653 = vector.shape_cast %get3A_1652 : vector<1x16xf32> to vector<16xf32>
      %gt3A_1654 = arith.cmpf ogt, %get3A_1653, %select_n3A_1645 : vector<16xf32>
      %select_n3A_1655 = arith.select %gt3A_1654, %get3A_1653, %select_n3A_1645 : vector<16xi1>, vector<16xf32>
      %select_n3A_1656 = arith.select %gt3A_1654, %broadcast_in_dim3A_1094, %select_n3A_1646 : vector<16xi1>, vector<16xi32>
      %add3A_1657 = arith.constant 0 : i32
      %add3A_1658 = arith.addi %mul3A_1096, %add3A_1657 : i32
      %get3A_1659 = arith.constant 7 : i32
      %get3A_1660 = arith.index_cast %get3A_1659 : i32 to index
      %get3A_1661 = arith.index_cast %add3A_1658 : i32 to index
      %get3A_1662 = tpu.vector_load %arg7[%get3A_1660, %get3A_1661] {strides = array<i32>} : memref<8x3968xf32, #tpu.memory_space<vmem>>, vector<1x16xf32>,
      %get3A_1663 = vector.shape_cast %get3A_1662 : vector<1x16xf32> to vector<16xf32>
      %gt3A_1664 = arith.cmpf ogt, %get3A_1663, %scan3A_1058 : vector<16xf32>
      %select_n3A_1665 = arith.select %gt3A_1664, %get3A_1663, %scan3A_1058 : vector<16xi1>, vector<16xf32>
      %select_n3A_1666 = arith.select %gt3A_1664, %broadcast_in_dim3A_1073, %scan3A_1066 : vector<16xi1>, vector<16xi32>
      %add3A_1667 = arith.constant 16 : i32
      %add3A_1668 = arith.addi %mul3A_1096, %add3A_1667 : i32
      %get3A_1669 = arith.constant 7 : i32
      %get3A_1670 = arith.index_cast %get3A_1669 : i32 to index
      %get3A_1671 = arith.index_cast %add3A_1668 : i32 to index
      %get3A_1672 = tpu.vector_load %arg7[%get3A_1670, %get3A_1671] {strides = array<i32>} : memref<8x3968xf32, #tpu.memory_space<vmem>>, vector<1x16xf32>,
      %get3A_1673 = vector.shape_cast %get3A_1672 : vector<1x16xf32> to vector<16xf32>
      %gt3A_1674 = arith.cmpf ogt, %get3A_1673, %select_n3A_1665 : vector<16xf32>
      %select_n3A_1675 = arith.select %gt3A_1674, %get3A_1673, %select_n3A_1665 : vector<16xi1>, vector<16xf32>
      %select_n3A_1676 = arith.select %gt3A_1674, %broadcast_in_dim3A_1076, %select_n3A_1666 : vector<16xi1>, vector<16xi32>
      %add3A_1677 = arith.constant 32 : i32
      %add3A_1678 = arith.addi %mul3A_1096, %add3A_1677 : i32
      %get3A_1679 = arith.constant 7 : i32
      %get3A_1680 = arith.index_cast %get3A_1679 : i32 to index
      %get3A_1681 = arith.index_cast %add3A_1678 : i32 to index
      %get3A_1682 = tpu.vector_load %arg7[%get3A_1680, %get3A_1681] {strides = array<i32>} : memref<8x3968xf32, #tpu.memory_space<vmem>>, vector<1x16xf32>,
      %get3A_1683 = vector.shape_cast %get3A_1682 : vector<1x16xf32> to vector<16xf32>
      %gt3A_1684 = arith.cmpf ogt, %get3A_1683, %select_n3A_1675 : vector<16xf32>
      %select_n3A_1685 = arith.select %gt3A_1684, %get3A_1683, %select_n3A_1675 : vector<16xi1>, vector<16xf32>
      %select_n3A_1686 = arith.select %gt3A_1684, %broadcast_in_dim3A_1079, %select_n3A_1676 : vector<16xi1>, vector<16xi32>
      %add3A_1687 = arith.constant 48 : i32
      %add3A_1688 = arith.addi %mul3A_1096, %add3A_1687 : i32
      %get3A_1689 = arith.constant 7 : i32
      %get3A_1690 = arith.index_cast %get3A_1689 : i32 to index
      %get3A_1691 = arith.index_cast %add3A_1688 : i32 to index
      %get3A_1692 = tpu.vector_load %arg7[%get3A_1690, %get3A_1691] {strides = array<i32>} : memref<8x3968xf32, #tpu.memory_space<vmem>>, vector<1x16xf32>,
      %get3A_1693 = vector.shape_cast %get3A_1692 : vector<1x16xf32> to vector<16xf32>
      %gt3A_1694 = arith.cmpf ogt, %get3A_1693, %select_n3A_1685 : vector<16xf32>
      %select_n3A_1695 = arith.select %gt3A_1694, %get3A_1693, %select_n3A_1685 : vector<16xi1>, vector<16xf32>
      %select_n3A_1696 = arith.select %gt3A_1694, %broadcast_in_dim3A_1082, %select_n3A_1686 : vector<16xi1>, vector<16xi32>
      %add3A_1697 = arith.constant 64 : i32
      %add3A_1698 = arith.addi %mul3A_1096, %add3A_1697 : i32
      %get3A_1699 = arith.constant 7 : i32
      %get3A_1700 = arith.index_cast %get3A_1699 : i32 to index
      %get3A_1701 = arith.index_cast %add3A_1698 : i32 to index
      %get3A_1702 = tpu.vector_load %arg7[%get3A_1700, %get3A_1701] {strides = array<i32>} : memref<8x3968xf32, #tpu.memory_space<vmem>>, vector<1x16xf32>,
      %get3A_1703 = vector.shape_cast %get3A_1702 : vector<1x16xf32> to vector<16xf32>
      %gt3A_1704 = arith.cmpf ogt, %get3A_1703, %select_n3A_1695 : vector<16xf32>
      %select_n3A_1705 = arith.select %gt3A_1704, %get3A_1703, %select_n3A_1695 : vector<16xi1>, vector<16xf32>
      %select_n3A_1706 = arith.select %gt3A_1704, %broadcast_in_dim3A_1085, %select_n3A_1696 : vector<16xi1>, vector<16xi32>
      %add3A_1707 = arith.constant 80 : i32
      %add3A_1708 = arith.addi %mul3A_1096, %add3A_1707 : i32
      %get3A_1709 = arith.constant 7 : i32
      %get3A_1710 = arith.index_cast %get3A_1709 : i32 to index
      %get3A_1711 = arith.index_cast %add3A_1708 : i32 to index
      %get3A_1712 = tpu.vector_load %arg7[%get3A_1710, %get3A_1711] {strides = array<i32>} : memref<8x3968xf32, #tpu.memory_space<vmem>>, vector<1x16xf32>,
      %get3A_1713 = vector.shape_cast %get3A_1712 : vector<1x16xf32> to vector<16xf32>
      %gt3A_1714 = arith.cmpf ogt, %get3A_1713, %select_n3A_1705 : vector<16xf32>
      %select_n3A_1715 = arith.select %gt3A_1714, %get3A_1713, %select_n3A_1705 : vector<16xi1>, vector<16xf32>
      %select_n3A_1716 = arith.select %gt3A_1714, %broadcast_in_dim3A_1088, %select_n3A_1706 : vector<16xi1>, vector<16xi32>
      %add3A_1717 = arith.constant 96 : i32
      %add3A_1718 = arith.addi %mul3A_1096, %add3A_1717 : i32
      %get3A_1719 = arith.constant 7 : i32
      %get3A_1720 = arith.index_cast %get3A_1719 : i32 to index
      %get3A_1721 = arith.index_cast %add3A_1718 : i32 to index
      %get3A_1722 = tpu.vector_load %arg7[%get3A_1720, %get3A_1721] {strides = array<i32>} : memref<8x3968xf32, #tpu.memory_space<vmem>>, vector<1x16xf32>,
      %get3A_1723 = vector.shape_cast %get3A_1722 : vector<1x16xf32> to vector<16xf32>
      %gt3A_1724 = arith.cmpf ogt, %get3A_1723, %select_n3A_1715 : vector<16xf32>
      %select_n3A_1725 = arith.select %gt3A_1724, %get3A_1723, %select_n3A_1715 : vector<16xi1>, vector<16xf32>
      %select_n3A_1726 = arith.select %gt3A_1724, %broadcast_in_dim3A_1091, %select_n3A_1716 : vector<16xi1>, vector<16xi32>
      %add3A_1727 = arith.constant 112 : i32
      %add3A_1728 = arith.addi %mul3A_1096, %add3A_1727 : i32
      %get3A_1729 = arith.constant 7 : i32
      %get3A_1730 = arith.index_cast %get3A_1729 : i32 to index
      %get3A_1731 = arith.index_cast %add3A_1728 : i32 to index
      %get3A_1732 = tpu.vector_load %arg7[%get3A_1730, %get3A_1731] {strides = array<i32>} : memref<8x3968xf32, #tpu.memory_space<vmem>>, vector<1x16xf32>,
      %get3A_1733 = vector.shape_cast %get3A_1732 : vector<1x16xf32> to vector<16xf32>
      %gt3A_1734 = arith.cmpf ogt, %get3A_1733, %select_n3A_1725 : vector<16xf32>
      %select_n3A_1735 = arith.select %gt3A_1734, %get3A_1733, %select_n3A_1725 : vector<16xi1>, vector<16xf32>
      %select_n3A_1736 = arith.select %gt3A_1734, %broadcast_in_dim3A_1094, %select_n3A_1726 : vector<16xi1>, vector<16xi32>
      scf.yield %select_n3A_1175, %select_n3A_1255, %select_n3A_1335, %select_n3A_1415, %select_n3A_1495, %select_n3A_1575, %select_n3A_1655, %select_n3A_1735, %select_n3A_1176, %select_n3A_1256, %select_n3A_1336, %select_n3A_1416, %select_n3A_1496, %select_n3A_1576, %select_n3A_1656, %select_n3A_1736 : vector<16xf32>, vector<16xf32>, vector<16xf32>, vector<16xf32>, vector<16xf32>, vector<16xf32>, vector<16xf32>, vector<16xf32>, vector<16xi32>, vector<16xi32>, vector<16xi32>, vector<16xi32>, vector<16xi32>, vector<16xi32>, vector<16xi32>, vector<16xi32>
    }
    %scan3A_95 = arith.constant 31 : i32
    %eq3A_96 = arith.constant 3 : i32
    %eq3A_97 = arith.cmpi eq, %select_n3A_30, %eq3A_96 : i32
    %jit3A_98 = arith.constant 0.000000e+00 : f32
    %jit3A_99 = arith.constant 0xFF800000 : f32
    %select_n3A_100 = arith.select %eq3A_97, %jit3A_98, %jit3A_99 : f32
    %broadcast_in_dim3A_101 = vector.broadcast %select_n3A_100 : f32 to vector<16xf32>
    %get3A = arith.constant 0 : i32
    %get3A_102 = arith.index_cast %get3A : i32 to index
    %get3A_103 = arith.constant 0 : index
    %get3A_104 = tpu.vector_load %arg9[%get3A_102, %get3A_103] {strides = array<i32>} : memref<8x64xf32, #tpu.memory_space<vmem>>, vector<1x16xf32>,
    %get3A_105 = vector.shape_cast %get3A_104 : vector<1x16xf32> to vector<16xf32>
    %add3A_106 = arith.addf %get3A_105, %broadcast_in_dim3A_101 : vector<16xf32>
    %broadcast_in_dim3A_107 = arith.constant 6200 : i32
    %broadcast_in_dim3A_108 = vector.broadcast %broadcast_in_dim3A_107 : i32 to vector<16xi32>
    %gt3A = arith.cmpf ogt, %add3A_106, %scan3A_94#0 : vector<16xf32>
    %select_n3A_109 = arith.select %gt3A, %add3A_106, %scan3A_94#0 : vector<16xi1>, vector<16xf32>
    %select_n3A_110 = arith.select %gt3A, %broadcast_in_dim3A_108, %scan3A_94#8 : vector<16xi1>, vector<16xi32>
    %get3A_111 = arith.constant 0 : i32
    %get3A_112 = arith.index_cast %get3A_111 : i32 to index
    %get3A_113 = arith.constant 16 : index
    %get3A_114 = tpu.vector_load %arg9[%get3A_112, %get3A_113] {strides = array<i32>} : memref<8x64xf32, #tpu.memory_space<vmem>>, vector<1x16xf32>,
    %get3A_115 = vector.shape_cast %get3A_114 : vector<1x16xf32> to vector<16xf32>
    %add3A_116 = arith.addf %get3A_115, %broadcast_in_dim3A_101 : vector<16xf32>
    %broadcast_in_dim3A_117 = arith.constant 6201 : i32
    %broadcast_in_dim3A_118 = vector.broadcast %broadcast_in_dim3A_117 : i32 to vector<16xi32>
    %gt3A_119 = arith.cmpf ogt, %add3A_116, %select_n3A_109 : vector<16xf32>
    %select_n3A_120 = arith.select %gt3A_119, %add3A_116, %select_n3A_109 : vector<16xi1>, vector<16xf32>
    %select_n3A_121 = arith.select %gt3A_119, %broadcast_in_dim3A_118, %select_n3A_110 : vector<16xi1>, vector<16xi32>
    %get3A_122 = arith.constant 0 : i32
    %get3A_123 = arith.index_cast %get3A_122 : i32 to index
    %get3A_124 = arith.constant 32 : index
    %get3A_125 = tpu.vector_load %arg9[%get3A_123, %get3A_124] {strides = array<i32>} : memref<8x64xf32, #tpu.memory_space<vmem>>, vector<1x16xf32>,
    %get3A_126 = vector.shape_cast %get3A_125 : vector<1x16xf32> to vector<16xf32>
    %add3A_127 = arith.addf %get3A_126, %broadcast_in_dim3A_101 : vector<16xf32>
    %broadcast_in_dim3A_128 = arith.constant 6202 : i32
    %broadcast_in_dim3A_129 = vector.broadcast %broadcast_in_dim3A_128 : i32 to vector<16xi32>
    %gt3A_130 = arith.cmpf ogt, %add3A_127, %select_n3A_120 : vector<16xf32>
    %select_n3A_131 = arith.select %gt3A_130, %add3A_127, %select_n3A_120 : vector<16xi1>, vector<16xf32>
    %select_n3A_132 = arith.select %gt3A_130, %broadcast_in_dim3A_129, %select_n3A_121 : vector<16xi1>, vector<16xi32>
    %get3A_133 = arith.constant 0 : i32
    %get3A_134 = arith.index_cast %get3A_133 : i32 to index
    %get3A_135 = arith.constant 48 : index
    %get3A_136 = tpu.vector_load %arg9[%get3A_134, %get3A_135] {strides = array<i32>} : memref<8x64xf32, #tpu.memory_space<vmem>>, vector<1x16xf32>,
    %get3A_137 = vector.shape_cast %get3A_136 : vector<1x16xf32> to vector<16xf32>
    %add3A_138 = arith.addf %get3A_137, %broadcast_in_dim3A_101 : vector<16xf32>
    %broadcast_in_dim3A_139 = arith.constant 6203 : i32
    %broadcast_in_dim3A_140 = vector.broadcast %broadcast_in_dim3A_139 : i32 to vector<16xi32>
    %gt3A_141 = arith.cmpf ogt, %add3A_138, %select_n3A_131 : vector<16xf32>
    %select_n3A_142 = arith.select %gt3A_141, %add3A_138, %select_n3A_131 : vector<16xi1>, vector<16xf32>
    %select_n3A_143 = arith.select %gt3A_141, %broadcast_in_dim3A_140, %select_n3A_132 : vector<16xi1>, vector<16xi32>
    %get3A_144 = arith.constant 1 : i32
    %get3A_145 = arith.index_cast %get3A_144 : i32 to index
    %get3A_146 = arith.constant 0 : index
    %get3A_147 = tpu.vector_load %arg9[%get3A_145, %get3A_146] {strides = array<i32>} : memref<8x64xf32, #tpu.memory_space<vmem>>, vector<1x16xf32>,
    %get3A_148 = vector.shape_cast %get3A_147 : vector<1x16xf32> to vector<16xf32>
    %add3A_149 = arith.addf %get3A_148, %broadcast_in_dim3A_101 : vector<16xf32>
    %broadcast_in_dim3A_150 = arith.constant 6200 : i32
    %broadcast_in_dim3A_151 = vector.broadcast %broadcast_in_dim3A_150 : i32 to vector<16xi32>
    %gt3A_152 = arith.cmpf ogt, %add3A_149, %scan3A_94#1 : vector<16xf32>
    %select_n3A_153 = arith.select %gt3A_152, %add3A_149, %scan3A_94#1 : vector<16xi1>, vector<16xf32>
    %select_n3A_154 = arith.select %gt3A_152, %broadcast_in_dim3A_151, %scan3A_94#9 : vector<16xi1>, vector<16xi32>
    %get3A_155 = arith.constant 1 : i32
    %get3A_156 = arith.index_cast %get3A_155 : i32 to index
    %get3A_157 = arith.constant 16 : index
    %get3A_158 = tpu.vector_load %arg9[%get3A_156, %get3A_157] {strides = array<i32>} : memref<8x64xf32, #tpu.memory_space<vmem>>, vector<1x16xf32>,
    %get3A_159 = vector.shape_cast %get3A_158 : vector<1x16xf32> to vector<16xf32>
    %add3A_160 = arith.addf %get3A_159, %broadcast_in_dim3A_101 : vector<16xf32>
    %broadcast_in_dim3A_161 = arith.constant 6201 : i32
    %broadcast_in_dim3A_162 = vector.broadcast %broadcast_in_dim3A_161 : i32 to vector<16xi32>
    %gt3A_163 = arith.cmpf ogt, %add3A_160, %select_n3A_153 : vector<16xf32>
    %select_n3A_164 = arith.select %gt3A_163, %add3A_160, %select_n3A_153 : vector<16xi1>, vector<16xf32>
    %select_n3A_165 = arith.select %gt3A_163, %broadcast_in_dim3A_162, %select_n3A_154 : vector<16xi1>, vector<16xi32>
    %get3A_166 = arith.constant 1 : i32
    %get3A_167 = arith.index_cast %get3A_166 : i32 to index
    %get3A_168 = arith.constant 32 : index
    %get3A_169 = tpu.vector_load %arg9[%get3A_167, %get3A_168] {strides = array<i32>} : memref<8x64xf32, #tpu.memory_space<vmem>>, vector<1x16xf32>,
    %get3A_170 = vector.shape_cast %get3A_169 : vector<1x16xf32> to vector<16xf32>
    %add3A_171 = arith.addf %get3A_170, %broadcast_in_dim3A_101 : vector<16xf32>
    %broadcast_in_dim3A_172 = arith.constant 6202 : i32
    %broadcast_in_dim3A_173 = vector.broadcast %broadcast_in_dim3A_172 : i32 to vector<16xi32>
    %gt3A_174 = arith.cmpf ogt, %add3A_171, %select_n3A_164 : vector<16xf32>
    %select_n3A_175 = arith.select %gt3A_174, %add3A_171, %select_n3A_164 : vector<16xi1>, vector<16xf32>
    %select_n3A_176 = arith.select %gt3A_174, %broadcast_in_dim3A_173, %select_n3A_165 : vector<16xi1>, vector<16xi32>
    %get3A_177 = arith.constant 1 : i32
    %get3A_178 = arith.index_cast %get3A_177 : i32 to index
    %get3A_179 = arith.constant 48 : index
    %get3A_180 = tpu.vector_load %arg9[%get3A_178, %get3A_179] {strides = array<i32>} : memref<8x64xf32, #tpu.memory_space<vmem>>, vector<1x16xf32>,
    %get3A_181 = vector.shape_cast %get3A_180 : vector<1x16xf32> to vector<16xf32>
    %add3A_182 = arith.addf %get3A_181, %broadcast_in_dim3A_101 : vector<16xf32>
    %broadcast_in_dim3A_183 = arith.constant 6203 : i32
    %broadcast_in_dim3A_184 = vector.broadcast %broadcast_in_dim3A_183 : i32 to vector<16xi32>
    %gt3A_185 = arith.cmpf ogt, %add3A_182, %select_n3A_175 : vector<16xf32>
    %select_n3A_186 = arith.select %gt3A_185, %add3A_182, %select_n3A_175 : vector<16xi1>, vector<16xf32>
    %select_n3A_187 = arith.select %gt3A_185, %broadcast_in_dim3A_184, %select_n3A_176 : vector<16xi1>, vector<16xi32>
    %get3A_188 = arith.constant 2 : i32
    %get3A_189 = arith.index_cast %get3A_188 : i32 to index
    %get3A_190 = arith.constant 0 : index
    %get3A_191 = tpu.vector_load %arg9[%get3A_189, %get3A_190] {strides = array<i32>} : memref<8x64xf32, #tpu.memory_space<vmem>>, vector<1x16xf32>,
    %get3A_192 = vector.shape_cast %get3A_191 : vector<1x16xf32> to vector<16xf32>
    %add3A_193 = arith.addf %get3A_192, %broadcast_in_dim3A_101 : vector<16xf32>
    %broadcast_in_dim3A_194 = arith.constant 6200 : i32
    %broadcast_in_dim3A_195 = vector.broadcast %broadcast_in_dim3A_194 : i32 to vector<16xi32>
    %gt3A_196 = arith.cmpf ogt, %add3A_193, %scan3A_94#2 : vector<16xf32>
    %select_n3A_197 = arith.select %gt3A_196, %add3A_193, %scan3A_94#2 : vector<16xi1>, vector<16xf32>
    %select_n3A_198 = arith.select %gt3A_196, %broadcast_in_dim3A_195, %scan3A_94#10 : vector<16xi1>, vector<16xi32>
    %get3A_199 = arith.constant 2 : i32
    %get3A_200 = arith.index_cast %get3A_199 : i32 to index
    %get3A_201 = arith.constant 16 : index
    %get3A_202 = tpu.vector_load %arg9[%get3A_200, %get3A_201] {strides = array<i32>} : memref<8x64xf32, #tpu.memory_space<vmem>>, vector<1x16xf32>,
    %get3A_203 = vector.shape_cast %get3A_202 : vector<1x16xf32> to vector<16xf32>
    %add3A_204 = arith.addf %get3A_203, %broadcast_in_dim3A_101 : vector<16xf32>
    %broadcast_in_dim3A_205 = arith.constant 6201 : i32
    %broadcast_in_dim3A_206 = vector.broadcast %broadcast_in_dim3A_205 : i32 to vector<16xi32>
    %gt3A_207 = arith.cmpf ogt, %add3A_204, %select_n3A_197 : vector<16xf32>
    %select_n3A_208 = arith.select %gt3A_207, %add3A_204, %select_n3A_197 : vector<16xi1>, vector<16xf32>
    %select_n3A_209 = arith.select %gt3A_207, %broadcast_in_dim3A_206, %select_n3A_198 : vector<16xi1>, vector<16xi32>
    %get3A_210 = arith.constant 2 : i32
    %get3A_211 = arith.index_cast %get3A_210 : i32 to index
    %get3A_212 = arith.constant 32 : index
    %get3A_213 = tpu.vector_load %arg9[%get3A_211, %get3A_212] {strides = array<i32>} : memref<8x64xf32, #tpu.memory_space<vmem>>, vector<1x16xf32>,
    %get3A_214 = vector.shape_cast %get3A_213 : vector<1x16xf32> to vector<16xf32>
    %add3A_215 = arith.addf %get3A_214, %broadcast_in_dim3A_101 : vector<16xf32>
    %broadcast_in_dim3A_216 = arith.constant 6202 : i32
    %broadcast_in_dim3A_217 = vector.broadcast %broadcast_in_dim3A_216 : i32 to vector<16xi32>
    %gt3A_218 = arith.cmpf ogt, %add3A_215, %select_n3A_208 : vector<16xf32>
    %select_n3A_219 = arith.select %gt3A_218, %add3A_215, %select_n3A_208 : vector<16xi1>, vector<16xf32>
    %select_n3A_220 = arith.select %gt3A_218, %broadcast_in_dim3A_217, %select_n3A_209 : vector<16xi1>, vector<16xi32>
    %get3A_221 = arith.constant 2 : i32
    %get3A_222 = arith.index_cast %get3A_221 : i32 to index
    %get3A_223 = arith.constant 48 : index
    %get3A_224 = tpu.vector_load %arg9[%get3A_222, %get3A_223] {strides = array<i32>} : memref<8x64xf32, #tpu.memory_space<vmem>>, vector<1x16xf32>,
    %get3A_225 = vector.shape_cast %get3A_224 : vector<1x16xf32> to vector<16xf32>
    %add3A_226 = arith.addf %get3A_225, %broadcast_in_dim3A_101 : vector<16xf32>
    %broadcast_in_dim3A_227 = arith.constant 6203 : i32
    %broadcast_in_dim3A_228 = vector.broadcast %broadcast_in_dim3A_227 : i32 to vector<16xi32>
    %gt3A_229 = arith.cmpf ogt, %add3A_226, %select_n3A_219 : vector<16xf32>
    %select_n3A_230 = arith.select %gt3A_229, %add3A_226, %select_n3A_219 : vector<16xi1>, vector<16xf32>
    %select_n3A_231 = arith.select %gt3A_229, %broadcast_in_dim3A_228, %select_n3A_220 : vector<16xi1>, vector<16xi32>
    %get3A_232 = arith.constant 3 : i32
    %get3A_233 = arith.index_cast %get3A_232 : i32 to index
    %get3A_234 = arith.constant 0 : index
    %get3A_235 = tpu.vector_load %arg9[%get3A_233, %get3A_234] {strides = array<i32>} : memref<8x64xf32, #tpu.memory_space<vmem>>, vector<1x16xf32>,
    %get3A_236 = vector.shape_cast %get3A_235 : vector<1x16xf32> to vector<16xf32>
    %add3A_237 = arith.addf %get3A_236, %broadcast_in_dim3A_101 : vector<16xf32>
    %broadcast_in_dim3A_238 = arith.constant 6200 : i32
    %broadcast_in_dim3A_239 = vector.broadcast %broadcast_in_dim3A_238 : i32 to vector<16xi32>
    %gt3A_240 = arith.cmpf ogt, %add3A_237, %scan3A_94#3 : vector<16xf32>
    %select_n3A_241 = arith.select %gt3A_240, %add3A_237, %scan3A_94#3 : vector<16xi1>, vector<16xf32>
    %select_n3A_242 = arith.select %gt3A_240, %broadcast_in_dim3A_239, %scan3A_94#11 : vector<16xi1>, vector<16xi32>
    %get3A_243 = arith.constant 3 : i32
    %get3A_244 = arith.index_cast %get3A_243 : i32 to index
    %get3A_245 = arith.constant 16 : index
    %get3A_246 = tpu.vector_load %arg9[%get3A_244, %get3A_245] {strides = array<i32>} : memref<8x64xf32, #tpu.memory_space<vmem>>, vector<1x16xf32>,
    %get3A_247 = vector.shape_cast %get3A_246 : vector<1x16xf32> to vector<16xf32>
    %add3A_248 = arith.addf %get3A_247, %broadcast_in_dim3A_101 : vector<16xf32>
    %broadcast_in_dim3A_249 = arith.constant 6201 : i32
    %broadcast_in_dim3A_250 = vector.broadcast %broadcast_in_dim3A_249 : i32 to vector<16xi32>
    %gt3A_251 = arith.cmpf ogt, %add3A_248, %select_n3A_241 : vector<16xf32>
    %select_n3A_252 = arith.select %gt3A_251, %add3A_248, %select_n3A_241 : vector<16xi1>, vector<16xf32>
    %select_n3A_253 = arith.select %gt3A_251, %broadcast_in_dim3A_250, %select_n3A_242 : vector<16xi1>, vector<16xi32>
    %get3A_254 = arith.constant 3 : i32
    %get3A_255 = arith.index_cast %get3A_254 : i32 to index
    %get3A_256 = arith.constant 32 : index
    %get3A_257 = tpu.vector_load %arg9[%get3A_255, %get3A_256] {strides = array<i32>} : memref<8x64xf32, #tpu.memory_space<vmem>>, vector<1x16xf32>,
    %get3A_258 = vector.shape_cast %get3A_257 : vector<1x16xf32> to vector<16xf32>
    %add3A_259 = arith.addf %get3A_258, %broadcast_in_dim3A_101 : vector<16xf32>
    %broadcast_in_dim3A_260 = arith.constant 6202 : i32
    %broadcast_in_dim3A_261 = vector.broadcast %broadcast_in_dim3A_260 : i32 to vector<16xi32>
    %gt3A_262 = arith.cmpf ogt, %add3A_259, %select_n3A_252 : vector<16xf32>
    %select_n3A_263 = arith.select %gt3A_262, %add3A_259, %select_n3A_252 : vector<16xi1>, vector<16xf32>
    %select_n3A_264 = arith.select %gt3A_262, %broadcast_in_dim3A_261, %select_n3A_253 : vector<16xi1>, vector<16xi32>
    %get3A_265 = arith.constant 3 : i32
    %get3A_266 = arith.index_cast %get3A_265 : i32 to index
    %get3A_267 = arith.constant 48 : index
    %get3A_268 = tpu.vector_load %arg9[%get3A_266, %get3A_267] {strides = array<i32>} : memref<8x64xf32, #tpu.memory_space<vmem>>, vector<1x16xf32>,
    %get3A_269 = vector.shape_cast %get3A_268 : vector<1x16xf32> to vector<16xf32>
    %add3A_270 = arith.addf %get3A_269, %broadcast_in_dim3A_101 : vector<16xf32>
    %broadcast_in_dim3A_271 = arith.constant 6203 : i32
    %broadcast_in_dim3A_272 = vector.broadcast %broadcast_in_dim3A_271 : i32 to vector<16xi32>
    %gt3A_273 = arith.cmpf ogt, %add3A_270, %select_n3A_263 : vector<16xf32>
    %select_n3A_274 = arith.select %gt3A_273, %add3A_270, %select_n3A_263 : vector<16xi1>, vector<16xf32>
    %select_n3A_275 = arith.select %gt3A_273, %broadcast_in_dim3A_272, %select_n3A_264 : vector<16xi1>, vector<16xi32>
    %get3A_276 = arith.constant 4 : i32
    %get3A_277 = arith.index_cast %get3A_276 : i32 to index
    %get3A_278 = arith.constant 0 : index
    %get3A_279 = tpu.vector_load %arg9[%get3A_277, %get3A_278] {strides = array<i32>} : memref<8x64xf32, #tpu.memory_space<vmem>>, vector<1x16xf32>,
    %get3A_280 = vector.shape_cast %get3A_279 : vector<1x16xf32> to vector<16xf32>
    %add3A_281 = arith.addf %get3A_280, %broadcast_in_dim3A_101 : vector<16xf32>
    %broadcast_in_dim3A_282 = arith.constant 6200 : i32
    %broadcast_in_dim3A_283 = vector.broadcast %broadcast_in_dim3A_282 : i32 to vector<16xi32>
    %gt3A_284 = arith.cmpf ogt, %add3A_281, %scan3A_94#4 : vector<16xf32>
    %select_n3A_285 = arith.select %gt3A_284, %add3A_281, %scan3A_94#4 : vector<16xi1>, vector<16xf32>
    %select_n3A_286 = arith.select %gt3A_284, %broadcast_in_dim3A_283, %scan3A_94#12 : vector<16xi1>, vector<16xi32>
    %get3A_287 = arith.constant 4 : i32
    %get3A_288 = arith.index_cast %get3A_287 : i32 to index
    %get3A_289 = arith.constant 16 : index
    %get3A_290 = tpu.vector_load %arg9[%get3A_288, %get3A_289] {strides = array<i32>} : memref<8x64xf32, #tpu.memory_space<vmem>>, vector<1x16xf32>,
    %get3A_291 = vector.shape_cast %get3A_290 : vector<1x16xf32> to vector<16xf32>
    %add3A_292 = arith.addf %get3A_291, %broadcast_in_dim3A_101 : vector<16xf32>
    %broadcast_in_dim3A_293 = arith.constant 6201 : i32
    %broadcast_in_dim3A_294 = vector.broadcast %broadcast_in_dim3A_293 : i32 to vector<16xi32>
    %gt3A_295 = arith.cmpf ogt, %add3A_292, %select_n3A_285 : vector<16xf32>
    %select_n3A_296 = arith.select %gt3A_295, %add3A_292, %select_n3A_285 : vector<16xi1>, vector<16xf32>
    %select_n3A_297 = arith.select %gt3A_295, %broadcast_in_dim3A_294, %select_n3A_286 : vector<16xi1>, vector<16xi32>
    %get3A_298 = arith.constant 4 : i32
    %get3A_299 = arith.index_cast %get3A_298 : i32 to index
    %get3A_300 = arith.constant 32 : index
    %get3A_301 = tpu.vector_load %arg9[%get3A_299, %get3A_300] {strides = array<i32>} : memref<8x64xf32, #tpu.memory_space<vmem>>, vector<1x16xf32>,
    %get3A_302 = vector.shape_cast %get3A_301 : vector<1x16xf32> to vector<16xf32>
    %add3A_303 = arith.addf %get3A_302, %broadcast_in_dim3A_101 : vector<16xf32>
    %broadcast_in_dim3A_304 = arith.constant 6202 : i32
    %broadcast_in_dim3A_305 = vector.broadcast %broadcast_in_dim3A_304 : i32 to vector<16xi32>
    %gt3A_306 = arith.cmpf ogt, %add3A_303, %select_n3A_296 : vector<16xf32>
    %select_n3A_307 = arith.select %gt3A_306, %add3A_303, %select_n3A_296 : vector<16xi1>, vector<16xf32>
    %select_n3A_308 = arith.select %gt3A_306, %broadcast_in_dim3A_305, %select_n3A_297 : vector<16xi1>, vector<16xi32>
    %get3A_309 = arith.constant 4 : i32
    %get3A_310 = arith.index_cast %get3A_309 : i32 to index
    %get3A_311 = arith.constant 48 : index
    %get3A_312 = tpu.vector_load %arg9[%get3A_310, %get3A_311] {strides = array<i32>} : memref<8x64xf32, #tpu.memory_space<vmem>>, vector<1x16xf32>,
    %get3A_313 = vector.shape_cast %get3A_312 : vector<1x16xf32> to vector<16xf32>
    %add3A_314 = arith.addf %get3A_313, %broadcast_in_dim3A_101 : vector<16xf32>
    %broadcast_in_dim3A_315 = arith.constant 6203 : i32
    %broadcast_in_dim3A_316 = vector.broadcast %broadcast_in_dim3A_315 : i32 to vector<16xi32>
    %gt3A_317 = arith.cmpf ogt, %add3A_314, %select_n3A_307 : vector<16xf32>
    %select_n3A_318 = arith.select %gt3A_317, %add3A_314, %select_n3A_307 : vector<16xi1>, vector<16xf32>
    %select_n3A_319 = arith.select %gt3A_317, %broadcast_in_dim3A_316, %select_n3A_308 : vector<16xi1>, vector<16xi32>
    %get3A_320 = arith.constant 5 : i32
    %get3A_321 = arith.index_cast %get3A_320 : i32 to index
    %get3A_322 = arith.constant 0 : index
    %get3A_323 = tpu.vector_load %arg9[%get3A_321, %get3A_322] {strides = array<i32>} : memref<8x64xf32, #tpu.memory_space<vmem>>, vector<1x16xf32>,
    %get3A_324 = vector.shape_cast %get3A_323 : vector<1x16xf32> to vector<16xf32>
    %add3A_325 = arith.addf %get3A_324, %broadcast_in_dim3A_101 : vector<16xf32>
    %broadcast_in_dim3A_326 = arith.constant 6200 : i32
    %broadcast_in_dim3A_327 = vector.broadcast %broadcast_in_dim3A_326 : i32 to vector<16xi32>
    %gt3A_328 = arith.cmpf ogt, %add3A_325, %scan3A_94#5 : vector<16xf32>
    %select_n3A_329 = arith.select %gt3A_328, %add3A_325, %scan3A_94#5 : vector<16xi1>, vector<16xf32>
    %select_n3A_330 = arith.select %gt3A_328, %broadcast_in_dim3A_327, %scan3A_94#13 : vector<16xi1>, vector<16xi32>
    %get3A_331 = arith.constant 5 : i32
    %get3A_332 = arith.index_cast %get3A_331 : i32 to index
    %get3A_333 = arith.constant 16 : index
    %get3A_334 = tpu.vector_load %arg9[%get3A_332, %get3A_333] {strides = array<i32>} : memref<8x64xf32, #tpu.memory_space<vmem>>, vector<1x16xf32>,
    %get3A_335 = vector.shape_cast %get3A_334 : vector<1x16xf32> to vector<16xf32>
    %add3A_336 = arith.addf %get3A_335, %broadcast_in_dim3A_101 : vector<16xf32>
    %broadcast_in_dim3A_337 = arith.constant 6201 : i32
    %broadcast_in_dim3A_338 = vector.broadcast %broadcast_in_dim3A_337 : i32 to vector<16xi32>
    %gt3A_339 = arith.cmpf ogt, %add3A_336, %select_n3A_329 : vector<16xf32>
    %select_n3A_340 = arith.select %gt3A_339, %add3A_336, %select_n3A_329 : vector<16xi1>, vector<16xf32>
    %select_n3A_341 = arith.select %gt3A_339, %broadcast_in_dim3A_338, %select_n3A_330 : vector<16xi1>, vector<16xi32>
    %get3A_342 = arith.constant 5 : i32
    %get3A_343 = arith.index_cast %get3A_342 : i32 to index
    %get3A_344 = arith.constant 32 : index
    %get3A_345 = tpu.vector_load %arg9[%get3A_343, %get3A_344] {strides = array<i32>} : memref<8x64xf32, #tpu.memory_space<vmem>>, vector<1x16xf32>,
    %get3A_346 = vector.shape_cast %get3A_345 : vector<1x16xf32> to vector<16xf32>
    %add3A_347 = arith.addf %get3A_346, %broadcast_in_dim3A_101 : vector<16xf32>
    %broadcast_in_dim3A_348 = arith.constant 6202 : i32
    %broadcast_in_dim3A_349 = vector.broadcast %broadcast_in_dim3A_348 : i32 to vector<16xi32>
    %gt3A_350 = arith.cmpf ogt, %add3A_347, %select_n3A_340 : vector<16xf32>
    %select_n3A_351 = arith.select %gt3A_350, %add3A_347, %select_n3A_340 : vector<16xi1>, vector<16xf32>
    %select_n3A_352 = arith.select %gt3A_350, %broadcast_in_dim3A_349, %select_n3A_341 : vector<16xi1>, vector<16xi32>
    %get3A_353 = arith.constant 5 : i32
    %get3A_354 = arith.index_cast %get3A_353 : i32 to index
    %get3A_355 = arith.constant 48 : index
    %get3A_356 = tpu.vector_load %arg9[%get3A_354, %get3A_355] {strides = array<i32>} : memref<8x64xf32, #tpu.memory_space<vmem>>, vector<1x16xf32>,
    %get3A_357 = vector.shape_cast %get3A_356 : vector<1x16xf32> to vector<16xf32>
    %add3A_358 = arith.addf %get3A_357, %broadcast_in_dim3A_101 : vector<16xf32>
    %broadcast_in_dim3A_359 = arith.constant 6203 : i32
    %broadcast_in_dim3A_360 = vector.broadcast %broadcast_in_dim3A_359 : i32 to vector<16xi32>
    %gt3A_361 = arith.cmpf ogt, %add3A_358, %select_n3A_351 : vector<16xf32>
    %select_n3A_362 = arith.select %gt3A_361, %add3A_358, %select_n3A_351 : vector<16xi1>, vector<16xf32>
    %select_n3A_363 = arith.select %gt3A_361, %broadcast_in_dim3A_360, %select_n3A_352 : vector<16xi1>, vector<16xi32>
    %get3A_364 = arith.constant 6 : i32
    %get3A_365 = arith.index_cast %get3A_364 : i32 to index
    %get3A_366 = arith.constant 0 : index
    %get3A_367 = tpu.vector_load %arg9[%get3A_365, %get3A_366] {strides = array<i32>} : memref<8x64xf32, #tpu.memory_space<vmem>>, vector<1x16xf32>,
    %get3A_368 = vector.shape_cast %get3A_367 : vector<1x16xf32> to vector<16xf32>
    %add3A_369 = arith.addf %get3A_368, %broadcast_in_dim3A_101 : vector<16xf32>
    %broadcast_in_dim3A_370 = arith.constant 6200 : i32
    %broadcast_in_dim3A_371 = vector.broadcast %broadcast_in_dim3A_370 : i32 to vector<16xi32>
    %gt3A_372 = arith.cmpf ogt, %add3A_369, %scan3A_94#6 : vector<16xf32>
    %select_n3A_373 = arith.select %gt3A_372, %add3A_369, %scan3A_94#6 : vector<16xi1>, vector<16xf32>
    %select_n3A_374 = arith.select %gt3A_372, %broadcast_in_dim3A_371, %scan3A_94#14 : vector<16xi1>, vector<16xi32>
    %get3A_375 = arith.constant 6 : i32
    %get3A_376 = arith.index_cast %get3A_375 : i32 to index
    %get3A_377 = arith.constant 16 : index
    %get3A_378 = tpu.vector_load %arg9[%get3A_376, %get3A_377] {strides = array<i32>} : memref<8x64xf32, #tpu.memory_space<vmem>>, vector<1x16xf32>,
    %get3A_379 = vector.shape_cast %get3A_378 : vector<1x16xf32> to vector<16xf32>
    %add3A_380 = arith.addf %get3A_379, %broadcast_in_dim3A_101 : vector<16xf32>
    %broadcast_in_dim3A_381 = arith.constant 6201 : i32
    %broadcast_in_dim3A_382 = vector.broadcast %broadcast_in_dim3A_381 : i32 to vector<16xi32>
    %gt3A_383 = arith.cmpf ogt, %add3A_380, %select_n3A_373 : vector<16xf32>
    %select_n3A_384 = arith.select %gt3A_383, %add3A_380, %select_n3A_373 : vector<16xi1>, vector<16xf32>
    %select_n3A_385 = arith.select %gt3A_383, %broadcast_in_dim3A_382, %select_n3A_374 : vector<16xi1>, vector<16xi32>
    %get3A_386 = arith.constant 6 : i32
    %get3A_387 = arith.index_cast %get3A_386 : i32 to index
    %get3A_388 = arith.constant 32 : index
    %get3A_389 = tpu.vector_load %arg9[%get3A_387, %get3A_388] {strides = array<i32>} : memref<8x64xf32, #tpu.memory_space<vmem>>, vector<1x16xf32>,
    %get3A_390 = vector.shape_cast %get3A_389 : vector<1x16xf32> to vector<16xf32>
    %add3A_391 = arith.addf %get3A_390, %broadcast_in_dim3A_101 : vector<16xf32>
    %broadcast_in_dim3A_392 = arith.constant 6202 : i32
    %broadcast_in_dim3A_393 = vector.broadcast %broadcast_in_dim3A_392 : i32 to vector<16xi32>
    %gt3A_394 = arith.cmpf ogt, %add3A_391, %select_n3A_384 : vector<16xf32>
    %select_n3A_395 = arith.select %gt3A_394, %add3A_391, %select_n3A_384 : vector<16xi1>, vector<16xf32>
    %select_n3A_396 = arith.select %gt3A_394, %broadcast_in_dim3A_393, %select_n3A_385 : vector<16xi1>, vector<16xi32>
    %get3A_397 = arith.constant 6 : i32
    %get3A_398 = arith.index_cast %get3A_397 : i32 to index
    %get3A_399 = arith.constant 48 : index
    %get3A_400 = tpu.vector_load %arg9[%get3A_398, %get3A_399] {strides = array<i32>} : memref<8x64xf32, #tpu.memory_space<vmem>>, vector<1x16xf32>,
    %get3A_401 = vector.shape_cast %get3A_400 : vector<1x16xf32> to vector<16xf32>
    %add3A_402 = arith.addf %get3A_401, %broadcast_in_dim3A_101 : vector<16xf32>
    %broadcast_in_dim3A_403 = arith.constant 6203 : i32
    %broadcast_in_dim3A_404 = vector.broadcast %broadcast_in_dim3A_403 : i32 to vector<16xi32>
    %gt3A_405 = arith.cmpf ogt, %add3A_402, %select_n3A_395 : vector<16xf32>
    %select_n3A_406 = arith.select %gt3A_405, %add3A_402, %select_n3A_395 : vector<16xi1>, vector<16xf32>
    %select_n3A_407 = arith.select %gt3A_405, %broadcast_in_dim3A_404, %select_n3A_396 : vector<16xi1>, vector<16xi32>
    %get3A_408 = arith.constant 7 : i32
    %get3A_409 = arith.index_cast %get3A_408 : i32 to index
    %get3A_410 = arith.constant 0 : index
    %get3A_411 = tpu.vector_load %arg9[%get3A_409, %get3A_410] {strides = array<i32>} : memref<8x64xf32, #tpu.memory_space<vmem>>, vector<1x16xf32>,
    %get3A_412 = vector.shape_cast %get3A_411 : vector<1x16xf32> to vector<16xf32>
    %add3A_413 = arith.addf %get3A_412, %broadcast_in_dim3A_101 : vector<16xf32>
    %broadcast_in_dim3A_414 = arith.constant 6200 : i32
    %broadcast_in_dim3A_415 = vector.broadcast %broadcast_in_dim3A_414 : i32 to vector<16xi32>
    %gt3A_416 = arith.cmpf ogt, %add3A_413, %scan3A_94#7 : vector<16xf32>
    %select_n3A_417 = arith.select %gt3A_416, %add3A_413, %scan3A_94#7 : vector<16xi1>, vector<16xf32>
    %select_n3A_418 = arith.select %gt3A_416, %broadcast_in_dim3A_415, %scan3A_94#15 : vector<16xi1>, vector<16xi32>
    %get3A_419 = arith.constant 7 : i32
    %get3A_420 = arith.index_cast %get3A_419 : i32 to index
    %get3A_421 = arith.constant 16 : index
    %get3A_422 = tpu.vector_load %arg9[%get3A_420, %get3A_421] {strides = array<i32>} : memref<8x64xf32, #tpu.memory_space<vmem>>, vector<1x16xf32>,
    %get3A_423 = vector.shape_cast %get3A_422 : vector<1x16xf32> to vector<16xf32>
    %add3A_424 = arith.addf %get3A_423, %broadcast_in_dim3A_101 : vector<16xf32>
    %broadcast_in_dim3A_425 = arith.constant 6201 : i32
    %broadcast_in_dim3A_426 = vector.broadcast %broadcast_in_dim3A_425 : i32 to vector<16xi32>
    %gt3A_427 = arith.cmpf ogt, %add3A_424, %select_n3A_417 : vector<16xf32>
    %select_n3A_428 = arith.select %gt3A_427, %add3A_424, %select_n3A_417 : vector<16xi1>, vector<16xf32>
    %select_n3A_429 = arith.select %gt3A_427, %broadcast_in_dim3A_426, %select_n3A_418 : vector<16xi1>, vector<16xi32>
    %get3A_430 = arith.constant 7 : i32
    %get3A_431 = arith.index_cast %get3A_430 : i32 to index
    %get3A_432 = arith.constant 32 : index
    %get3A_433 = tpu.vector_load %arg9[%get3A_431, %get3A_432] {strides = array<i32>} : memref<8x64xf32, #tpu.memory_space<vmem>>, vector<1x16xf32>,
    %get3A_434 = vector.shape_cast %get3A_433 : vector<1x16xf32> to vector<16xf32>
    %add3A_435 = arith.addf %get3A_434, %broadcast_in_dim3A_101 : vector<16xf32>
    %broadcast_in_dim3A_436 = arith.constant 6202 : i32
    %broadcast_in_dim3A_437 = vector.broadcast %broadcast_in_dim3A_436 : i32 to vector<16xi32>
    %gt3A_438 = arith.cmpf ogt, %add3A_435, %select_n3A_428 : vector<16xf32>
    %select_n3A_439 = arith.select %gt3A_438, %add3A_435, %select_n3A_428 : vector<16xi1>, vector<16xf32>
    %select_n3A_440 = arith.select %gt3A_438, %broadcast_in_dim3A_437, %select_n3A_429 : vector<16xi1>, vector<16xi32>
    %get3A_441 = arith.constant 7 : i32
    %get3A_442 = arith.index_cast %get3A_441 : i32 to index
    %get3A_443 = arith.constant 48 : index
    %get3A_444 = tpu.vector_load %arg9[%get3A_442, %get3A_443] {strides = array<i32>} : memref<8x64xf32, #tpu.memory_space<vmem>>, vector<1x16xf32>,
    %get3A_445 = vector.shape_cast %get3A_444 : vector<1x16xf32> to vector<16xf32>
    %add3A_446 = arith.addf %get3A_445, %broadcast_in_dim3A_101 : vector<16xf32>
    %broadcast_in_dim3A_447 = arith.constant 6203 : i32
    %broadcast_in_dim3A_448 = vector.broadcast %broadcast_in_dim3A_447 : i32 to vector<16xi32>
    %gt3A_449 = arith.cmpf ogt, %add3A_446, %select_n3A_439 : vector<16xf32>
    %select_n3A_450 = arith.select %gt3A_449, %add3A_446, %select_n3A_439 : vector<16xi1>, vector<16xf32>
    %select_n3A_451 = arith.select %gt3A_449, %broadcast_in_dim3A_448, %select_n3A_440 : vector<16xi1>, vector<16xi32>
    %xor3A = arith.constant 1 : i32
    %xor3A_452 = vector.broadcast %xor3A : i32 to vector<16xi32>
    %xor3A_453 = arith.xori %iota3A, %xor3A_452 : vector<16xi32>
    %broadcast_in_dim3A_454 = vector.shape_cast %xor3A_453 : vector<16xi32> to vector<16x1xi32>
    %gather3A = vector.shape_cast %broadcast_in_dim3A_454 : vector<16x1xi32> to vector<16xi32>
    %gather3A_455 = tpu.dynamic_gather %select_n3A_142[%gather3A] in [0] : vector<16xf32>, vector<16xi32> -> vector<16xf32>
    %max3A = arith.maximumf %select_n3A_142, %gather3A_455 : vector<16xf32>
    %xor3A_456 = arith.constant 2 : i32
    %xor3A_457 = vector.broadcast %xor3A_456 : i32 to vector<16xi32>
    %xor3A_458 = arith.xori %iota3A, %xor3A_457 : vector<16xi32>
    %broadcast_in_dim3A_459 = vector.shape_cast %xor3A_458 : vector<16xi32> to vector<16x1xi32>
    %gather3A_460 = vector.shape_cast %broadcast_in_dim3A_459 : vector<16x1xi32> to vector<16xi32>
    %gather3A_461 = tpu.dynamic_gather %max3A[%gather3A_460] in [0] : vector<16xf32>, vector<16xi32> -> vector<16xf32>
    %max3A_462 = arith.maximumf %max3A, %gather3A_461 : vector<16xf32>
    %xor3A_463 = arith.constant 4 : i32
    %xor3A_464 = vector.broadcast %xor3A_463 : i32 to vector<16xi32>
    %xor3A_465 = arith.xori %iota3A, %xor3A_464 : vector<16xi32>
    %broadcast_in_dim3A_466 = vector.shape_cast %xor3A_465 : vector<16xi32> to vector<16x1xi32>
    %gather3A_467 = vector.shape_cast %broadcast_in_dim3A_466 : vector<16x1xi32> to vector<16xi32>
    %gather3A_468 = tpu.dynamic_gather %max3A_462[%gather3A_467] in [0] : vector<16xf32>, vector<16xi32> -> vector<16xf32>
    %max3A_469 = arith.maximumf %max3A_462, %gather3A_468 : vector<16xf32>
    %xor3A_470 = arith.constant 8 : i32
    %xor3A_471 = vector.broadcast %xor3A_470 : i32 to vector<16xi32>
    %xor3A_472 = arith.xori %iota3A, %xor3A_471 : vector<16xi32>
    %broadcast_in_dim3A_473 = vector.shape_cast %xor3A_472 : vector<16xi32> to vector<16x1xi32>
    %gather3A_474 = vector.shape_cast %broadcast_in_dim3A_473 : vector<16x1xi32> to vector<16xi32>
    %gather3A_475 = tpu.dynamic_gather %max3A_469[%gather3A_474] in [0] : vector<16xf32>, vector<16xi32> -> vector<16xf32>
    %max3A_476 = arith.maximumf %max3A_469, %gather3A_475 : vector<16xf32>
    %mul3A_477 = arith.constant 16 : i32
    %mul3A_478 = vector.broadcast %mul3A_477 : i32 to vector<16xi32>
    %mul3A_479 = arith.muli %select_n3A_143, %mul3A_478 : vector<16xi32>
    %add3A_480 = vector.broadcast %multiple_of3A_39 : i32 to vector<16xi32>
    %add3A_481 = arith.addi %add3A_480, %mul3A_479 : vector<16xi32>
    %add3A_482 = arith.addi %add3A_481, %iota3A : vector<16xi32>
    %eq3A_483 = arith.cmpf oeq, %select_n3A_142, %max3A_476 : vector<16xf32>
    %jit3A_484 = arith.constant 2147483647 : i32
    %broadcast_in_dim3A_485 = vector.broadcast %jit3A_484 : i32 to vector<16xi32>
    %select_n3A_486 = arith.select %eq3A_483, %add3A_482, %broadcast_in_dim3A_485 : vector<16xi1>, vector<16xi32>
    %xor3A_487 = arith.constant 1 : i32
    %xor3A_488 = vector.broadcast %xor3A_487 : i32 to vector<16xi32>
    %xor3A_489 = arith.xori %iota3A, %xor3A_488 : vector<16xi32>
    %broadcast_in_dim3A_490 = vector.shape_cast %xor3A_489 : vector<16xi32> to vector<16x1xi32>
    %gather3A_491 = vector.shape_cast %broadcast_in_dim3A_490 : vector<16x1xi32> to vector<16xi32>
    %gather3A_492 = tpu.dynamic_gather %select_n3A_486[%gather3A_491] in [0] : vector<16xi32>, vector<16xi32> -> vector<16xi32>
    %min3A = arith.minsi %select_n3A_486, %gather3A_492 : vector<16xi32>
    %xor3A_493 = arith.constant 2 : i32
    %xor3A_494 = vector.broadcast %xor3A_493 : i32 to vector<16xi32>
    %xor3A_495 = arith.xori %iota3A, %xor3A_494 : vector<16xi32>
    %broadcast_in_dim3A_496 = vector.shape_cast %xor3A_495 : vector<16xi32> to vector<16x1xi32>
    %gather3A_497 = vector.shape_cast %broadcast_in_dim3A_496 : vector<16x1xi32> to vector<16xi32>
    %gather3A_498 = tpu.dynamic_gather %min3A[%gather3A_497] in [0] : vector<16xi32>, vector<16xi32> -> vector<16xi32>
    %min3A_499 = arith.minsi %min3A, %gather3A_498 : vector<16xi32>
    %xor3A_500 = arith.constant 4 : i32
    %xor3A_501 = vector.broadcast %xor3A_500 : i32 to vector<16xi32>
    %xor3A_502 = arith.xori %iota3A, %xor3A_501 : vector<16xi32>
    %broadcast_in_dim3A_503 = vector.shape_cast %xor3A_502 : vector<16xi32> to vector<16x1xi32>
    %gather3A_504 = vector.shape_cast %broadcast_in_dim3A_503 : vector<16x1xi32> to vector<16xi32>
    %gather3A_505 = tpu.dynamic_gather %min3A_499[%gather3A_504] in [0] : vector<16xi32>, vector<16xi32> -> vector<16xi32>
    %min3A_506 = arith.minsi %min3A_499, %gather3A_505 : vector<16xi32>
    %xor3A_507 = arith.constant 8 : i32
    %xor3A_508 = vector.broadcast %xor3A_507 : i32 to vector<16xi32>
    %xor3A_509 = arith.xori %iota3A, %xor3A_508 : vector<16xi32>
    %broadcast_in_dim3A_510 = vector.shape_cast %xor3A_509 : vector<16xi32> to vector<16x1xi32>
    %gather3A_511 = vector.shape_cast %broadcast_in_dim3A_510 : vector<16x1xi32> to vector<16xi32>
    %gather3A_512 = tpu.dynamic_gather %min3A_506[%gather3A_511] in [0] : vector<16xi32>, vector<16xi32> -> vector<16xi32>
    %min3A_513 = arith.minsi %min3A_506, %gather3A_512 : vector<16xi32>
    %swap3A = arith.constant 0 : index
    %swap3A_514 = tpu.vector_load %arg10[%swap3A] {strides = array<i32>} : memref<128xf32, #tpu.memory_space<vmem>>, vector<16xf32>,
    %swap3A_515 = vector.shape_cast %swap3A_514 : vector<16xf32> to vector<16xf32>
    %swap3A_516 = vector.shape_cast %max3A_476 : vector<16xf32> to vector<16xf32>
    tpu.vector_store %arg10[%swap3A], %swap3A_516 {strides = array<i32>} : memref<128xf32, #tpu.memory_space<vmem>>, vector<16xf32>,
    %swap3A_517 = arith.constant 0 : index
    %swap3A_518 = tpu.vector_load %arg11[%swap3A_517] {strides = array<i32>} : memref<128xi32, #tpu.memory_space<vmem>>, vector<16xi32>,
    %swap3A_519 = vector.shape_cast %swap3A_518 : vector<16xi32> to vector<16xi32>
    %swap3A_520 = vector.shape_cast %min3A_513 : vector<16xi32> to vector<16xi32>
    tpu.vector_store %arg11[%swap3A_517], %swap3A_520 {strides = array<i32>} : memref<128xi32, #tpu.memory_space<vmem>>, vector<16xi32>,
    %xor3A_521 = arith.constant 1 : i32
    %xor3A_522 = vector.broadcast %xor3A_521 : i32 to vector<16xi32>
    %xor3A_523 = arith.xori %iota3A, %xor3A_522 : vector<16xi32>
    %broadcast_in_dim3A_524 = vector.shape_cast %xor3A_523 : vector<16xi32> to vector<16x1xi32>
    %gather3A_525 = vector.shape_cast %broadcast_in_dim3A_524 : vector<16x1xi32> to vector<16xi32>
    %gather3A_526 = tpu.dynamic_gather %select_n3A_186[%gather3A_525] in [0] : vector<16xf32>, vector<16xi32> -> vector<16xf32>
    %max3A_527 = arith.maximumf %select_n3A_186, %gather3A_526 : vector<16xf32>
    %xor3A_528 = arith.constant 2 : i32
    %xor3A_529 = vector.broadcast %xor3A_528 : i32 to vector<16xi32>
    %xor3A_530 = arith.xori %iota3A, %xor3A_529 : vector<16xi32>
    %broadcast_in_dim3A_531 = vector.shape_cast %xor3A_530 : vector<16xi32> to vector<16x1xi32>
    %gather3A_532 = vector.shape_cast %broadcast_in_dim3A_531 : vector<16x1xi32> to vector<16xi32>
    %gather3A_533 = tpu.dynamic_gather %max3A_527[%gather3A_532] in [0] : vector<16xf32>, vector<16xi32> -> vector<16xf32>
    %max3A_534 = arith.maximumf %max3A_527, %gather3A_533 : vector<16xf32>
    %xor3A_535 = arith.constant 4 : i32
    %xor3A_536 = vector.broadcast %xor3A_535 : i32 to vector<16xi32>
    %xor3A_537 = arith.xori %iota3A, %xor3A_536 : vector<16xi32>
    %broadcast_in_dim3A_538 = vector.shape_cast %xor3A_537 : vector<16xi32> to vector<16x1xi32>
    %gather3A_539 = vector.shape_cast %broadcast_in_dim3A_538 : vector<16x1xi32> to vector<16xi32>
    %gather3A_540 = tpu.dynamic_gather %max3A_534[%gather3A_539] in [0] : vector<16xf32>, vector<16xi32> -> vector<16xf32>
    %max3A_541 = arith.maximumf %max3A_534, %gather3A_540 : vector<16xf32>
    %xor3A_542 = arith.constant 8 : i32
    %xor3A_543 = vector.broadcast %xor3A_542 : i32 to vector<16xi32>
    %xor3A_544 = arith.xori %iota3A, %xor3A_543 : vector<16xi32>
    %broadcast_in_dim3A_545 = vector.shape_cast %xor3A_544 : vector<16xi32> to vector<16x1xi32>
    %gather3A_546 = vector.shape_cast %broadcast_in_dim3A_545 : vector<16x1xi32> to vector<16xi32>
    %gather3A_547 = tpu.dynamic_gather %max3A_541[%gather3A_546] in [0] : vector<16xf32>, vector<16xi32> -> vector<16xf32>
    %max3A_548 = arith.maximumf %max3A_541, %gather3A_547 : vector<16xf32>
    %mul3A_549 = arith.constant 16 : i32
    %mul3A_550 = vector.broadcast %mul3A_549 : i32 to vector<16xi32>
    %mul3A_551 = arith.muli %select_n3A_187, %mul3A_550 : vector<16xi32>
    %add3A_552 = vector.broadcast %multiple_of3A_39 : i32 to vector<16xi32>
    %add3A_553 = arith.addi %add3A_552, %mul3A_551 : vector<16xi32>
    %add3A_554 = arith.addi %add3A_553, %iota3A : vector<16xi32>
    %eq3A_555 = arith.cmpf oeq, %select_n3A_186, %max3A_548 : vector<16xf32>
    %jit3A_556 = arith.constant 2147483647 : i32
    %broadcast_in_dim3A_557 = vector.broadcast %jit3A_556 : i32 to vector<16xi32>
    %select_n3A_558 = arith.select %eq3A_555, %add3A_554, %broadcast_in_dim3A_557 : vector<16xi1>, vector<16xi32>
    %xor3A_559 = arith.constant 1 : i32
    %xor3A_560 = vector.broadcast %xor3A_559 : i32 to vector<16xi32>
    %xor3A_561 = arith.xori %iota3A, %xor3A_560 : vector<16xi32>
    %broadcast_in_dim3A_562 = vector.shape_cast %xor3A_561 : vector<16xi32> to vector<16x1xi32>
    %gather3A_563 = vector.shape_cast %broadcast_in_dim3A_562 : vector<16x1xi32> to vector<16xi32>
    %gather3A_564 = tpu.dynamic_gather %select_n3A_558[%gather3A_563] in [0] : vector<16xi32>, vector<16xi32> -> vector<16xi32>
    %min3A_565 = arith.minsi %select_n3A_558, %gather3A_564 : vector<16xi32>
    %xor3A_566 = arith.constant 2 : i32
    %xor3A_567 = vector.broadcast %xor3A_566 : i32 to vector<16xi32>
    %xor3A_568 = arith.xori %iota3A, %xor3A_567 : vector<16xi32>
    %broadcast_in_dim3A_569 = vector.shape_cast %xor3A_568 : vector<16xi32> to vector<16x1xi32>
    %gather3A_570 = vector.shape_cast %broadcast_in_dim3A_569 : vector<16x1xi32> to vector<16xi32>
    %gather3A_571 = tpu.dynamic_gather %min3A_565[%gather3A_570] in [0] : vector<16xi32>, vector<16xi32> -> vector<16xi32>
    %min3A_572 = arith.minsi %min3A_565, %gather3A_571 : vector<16xi32>
    %xor3A_573 = arith.constant 4 : i32
    %xor3A_574 = vector.broadcast %xor3A_573 : i32 to vector<16xi32>
    %xor3A_575 = arith.xori %iota3A, %xor3A_574 : vector<16xi32>
    %broadcast_in_dim3A_576 = vector.shape_cast %xor3A_575 : vector<16xi32> to vector<16x1xi32>
    %gather3A_577 = vector.shape_cast %broadcast_in_dim3A_576 : vector<16x1xi32> to vector<16xi32>
    %gather3A_578 = tpu.dynamic_gather %min3A_572[%gather3A_577] in [0] : vector<16xi32>, vector<16xi32> -> vector<16xi32>
    %min3A_579 = arith.minsi %min3A_572, %gather3A_578 : vector<16xi32>
    %xor3A_580 = arith.constant 8 : i32
    %xor3A_581 = vector.broadcast %xor3A_580 : i32 to vector<16xi32>
    %xor3A_582 = arith.xori %iota3A, %xor3A_581 : vector<16xi32>
    %broadcast_in_dim3A_583 = vector.shape_cast %xor3A_582 : vector<16xi32> to vector<16x1xi32>
    %gather3A_584 = vector.shape_cast %broadcast_in_dim3A_583 : vector<16x1xi32> to vector<16xi32>
    %gather3A_585 = tpu.dynamic_gather %min3A_579[%gather3A_584] in [0] : vector<16xi32>, vector<16xi32> -> vector<16xi32>
    %min3A_586 = arith.minsi %min3A_579, %gather3A_585 : vector<16xi32>
    %swap3A_587 = arith.constant 16 : index
    %swap3A_588 = tpu.vector_load %arg10[%swap3A_587] {strides = array<i32>} : memref<128xf32, #tpu.memory_space<vmem>>, vector<16xf32>,
    %swap3A_589 = vector.shape_cast %swap3A_588 : vector<16xf32> to vector<16xf32>
    %swap3A_590 = vector.shape_cast %max3A_548 : vector<16xf32> to vector<16xf32>
    tpu.vector_store %arg10[%swap3A_587], %swap3A_590 {strides = array<i32>} : memref<128xf32, #tpu.memory_space<vmem>>, vector<16xf32>,
    %swap3A_591 = arith.constant 16 : index
    %swap3A_592 = tpu.vector_load %arg11[%swap3A_591] {strides = array<i32>} : memref<128xi32, #tpu.memory_space<vmem>>, vector<16xi32>,
    %swap3A_593 = vector.shape_cast %swap3A_592 : vector<16xi32> to vector<16xi32>
    %swap3A_594 = vector.shape_cast %min3A_586 : vector<16xi32> to vector<16xi32>
    tpu.vector_store %arg11[%swap3A_591], %swap3A_594 {strides = array<i32>} : memref<128xi32, #tpu.memory_space<vmem>>, vector<16xi32>,
    %xor3A_595 = arith.constant 1 : i32
    %xor3A_596 = vector.broadcast %xor3A_595 : i32 to vector<16xi32>
    %xor3A_597 = arith.xori %iota3A, %xor3A_596 : vector<16xi32>
    %broadcast_in_dim3A_598 = vector.shape_cast %xor3A_597 : vector<16xi32> to vector<16x1xi32>
    %gather3A_599 = vector.shape_cast %broadcast_in_dim3A_598 : vector<16x1xi32> to vector<16xi32>
    %gather3A_600 = tpu.dynamic_gather %select_n3A_230[%gather3A_599] in [0] : vector<16xf32>, vector<16xi32> -> vector<16xf32>
    %max3A_601 = arith.maximumf %select_n3A_230, %gather3A_600 : vector<16xf32>
    %xor3A_602 = arith.constant 2 : i32
    %xor3A_603 = vector.broadcast %xor3A_602 : i32 to vector<16xi32>
    %xor3A_604 = arith.xori %iota3A, %xor3A_603 : vector<16xi32>
    %broadcast_in_dim3A_605 = vector.shape_cast %xor3A_604 : vector<16xi32> to vector<16x1xi32>
    %gather3A_606 = vector.shape_cast %broadcast_in_dim3A_605 : vector<16x1xi32> to vector<16xi32>
    %gather3A_607 = tpu.dynamic_gather %max3A_601[%gather3A_606] in [0] : vector<16xf32>, vector<16xi32> -> vector<16xf32>
    %max3A_608 = arith.maximumf %max3A_601, %gather3A_607 : vector<16xf32>
    %xor3A_609 = arith.constant 4 : i32
    %xor3A_610 = vector.broadcast %xor3A_609 : i32 to vector<16xi32>
    %xor3A_611 = arith.xori %iota3A, %xor3A_610 : vector<16xi32>
    %broadcast_in_dim3A_612 = vector.shape_cast %xor3A_611 : vector<16xi32> to vector<16x1xi32>
    %gather3A_613 = vector.shape_cast %broadcast_in_dim3A_612 : vector<16x1xi32> to vector<16xi32>
    %gather3A_614 = tpu.dynamic_gather %max3A_608[%gather3A_613] in [0] : vector<16xf32>, vector<16xi32> -> vector<16xf32>
    %max3A_615 = arith.maximumf %max3A_608, %gather3A_614 : vector<16xf32>
    %xor3A_616 = arith.constant 8 : i32
    %xor3A_617 = vector.broadcast %xor3A_616 : i32 to vector<16xi32>
    %xor3A_618 = arith.xori %iota3A, %xor3A_617 : vector<16xi32>
    %broadcast_in_dim3A_619 = vector.shape_cast %xor3A_618 : vector<16xi32> to vector<16x1xi32>
    %gather3A_620 = vector.shape_cast %broadcast_in_dim3A_619 : vector<16x1xi32> to vector<16xi32>
    %gather3A_621 = tpu.dynamic_gather %max3A_615[%gather3A_620] in [0] : vector<16xf32>, vector<16xi32> -> vector<16xf32>
    %max3A_622 = arith.maximumf %max3A_615, %gather3A_621 : vector<16xf32>
    %mul3A_623 = arith.constant 16 : i32
    %mul3A_624 = vector.broadcast %mul3A_623 : i32 to vector<16xi32>
    %mul3A_625 = arith.muli %select_n3A_231, %mul3A_624 : vector<16xi32>
    %add3A_626 = vector.broadcast %multiple_of3A_39 : i32 to vector<16xi32>
    %add3A_627 = arith.addi %add3A_626, %mul3A_625 : vector<16xi32>
    %add3A_628 = arith.addi %add3A_627, %iota3A : vector<16xi32>
    %eq3A_629 = arith.cmpf oeq, %select_n3A_230, %max3A_622 : vector<16xf32>
    %jit3A_630 = arith.constant 2147483647 : i32
    %broadcast_in_dim3A_631 = vector.broadcast %jit3A_630 : i32 to vector<16xi32>
    %select_n3A_632 = arith.select %eq3A_629, %add3A_628, %broadcast_in_dim3A_631 : vector<16xi1>, vector<16xi32>
    %xor3A_633 = arith.constant 1 : i32
    %xor3A_634 = vector.broadcast %xor3A_633 : i32 to vector<16xi32>
    %xor3A_635 = arith.xori %iota3A, %xor3A_634 : vector<16xi32>
    %broadcast_in_dim3A_636 = vector.shape_cast %xor3A_635 : vector<16xi32> to vector<16x1xi32>
    %gather3A_637 = vector.shape_cast %broadcast_in_dim3A_636 : vector<16x1xi32> to vector<16xi32>
    %gather3A_638 = tpu.dynamic_gather %select_n3A_632[%gather3A_637] in [0] : vector<16xi32>, vector<16xi32> -> vector<16xi32>
    %min3A_639 = arith.minsi %select_n3A_632, %gather3A_638 : vector<16xi32>
    %xor3A_640 = arith.constant 2 : i32
    %xor3A_641 = vector.broadcast %xor3A_640 : i32 to vector<16xi32>
    %xor3A_642 = arith.xori %iota3A, %xor3A_641 : vector<16xi32>
    %broadcast_in_dim3A_643 = vector.shape_cast %xor3A_642 : vector<16xi32> to vector<16x1xi32>
    %gather3A_644 = vector.shape_cast %broadcast_in_dim3A_643 : vector<16x1xi32> to vector<16xi32>
    %gather3A_645 = tpu.dynamic_gather %min3A_639[%gather3A_644] in [0] : vector<16xi32>, vector<16xi32> -> vector<16xi32>
    %min3A_646 = arith.minsi %min3A_639, %gather3A_645 : vector<16xi32>
    %xor3A_647 = arith.constant 4 : i32
    %xor3A_648 = vector.broadcast %xor3A_647 : i32 to vector<16xi32>
    %xor3A_649 = arith.xori %iota3A, %xor3A_648 : vector<16xi32>
    %broadcast_in_dim3A_650 = vector.shape_cast %xor3A_649 : vector<16xi32> to vector<16x1xi32>
    %gather3A_651 = vector.shape_cast %broadcast_in_dim3A_650 : vector<16x1xi32> to vector<16xi32>
    %gather3A_652 = tpu.dynamic_gather %min3A_646[%gather3A_651] in [0] : vector<16xi32>, vector<16xi32> -> vector<16xi32>
    %min3A_653 = arith.minsi %min3A_646, %gather3A_652 : vector<16xi32>
    %xor3A_654 = arith.constant 8 : i32
    %xor3A_655 = vector.broadcast %xor3A_654 : i32 to vector<16xi32>
    %xor3A_656 = arith.xori %iota3A, %xor3A_655 : vector<16xi32>
    %broadcast_in_dim3A_657 = vector.shape_cast %xor3A_656 : vector<16xi32> to vector<16x1xi32>
    %gather3A_658 = vector.shape_cast %broadcast_in_dim3A_657 : vector<16x1xi32> to vector<16xi32>
    %gather3A_659 = tpu.dynamic_gather %min3A_653[%gather3A_658] in [0] : vector<16xi32>, vector<16xi32> -> vector<16xi32>
    %min3A_660 = arith.minsi %min3A_653, %gather3A_659 : vector<16xi32>
    %swap3A_661 = arith.constant 32 : index
    %swap3A_662 = tpu.vector_load %arg10[%swap3A_661] {strides = array<i32>} : memref<128xf32, #tpu.memory_space<vmem>>, vector<16xf32>,
    %swap3A_663 = vector.shape_cast %swap3A_662 : vector<16xf32> to vector<16xf32>
    %swap3A_664 = vector.shape_cast %max3A_622 : vector<16xf32> to vector<16xf32>
    tpu.vector_store %arg10[%swap3A_661], %swap3A_664 {strides = array<i32>} : memref<128xf32, #tpu.memory_space<vmem>>, vector<16xf32>,
    %swap3A_665 = arith.constant 32 : index
    %swap3A_666 = tpu.vector_load %arg11[%swap3A_665] {strides = array<i32>} : memref<128xi32, #tpu.memory_space<vmem>>, vector<16xi32>,
    %swap3A_667 = vector.shape_cast %swap3A_666 : vector<16xi32> to vector<16xi32>
    %swap3A_668 = vector.shape_cast %min3A_660 : vector<16xi32> to vector<16xi32>
    tpu.vector_store %arg11[%swap3A_665], %swap3A_668 {strides = array<i32>} : memref<128xi32, #tpu.memory_space<vmem>>, vector<16xi32>,
    %xor3A_669 = arith.constant 1 : i32
    %xor3A_670 = vector.broadcast %xor3A_669 : i32 to vector<16xi32>
    %xor3A_671 = arith.xori %iota3A, %xor3A_670 : vector<16xi32>
    %broadcast_in_dim3A_672 = vector.shape_cast %xor3A_671 : vector<16xi32> to vector<16x1xi32>
    %gather3A_673 = vector.shape_cast %broadcast_in_dim3A_672 : vector<16x1xi32> to vector<16xi32>
    %gather3A_674 = tpu.dynamic_gather %select_n3A_274[%gather3A_673] in [0] : vector<16xf32>, vector<16xi32> -> vector<16xf32>
    %max3A_675 = arith.maximumf %select_n3A_274, %gather3A_674 : vector<16xf32>
    %xor3A_676 = arith.constant 2 : i32
    %xor3A_677 = vector.broadcast %xor3A_676 : i32 to vector<16xi32>
    %xor3A_678 = arith.xori %iota3A, %xor3A_677 : vector<16xi32>
    %broadcast_in_dim3A_679 = vector.shape_cast %xor3A_678 : vector<16xi32> to vector<16x1xi32>
    %gather3A_680 = vector.shape_cast %broadcast_in_dim3A_679 : vector<16x1xi32> to vector<16xi32>
    %gather3A_681 = tpu.dynamic_gather %max3A_675[%gather3A_680] in [0] : vector<16xf32>, vector<16xi32> -> vector<16xf32>
    %max3A_682 = arith.maximumf %max3A_675, %gather3A_681 : vector<16xf32>
    %xor3A_683 = arith.constant 4 : i32
    %xor3A_684 = vector.broadcast %xor3A_683 : i32 to vector<16xi32>
    %xor3A_685 = arith.xori %iota3A, %xor3A_684 : vector<16xi32>
    %broadcast_in_dim3A_686 = vector.shape_cast %xor3A_685 : vector<16xi32> to vector<16x1xi32>
    %gather3A_687 = vector.shape_cast %broadcast_in_dim3A_686 : vector<16x1xi32> to vector<16xi32>
    %gather3A_688 = tpu.dynamic_gather %max3A_682[%gather3A_687] in [0] : vector<16xf32>, vector<16xi32> -> vector<16xf32>
    %max3A_689 = arith.maximumf %max3A_682, %gather3A_688 : vector<16xf32>
    %xor3A_690 = arith.constant 8 : i32
    %xor3A_691 = vector.broadcast %xor3A_690 : i32 to vector<16xi32>
    %xor3A_692 = arith.xori %iota3A, %xor3A_691 : vector<16xi32>
    %broadcast_in_dim3A_693 = vector.shape_cast %xor3A_692 : vector<16xi32> to vector<16x1xi32>
    %gather3A_694 = vector.shape_cast %broadcast_in_dim3A_693 : vector<16x1xi32> to vector<16xi32>
    %gather3A_695 = tpu.dynamic_gather %max3A_689[%gather3A_694] in [0] : vector<16xf32>, vector<16xi32> -> vector<16xf32>
    %max3A_696 = arith.maximumf %max3A_689, %gather3A_695 : vector<16xf32>
    %mul3A_697 = arith.constant 16 : i32
    %mul3A_698 = vector.broadcast %mul3A_697 : i32 to vector<16xi32>
    %mul3A_699 = arith.muli %select_n3A_275, %mul3A_698 : vector<16xi32>
    %add3A_700 = vector.broadcast %multiple_of3A_39 : i32 to vector<16xi32>
    %add3A_701 = arith.addi %add3A_700, %mul3A_699 : vector<16xi32>
    %add3A_702 = arith.addi %add3A_701, %iota3A : vector<16xi32>
    %eq3A_703 = arith.cmpf oeq, %select_n3A_274, %max3A_696 : vector<16xf32>
    %jit3A_704 = arith.constant 2147483647 : i32
    %broadcast_in_dim3A_705 = vector.broadcast %jit3A_704 : i32 to vector<16xi32>
    %select_n3A_706 = arith.select %eq3A_703, %add3A_702, %broadcast_in_dim3A_705 : vector<16xi1>, vector<16xi32>
    %xor3A_707 = arith.constant 1 : i32
    %xor3A_708 = vector.broadcast %xor3A_707 : i32 to vector<16xi32>
    %xor3A_709 = arith.xori %iota3A, %xor3A_708 : vector<16xi32>
    %broadcast_in_dim3A_710 = vector.shape_cast %xor3A_709 : vector<16xi32> to vector<16x1xi32>
    %gather3A_711 = vector.shape_cast %broadcast_in_dim3A_710 : vector<16x1xi32> to vector<16xi32>
    %gather3A_712 = tpu.dynamic_gather %select_n3A_706[%gather3A_711] in [0] : vector<16xi32>, vector<16xi32> -> vector<16xi32>
    %min3A_713 = arith.minsi %select_n3A_706, %gather3A_712 : vector<16xi32>
    %xor3A_714 = arith.constant 2 : i32
    %xor3A_715 = vector.broadcast %xor3A_714 : i32 to vector<16xi32>
    %xor3A_716 = arith.xori %iota3A, %xor3A_715 : vector<16xi32>
    %broadcast_in_dim3A_717 = vector.shape_cast %xor3A_716 : vector<16xi32> to vector<16x1xi32>
    %gather3A_718 = vector.shape_cast %broadcast_in_dim3A_717 : vector<16x1xi32> to vector<16xi32>
    %gather3A_719 = tpu.dynamic_gather %min3A_713[%gather3A_718] in [0] : vector<16xi32>, vector<16xi32> -> vector<16xi32>
    %min3A_720 = arith.minsi %min3A_713, %gather3A_719 : vector<16xi32>
    %xor3A_721 = arith.constant 4 : i32
    %xor3A_722 = vector.broadcast %xor3A_721 : i32 to vector<16xi32>
    %xor3A_723 = arith.xori %iota3A, %xor3A_722 : vector<16xi32>
    %broadcast_in_dim3A_724 = vector.shape_cast %xor3A_723 : vector<16xi32> to vector<16x1xi32>
    %gather3A_725 = vector.shape_cast %broadcast_in_dim3A_724 : vector<16x1xi32> to vector<16xi32>
    %gather3A_726 = tpu.dynamic_gather %min3A_720[%gather3A_725] in [0] : vector<16xi32>, vector<16xi32> -> vector<16xi32>
    %min3A_727 = arith.minsi %min3A_720, %gather3A_726 : vector<16xi32>
    %xor3A_728 = arith.constant 8 : i32
    %xor3A_729 = vector.broadcast %xor3A_728 : i32 to vector<16xi32>
    %xor3A_730 = arith.xori %iota3A, %xor3A_729 : vector<16xi32>
    %broadcast_in_dim3A_731 = vector.shape_cast %xor3A_730 : vector<16xi32> to vector<16x1xi32>
    %gather3A_732 = vector.shape_cast %broadcast_in_dim3A_731 : vector<16x1xi32> to vector<16xi32>
    %gather3A_733 = tpu.dynamic_gather %min3A_727[%gather3A_732] in [0] : vector<16xi32>, vector<16xi32> -> vector<16xi32>
    %min3A_734 = arith.minsi %min3A_727, %gather3A_733 : vector<16xi32>
    %swap3A_735 = arith.constant 48 : index
    %swap3A_736 = tpu.vector_load %arg10[%swap3A_735] {strides = array<i32>} : memref<128xf32, #tpu.memory_space<vmem>>, vector<16xf32>,
    %swap3A_737 = vector.shape_cast %swap3A_736 : vector<16xf32> to vector<16xf32>
    %swap3A_738 = vector.shape_cast %max3A_696 : vector<16xf32> to vector<16xf32>
    tpu.vector_store %arg10[%swap3A_735], %swap3A_738 {strides = array<i32>} : memref<128xf32, #tpu.memory_space<vmem>>, vector<16xf32>,
    %swap3A_739 = arith.constant 48 : index
    %swap3A_740 = tpu.vector_load %arg11[%swap3A_739] {strides = array<i32>} : memref<128xi32, #tpu.memory_space<vmem>>, vector<16xi32>,
    %swap3A_741 = vector.shape_cast %swap3A_740 : vector<16xi32> to vector<16xi32>
    %swap3A_742 = vector.shape_cast %min3A_734 : vector<16xi32> to vector<16xi32>
    tpu.vector_store %arg11[%swap3A_739], %swap3A_742 {strides = array<i32>} : memref<128xi32, #tpu.memory_space<vmem>>, vector<16xi32>,
    %xor3A_743 = arith.constant 1 : i32
    %xor3A_744 = vector.broadcast %xor3A_743 : i32 to vector<16xi32>
    %xor3A_745 = arith.xori %iota3A, %xor3A_744 : vector<16xi32>
    %broadcast_in_dim3A_746 = vector.shape_cast %xor3A_745 : vector<16xi32> to vector<16x1xi32>
    %gather3A_747 = vector.shape_cast %broadcast_in_dim3A_746 : vector<16x1xi32> to vector<16xi32>
    %gather3A_748 = tpu.dynamic_gather %select_n3A_318[%gather3A_747] in [0] : vector<16xf32>, vector<16xi32> -> vector<16xf32>
    %max3A_749 = arith.maximumf %select_n3A_318, %gather3A_748 : vector<16xf32>
    %xor3A_750 = arith.constant 2 : i32
    %xor3A_751 = vector.broadcast %xor3A_750 : i32 to vector<16xi32>
    %xor3A_752 = arith.xori %iota3A, %xor3A_751 : vector<16xi32>
    %broadcast_in_dim3A_753 = vector.shape_cast %xor3A_752 : vector<16xi32> to vector<16x1xi32>
    %gather3A_754 = vector.shape_cast %broadcast_in_dim3A_753 : vector<16x1xi32> to vector<16xi32>
    %gather3A_755 = tpu.dynamic_gather %max3A_749[%gather3A_754] in [0] : vector<16xf32>, vector<16xi32> -> vector<16xf32>
    %max3A_756 = arith.maximumf %max3A_749, %gather3A_755 : vector<16xf32>
    %xor3A_757 = arith.constant 4 : i32
    %xor3A_758 = vector.broadcast %xor3A_757 : i32 to vector<16xi32>
    %xor3A_759 = arith.xori %iota3A, %xor3A_758 : vector<16xi32>
    %broadcast_in_dim3A_760 = vector.shape_cast %xor3A_759 : vector<16xi32> to vector<16x1xi32>
    %gather3A_761 = vector.shape_cast %broadcast_in_dim3A_760 : vector<16x1xi32> to vector<16xi32>
    %gather3A_762 = tpu.dynamic_gather %max3A_756[%gather3A_761] in [0] : vector<16xf32>, vector<16xi32> -> vector<16xf32>
    %max3A_763 = arith.maximumf %max3A_756, %gather3A_762 : vector<16xf32>
    %xor3A_764 = arith.constant 8 : i32
    %xor3A_765 = vector.broadcast %xor3A_764 : i32 to vector<16xi32>
    %xor3A_766 = arith.xori %iota3A, %xor3A_765 : vector<16xi32>
    %broadcast_in_dim3A_767 = vector.shape_cast %xor3A_766 : vector<16xi32> to vector<16x1xi32>
    %gather3A_768 = vector.shape_cast %broadcast_in_dim3A_767 : vector<16x1xi32> to vector<16xi32>
    %gather3A_769 = tpu.dynamic_gather %max3A_763[%gather3A_768] in [0] : vector<16xf32>, vector<16xi32> -> vector<16xf32>
    %max3A_770 = arith.maximumf %max3A_763, %gather3A_769 : vector<16xf32>
    %mul3A_771 = arith.constant 16 : i32
    %mul3A_772 = vector.broadcast %mul3A_771 : i32 to vector<16xi32>
    %mul3A_773 = arith.muli %select_n3A_319, %mul3A_772 : vector<16xi32>
    %add3A_774 = vector.broadcast %multiple_of3A_39 : i32 to vector<16xi32>
    %add3A_775 = arith.addi %add3A_774, %mul3A_773 : vector<16xi32>
    %add3A_776 = arith.addi %add3A_775, %iota3A : vector<16xi32>
    %eq3A_777 = arith.cmpf oeq, %select_n3A_318, %max3A_770 : vector<16xf32>
    %jit3A_778 = arith.constant 2147483647 : i32
    %broadcast_in_dim3A_779 = vector.broadcast %jit3A_778 : i32 to vector<16xi32>
    %select_n3A_780 = arith.select %eq3A_777, %add3A_776, %broadcast_in_dim3A_779 : vector<16xi1>, vector<16xi32>
    %xor3A_781 = arith.constant 1 : i32
    %xor3A_782 = vector.broadcast %xor3A_781 : i32 to vector<16xi32>
    %xor3A_783 = arith.xori %iota3A, %xor3A_782 : vector<16xi32>
    %broadcast_in_dim3A_784 = vector.shape_cast %xor3A_783 : vector<16xi32> to vector<16x1xi32>
    %gather3A_785 = vector.shape_cast %broadcast_in_dim3A_784 : vector<16x1xi32> to vector<16xi32>
    %gather3A_786 = tpu.dynamic_gather %select_n3A_780[%gather3A_785] in [0] : vector<16xi32>, vector<16xi32> -> vector<16xi32>
    %min3A_787 = arith.minsi %select_n3A_780, %gather3A_786 : vector<16xi32>
    %xor3A_788 = arith.constant 2 : i32
    %xor3A_789 = vector.broadcast %xor3A_788 : i32 to vector<16xi32>
    %xor3A_790 = arith.xori %iota3A, %xor3A_789 : vector<16xi32>
    %broadcast_in_dim3A_791 = vector.shape_cast %xor3A_790 : vector<16xi32> to vector<16x1xi32>
    %gather3A_792 = vector.shape_cast %broadcast_in_dim3A_791 : vector<16x1xi32> to vector<16xi32>
    %gather3A_793 = tpu.dynamic_gather %min3A_787[%gather3A_792] in [0] : vector<16xi32>, vector<16xi32> -> vector<16xi32>
    %min3A_794 = arith.minsi %min3A_787, %gather3A_793 : vector<16xi32>
    %xor3A_795 = arith.constant 4 : i32
    %xor3A_796 = vector.broadcast %xor3A_795 : i32 to vector<16xi32>
    %xor3A_797 = arith.xori %iota3A, %xor3A_796 : vector<16xi32>
    %broadcast_in_dim3A_798 = vector.shape_cast %xor3A_797 : vector<16xi32> to vector<16x1xi32>
    %gather3A_799 = vector.shape_cast %broadcast_in_dim3A_798 : vector<16x1xi32> to vector<16xi32>
    %gather3A_800 = tpu.dynamic_gather %min3A_794[%gather3A_799] in [0] : vector<16xi32>, vector<16xi32> -> vector<16xi32>
    %min3A_801 = arith.minsi %min3A_794, %gather3A_800 : vector<16xi32>
    %xor3A_802 = arith.constant 8 : i32
    %xor3A_803 = vector.broadcast %xor3A_802 : i32 to vector<16xi32>
    %xor3A_804 = arith.xori %iota3A, %xor3A_803 : vector<16xi32>
    %broadcast_in_dim3A_805 = vector.shape_cast %xor3A_804 : vector<16xi32> to vector<16x1xi32>
    %gather3A_806 = vector.shape_cast %broadcast_in_dim3A_805 : vector<16x1xi32> to vector<16xi32>
    %gather3A_807 = tpu.dynamic_gather %min3A_801[%gather3A_806] in [0] : vector<16xi32>, vector<16xi32> -> vector<16xi32>
    %min3A_808 = arith.minsi %min3A_801, %gather3A_807 : vector<16xi32>
    %swap3A_809 = arith.constant 64 : index
    %swap3A_810 = tpu.vector_load %arg10[%swap3A_809] {strides = array<i32>} : memref<128xf32, #tpu.memory_space<vmem>>, vector<16xf32>,
    %swap3A_811 = vector.shape_cast %swap3A_810 : vector<16xf32> to vector<16xf32>
    %swap3A_812 = vector.shape_cast %max3A_770 : vector<16xf32> to vector<16xf32>
    tpu.vector_store %arg10[%swap3A_809], %swap3A_812 {strides = array<i32>} : memref<128xf32, #tpu.memory_space<vmem>>, vector<16xf32>,
    %swap3A_813 = arith.constant 64 : index
    %swap3A_814 = tpu.vector_load %arg11[%swap3A_813] {strides = array<i32>} : memref<128xi32, #tpu.memory_space<vmem>>, vector<16xi32>,
    %swap3A_815 = vector.shape_cast %swap3A_814 : vector<16xi32> to vector<16xi32>
    %swap3A_816 = vector.shape_cast %min3A_808 : vector<16xi32> to vector<16xi32>
    tpu.vector_store %arg11[%swap3A_813], %swap3A_816 {strides = array<i32>} : memref<128xi32, #tpu.memory_space<vmem>>, vector<16xi32>,
    %xor3A_817 = arith.constant 1 : i32
    %xor3A_818 = vector.broadcast %xor3A_817 : i32 to vector<16xi32>
    %xor3A_819 = arith.xori %iota3A, %xor3A_818 : vector<16xi32>
    %broadcast_in_dim3A_820 = vector.shape_cast %xor3A_819 : vector<16xi32> to vector<16x1xi32>
    %gather3A_821 = vector.shape_cast %broadcast_in_dim3A_820 : vector<16x1xi32> to vector<16xi32>
    %gather3A_822 = tpu.dynamic_gather %select_n3A_362[%gather3A_821] in [0] : vector<16xf32>, vector<16xi32> -> vector<16xf32>
    %max3A_823 = arith.maximumf %select_n3A_362, %gather3A_822 : vector<16xf32>
    %xor3A_824 = arith.constant 2 : i32
    %xor3A_825 = vector.broadcast %xor3A_824 : i32 to vector<16xi32>
    %xor3A_826 = arith.xori %iota3A, %xor3A_825 : vector<16xi32>
    %broadcast_in_dim3A_827 = vector.shape_cast %xor3A_826 : vector<16xi32> to vector<16x1xi32>
    %gather3A_828 = vector.shape_cast %broadcast_in_dim3A_827 : vector<16x1xi32> to vector<16xi32>
    %gather3A_829 = tpu.dynamic_gather %max3A_823[%gather3A_828] in [0] : vector<16xf32>, vector<16xi32> -> vector<16xf32>
    %max3A_830 = arith.maximumf %max3A_823, %gather3A_829 : vector<16xf32>
    %xor3A_831 = arith.constant 4 : i32
    %xor3A_832 = vector.broadcast %xor3A_831 : i32 to vector<16xi32>
    %xor3A_833 = arith.xori %iota3A, %xor3A_832 : vector<16xi32>
    %broadcast_in_dim3A_834 = vector.shape_cast %xor3A_833 : vector<16xi32> to vector<16x1xi32>
    %gather3A_835 = vector.shape_cast %broadcast_in_dim3A_834 : vector<16x1xi32> to vector<16xi32>
    %gather3A_836 = tpu.dynamic_gather %max3A_830[%gather3A_835] in [0] : vector<16xf32>, vector<16xi32> -> vector<16xf32>
    %max3A_837 = arith.maximumf %max3A_830, %gather3A_836 : vector<16xf32>
    %xor3A_838 = arith.constant 8 : i32
    %xor3A_839 = vector.broadcast %xor3A_838 : i32 to vector<16xi32>
    %xor3A_840 = arith.xori %iota3A, %xor3A_839 : vector<16xi32>
    %broadcast_in_dim3A_841 = vector.shape_cast %xor3A_840 : vector<16xi32> to vector<16x1xi32>
    %gather3A_842 = vector.shape_cast %broadcast_in_dim3A_841 : vector<16x1xi32> to vector<16xi32>
    %gather3A_843 = tpu.dynamic_gather %max3A_837[%gather3A_842] in [0] : vector<16xf32>, vector<16xi32> -> vector<16xf32>
    %max3A_844 = arith.maximumf %max3A_837, %gather3A_843 : vector<16xf32>
    %mul3A_845 = arith.constant 16 : i32
    %mul3A_846 = vector.broadcast %mul3A_845 : i32 to vector<16xi32>
    %mul3A_847 = arith.muli %select_n3A_363, %mul3A_846 : vector<16xi32>
    %add3A_848 = vector.broadcast %multiple_of3A_39 : i32 to vector<16xi32>
    %add3A_849 = arith.addi %add3A_848, %mul3A_847 : vector<16xi32>
    %add3A_850 = arith.addi %add3A_849, %iota3A : vector<16xi32>
    %eq3A_851 = arith.cmpf oeq, %select_n3A_362, %max3A_844 : vector<16xf32>
    %jit3A_852 = arith.constant 2147483647 : i32
    %broadcast_in_dim3A_853 = vector.broadcast %jit3A_852 : i32 to vector<16xi32>
    %select_n3A_854 = arith.select %eq3A_851, %add3A_850, %broadcast_in_dim3A_853 : vector<16xi1>, vector<16xi32>
    %xor3A_855 = arith.constant 1 : i32
    %xor3A_856 = vector.broadcast %xor3A_855 : i32 to vector<16xi32>
    %xor3A_857 = arith.xori %iota3A, %xor3A_856 : vector<16xi32>
    %broadcast_in_dim3A_858 = vector.shape_cast %xor3A_857 : vector<16xi32> to vector<16x1xi32>
    %gather3A_859 = vector.shape_cast %broadcast_in_dim3A_858 : vector<16x1xi32> to vector<16xi32>
    %gather3A_860 = tpu.dynamic_gather %select_n3A_854[%gather3A_859] in [0] : vector<16xi32>, vector<16xi32> -> vector<16xi32>
    %min3A_861 = arith.minsi %select_n3A_854, %gather3A_860 : vector<16xi32>
    %xor3A_862 = arith.constant 2 : i32
    %xor3A_863 = vector.broadcast %xor3A_862 : i32 to vector<16xi32>
    %xor3A_864 = arith.xori %iota3A, %xor3A_863 : vector<16xi32>
    %broadcast_in_dim3A_865 = vector.shape_cast %xor3A_864 : vector<16xi32> to vector<16x1xi32>
    %gather3A_866 = vector.shape_cast %broadcast_in_dim3A_865 : vector<16x1xi32> to vector<16xi32>
    %gather3A_867 = tpu.dynamic_gather %min3A_861[%gather3A_866] in [0] : vector<16xi32>, vector<16xi32> -> vector<16xi32>
    %min3A_868 = arith.minsi %min3A_861, %gather3A_867 : vector<16xi32>
    %xor3A_869 = arith.constant 4 : i32
    %xor3A_870 = vector.broadcast %xor3A_869 : i32 to vector<16xi32>
    %xor3A_871 = arith.xori %iota3A, %xor3A_870 : vector<16xi32>
    %broadcast_in_dim3A_872 = vector.shape_cast %xor3A_871 : vector<16xi32> to vector<16x1xi32>
    %gather3A_873 = vector.shape_cast %broadcast_in_dim3A_872 : vector<16x1xi32> to vector<16xi32>
    %gather3A_874 = tpu.dynamic_gather %min3A_868[%gather3A_873] in [0] : vector<16xi32>, vector<16xi32> -> vector<16xi32>
    %min3A_875 = arith.minsi %min3A_868, %gather3A_874 : vector<16xi32>
    %xor3A_876 = arith.constant 8 : i32
    %xor3A_877 = vector.broadcast %xor3A_876 : i32 to vector<16xi32>
    %xor3A_878 = arith.xori %iota3A, %xor3A_877 : vector<16xi32>
    %broadcast_in_dim3A_879 = vector.shape_cast %xor3A_878 : vector<16xi32> to vector<16x1xi32>
    %gather3A_880 = vector.shape_cast %broadcast_in_dim3A_879 : vector<16x1xi32> to vector<16xi32>
    %gather3A_881 = tpu.dynamic_gather %min3A_875[%gather3A_880] in [0] : vector<16xi32>, vector<16xi32> -> vector<16xi32>
    %min3A_882 = arith.minsi %min3A_875, %gather3A_881 : vector<16xi32>
    %swap3A_883 = arith.constant 80 : index
    %swap3A_884 = tpu.vector_load %arg10[%swap3A_883] {strides = array<i32>} : memref<128xf32, #tpu.memory_space<vmem>>, vector<16xf32>,
    %swap3A_885 = vector.shape_cast %swap3A_884 : vector<16xf32> to vector<16xf32>
    %swap3A_886 = vector.shape_cast %max3A_844 : vector<16xf32> to vector<16xf32>
    tpu.vector_store %arg10[%swap3A_883], %swap3A_886 {strides = array<i32>} : memref<128xf32, #tpu.memory_space<vmem>>, vector<16xf32>,
    %swap3A_887 = arith.constant 80 : index
    %swap3A_888 = tpu.vector_load %arg11[%swap3A_887] {strides = array<i32>} : memref<128xi32, #tpu.memory_space<vmem>>, vector<16xi32>,
    %swap3A_889 = vector.shape_cast %swap3A_888 : vector<16xi32> to vector<16xi32>
    %swap3A_890 = vector.shape_cast %min3A_882 : vector<16xi32> to vector<16xi32>
    tpu.vector_store %arg11[%swap3A_887], %swap3A_890 {strides = array<i32>} : memref<128xi32, #tpu.memory_space<vmem>>, vector<16xi32>,
    %xor3A_891 = arith.constant 1 : i32
    %xor3A_892 = vector.broadcast %xor3A_891 : i32 to vector<16xi32>
    %xor3A_893 = arith.xori %iota3A, %xor3A_892 : vector<16xi32>
    %broadcast_in_dim3A_894 = vector.shape_cast %xor3A_893 : vector<16xi32> to vector<16x1xi32>
    %gather3A_895 = vector.shape_cast %broadcast_in_dim3A_894 : vector<16x1xi32> to vector<16xi32>
    %gather3A_896 = tpu.dynamic_gather %select_n3A_406[%gather3A_895] in [0] : vector<16xf32>, vector<16xi32> -> vector<16xf32>
    %max3A_897 = arith.maximumf %select_n3A_406, %gather3A_896 : vector<16xf32>
    %xor3A_898 = arith.constant 2 : i32
    %xor3A_899 = vector.broadcast %xor3A_898 : i32 to vector<16xi32>
    %xor3A_900 = arith.xori %iota3A, %xor3A_899 : vector<16xi32>
    %broadcast_in_dim3A_901 = vector.shape_cast %xor3A_900 : vector<16xi32> to vector<16x1xi32>
    %gather3A_902 = vector.shape_cast %broadcast_in_dim3A_901 : vector<16x1xi32> to vector<16xi32>
    %gather3A_903 = tpu.dynamic_gather %max3A_897[%gather3A_902] in [0] : vector<16xf32>, vector<16xi32> -> vector<16xf32>
    %max3A_904 = arith.maximumf %max3A_897, %gather3A_903 : vector<16xf32>
    %xor3A_905 = arith.constant 4 : i32
    %xor3A_906 = vector.broadcast %xor3A_905 : i32 to vector<16xi32>
    %xor3A_907 = arith.xori %iota3A, %xor3A_906 : vector<16xi32>
    %broadcast_in_dim3A_908 = vector.shape_cast %xor3A_907 : vector<16xi32> to vector<16x1xi32>
    %gather3A_909 = vector.shape_cast %broadcast_in_dim3A_908 : vector<16x1xi32> to vector<16xi32>
    %gather3A_910 = tpu.dynamic_gather %max3A_904[%gather3A_909] in [0] : vector<16xf32>, vector<16xi32> -> vector<16xf32>
    %max3A_911 = arith.maximumf %max3A_904, %gather3A_910 : vector<16xf32>
    %xor3A_912 = arith.constant 8 : i32
    %xor3A_913 = vector.broadcast %xor3A_912 : i32 to vector<16xi32>
    %xor3A_914 = arith.xori %iota3A, %xor3A_913 : vector<16xi32>
    %broadcast_in_dim3A_915 = vector.shape_cast %xor3A_914 : vector<16xi32> to vector<16x1xi32>
    %gather3A_916 = vector.shape_cast %broadcast_in_dim3A_915 : vector<16x1xi32> to vector<16xi32>
    %gather3A_917 = tpu.dynamic_gather %max3A_911[%gather3A_916] in [0] : vector<16xf32>, vector<16xi32> -> vector<16xf32>
    %max3A_918 = arith.maximumf %max3A_911, %gather3A_917 : vector<16xf32>
    %mul3A_919 = arith.constant 16 : i32
    %mul3A_920 = vector.broadcast %mul3A_919 : i32 to vector<16xi32>
    %mul3A_921 = arith.muli %select_n3A_407, %mul3A_920 : vector<16xi32>
    %add3A_922 = vector.broadcast %multiple_of3A_39 : i32 to vector<16xi32>
    %add3A_923 = arith.addi %add3A_922, %mul3A_921 : vector<16xi32>
    %add3A_924 = arith.addi %add3A_923, %iota3A : vector<16xi32>
    %eq3A_925 = arith.cmpf oeq, %select_n3A_406, %max3A_918 : vector<16xf32>
    %jit3A_926 = arith.constant 2147483647 : i32
    %broadcast_in_dim3A_927 = vector.broadcast %jit3A_926 : i32 to vector<16xi32>
    %select_n3A_928 = arith.select %eq3A_925, %add3A_924, %broadcast_in_dim3A_927 : vector<16xi1>, vector<16xi32>
    %xor3A_929 = arith.constant 1 : i32
    %xor3A_930 = vector.broadcast %xor3A_929 : i32 to vector<16xi32>
    %xor3A_931 = arith.xori %iota3A, %xor3A_930 : vector<16xi32>
    %broadcast_in_dim3A_932 = vector.shape_cast %xor3A_931 : vector<16xi32> to vector<16x1xi32>
    %gather3A_933 = vector.shape_cast %broadcast_in_dim3A_932 : vector<16x1xi32> to vector<16xi32>
    %gather3A_934 = tpu.dynamic_gather %select_n3A_928[%gather3A_933] in [0] : vector<16xi32>, vector<16xi32> -> vector<16xi32>
    %min3A_935 = arith.minsi %select_n3A_928, %gather3A_934 : vector<16xi32>
    %xor3A_936 = arith.constant 2 : i32
    %xor3A_937 = vector.broadcast %xor3A_936 : i32 to vector<16xi32>
    %xor3A_938 = arith.xori %iota3A, %xor3A_937 : vector<16xi32>
    %broadcast_in_dim3A_939 = vector.shape_cast %xor3A_938 : vector<16xi32> to vector<16x1xi32>
    %gather3A_940 = vector.shape_cast %broadcast_in_dim3A_939 : vector<16x1xi32> to vector<16xi32>
    %gather3A_941 = tpu.dynamic_gather %min3A_935[%gather3A_940] in [0] : vector<16xi32>, vector<16xi32> -> vector<16xi32>
    %min3A_942 = arith.minsi %min3A_935, %gather3A_941 : vector<16xi32>
    %xor3A_943 = arith.constant 4 : i32
    %xor3A_944 = vector.broadcast %xor3A_943 : i32 to vector<16xi32>
    %xor3A_945 = arith.xori %iota3A, %xor3A_944 : vector<16xi32>
    %broadcast_in_dim3A_946 = vector.shape_cast %xor3A_945 : vector<16xi32> to vector<16x1xi32>
    %gather3A_947 = vector.shape_cast %broadcast_in_dim3A_946 : vector<16x1xi32> to vector<16xi32>
    %gather3A_948 = tpu.dynamic_gather %min3A_942[%gather3A_947] in [0] : vector<16xi32>, vector<16xi32> -> vector<16xi32>
    %min3A_949 = arith.minsi %min3A_942, %gather3A_948 : vector<16xi32>
    %xor3A_950 = arith.constant 8 : i32
    %xor3A_951 = vector.broadcast %xor3A_950 : i32 to vector<16xi32>
    %xor3A_952 = arith.xori %iota3A, %xor3A_951 : vector<16xi32>
    %broadcast_in_dim3A_953 = vector.shape_cast %xor3A_952 : vector<16xi32> to vector<16x1xi32>
    %gather3A_954 = vector.shape_cast %broadcast_in_dim3A_953 : vector<16x1xi32> to vector<16xi32>
    %gather3A_955 = tpu.dynamic_gather %min3A_949[%gather3A_954] in [0] : vector<16xi32>, vector<16xi32> -> vector<16xi32>
    %min3A_956 = arith.minsi %min3A_949, %gather3A_955 : vector<16xi32>
    %swap3A_957 = arith.constant 96 : index
    %swap3A_958 = tpu.vector_load %arg10[%swap3A_957] {strides = array<i32>} : memref<128xf32, #tpu.memory_space<vmem>>, vector<16xf32>,
    %swap3A_959 = vector.shape_cast %swap3A_958 : vector<16xf32> to vector<16xf32>
    %swap3A_960 = vector.shape_cast %max3A_918 : vector<16xf32> to vector<16xf32>
    tpu.vector_store %arg10[%swap3A_957], %swap3A_960 {strides = array<i32>} : memref<128xf32, #tpu.memory_space<vmem>>, vector<16xf32>,
    %swap3A_961 = arith.constant 96 : index
    %swap3A_962 = tpu.vector_load %arg11[%swap3A_961] {strides = array<i32>} : memref<128xi32, #tpu.memory_space<vmem>>, vector<16xi32>,
    %swap3A_963 = vector.shape_cast %swap3A_962 : vector<16xi32> to vector<16xi32>
    %swap3A_964 = vector.shape_cast %min3A_956 : vector<16xi32> to vector<16xi32>
    tpu.vector_store %arg11[%swap3A_961], %swap3A_964 {strides = array<i32>} : memref<128xi32, #tpu.memory_space<vmem>>, vector<16xi32>,
    %xor3A_965 = arith.constant 1 : i32
    %xor3A_966 = vector.broadcast %xor3A_965 : i32 to vector<16xi32>
    %xor3A_967 = arith.xori %iota3A, %xor3A_966 : vector<16xi32>
    %broadcast_in_dim3A_968 = vector.shape_cast %xor3A_967 : vector<16xi32> to vector<16x1xi32>
    %gather3A_969 = vector.shape_cast %broadcast_in_dim3A_968 : vector<16x1xi32> to vector<16xi32>
    %gather3A_970 = tpu.dynamic_gather %select_n3A_450[%gather3A_969] in [0] : vector<16xf32>, vector<16xi32> -> vector<16xf32>
    %max3A_971 = arith.maximumf %select_n3A_450, %gather3A_970 : vector<16xf32>
    %xor3A_972 = arith.constant 2 : i32
    %xor3A_973 = vector.broadcast %xor3A_972 : i32 to vector<16xi32>
    %xor3A_974 = arith.xori %iota3A, %xor3A_973 : vector<16xi32>
    %broadcast_in_dim3A_975 = vector.shape_cast %xor3A_974 : vector<16xi32> to vector<16x1xi32>
    %gather3A_976 = vector.shape_cast %broadcast_in_dim3A_975 : vector<16x1xi32> to vector<16xi32>
    %gather3A_977 = tpu.dynamic_gather %max3A_971[%gather3A_976] in [0] : vector<16xf32>, vector<16xi32> -> vector<16xf32>
    %max3A_978 = arith.maximumf %max3A_971, %gather3A_977 : vector<16xf32>
    %xor3A_979 = arith.constant 4 : i32
    %xor3A_980 = vector.broadcast %xor3A_979 : i32 to vector<16xi32>
    %xor3A_981 = arith.xori %iota3A, %xor3A_980 : vector<16xi32>
    %broadcast_in_dim3A_982 = vector.shape_cast %xor3A_981 : vector<16xi32> to vector<16x1xi32>
    %gather3A_983 = vector.shape_cast %broadcast_in_dim3A_982 : vector<16x1xi32> to vector<16xi32>
    %gather3A_984 = tpu.dynamic_gather %max3A_978[%gather3A_983] in [0] : vector<16xf32>, vector<16xi32> -> vector<16xf32>
    %max3A_985 = arith.maximumf %max3A_978, %gather3A_984 : vector<16xf32>
    %xor3A_986 = arith.constant 8 : i32
    %xor3A_987 = vector.broadcast %xor3A_986 : i32 to vector<16xi32>
    %xor3A_988 = arith.xori %iota3A, %xor3A_987 : vector<16xi32>
    %broadcast_in_dim3A_989 = vector.shape_cast %xor3A_988 : vector<16xi32> to vector<16x1xi32>
    %gather3A_990 = vector.shape_cast %broadcast_in_dim3A_989 : vector<16x1xi32> to vector<16xi32>
    %gather3A_991 = tpu.dynamic_gather %max3A_985[%gather3A_990] in [0] : vector<16xf32>, vector<16xi32> -> vector<16xf32>
    %max3A_992 = arith.maximumf %max3A_985, %gather3A_991 : vector<16xf32>
    %mul3A_993 = arith.constant 16 : i32
    %mul3A_994 = vector.broadcast %mul3A_993 : i32 to vector<16xi32>
    %mul3A_995 = arith.muli %select_n3A_451, %mul3A_994 : vector<16xi32>
    %add3A_996 = vector.broadcast %multiple_of3A_39 : i32 to vector<16xi32>
    %add3A_997 = arith.addi %add3A_996, %mul3A_995 : vector<16xi32>
    %add3A_998 = arith.addi %add3A_997, %iota3A : vector<16xi32>
    %eq3A_999 = arith.cmpf oeq, %select_n3A_450, %max3A_992 : vector<16xf32>
    %jit3A_1000 = arith.constant 2147483647 : i32
    %broadcast_in_dim3A_1001 = vector.broadcast %jit3A_1000 : i32 to vector<16xi32>
    %select_n3A_1002 = arith.select %eq3A_999, %add3A_998, %broadcast_in_dim3A_1001 : vector<16xi1>, vector<16xi32>
    %xor3A_1003 = arith.constant 1 : i32
    %xor3A_1004 = vector.broadcast %xor3A_1003 : i32 to vector<16xi32>
    %xor3A_1005 = arith.xori %iota3A, %xor3A_1004 : vector<16xi32>
    %broadcast_in_dim3A_1006 = vector.shape_cast %xor3A_1005 : vector<16xi32> to vector<16x1xi32>
    %gather3A_1007 = vector.shape_cast %broadcast_in_dim3A_1006 : vector<16x1xi32> to vector<16xi32>
    %gather3A_1008 = tpu.dynamic_gather %select_n3A_1002[%gather3A_1007] in [0] : vector<16xi32>, vector<16xi32> -> vector<16xi32>
    %min3A_1009 = arith.minsi %select_n3A_1002, %gather3A_1008 : vector<16xi32>
    %xor3A_1010 = arith.constant 2 : i32
    %xor3A_1011 = vector.broadcast %xor3A_1010 : i32 to vector<16xi32>
    %xor3A_1012 = arith.xori %iota3A, %xor3A_1011 : vector<16xi32>
    %broadcast_in_dim3A_1013 = vector.shape_cast %xor3A_1012 : vector<16xi32> to vector<16x1xi32>
    %gather3A_1014 = vector.shape_cast %broadcast_in_dim3A_1013 : vector<16x1xi32> to vector<16xi32>
    %gather3A_1015 = tpu.dynamic_gather %min3A_1009[%gather3A_1014] in [0] : vector<16xi32>, vector<16xi32> -> vector<16xi32>
    %min3A_1016 = arith.minsi %min3A_1009, %gather3A_1015 : vector<16xi32>
    %xor3A_1017 = arith.constant 4 : i32
    %xor3A_1018 = vector.broadcast %xor3A_1017 : i32 to vector<16xi32>
    %xor3A_1019 = arith.xori %iota3A, %xor3A_1018 : vector<16xi32>
    %broadcast_in_dim3A_1020 = vector.shape_cast %xor3A_1019 : vector<16xi32> to vector<16x1xi32>
    %gather3A_1021 = vector.shape_cast %broadcast_in_dim3A_1020 : vector<16x1xi32> to vector<16xi32>
    %gather3A_1022 = tpu.dynamic_gather %min3A_1016[%gather3A_1021] in [0] : vector<16xi32>, vector<16xi32> -> vector<16xi32>
    %min3A_1023 = arith.minsi %min3A_1016, %gather3A_1022 : vector<16xi32>
    %xor3A_1024 = arith.constant 8 : i32
    %xor3A_1025 = vector.broadcast %xor3A_1024 : i32 to vector<16xi32>
    %xor3A_1026 = arith.xori %iota3A, %xor3A_1025 : vector<16xi32>
    %broadcast_in_dim3A_1027 = vector.shape_cast %xor3A_1026 : vector<16xi32> to vector<16x1xi32>
    %gather3A_1028 = vector.shape_cast %broadcast_in_dim3A_1027 : vector<16x1xi32> to vector<16xi32>
    %gather3A_1029 = tpu.dynamic_gather %min3A_1023[%gather3A_1028] in [0] : vector<16xi32>, vector<16xi32> -> vector<16xi32>
    %min3A_1030 = arith.minsi %min3A_1023, %gather3A_1029 : vector<16xi32>
    %swap3A_1031 = arith.constant 112 : index
    %swap3A_1032 = tpu.vector_load %arg10[%swap3A_1031] {strides = array<i32>} : memref<128xf32, #tpu.memory_space<vmem>>, vector<16xf32>,
    %swap3A_1033 = vector.shape_cast %swap3A_1032 : vector<16xf32> to vector<16xf32>
    %swap3A_1034 = vector.shape_cast %max3A_992 : vector<16xf32> to vector<16xf32>
    tpu.vector_store %arg10[%swap3A_1031], %swap3A_1034 {strides = array<i32>} : memref<128xf32, #tpu.memory_space<vmem>>, vector<16xf32>,
    %swap3A_1035 = arith.constant 112 : index
    %swap3A_1036 = tpu.vector_load %arg11[%swap3A_1035] {strides = array<i32>} : memref<128xi32, #tpu.memory_space<vmem>>, vector<16xi32>,
    %swap3A_1037 = vector.shape_cast %swap3A_1036 : vector<16xi32> to vector<16xi32>
    %swap3A_1038 = vector.shape_cast %min3A_1030 : vector<16xi32> to vector<16xi32>
    tpu.vector_store %arg11[%swap3A_1035], %swap3A_1038 {strides = array<i32>} : memref<128xi32, #tpu.memory_space<vmem>>, vector<16xi32>,
    %mul3A_1039 = arith.constant 4 : i32
    %mul3A_1040 = arith.muli %select_n3A, %mul3A_1039 : i32
    %add3A_1041 = arith.addi %mul3A_1040, %select_n3A_30 : i32
    %mul3A_1042 = arith.constant 8 : i32
    %mul3A_1043 = arith.muli %add3A_1041, %mul3A_1042 : i32
    %mul3A_1044 = arith.constant 16 : i32
    %mul3A_1045 = arith.muli %mul3A_1043, %mul3A_1044 : i32
    %multiple_of3A_1046 = tpu.assume_multiple %mul3A_1045, 16 : i32
    "tpu.region"() ({
      %run_scoped3A = tpu.sem_alloc : memref<!tpu.dma_semaphore, #tpu.memory_space<semaphore_mem>>
      %dma_start3A_1050 = tpu.memref_slice %arg5[%multiple_of3A_1046] : memref<4096xf32, #tpu.memory_space<hbm>> -> memref<128xf32, #tpu.memory_space<hbm>>
      %dma_start3A_1051 = tpu.memref_slice %arg5[%multiple_of3A_1046] : memref<4096xf32, #tpu.memory_space<hbm>> -> memref<128xf32, #tpu.memory_space<hbm>>
      tpu.enqueue_dma source(%arg10 : memref<128xf32, #tpu.memory_space<vmem>>) target(%dma_start3A_1051 : memref<128xf32, #tpu.memory_space<hbm>>) target_semaphore(%run_scoped3A : memref<!tpu.dma_semaphore, #tpu.memory_space<semaphore_mem>>)
      %dma_wait3A_1052 = tpu.memref_slice %arg5[%multiple_of3A_1046] : memref<4096xf32, #tpu.memory_space<hbm>> -> memref<128xf32, #tpu.memory_space<hbm>>
      %dma_wait3A_1053 = tpu.memref_slice %arg5[%multiple_of3A_1046] : memref<4096xf32, #tpu.memory_space<hbm>> -> memref<128xf32, #tpu.memory_space<hbm>>
      tpu.wait_dma2 semaphore(%run_scoped3A : memref<!tpu.dma_semaphore, #tpu.memory_space<semaphore_mem>>) src(%arg10 : memref<128xf32, #tpu.memory_space<vmem>>) dst(%dma_wait3A_1053 : memref<128xf32, #tpu.memory_space<hbm>>)
      tpu.yield
    }) : () -> ()
    "tpu.region"() ({
      %run_scoped3A = tpu.sem_alloc : memref<!tpu.dma_semaphore, #tpu.memory_space<semaphore_mem>>
      %dma_start3A_1050 = tpu.memref_slice %arg6[%multiple_of3A_1046] : memref<4096xi32, #tpu.memory_space<hbm>> -> memref<128xi32, #tpu.memory_space<hbm>>
      %dma_start3A_1051 = tpu.memref_slice %arg6[%multiple_of3A_1046] : memref<4096xi32, #tpu.memory_space<hbm>> -> memref<128xi32, #tpu.memory_space<hbm>>
      tpu.enqueue_dma source(%arg11 : memref<128xi32, #tpu.memory_space<vmem>>) target(%dma_start3A_1051 : memref<128xi32, #tpu.memory_space<hbm>>) target_semaphore(%run_scoped3A : memref<!tpu.dma_semaphore, #tpu.memory_space<semaphore_mem>>)
      %dma_wait3A_1052 = tpu.memref_slice %arg6[%multiple_of3A_1046] : memref<4096xi32, #tpu.memory_space<hbm>> -> memref<128xi32, #tpu.memory_space<hbm>>
      %dma_wait3A_1053 = tpu.memref_slice %arg6[%multiple_of3A_1046] : memref<4096xi32, #tpu.memory_space<hbm>> -> memref<128xi32, #tpu.memory_space<hbm>>
      tpu.wait_dma2 semaphore(%run_scoped3A : memref<!tpu.dma_semaphore, #tpu.memory_space<semaphore_mem>>) src(%arg11 : memref<128xi32, #tpu.memory_space<vmem>>) dst(%dma_wait3A_1053 : memref<128xi32, #tpu.memory_space<hbm>>)
      tpu.yield
    }) : () -> ()
    %barrier3A = arith.constant 0 : index
    tpu.barrier barrier_id(%barrier3A)
    %eq3A_1047 = arith.constant 0 : i32
    %eq3A_1048 = arith.cmpi eq, %select_n3A_30, %eq3A_1047 : i32
    %convert_element_type3A = arith.extui %eq3A_1048 : i1 to i32
    %cond3A = arith.constant 0 : i32
    %cond3A_1049 = arith.cmpi ne, %convert_element_type3A, %cond3A : i32
    scf.if %cond3A_1049 {
      %mul3A_1050 = arith.constant 4 : i32
      %mul3A_1051 = arith.muli %select_n3A, %mul3A_1050 : i32
      %mul3A_1052 = arith.constant 8 : i32
      %mul3A_1053 = arith.muli %mul3A_1051, %mul3A_1052 : i32
      %mul3A_1054 = arith.constant 16 : i32
      %mul3A_1055 = arith.muli %mul3A_1053, %mul3A_1054 : i32
      %multiple_of3A_1056 = tpu.assume_multiple %mul3A_1055, 16 : i32
      "tpu.region"() ({
        %run_scoped3A = tpu.sem_alloc : memref<!tpu.dma_semaphore, #tpu.memory_space<semaphore_mem>>
        %dma_start3A_1560 = tpu.memref_slice %arg5[%multiple_of3A_1056] : memref<4096xf32, #tpu.memory_space<hbm>> -> memref<512xf32, #tpu.memory_space<hbm>>
        %dma_start3A_1561 = tpu.memref_slice %arg5[%multiple_of3A_1056] : memref<4096xf32, #tpu.memory_space<hbm>> -> memref<512xf32, #tpu.memory_space<hbm>>
        tpu.enqueue_dma source(%dma_start3A_1561 : memref<512xf32, #tpu.memory_space<hbm>>) target(%arg12 : memref<512xf32, #tpu.memory_space<vmem>>) target_semaphore(%run_scoped3A : memref<!tpu.dma_semaphore, #tpu.memory_space<semaphore_mem>>)
        %dma_wait3A_1562 = tpu.memref_slice %arg5[%multiple_of3A_1056] : memref<4096xf32, #tpu.memory_space<hbm>> -> memref<512xf32, #tpu.memory_space<hbm>>
        %dma_wait3A_1563 = tpu.memref_slice %arg5[%multiple_of3A_1056] : memref<4096xf32, #tpu.memory_space<hbm>> -> memref<512xf32, #tpu.memory_space<hbm>>
        tpu.wait_dma2 semaphore(%run_scoped3A : memref<!tpu.dma_semaphore, #tpu.memory_space<semaphore_mem>>) src(%dma_wait3A_1563 : memref<512xf32, #tpu.memory_space<hbm>>) dst(%arg12 : memref<512xf32, #tpu.memory_space<vmem>>)
        tpu.yield
      }) : () -> ()
      "tpu.region"() ({
        %run_scoped3A = tpu.sem_alloc : memref<!tpu.dma_semaphore, #tpu.memory_space<semaphore_mem>>
        %dma_start3A_1560 = tpu.memref_slice %arg6[%multiple_of3A_1056] : memref<4096xi32, #tpu.memory_space<hbm>> -> memref<512xi32, #tpu.memory_space<hbm>>
        %dma_start3A_1561 = tpu.memref_slice %arg6[%multiple_of3A_1056] : memref<4096xi32, #tpu.memory_space<hbm>> -> memref<512xi32, #tpu.memory_space<hbm>>
        tpu.enqueue_dma source(%dma_start3A_1561 : memref<512xi32, #tpu.memory_space<hbm>>) target(%arg13 : memref<512xi32, #tpu.memory_space<vmem>>) target_semaphore(%run_scoped3A : memref<!tpu.dma_semaphore, #tpu.memory_space<semaphore_mem>>)
        %dma_wait3A_1562 = tpu.memref_slice %arg6[%multiple_of3A_1056] : memref<4096xi32, #tpu.memory_space<hbm>> -> memref<512xi32, #tpu.memory_space<hbm>>
        %dma_wait3A_1563 = tpu.memref_slice %arg6[%multiple_of3A_1056] : memref<4096xi32, #tpu.memory_space<hbm>> -> memref<512xi32, #tpu.memory_space<hbm>>
        tpu.wait_dma2 semaphore(%run_scoped3A : memref<!tpu.dma_semaphore, #tpu.memory_space<semaphore_mem>>) src(%dma_wait3A_1563 : memref<512xi32, #tpu.memory_space<hbm>>) dst(%arg13 : memref<512xi32, #tpu.memory_space<vmem>>)
        tpu.yield
      }) : () -> ()
      %get3A_1057 = arith.constant 0 : index
      %get3A_1058 = tpu.vector_load %arg12[%get3A_1057] {strides = array<i32>} : memref<512xf32, #tpu.memory_space<vmem>>, vector<16xf32>,
      %get3A_1059 = vector.shape_cast %get3A_1058 : vector<16xf32> to vector<16xf32>
      %get3A_1060 = arith.constant 0 : index
      %get3A_1061 = tpu.vector_load %arg13[%get3A_1060] {strides = array<i32>} : memref<512xi32, #tpu.memory_space<vmem>>, vector<16xi32>,
      %get3A_1062 = vector.shape_cast %get3A_1061 : vector<16xi32> to vector<16xi32>
      %get3A_1063 = arith.constant 128 : index
      %get3A_1064 = tpu.vector_load %arg12[%get3A_1063] {strides = array<i32>} : memref<512xf32, #tpu.memory_space<vmem>>, vector<16xf32>,
      %get3A_1065 = vector.shape_cast %get3A_1064 : vector<16xf32> to vector<16xf32>
      %get3A_1066 = arith.constant 128 : index
      %get3A_1067 = tpu.vector_load %arg13[%get3A_1066] {strides = array<i32>} : memref<512xi32, #tpu.memory_space<vmem>>, vector<16xi32>,
      %get3A_1068 = vector.shape_cast %get3A_1067 : vector<16xi32> to vector<16xi32>
      %gt3A_1069 = arith.cmpf ogt, %get3A_1065, %get3A_1059 : vector<16xf32>
      %eq3A_1070 = arith.cmpf oeq, %get3A_1065, %get3A_1059 : vector<16xf32>
      %lt3A_1071 = arith.cmpi slt, %get3A_1068, %get3A_1062 : vector<16xi32>
      %and3A_1072 = arith.andi %eq3A_1070, %lt3A_1071 : vector<16xi1>
      %or3A = arith.ori %gt3A_1069, %and3A_1072 : vector<16xi1>
      %select_n3A_1073 = arith.select %or3A, %get3A_1065, %get3A_1059 : vector<16xi1>, vector<16xf32>
      %select_n3A_1074 = arith.select %or3A, %get3A_1068, %get3A_1062 : vector<16xi1>, vector<16xi32>
      %get3A_1075 = arith.constant 256 : index
      %get3A_1076 = tpu.vector_load %arg12[%get3A_1075] {strides = array<i32>} : memref<512xf32, #tpu.memory_space<vmem>>, vector<16xf32>,
      %get3A_1077 = vector.shape_cast %get3A_1076 : vector<16xf32> to vector<16xf32>
      %get3A_1078 = arith.constant 256 : index
      %get3A_1079 = tpu.vector_load %arg13[%get3A_1078] {strides = array<i32>} : memref<512xi32, #tpu.memory_space<vmem>>, vector<16xi32>,
      %get3A_1080 = vector.shape_cast %get3A_1079 : vector<16xi32> to vector<16xi32>
      %gt3A_1081 = arith.cmpf ogt, %get3A_1077, %select_n3A_1073 : vector<16xf32>
      %eq3A_1082 = arith.cmpf oeq, %get3A_1077, %select_n3A_1073 : vector<16xf32>
      %lt3A_1083 = arith.cmpi slt, %get3A_1080, %select_n3A_1074 : vector<16xi32>
      %and3A_1084 = arith.andi %eq3A_1082, %lt3A_1083 : vector<16xi1>
      %or3A_1085 = arith.ori %gt3A_1081, %and3A_1084 : vector<16xi1>
      %select_n3A_1086 = arith.select %or3A_1085, %get3A_1077, %select_n3A_1073 : vector<16xi1>, vector<16xf32>
      %select_n3A_1087 = arith.select %or3A_1085, %get3A_1080, %select_n3A_1074 : vector<16xi1>, vector<16xi32>
      %get3A_1088 = arith.constant 384 : index
      %get3A_1089 = tpu.vector_load %arg12[%get3A_1088] {strides = array<i32>} : memref<512xf32, #tpu.memory_space<vmem>>, vector<16xf32>,
      %get3A_1090 = vector.shape_cast %get3A_1089 : vector<16xf32> to vector<16xf32>
      %get3A_1091 = arith.constant 384 : index
      %get3A_1092 = tpu.vector_load %arg13[%get3A_1091] {strides = array<i32>} : memref<512xi32, #tpu.memory_space<vmem>>, vector<16xi32>,
      %get3A_1093 = vector.shape_cast %get3A_1092 : vector<16xi32> to vector<16xi32>
      %gt3A_1094 = arith.cmpf ogt, %get3A_1090, %select_n3A_1086 : vector<16xf32>
      %eq3A_1095 = arith.cmpf oeq, %get3A_1090, %select_n3A_1086 : vector<16xf32>
      %lt3A_1096 = arith.cmpi slt, %get3A_1093, %select_n3A_1087 : vector<16xi32>
      %and3A_1097 = arith.andi %eq3A_1095, %lt3A_1096 : vector<16xi1>
      %or3A_1098 = arith.ori %gt3A_1094, %and3A_1097 : vector<16xi1>
      %select_n3A_1099 = arith.select %or3A_1098, %get3A_1090, %select_n3A_1086 : vector<16xi1>, vector<16xf32>
      %select_n3A_1100 = arith.select %or3A_1098, %get3A_1093, %select_n3A_1087 : vector<16xi1>, vector<16xi32>
      %swap3A_1101 = arith.constant 0 : index
      %swap3A_1102 = tpu.vector_load %arg14[%swap3A_1101] {strides = array<i32>} : memref<16xi32, #tpu.memory_space<vmem>>, vector<16xi32>,
      %swap3A_1103 = vector.shape_cast %swap3A_1102 : vector<16xi32> to vector<16xi32>
      %swap3A_1104 = vector.shape_cast %select_n3A_1100 : vector<16xi32> to vector<16xi32>
      tpu.vector_store %arg14[%swap3A_1101], %swap3A_1104 {strides = array<i32>} : memref<16xi32, #tpu.memory_space<vmem>>, vector<16xi32>,
      %swap3A_1105 = arith.constant 0 : index
      %swap3A_1106 = tpu.vector_load %arg15[%swap3A_1105] {strides = array<i32>} : memref<16xf32, #tpu.memory_space<vmem>>, vector<16xf32>,
      %swap3A_1107 = vector.shape_cast %swap3A_1106 : vector<16xf32> to vector<16xf32>
      %swap3A_1108 = vector.shape_cast %select_n3A_1099 : vector<16xf32> to vector<16xf32>
      tpu.vector_store %arg15[%swap3A_1105], %swap3A_1108 {strides = array<i32>} : memref<16xf32, #tpu.memory_space<vmem>>, vector<16xf32>,
      %mul3A_1109 = arith.constant 8 : i32
      %mul3A_1110 = arith.muli %select_n3A, %mul3A_1109 : i32
      %add3A_1111 = arith.constant 0 : i32
      %add3A_1112 = arith.addi %mul3A_1110, %add3A_1111 : i32
      %mul3A_1113 = arith.constant 16 : i32
      %mul3A_1114 = arith.muli %add3A_1112, %mul3A_1113 : i32
      %multiple_of3A_1115 = tpu.assume_multiple %mul3A_1114, 16 : i32
      "tpu.region"() ({
        %run_scoped3A = tpu.sem_alloc : memref<!tpu.dma_semaphore, #tpu.memory_space<semaphore_mem>>
        %dma_start3A_1560 = tpu.memref_slice %arg3[%multiple_of3A_1115] : memref<1024xi32, #tpu.memory_space<hbm>> -> memref<16xi32, #tpu.memory_space<hbm>>
        %dma_start3A_1561 = tpu.memref_slice %arg3[%multiple_of3A_1115] : memref<1024xi32, #tpu.memory_space<hbm>> -> memref<16xi32, #tpu.memory_space<hbm>>
        tpu.enqueue_dma source(%arg14 : memref<16xi32, #tpu.memory_space<vmem>>) target(%dma_start3A_1561 : memref<16xi32, #tpu.memory_space<hbm>>) target_semaphore(%run_scoped3A : memref<!tpu.dma_semaphore, #tpu.memory_space<semaphore_mem>>)
        %dma_wait3A_1562 = tpu.memref_slice %arg3[%multiple_of3A_1115] : memref<1024xi32, #tpu.memory_space<hbm>> -> memref<16xi32, #tpu.memory_space<hbm>>
        %dma_wait3A_1563 = tpu.memref_slice %arg3[%multiple_of3A_1115] : memref<1024xi32, #tpu.memory_space<hbm>> -> memref<16xi32, #tpu.memory_space<hbm>>
        tpu.wait_dma2 semaphore(%run_scoped3A : memref<!tpu.dma_semaphore, #tpu.memory_space<semaphore_mem>>) src(%arg14 : memref<16xi32, #tpu.memory_space<vmem>>) dst(%dma_wait3A_1563 : memref<16xi32, #tpu.memory_space<hbm>>)
        tpu.yield
      }) : () -> ()
      %mul3A_1116 = arith.constant 16 : i32
      %mul3A_1117 = arith.muli %add3A_1112, %mul3A_1116 : i32
      %multiple_of3A_1118 = tpu.assume_multiple %mul3A_1117, 16 : i32
      "tpu.region"() ({
        %run_scoped3A = tpu.sem_alloc : memref<!tpu.dma_semaphore, #tpu.memory_space<semaphore_mem>>
        %dma_start3A_1560 = tpu.memref_slice %arg4[%multiple_of3A_1118] : memref<1024xf32, #tpu.memory_space<hbm>> -> memref<16xf32, #tpu.memory_space<hbm>>
        %dma_start3A_1561 = tpu.memref_slice %arg4[%multiple_of3A_1118] : memref<1024xf32, #tpu.memory_space<hbm>> -> memref<16xf32, #tpu.memory_space<hbm>>
        tpu.enqueue_dma source(%arg15 : memref<16xf32, #tpu.memory_space<vmem>>) target(%dma_start3A_1561 : memref<16xf32, #tpu.memory_space<hbm>>) target_semaphore(%run_scoped3A : memref<!tpu.dma_semaphore, #tpu.memory_space<semaphore_mem>>)
        %dma_wait3A_1562 = tpu.memref_slice %arg4[%multiple_of3A_1118] : memref<1024xf32, #tpu.memory_space<hbm>> -> memref<16xf32, #tpu.memory_space<hbm>>
        %dma_wait3A_1563 = tpu.memref_slice %arg4[%multiple_of3A_1118] : memref<1024xf32, #tpu.memory_space<hbm>> -> memref<16xf32, #tpu.memory_space<hbm>>
        tpu.wait_dma2 semaphore(%run_scoped3A : memref<!tpu.dma_semaphore, #tpu.memory_space<semaphore_mem>>) src(%arg15 : memref<16xf32, #tpu.memory_space<vmem>>) dst(%dma_wait3A_1563 : memref<16xf32, #tpu.memory_space<hbm>>)
        tpu.yield
      }) : () -> ()
      %get3A_1119 = arith.constant 16 : index
      %get3A_1120 = tpu.vector_load %arg12[%get3A_1119] {strides = array<i32>} : memref<512xf32, #tpu.memory_space<vmem>>, vector<16xf32>,
      %get3A_1121 = vector.shape_cast %get3A_1120 : vector<16xf32> to vector<16xf32>
      %get3A_1122 = arith.constant 16 : index
      %get3A_1123 = tpu.vector_load %arg13[%get3A_1122] {strides = array<i32>} : memref<512xi32, #tpu.memory_space<vmem>>, vector<16xi32>,
      %get3A_1124 = vector.shape_cast %get3A_1123 : vector<16xi32> to vector<16xi32>
      %get3A_1125 = arith.constant 144 : index
      %get3A_1126 = tpu.vector_load %arg12[%get3A_1125] {strides = array<i32>} : memref<512xf32, #tpu.memory_space<vmem>>, vector<16xf32>,
      %get3A_1127 = vector.shape_cast %get3A_1126 : vector<16xf32> to vector<16xf32>
      %get3A_1128 = arith.constant 144 : index
      %get3A_1129 = tpu.vector_load %arg13[%get3A_1128] {strides = array<i32>} : memref<512xi32, #tpu.memory_space<vmem>>, vector<16xi32>,
      %get3A_1130 = vector.shape_cast %get3A_1129 : vector<16xi32> to vector<16xi32>
      %gt3A_1131 = arith.cmpf ogt, %get3A_1127, %get3A_1121 : vector<16xf32>
      %eq3A_1132 = arith.cmpf oeq, %get3A_1127, %get3A_1121 : vector<16xf32>
      %lt3A_1133 = arith.cmpi slt, %get3A_1130, %get3A_1124 : vector<16xi32>
      %and3A_1134 = arith.andi %eq3A_1132, %lt3A_1133 : vector<16xi1>
      %or3A_1135 = arith.ori %gt3A_1131, %and3A_1134 : vector<16xi1>
      %select_n3A_1136 = arith.select %or3A_1135, %get3A_1127, %get3A_1121 : vector<16xi1>, vector<16xf32>
      %select_n3A_1137 = arith.select %or3A_1135, %get3A_1130, %get3A_1124 : vector<16xi1>, vector<16xi32>
      %get3A_1138 = arith.constant 272 : index
      %get3A_1139 = tpu.vector_load %arg12[%get3A_1138] {strides = array<i32>} : memref<512xf32, #tpu.memory_space<vmem>>, vector<16xf32>,
      %get3A_1140 = vector.shape_cast %get3A_1139 : vector<16xf32> to vector<16xf32>
      %get3A_1141 = arith.constant 272 : index
      %get3A_1142 = tpu.vector_load %arg13[%get3A_1141] {strides = array<i32>} : memref<512xi32, #tpu.memory_space<vmem>>, vector<16xi32>,
      %get3A_1143 = vector.shape_cast %get3A_1142 : vector<16xi32> to vector<16xi32>
      %gt3A_1144 = arith.cmpf ogt, %get3A_1140, %select_n3A_1136 : vector<16xf32>
      %eq3A_1145 = arith.cmpf oeq, %get3A_1140, %select_n3A_1136 : vector<16xf32>
      %lt3A_1146 = arith.cmpi slt, %get3A_1143, %select_n3A_1137 : vector<16xi32>
      %and3A_1147 = arith.andi %eq3A_1145, %lt3A_1146 : vector<16xi1>
      %or3A_1148 = arith.ori %gt3A_1144, %and3A_1147 : vector<16xi1>
      %select_n3A_1149 = arith.select %or3A_1148, %get3A_1140, %select_n3A_1136 : vector<16xi1>, vector<16xf32>
      %select_n3A_1150 = arith.select %or3A_1148, %get3A_1143, %select_n3A_1137 : vector<16xi1>, vector<16xi32>
      %get3A_1151 = arith.constant 400 : index
      %get3A_1152 = tpu.vector_load %arg12[%get3A_1151] {strides = array<i32>} : memref<512xf32, #tpu.memory_space<vmem>>, vector<16xf32>,
      %get3A_1153 = vector.shape_cast %get3A_1152 : vector<16xf32> to vector<16xf32>
      %get3A_1154 = arith.constant 400 : index
      %get3A_1155 = tpu.vector_load %arg13[%get3A_1154] {strides = array<i32>} : memref<512xi32, #tpu.memory_space<vmem>>, vector<16xi32>,
      %get3A_1156 = vector.shape_cast %get3A_1155 : vector<16xi32> to vector<16xi32>
      %gt3A_1157 = arith.cmpf ogt, %get3A_1153, %select_n3A_1149 : vector<16xf32>
      %eq3A_1158 = arith.cmpf oeq, %get3A_1153, %select_n3A_1149 : vector<16xf32>
      %lt3A_1159 = arith.cmpi slt, %get3A_1156, %select_n3A_1150 : vector<16xi32>
      %and3A_1160 = arith.andi %eq3A_1158, %lt3A_1159 : vector<16xi1>
      %or3A_1161 = arith.ori %gt3A_1157, %and3A_1160 : vector<16xi1>
      %select_n3A_1162 = arith.select %or3A_1161, %get3A_1153, %select_n3A_1149 : vector<16xi1>, vector<16xf32>
      %select_n3A_1163 = arith.select %or3A_1161, %get3A_1156, %select_n3A_1150 : vector<16xi1>, vector<16xi32>
      %swap3A_1164 = arith.constant 0 : index
      %swap3A_1165 = tpu.vector_load %arg14[%swap3A_1164] {strides = array<i32>} : memref<16xi32, #tpu.memory_space<vmem>>, vector<16xi32>,
      %swap3A_1166 = vector.shape_cast %swap3A_1165 : vector<16xi32> to vector<16xi32>
      %swap3A_1167 = vector.shape_cast %select_n3A_1163 : vector<16xi32> to vector<16xi32>
      tpu.vector_store %arg14[%swap3A_1164], %swap3A_1167 {strides = array<i32>} : memref<16xi32, #tpu.memory_space<vmem>>, vector<16xi32>,
      %swap3A_1168 = arith.constant 0 : index
      %swap3A_1169 = tpu.vector_load %arg15[%swap3A_1168] {strides = array<i32>} : memref<16xf32, #tpu.memory_space<vmem>>, vector<16xf32>,
      %swap3A_1170 = vector.shape_cast %swap3A_1169 : vector<16xf32> to vector<16xf32>
      %swap3A_1171 = vector.shape_cast %select_n3A_1162 : vector<16xf32> to vector<16xf32>
      tpu.vector_store %arg15[%swap3A_1168], %swap3A_1171 {strides = array<i32>} : memref<16xf32, #tpu.memory_space<vmem>>, vector<16xf32>,
      %mul3A_1172 = arith.constant 8 : i32
      %mul3A_1173 = arith.muli %select_n3A, %mul3A_1172 : i32
      %add3A_1174 = arith.constant 1 : i32
      %add3A_1175 = arith.addi %mul3A_1173, %add3A_1174 : i32
      %mul3A_1176 = arith.constant 16 : i32
      %mul3A_1177 = arith.muli %add3A_1175, %mul3A_1176 : i32
      %multiple_of3A_1178 = tpu.assume_multiple %mul3A_1177, 16 : i32
      "tpu.region"() ({
        %run_scoped3A = tpu.sem_alloc : memref<!tpu.dma_semaphore, #tpu.memory_space<semaphore_mem>>
        %dma_start3A_1560 = tpu.memref_slice %arg3[%multiple_of3A_1178] : memref<1024xi32, #tpu.memory_space<hbm>> -> memref<16xi32, #tpu.memory_space<hbm>>
        %dma_start3A_1561 = tpu.memref_slice %arg3[%multiple_of3A_1178] : memref<1024xi32, #tpu.memory_space<hbm>> -> memref<16xi32, #tpu.memory_space<hbm>>
        tpu.enqueue_dma source(%arg14 : memref<16xi32, #tpu.memory_space<vmem>>) target(%dma_start3A_1561 : memref<16xi32, #tpu.memory_space<hbm>>) target_semaphore(%run_scoped3A : memref<!tpu.dma_semaphore, #tpu.memory_space<semaphore_mem>>)
        %dma_wait3A_1562 = tpu.memref_slice %arg3[%multiple_of3A_1178] : memref<1024xi32, #tpu.memory_space<hbm>> -> memref<16xi32, #tpu.memory_space<hbm>>
        %dma_wait3A_1563 = tpu.memref_slice %arg3[%multiple_of3A_1178] : memref<1024xi32, #tpu.memory_space<hbm>> -> memref<16xi32, #tpu.memory_space<hbm>>
        tpu.wait_dma2 semaphore(%run_scoped3A : memref<!tpu.dma_semaphore, #tpu.memory_space<semaphore_mem>>) src(%arg14 : memref<16xi32, #tpu.memory_space<vmem>>) dst(%dma_wait3A_1563 : memref<16xi32, #tpu.memory_space<hbm>>)
        tpu.yield
      }) : () -> ()
      %mul3A_1179 = arith.constant 16 : i32
      %mul3A_1180 = arith.muli %add3A_1175, %mul3A_1179 : i32
      %multiple_of3A_1181 = tpu.assume_multiple %mul3A_1180, 16 : i32
      "tpu.region"() ({
        %run_scoped3A = tpu.sem_alloc : memref<!tpu.dma_semaphore, #tpu.memory_space<semaphore_mem>>
        %dma_start3A_1560 = tpu.memref_slice %arg4[%multiple_of3A_1181] : memref<1024xf32, #tpu.memory_space<hbm>> -> memref<16xf32, #tpu.memory_space<hbm>>
        %dma_start3A_1561 = tpu.memref_slice %arg4[%multiple_of3A_1181] : memref<1024xf32, #tpu.memory_space<hbm>> -> memref<16xf32, #tpu.memory_space<hbm>>
        tpu.enqueue_dma source(%arg15 : memref<16xf32, #tpu.memory_space<vmem>>) target(%dma_start3A_1561 : memref<16xf32, #tpu.memory_space<hbm>>) target_semaphore(%run_scoped3A : memref<!tpu.dma_semaphore, #tpu.memory_space<semaphore_mem>>)
        %dma_wait3A_1562 = tpu.memref_slice %arg4[%multiple_of3A_1181] : memref<1024xf32, #tpu.memory_space<hbm>> -> memref<16xf32, #tpu.memory_space<hbm>>
        %dma_wait3A_1563 = tpu.memref_slice %arg4[%multiple_of3A_1181] : memref<1024xf32, #tpu.memory_space<hbm>> -> memref<16xf32, #tpu.memory_space<hbm>>
        tpu.wait_dma2 semaphore(%run_scoped3A : memref<!tpu.dma_semaphore, #tpu.memory_space<semaphore_mem>>) src(%arg15 : memref<16xf32, #tpu.memory_space<vmem>>) dst(%dma_wait3A_1563 : memref<16xf32, #tpu.memory_space<hbm>>)
        tpu.yield
      }) : () -> ()
      %get3A_1182 = arith.constant 32 : index
      %get3A_1183 = tpu.vector_load %arg12[%get3A_1182] {strides = array<i32>} : memref<512xf32, #tpu.memory_space<vmem>>, vector<16xf32>,
      %get3A_1184 = vector.shape_cast %get3A_1183 : vector<16xf32> to vector<16xf32>
      %get3A_1185 = arith.constant 32 : index
      %get3A_1186 = tpu.vector_load %arg13[%get3A_1185] {strides = array<i32>} : memref<512xi32, #tpu.memory_space<vmem>>, vector<16xi32>,
      %get3A_1187 = vector.shape_cast %get3A_1186 : vector<16xi32> to vector<16xi32>
      %get3A_1188 = arith.constant 160 : index
      %get3A_1189 = tpu.vector_load %arg12[%get3A_1188] {strides = array<i32>} : memref<512xf32, #tpu.memory_space<vmem>>, vector<16xf32>,
      %get3A_1190 = vector.shape_cast %get3A_1189 : vector<16xf32> to vector<16xf32>
      %get3A_1191 = arith.constant 160 : index
      %get3A_1192 = tpu.vector_load %arg13[%get3A_1191] {strides = array<i32>} : memref<512xi32, #tpu.memory_space<vmem>>, vector<16xi32>,
      %get3A_1193 = vector.shape_cast %get3A_1192 : vector<16xi32> to vector<16xi32>
      %gt3A_1194 = arith.cmpf ogt, %get3A_1190, %get3A_1184 : vector<16xf32>
      %eq3A_1195 = arith.cmpf oeq, %get3A_1190, %get3A_1184 : vector<16xf32>
      %lt3A_1196 = arith.cmpi slt, %get3A_1193, %get3A_1187 : vector<16xi32>
      %and3A_1197 = arith.andi %eq3A_1195, %lt3A_1196 : vector<16xi1>
      %or3A_1198 = arith.ori %gt3A_1194, %and3A_1197 : vector<16xi1>
      %select_n3A_1199 = arith.select %or3A_1198, %get3A_1190, %get3A_1184 : vector<16xi1>, vector<16xf32>
      %select_n3A_1200 = arith.select %or3A_1198, %get3A_1193, %get3A_1187 : vector<16xi1>, vector<16xi32>
      %get3A_1201 = arith.constant 288 : index
      %get3A_1202 = tpu.vector_load %arg12[%get3A_1201] {strides = array<i32>} : memref<512xf32, #tpu.memory_space<vmem>>, vector<16xf32>,
      %get3A_1203 = vector.shape_cast %get3A_1202 : vector<16xf32> to vector<16xf32>
      %get3A_1204 = arith.constant 288 : index
      %get3A_1205 = tpu.vector_load %arg13[%get3A_1204] {strides = array<i32>} : memref<512xi32, #tpu.memory_space<vmem>>, vector<16xi32>,
      %get3A_1206 = vector.shape_cast %get3A_1205 : vector<16xi32> to vector<16xi32>
      %gt3A_1207 = arith.cmpf ogt, %get3A_1203, %select_n3A_1199 : vector<16xf32>
      %eq3A_1208 = arith.cmpf oeq, %get3A_1203, %select_n3A_1199 : vector<16xf32>
      %lt3A_1209 = arith.cmpi slt, %get3A_1206, %select_n3A_1200 : vector<16xi32>
      %and3A_1210 = arith.andi %eq3A_1208, %lt3A_1209 : vector<16xi1>
      %or3A_1211 = arith.ori %gt3A_1207, %and3A_1210 : vector<16xi1>
      %select_n3A_1212 = arith.select %or3A_1211, %get3A_1203, %select_n3A_1199 : vector<16xi1>, vector<16xf32>
      %select_n3A_1213 = arith.select %or3A_1211, %get3A_1206, %select_n3A_1200 : vector<16xi1>, vector<16xi32>
      %get3A_1214 = arith.constant 416 : index
      %get3A_1215 = tpu.vector_load %arg12[%get3A_1214] {strides = array<i32>} : memref<512xf32, #tpu.memory_space<vmem>>, vector<16xf32>,
      %get3A_1216 = vector.shape_cast %get3A_1215 : vector<16xf32> to vector<16xf32>
      %get3A_1217 = arith.constant 416 : index
      %get3A_1218 = tpu.vector_load %arg13[%get3A_1217] {strides = array<i32>} : memref<512xi32, #tpu.memory_space<vmem>>, vector<16xi32>,
      %get3A_1219 = vector.shape_cast %get3A_1218 : vector<16xi32> to vector<16xi32>
      %gt3A_1220 = arith.cmpf ogt, %get3A_1216, %select_n3A_1212 : vector<16xf32>
      %eq3A_1221 = arith.cmpf oeq, %get3A_1216, %select_n3A_1212 : vector<16xf32>
      %lt3A_1222 = arith.cmpi slt, %get3A_1219, %select_n3A_1213 : vector<16xi32>
      %and3A_1223 = arith.andi %eq3A_1221, %lt3A_1222 : vector<16xi1>
      %or3A_1224 = arith.ori %gt3A_1220, %and3A_1223 : vector<16xi1>
      %select_n3A_1225 = arith.select %or3A_1224, %get3A_1216, %select_n3A_1212 : vector<16xi1>, vector<16xf32>
      %select_n3A_1226 = arith.select %or3A_1224, %get3A_1219, %select_n3A_1213 : vector<16xi1>, vector<16xi32>
      %swap3A_1227 = arith.constant 0 : index
      %swap3A_1228 = tpu.vector_load %arg14[%swap3A_1227] {strides = array<i32>} : memref<16xi32, #tpu.memory_space<vmem>>, vector<16xi32>,
      %swap3A_1229 = vector.shape_cast %swap3A_1228 : vector<16xi32> to vector<16xi32>
      %swap3A_1230 = vector.shape_cast %select_n3A_1226 : vector<16xi32> to vector<16xi32>
      tpu.vector_store %arg14[%swap3A_1227], %swap3A_1230 {strides = array<i32>} : memref<16xi32, #tpu.memory_space<vmem>>, vector<16xi32>,
      %swap3A_1231 = arith.constant 0 : index
      %swap3A_1232 = tpu.vector_load %arg15[%swap3A_1231] {strides = array<i32>} : memref<16xf32, #tpu.memory_space<vmem>>, vector<16xf32>,
      %swap3A_1233 = vector.shape_cast %swap3A_1232 : vector<16xf32> to vector<16xf32>
      %swap3A_1234 = vector.shape_cast %select_n3A_1225 : vector<16xf32> to vector<16xf32>
      tpu.vector_store %arg15[%swap3A_1231], %swap3A_1234 {strides = array<i32>} : memref<16xf32, #tpu.memory_space<vmem>>, vector<16xf32>,
      %mul3A_1235 = arith.constant 8 : i32
      %mul3A_1236 = arith.muli %select_n3A, %mul3A_1235 : i32
      %add3A_1237 = arith.constant 2 : i32
      %add3A_1238 = arith.addi %mul3A_1236, %add3A_1237 : i32
      %mul3A_1239 = arith.constant 16 : i32
      %mul3A_1240 = arith.muli %add3A_1238, %mul3A_1239 : i32
      %multiple_of3A_1241 = tpu.assume_multiple %mul3A_1240, 16 : i32
      "tpu.region"() ({
        %run_scoped3A = tpu.sem_alloc : memref<!tpu.dma_semaphore, #tpu.memory_space<semaphore_mem>>
        %dma_start3A_1560 = tpu.memref_slice %arg3[%multiple_of3A_1241] : memref<1024xi32, #tpu.memory_space<hbm>> -> memref<16xi32, #tpu.memory_space<hbm>>
        %dma_start3A_1561 = tpu.memref_slice %arg3[%multiple_of3A_1241] : memref<1024xi32, #tpu.memory_space<hbm>> -> memref<16xi32, #tpu.memory_space<hbm>>
        tpu.enqueue_dma source(%arg14 : memref<16xi32, #tpu.memory_space<vmem>>) target(%dma_start3A_1561 : memref<16xi32, #tpu.memory_space<hbm>>) target_semaphore(%run_scoped3A : memref<!tpu.dma_semaphore, #tpu.memory_space<semaphore_mem>>)
        %dma_wait3A_1562 = tpu.memref_slice %arg3[%multiple_of3A_1241] : memref<1024xi32, #tpu.memory_space<hbm>> -> memref<16xi32, #tpu.memory_space<hbm>>
        %dma_wait3A_1563 = tpu.memref_slice %arg3[%multiple_of3A_1241] : memref<1024xi32, #tpu.memory_space<hbm>> -> memref<16xi32, #tpu.memory_space<hbm>>
        tpu.wait_dma2 semaphore(%run_scoped3A : memref<!tpu.dma_semaphore, #tpu.memory_space<semaphore_mem>>) src(%arg14 : memref<16xi32, #tpu.memory_space<vmem>>) dst(%dma_wait3A_1563 : memref<16xi32, #tpu.memory_space<hbm>>)
        tpu.yield
      }) : () -> ()
      %mul3A_1242 = arith.constant 16 : i32
      %mul3A_1243 = arith.muli %add3A_1238, %mul3A_1242 : i32
      %multiple_of3A_1244 = tpu.assume_multiple %mul3A_1243, 16 : i32
      "tpu.region"() ({
        %run_scoped3A = tpu.sem_alloc : memref<!tpu.dma_semaphore, #tpu.memory_space<semaphore_mem>>
        %dma_start3A_1560 = tpu.memref_slice %arg4[%multiple_of3A_1244] : memref<1024xf32, #tpu.memory_space<hbm>> -> memref<16xf32, #tpu.memory_space<hbm>>
        %dma_start3A_1561 = tpu.memref_slice %arg4[%multiple_of3A_1244] : memref<1024xf32, #tpu.memory_space<hbm>> -> memref<16xf32, #tpu.memory_space<hbm>>
        tpu.enqueue_dma source(%arg15 : memref<16xf32, #tpu.memory_space<vmem>>) target(%dma_start3A_1561 : memref<16xf32, #tpu.memory_space<hbm>>) target_semaphore(%run_scoped3A : memref<!tpu.dma_semaphore, #tpu.memory_space<semaphore_mem>>)
        %dma_wait3A_1562 = tpu.memref_slice %arg4[%multiple_of3A_1244] : memref<1024xf32, #tpu.memory_space<hbm>> -> memref<16xf32, #tpu.memory_space<hbm>>
        %dma_wait3A_1563 = tpu.memref_slice %arg4[%multiple_of3A_1244] : memref<1024xf32, #tpu.memory_space<hbm>> -> memref<16xf32, #tpu.memory_space<hbm>>
        tpu.wait_dma2 semaphore(%run_scoped3A : memref<!tpu.dma_semaphore, #tpu.memory_space<semaphore_mem>>) src(%arg15 : memref<16xf32, #tpu.memory_space<vmem>>) dst(%dma_wait3A_1563 : memref<16xf32, #tpu.memory_space<hbm>>)
        tpu.yield
      }) : () -> ()
      %get3A_1245 = arith.constant 48 : index
      %get3A_1246 = tpu.vector_load %arg12[%get3A_1245] {strides = array<i32>} : memref<512xf32, #tpu.memory_space<vmem>>, vector<16xf32>,
      %get3A_1247 = vector.shape_cast %get3A_1246 : vector<16xf32> to vector<16xf32>
      %get3A_1248 = arith.constant 48 : index
      %get3A_1249 = tpu.vector_load %arg13[%get3A_1248] {strides = array<i32>} : memref<512xi32, #tpu.memory_space<vmem>>, vector<16xi32>,
      %get3A_1250 = vector.shape_cast %get3A_1249 : vector<16xi32> to vector<16xi32>
      %get3A_1251 = arith.constant 176 : index
      %get3A_1252 = tpu.vector_load %arg12[%get3A_1251] {strides = array<i32>} : memref<512xf32, #tpu.memory_space<vmem>>, vector<16xf32>,
      %get3A_1253 = vector.shape_cast %get3A_1252 : vector<16xf32> to vector<16xf32>
      %get3A_1254 = arith.constant 176 : index
      %get3A_1255 = tpu.vector_load %arg13[%get3A_1254] {strides = array<i32>} : memref<512xi32, #tpu.memory_space<vmem>>, vector<16xi32>,
      %get3A_1256 = vector.shape_cast %get3A_1255 : vector<16xi32> to vector<16xi32>
      %gt3A_1257 = arith.cmpf ogt, %get3A_1253, %get3A_1247 : vector<16xf32>
      %eq3A_1258 = arith.cmpf oeq, %get3A_1253, %get3A_1247 : vector<16xf32>
      %lt3A_1259 = arith.cmpi slt, %get3A_1256, %get3A_1250 : vector<16xi32>
      %and3A_1260 = arith.andi %eq3A_1258, %lt3A_1259 : vector<16xi1>
      %or3A_1261 = arith.ori %gt3A_1257, %and3A_1260 : vector<16xi1>
      %select_n3A_1262 = arith.select %or3A_1261, %get3A_1253, %get3A_1247 : vector<16xi1>, vector<16xf32>
      %select_n3A_1263 = arith.select %or3A_1261, %get3A_1256, %get3A_1250 : vector<16xi1>, vector<16xi32>
      %get3A_1264 = arith.constant 304 : index
      %get3A_1265 = tpu.vector_load %arg12[%get3A_1264] {strides = array<i32>} : memref<512xf32, #tpu.memory_space<vmem>>, vector<16xf32>,
      %get3A_1266 = vector.shape_cast %get3A_1265 : vector<16xf32> to vector<16xf32>
      %get3A_1267 = arith.constant 304 : index
      %get3A_1268 = tpu.vector_load %arg13[%get3A_1267] {strides = array<i32>} : memref<512xi32, #tpu.memory_space<vmem>>, vector<16xi32>,
      %get3A_1269 = vector.shape_cast %get3A_1268 : vector<16xi32> to vector<16xi32>
      %gt3A_1270 = arith.cmpf ogt, %get3A_1266, %select_n3A_1262 : vector<16xf32>
      %eq3A_1271 = arith.cmpf oeq, %get3A_1266, %select_n3A_1262 : vector<16xf32>
      %lt3A_1272 = arith.cmpi slt, %get3A_1269, %select_n3A_1263 : vector<16xi32>
      %and3A_1273 = arith.andi %eq3A_1271, %lt3A_1272 : vector<16xi1>
      %or3A_1274 = arith.ori %gt3A_1270, %and3A_1273 : vector<16xi1>
      %select_n3A_1275 = arith.select %or3A_1274, %get3A_1266, %select_n3A_1262 : vector<16xi1>, vector<16xf32>
      %select_n3A_1276 = arith.select %or3A_1274, %get3A_1269, %select_n3A_1263 : vector<16xi1>, vector<16xi32>
      %get3A_1277 = arith.constant 432 : index
      %get3A_1278 = tpu.vector_load %arg12[%get3A_1277] {strides = array<i32>} : memref<512xf32, #tpu.memory_space<vmem>>, vector<16xf32>,
      %get3A_1279 = vector.shape_cast %get3A_1278 : vector<16xf32> to vector<16xf32>
      %get3A_1280 = arith.constant 432 : index
      %get3A_1281 = tpu.vector_load %arg13[%get3A_1280] {strides = array<i32>} : memref<512xi32, #tpu.memory_space<vmem>>, vector<16xi32>,
      %get3A_1282 = vector.shape_cast %get3A_1281 : vector<16xi32> to vector<16xi32>
      %gt3A_1283 = arith.cmpf ogt, %get3A_1279, %select_n3A_1275 : vector<16xf32>
      %eq3A_1284 = arith.cmpf oeq, %get3A_1279, %select_n3A_1275 : vector<16xf32>
      %lt3A_1285 = arith.cmpi slt, %get3A_1282, %select_n3A_1276 : vector<16xi32>
      %and3A_1286 = arith.andi %eq3A_1284, %lt3A_1285 : vector<16xi1>
      %or3A_1287 = arith.ori %gt3A_1283, %and3A_1286 : vector<16xi1>
      %select_n3A_1288 = arith.select %or3A_1287, %get3A_1279, %select_n3A_1275 : vector<16xi1>, vector<16xf32>
      %select_n3A_1289 = arith.select %or3A_1287, %get3A_1282, %select_n3A_1276 : vector<16xi1>, vector<16xi32>
      %swap3A_1290 = arith.constant 0 : index
      %swap3A_1291 = tpu.vector_load %arg14[%swap3A_1290] {strides = array<i32>} : memref<16xi32, #tpu.memory_space<vmem>>, vector<16xi32>,
      %swap3A_1292 = vector.shape_cast %swap3A_1291 : vector<16xi32> to vector<16xi32>
      %swap3A_1293 = vector.shape_cast %select_n3A_1289 : vector<16xi32> to vector<16xi32>
      tpu.vector_store %arg14[%swap3A_1290], %swap3A_1293 {strides = array<i32>} : memref<16xi32, #tpu.memory_space<vmem>>, vector<16xi32>,
      %swap3A_1294 = arith.constant 0 : index
      %swap3A_1295 = tpu.vector_load %arg15[%swap3A_1294] {strides = array<i32>} : memref<16xf32, #tpu.memory_space<vmem>>, vector<16xf32>,
      %swap3A_1296 = vector.shape_cast %swap3A_1295 : vector<16xf32> to vector<16xf32>
      %swap3A_1297 = vector.shape_cast %select_n3A_1288 : vector<16xf32> to vector<16xf32>
      tpu.vector_store %arg15[%swap3A_1294], %swap3A_1297 {strides = array<i32>} : memref<16xf32, #tpu.memory_space<vmem>>, vector<16xf32>,
      %mul3A_1298 = arith.constant 8 : i32
      %mul3A_1299 = arith.muli %select_n3A, %mul3A_1298 : i32
      %add3A_1300 = arith.constant 3 : i32
      %add3A_1301 = arith.addi %mul3A_1299, %add3A_1300 : i32
      %mul3A_1302 = arith.constant 16 : i32
      %mul3A_1303 = arith.muli %add3A_1301, %mul3A_1302 : i32
      %multiple_of3A_1304 = tpu.assume_multiple %mul3A_1303, 16 : i32
      "tpu.region"() ({
        %run_scoped3A = tpu.sem_alloc : memref<!tpu.dma_semaphore, #tpu.memory_space<semaphore_mem>>
        %dma_start3A_1560 = tpu.memref_slice %arg3[%multiple_of3A_1304] : memref<1024xi32, #tpu.memory_space<hbm>> -> memref<16xi32, #tpu.memory_space<hbm>>
        %dma_start3A_1561 = tpu.memref_slice %arg3[%multiple_of3A_1304] : memref<1024xi32, #tpu.memory_space<hbm>> -> memref<16xi32, #tpu.memory_space<hbm>>
        tpu.enqueue_dma source(%arg14 : memref<16xi32, #tpu.memory_space<vmem>>) target(%dma_start3A_1561 : memref<16xi32, #tpu.memory_space<hbm>>) target_semaphore(%run_scoped3A : memref<!tpu.dma_semaphore, #tpu.memory_space<semaphore_mem>>)
        %dma_wait3A_1562 = tpu.memref_slice %arg3[%multiple_of3A_1304] : memref<1024xi32, #tpu.memory_space<hbm>> -> memref<16xi32, #tpu.memory_space<hbm>>
        %dma_wait3A_1563 = tpu.memref_slice %arg3[%multiple_of3A_1304] : memref<1024xi32, #tpu.memory_space<hbm>> -> memref<16xi32, #tpu.memory_space<hbm>>
        tpu.wait_dma2 semaphore(%run_scoped3A : memref<!tpu.dma_semaphore, #tpu.memory_space<semaphore_mem>>) src(%arg14 : memref<16xi32, #tpu.memory_space<vmem>>) dst(%dma_wait3A_1563 : memref<16xi32, #tpu.memory_space<hbm>>)
        tpu.yield
      }) : () -> ()
      %mul3A_1305 = arith.constant 16 : i32
      %mul3A_1306 = arith.muli %add3A_1301, %mul3A_1305 : i32
      %multiple_of3A_1307 = tpu.assume_multiple %mul3A_1306, 16 : i32
      "tpu.region"() ({
        %run_scoped3A = tpu.sem_alloc : memref<!tpu.dma_semaphore, #tpu.memory_space<semaphore_mem>>
        %dma_start3A_1560 = tpu.memref_slice %arg4[%multiple_of3A_1307] : memref<1024xf32, #tpu.memory_space<hbm>> -> memref<16xf32, #tpu.memory_space<hbm>>
        %dma_start3A_1561 = tpu.memref_slice %arg4[%multiple_of3A_1307] : memref<1024xf32, #tpu.memory_space<hbm>> -> memref<16xf32, #tpu.memory_space<hbm>>
        tpu.enqueue_dma source(%arg15 : memref<16xf32, #tpu.memory_space<vmem>>) target(%dma_start3A_1561 : memref<16xf32, #tpu.memory_space<hbm>>) target_semaphore(%run_scoped3A : memref<!tpu.dma_semaphore, #tpu.memory_space<semaphore_mem>>)
        %dma_wait3A_1562 = tpu.memref_slice %arg4[%multiple_of3A_1307] : memref<1024xf32, #tpu.memory_space<hbm>> -> memref<16xf32, #tpu.memory_space<hbm>>
        %dma_wait3A_1563 = tpu.memref_slice %arg4[%multiple_of3A_1307] : memref<1024xf32, #tpu.memory_space<hbm>> -> memref<16xf32, #tpu.memory_space<hbm>>
        tpu.wait_dma2 semaphore(%run_scoped3A : memref<!tpu.dma_semaphore, #tpu.memory_space<semaphore_mem>>) src(%arg15 : memref<16xf32, #tpu.memory_space<vmem>>) dst(%dma_wait3A_1563 : memref<16xf32, #tpu.memory_space<hbm>>)
        tpu.yield
      }) : () -> ()
      %get3A_1308 = arith.constant 64 : index
      %get3A_1309 = tpu.vector_load %arg12[%get3A_1308] {strides = array<i32>} : memref<512xf32, #tpu.memory_space<vmem>>, vector<16xf32>,
      %get3A_1310 = vector.shape_cast %get3A_1309 : vector<16xf32> to vector<16xf32>
      %get3A_1311 = arith.constant 64 : index
      %get3A_1312 = tpu.vector_load %arg13[%get3A_1311] {strides = array<i32>} : memref<512xi32, #tpu.memory_space<vmem>>, vector<16xi32>,
      %get3A_1313 = vector.shape_cast %get3A_1312 : vector<16xi32> to vector<16xi32>
      %get3A_1314 = arith.constant 192 : index
      %get3A_1315 = tpu.vector_load %arg12[%get3A_1314] {strides = array<i32>} : memref<512xf32, #tpu.memory_space<vmem>>, vector<16xf32>,
      %get3A_1316 = vector.shape_cast %get3A_1315 : vector<16xf32> to vector<16xf32>
      %get3A_1317 = arith.constant 192 : index
      %get3A_1318 = tpu.vector_load %arg13[%get3A_1317] {strides = array<i32>} : memref<512xi32, #tpu.memory_space<vmem>>, vector<16xi32>,
      %get3A_1319 = vector.shape_cast %get3A_1318 : vector<16xi32> to vector<16xi32>
      %gt3A_1320 = arith.cmpf ogt, %get3A_1316, %get3A_1310 : vector<16xf32>
      %eq3A_1321 = arith.cmpf oeq, %get3A_1316, %get3A_1310 : vector<16xf32>
      %lt3A_1322 = arith.cmpi slt, %get3A_1319, %get3A_1313 : vector<16xi32>
      %and3A_1323 = arith.andi %eq3A_1321, %lt3A_1322 : vector<16xi1>
      %or3A_1324 = arith.ori %gt3A_1320, %and3A_1323 : vector<16xi1>
      %select_n3A_1325 = arith.select %or3A_1324, %get3A_1316, %get3A_1310 : vector<16xi1>, vector<16xf32>
      %select_n3A_1326 = arith.select %or3A_1324, %get3A_1319, %get3A_1313 : vector<16xi1>, vector<16xi32>
      %get3A_1327 = arith.constant 320 : index
      %get3A_1328 = tpu.vector_load %arg12[%get3A_1327] {strides = array<i32>} : memref<512xf32, #tpu.memory_space<vmem>>, vector<16xf32>,
      %get3A_1329 = vector.shape_cast %get3A_1328 : vector<16xf32> to vector<16xf32>
      %get3A_1330 = arith.constant 320 : index
      %get3A_1331 = tpu.vector_load %arg13[%get3A_1330] {strides = array<i32>} : memref<512xi32, #tpu.memory_space<vmem>>, vector<16xi32>,
      %get3A_1332 = vector.shape_cast %get3A_1331 : vector<16xi32> to vector<16xi32>
      %gt3A_1333 = arith.cmpf ogt, %get3A_1329, %select_n3A_1325 : vector<16xf32>
      %eq3A_1334 = arith.cmpf oeq, %get3A_1329, %select_n3A_1325 : vector<16xf32>
      %lt3A_1335 = arith.cmpi slt, %get3A_1332, %select_n3A_1326 : vector<16xi32>
      %and3A_1336 = arith.andi %eq3A_1334, %lt3A_1335 : vector<16xi1>
      %or3A_1337 = arith.ori %gt3A_1333, %and3A_1336 : vector<16xi1>
      %select_n3A_1338 = arith.select %or3A_1337, %get3A_1329, %select_n3A_1325 : vector<16xi1>, vector<16xf32>
      %select_n3A_1339 = arith.select %or3A_1337, %get3A_1332, %select_n3A_1326 : vector<16xi1>, vector<16xi32>
      %get3A_1340 = arith.constant 448 : index
      %get3A_1341 = tpu.vector_load %arg12[%get3A_1340] {strides = array<i32>} : memref<512xf32, #tpu.memory_space<vmem>>, vector<16xf32>,
      %get3A_1342 = vector.shape_cast %get3A_1341 : vector<16xf32> to vector<16xf32>
      %get3A_1343 = arith.constant 448 : index
      %get3A_1344 = tpu.vector_load %arg13[%get3A_1343] {strides = array<i32>} : memref<512xi32, #tpu.memory_space<vmem>>, vector<16xi32>,
      %get3A_1345 = vector.shape_cast %get3A_1344 : vector<16xi32> to vector<16xi32>
      %gt3A_1346 = arith.cmpf ogt, %get3A_1342, %select_n3A_1338 : vector<16xf32>
      %eq3A_1347 = arith.cmpf oeq, %get3A_1342, %select_n3A_1338 : vector<16xf32>
      %lt3A_1348 = arith.cmpi slt, %get3A_1345, %select_n3A_1339 : vector<16xi32>
      %and3A_1349 = arith.andi %eq3A_1347, %lt3A_1348 : vector<16xi1>
      %or3A_1350 = arith.ori %gt3A_1346, %and3A_1349 : vector<16xi1>
      %select_n3A_1351 = arith.select %or3A_1350, %get3A_1342, %select_n3A_1338 : vector<16xi1>, vector<16xf32>
      %select_n3A_1352 = arith.select %or3A_1350, %get3A_1345, %select_n3A_1339 : vector<16xi1>, vector<16xi32>
      %swap3A_1353 = arith.constant 0 : index
      %swap3A_1354 = tpu.vector_load %arg14[%swap3A_1353] {strides = array<i32>} : memref<16xi32, #tpu.memory_space<vmem>>, vector<16xi32>,
      %swap3A_1355 = vector.shape_cast %swap3A_1354 : vector<16xi32> to vector<16xi32>
      %swap3A_1356 = vector.shape_cast %select_n3A_1352 : vector<16xi32> to vector<16xi32>
      tpu.vector_store %arg14[%swap3A_1353], %swap3A_1356 {strides = array<i32>} : memref<16xi32, #tpu.memory_space<vmem>>, vector<16xi32>,
      %swap3A_1357 = arith.constant 0 : index
      %swap3A_1358 = tpu.vector_load %arg15[%swap3A_1357] {strides = array<i32>} : memref<16xf32, #tpu.memory_space<vmem>>, vector<16xf32>,
      %swap3A_1359 = vector.shape_cast %swap3A_1358 : vector<16xf32> to vector<16xf32>
      %swap3A_1360 = vector.shape_cast %select_n3A_1351 : vector<16xf32> to vector<16xf32>
      tpu.vector_store %arg15[%swap3A_1357], %swap3A_1360 {strides = array<i32>} : memref<16xf32, #tpu.memory_space<vmem>>, vector<16xf32>,
      %mul3A_1361 = arith.constant 8 : i32
      %mul3A_1362 = arith.muli %select_n3A, %mul3A_1361 : i32
      %add3A_1363 = arith.constant 4 : i32
      %add3A_1364 = arith.addi %mul3A_1362, %add3A_1363 : i32
      %mul3A_1365 = arith.constant 16 : i32
      %mul3A_1366 = arith.muli %add3A_1364, %mul3A_1365 : i32
      %multiple_of3A_1367 = tpu.assume_multiple %mul3A_1366, 16 : i32
      "tpu.region"() ({
        %run_scoped3A = tpu.sem_alloc : memref<!tpu.dma_semaphore, #tpu.memory_space<semaphore_mem>>
        %dma_start3A_1560 = tpu.memref_slice %arg3[%multiple_of3A_1367] : memref<1024xi32, #tpu.memory_space<hbm>> -> memref<16xi32, #tpu.memory_space<hbm>>
        %dma_start3A_1561 = tpu.memref_slice %arg3[%multiple_of3A_1367] : memref<1024xi32, #tpu.memory_space<hbm>> -> memref<16xi32, #tpu.memory_space<hbm>>
        tpu.enqueue_dma source(%arg14 : memref<16xi32, #tpu.memory_space<vmem>>) target(%dma_start3A_1561 : memref<16xi32, #tpu.memory_space<hbm>>) target_semaphore(%run_scoped3A : memref<!tpu.dma_semaphore, #tpu.memory_space<semaphore_mem>>)
        %dma_wait3A_1562 = tpu.memref_slice %arg3[%multiple_of3A_1367] : memref<1024xi32, #tpu.memory_space<hbm>> -> memref<16xi32, #tpu.memory_space<hbm>>
        %dma_wait3A_1563 = tpu.memref_slice %arg3[%multiple_of3A_1367] : memref<1024xi32, #tpu.memory_space<hbm>> -> memref<16xi32, #tpu.memory_space<hbm>>
        tpu.wait_dma2 semaphore(%run_scoped3A : memref<!tpu.dma_semaphore, #tpu.memory_space<semaphore_mem>>) src(%arg14 : memref<16xi32, #tpu.memory_space<vmem>>) dst(%dma_wait3A_1563 : memref<16xi32, #tpu.memory_space<hbm>>)
        tpu.yield
      }) : () -> ()
      %mul3A_1368 = arith.constant 16 : i32
      %mul3A_1369 = arith.muli %add3A_1364, %mul3A_1368 : i32
      %multiple_of3A_1370 = tpu.assume_multiple %mul3A_1369, 16 : i32
      "tpu.region"() ({
        %run_scoped3A = tpu.sem_alloc : memref<!tpu.dma_semaphore, #tpu.memory_space<semaphore_mem>>
        %dma_start3A_1560 = tpu.memref_slice %arg4[%multiple_of3A_1370] : memref<1024xf32, #tpu.memory_space<hbm>> -> memref<16xf32, #tpu.memory_space<hbm>>
        %dma_start3A_1561 = tpu.memref_slice %arg4[%multiple_of3A_1370] : memref<1024xf32, #tpu.memory_space<hbm>> -> memref<16xf32, #tpu.memory_space<hbm>>
        tpu.enqueue_dma source(%arg15 : memref<16xf32, #tpu.memory_space<vmem>>) target(%dma_start3A_1561 : memref<16xf32, #tpu.memory_space<hbm>>) target_semaphore(%run_scoped3A : memref<!tpu.dma_semaphore, #tpu.memory_space<semaphore_mem>>)
        %dma_wait3A_1562 = tpu.memref_slice %arg4[%multiple_of3A_1370] : memref<1024xf32, #tpu.memory_space<hbm>> -> memref<16xf32, #tpu.memory_space<hbm>>
        %dma_wait3A_1563 = tpu.memref_slice %arg4[%multiple_of3A_1370] : memref<1024xf32, #tpu.memory_space<hbm>> -> memref<16xf32, #tpu.memory_space<hbm>>
        tpu.wait_dma2 semaphore(%run_scoped3A : memref<!tpu.dma_semaphore, #tpu.memory_space<semaphore_mem>>) src(%arg15 : memref<16xf32, #tpu.memory_space<vmem>>) dst(%dma_wait3A_1563 : memref<16xf32, #tpu.memory_space<hbm>>)
        tpu.yield
      }) : () -> ()
      %get3A_1371 = arith.constant 80 : index
      %get3A_1372 = tpu.vector_load %arg12[%get3A_1371] {strides = array<i32>} : memref<512xf32, #tpu.memory_space<vmem>>, vector<16xf32>,
      %get3A_1373 = vector.shape_cast %get3A_1372 : vector<16xf32> to vector<16xf32>
      %get3A_1374 = arith.constant 80 : index
      %get3A_1375 = tpu.vector_load %arg13[%get3A_1374] {strides = array<i32>} : memref<512xi32, #tpu.memory_space<vmem>>, vector<16xi32>,
      %get3A_1376 = vector.shape_cast %get3A_1375 : vector<16xi32> to vector<16xi32>
      %get3A_1377 = arith.constant 208 : index
      %get3A_1378 = tpu.vector_load %arg12[%get3A_1377] {strides = array<i32>} : memref<512xf32, #tpu.memory_space<vmem>>, vector<16xf32>,
      %get3A_1379 = vector.shape_cast %get3A_1378 : vector<16xf32> to vector<16xf32>
      %get3A_1380 = arith.constant 208 : index
      %get3A_1381 = tpu.vector_load %arg13[%get3A_1380] {strides = array<i32>} : memref<512xi32, #tpu.memory_space<vmem>>, vector<16xi32>,
      %get3A_1382 = vector.shape_cast %get3A_1381 : vector<16xi32> to vector<16xi32>
      %gt3A_1383 = arith.cmpf ogt, %get3A_1379, %get3A_1373 : vector<16xf32>
      %eq3A_1384 = arith.cmpf oeq, %get3A_1379, %get3A_1373 : vector<16xf32>
      %lt3A_1385 = arith.cmpi slt, %get3A_1382, %get3A_1376 : vector<16xi32>
      %and3A_1386 = arith.andi %eq3A_1384, %lt3A_1385 : vector<16xi1>
      %or3A_1387 = arith.ori %gt3A_1383, %and3A_1386 : vector<16xi1>
      %select_n3A_1388 = arith.select %or3A_1387, %get3A_1379, %get3A_1373 : vector<16xi1>, vector<16xf32>
      %select_n3A_1389 = arith.select %or3A_1387, %get3A_1382, %get3A_1376 : vector<16xi1>, vector<16xi32>
      %get3A_1390 = arith.constant 336 : index
      %get3A_1391 = tpu.vector_load %arg12[%get3A_1390] {strides = array<i32>} : memref<512xf32, #tpu.memory_space<vmem>>, vector<16xf32>,
      %get3A_1392 = vector.shape_cast %get3A_1391 : vector<16xf32> to vector<16xf32>
      %get3A_1393 = arith.constant 336 : index
      %get3A_1394 = tpu.vector_load %arg13[%get3A_1393] {strides = array<i32>} : memref<512xi32, #tpu.memory_space<vmem>>, vector<16xi32>,
      %get3A_1395 = vector.shape_cast %get3A_1394 : vector<16xi32> to vector<16xi32>
      %gt3A_1396 = arith.cmpf ogt, %get3A_1392, %select_n3A_1388 : vector<16xf32>
      %eq3A_1397 = arith.cmpf oeq, %get3A_1392, %select_n3A_1388 : vector<16xf32>
      %lt3A_1398 = arith.cmpi slt, %get3A_1395, %select_n3A_1389 : vector<16xi32>
      %and3A_1399 = arith.andi %eq3A_1397, %lt3A_1398 : vector<16xi1>
      %or3A_1400 = arith.ori %gt3A_1396, %and3A_1399 : vector<16xi1>
      %select_n3A_1401 = arith.select %or3A_1400, %get3A_1392, %select_n3A_1388 : vector<16xi1>, vector<16xf32>
      %select_n3A_1402 = arith.select %or3A_1400, %get3A_1395, %select_n3A_1389 : vector<16xi1>, vector<16xi32>
      %get3A_1403 = arith.constant 464 : index
      %get3A_1404 = tpu.vector_load %arg12[%get3A_1403] {strides = array<i32>} : memref<512xf32, #tpu.memory_space<vmem>>, vector<16xf32>,
      %get3A_1405 = vector.shape_cast %get3A_1404 : vector<16xf32> to vector<16xf32>
      %get3A_1406 = arith.constant 464 : index
      %get3A_1407 = tpu.vector_load %arg13[%get3A_1406] {strides = array<i32>} : memref<512xi32, #tpu.memory_space<vmem>>, vector<16xi32>,
      %get3A_1408 = vector.shape_cast %get3A_1407 : vector<16xi32> to vector<16xi32>
      %gt3A_1409 = arith.cmpf ogt, %get3A_1405, %select_n3A_1401 : vector<16xf32>
      %eq3A_1410 = arith.cmpf oeq, %get3A_1405, %select_n3A_1401 : vector<16xf32>
      %lt3A_1411 = arith.cmpi slt, %get3A_1408, %select_n3A_1402 : vector<16xi32>
      %and3A_1412 = arith.andi %eq3A_1410, %lt3A_1411 : vector<16xi1>
      %or3A_1413 = arith.ori %gt3A_1409, %and3A_1412 : vector<16xi1>
      %select_n3A_1414 = arith.select %or3A_1413, %get3A_1405, %select_n3A_1401 : vector<16xi1>, vector<16xf32>
      %select_n3A_1415 = arith.select %or3A_1413, %get3A_1408, %select_n3A_1402 : vector<16xi1>, vector<16xi32>
      %swap3A_1416 = arith.constant 0 : index
      %swap3A_1417 = tpu.vector_load %arg14[%swap3A_1416] {strides = array<i32>} : memref<16xi32, #tpu.memory_space<vmem>>, vector<16xi32>,
      %swap3A_1418 = vector.shape_cast %swap3A_1417 : vector<16xi32> to vector<16xi32>
      %swap3A_1419 = vector.shape_cast %select_n3A_1415 : vector<16xi32> to vector<16xi32>
      tpu.vector_store %arg14[%swap3A_1416], %swap3A_1419 {strides = array<i32>} : memref<16xi32, #tpu.memory_space<vmem>>, vector<16xi32>,
      %swap3A_1420 = arith.constant 0 : index
      %swap3A_1421 = tpu.vector_load %arg15[%swap3A_1420] {strides = array<i32>} : memref<16xf32, #tpu.memory_space<vmem>>, vector<16xf32>,
      %swap3A_1422 = vector.shape_cast %swap3A_1421 : vector<16xf32> to vector<16xf32>
      %swap3A_1423 = vector.shape_cast %select_n3A_1414 : vector<16xf32> to vector<16xf32>
      tpu.vector_store %arg15[%swap3A_1420], %swap3A_1423 {strides = array<i32>} : memref<16xf32, #tpu.memory_space<vmem>>, vector<16xf32>,
      %mul3A_1424 = arith.constant 8 : i32
      %mul3A_1425 = arith.muli %select_n3A, %mul3A_1424 : i32
      %add3A_1426 = arith.constant 5 : i32
      %add3A_1427 = arith.addi %mul3A_1425, %add3A_1426 : i32
      %mul3A_1428 = arith.constant 16 : i32
      %mul3A_1429 = arith.muli %add3A_1427, %mul3A_1428 : i32
      %multiple_of3A_1430 = tpu.assume_multiple %mul3A_1429, 16 : i32
      "tpu.region"() ({
        %run_scoped3A = tpu.sem_alloc : memref<!tpu.dma_semaphore, #tpu.memory_space<semaphore_mem>>
        %dma_start3A_1560 = tpu.memref_slice %arg3[%multiple_of3A_1430] : memref<1024xi32, #tpu.memory_space<hbm>> -> memref<16xi32, #tpu.memory_space<hbm>>
        %dma_start3A_1561 = tpu.memref_slice %arg3[%multiple_of3A_1430] : memref<1024xi32, #tpu.memory_space<hbm>> -> memref<16xi32, #tpu.memory_space<hbm>>
        tpu.enqueue_dma source(%arg14 : memref<16xi32, #tpu.memory_space<vmem>>) target(%dma_start3A_1561 : memref<16xi32, #tpu.memory_space<hbm>>) target_semaphore(%run_scoped3A : memref<!tpu.dma_semaphore, #tpu.memory_space<semaphore_mem>>)
        %dma_wait3A_1562 = tpu.memref_slice %arg3[%multiple_of3A_1430] : memref<1024xi32, #tpu.memory_space<hbm>> -> memref<16xi32, #tpu.memory_space<hbm>>
        %dma_wait3A_1563 = tpu.memref_slice %arg3[%multiple_of3A_1430] : memref<1024xi32, #tpu.memory_space<hbm>> -> memref<16xi32, #tpu.memory_space<hbm>>
        tpu.wait_dma2 semaphore(%run_scoped3A : memref<!tpu.dma_semaphore, #tpu.memory_space<semaphore_mem>>) src(%arg14 : memref<16xi32, #tpu.memory_space<vmem>>) dst(%dma_wait3A_1563 : memref<16xi32, #tpu.memory_space<hbm>>)
        tpu.yield
      }) : () -> ()
      %mul3A_1431 = arith.constant 16 : i32
      %mul3A_1432 = arith.muli %add3A_1427, %mul3A_1431 : i32
      %multiple_of3A_1433 = tpu.assume_multiple %mul3A_1432, 16 : i32
      "tpu.region"() ({
        %run_scoped3A = tpu.sem_alloc : memref<!tpu.dma_semaphore, #tpu.memory_space<semaphore_mem>>
        %dma_start3A_1560 = tpu.memref_slice %arg4[%multiple_of3A_1433] : memref<1024xf32, #tpu.memory_space<hbm>> -> memref<16xf32, #tpu.memory_space<hbm>>
        %dma_start3A_1561 = tpu.memref_slice %arg4[%multiple_of3A_1433] : memref<1024xf32, #tpu.memory_space<hbm>> -> memref<16xf32, #tpu.memory_space<hbm>>
        tpu.enqueue_dma source(%arg15 : memref<16xf32, #tpu.memory_space<vmem>>) target(%dma_start3A_1561 : memref<16xf32, #tpu.memory_space<hbm>>) target_semaphore(%run_scoped3A : memref<!tpu.dma_semaphore, #tpu.memory_space<semaphore_mem>>)
        %dma_wait3A_1562 = tpu.memref_slice %arg4[%multiple_of3A_1433] : memref<1024xf32, #tpu.memory_space<hbm>> -> memref<16xf32, #tpu.memory_space<hbm>>
        %dma_wait3A_1563 = tpu.memref_slice %arg4[%multiple_of3A_1433] : memref<1024xf32, #tpu.memory_space<hbm>> -> memref<16xf32, #tpu.memory_space<hbm>>
        tpu.wait_dma2 semaphore(%run_scoped3A : memref<!tpu.dma_semaphore, #tpu.memory_space<semaphore_mem>>) src(%arg15 : memref<16xf32, #tpu.memory_space<vmem>>) dst(%dma_wait3A_1563 : memref<16xf32, #tpu.memory_space<hbm>>)
        tpu.yield
      }) : () -> ()
      %get3A_1434 = arith.constant 96 : index
      %get3A_1435 = tpu.vector_load %arg12[%get3A_1434] {strides = array<i32>} : memref<512xf32, #tpu.memory_space<vmem>>, vector<16xf32>,
      %get3A_1436 = vector.shape_cast %get3A_1435 : vector<16xf32> to vector<16xf32>
      %get3A_1437 = arith.constant 96 : index
      %get3A_1438 = tpu.vector_load %arg13[%get3A_1437] {strides = array<i32>} : memref<512xi32, #tpu.memory_space<vmem>>, vector<16xi32>,
      %get3A_1439 = vector.shape_cast %get3A_1438 : vector<16xi32> to vector<16xi32>
      %get3A_1440 = arith.constant 224 : index
      %get3A_1441 = tpu.vector_load %arg12[%get3A_1440] {strides = array<i32>} : memref<512xf32, #tpu.memory_space<vmem>>, vector<16xf32>,
      %get3A_1442 = vector.shape_cast %get3A_1441 : vector<16xf32> to vector<16xf32>
      %get3A_1443 = arith.constant 224 : index
      %get3A_1444 = tpu.vector_load %arg13[%get3A_1443] {strides = array<i32>} : memref<512xi32, #tpu.memory_space<vmem>>, vector<16xi32>,
      %get3A_1445 = vector.shape_cast %get3A_1444 : vector<16xi32> to vector<16xi32>
      %gt3A_1446 = arith.cmpf ogt, %get3A_1442, %get3A_1436 : vector<16xf32>
      %eq3A_1447 = arith.cmpf oeq, %get3A_1442, %get3A_1436 : vector<16xf32>
      %lt3A_1448 = arith.cmpi slt, %get3A_1445, %get3A_1439 : vector<16xi32>
      %and3A_1449 = arith.andi %eq3A_1447, %lt3A_1448 : vector<16xi1>
      %or3A_1450 = arith.ori %gt3A_1446, %and3A_1449 : vector<16xi1>
      %select_n3A_1451 = arith.select %or3A_1450, %get3A_1442, %get3A_1436 : vector<16xi1>, vector<16xf32>
      %select_n3A_1452 = arith.select %or3A_1450, %get3A_1445, %get3A_1439 : vector<16xi1>, vector<16xi32>
      %get3A_1453 = arith.constant 352 : index
      %get3A_1454 = tpu.vector_load %arg12[%get3A_1453] {strides = array<i32>} : memref<512xf32, #tpu.memory_space<vmem>>, vector<16xf32>,
      %get3A_1455 = vector.shape_cast %get3A_1454 : vector<16xf32> to vector<16xf32>
      %get3A_1456 = arith.constant 352 : index
      %get3A_1457 = tpu.vector_load %arg13[%get3A_1456] {strides = array<i32>} : memref<512xi32, #tpu.memory_space<vmem>>, vector<16xi32>,
      %get3A_1458 = vector.shape_cast %get3A_1457 : vector<16xi32> to vector<16xi32>
      %gt3A_1459 = arith.cmpf ogt, %get3A_1455, %select_n3A_1451 : vector<16xf32>
      %eq3A_1460 = arith.cmpf oeq, %get3A_1455, %select_n3A_1451 : vector<16xf32>
      %lt3A_1461 = arith.cmpi slt, %get3A_1458, %select_n3A_1452 : vector<16xi32>
      %and3A_1462 = arith.andi %eq3A_1460, %lt3A_1461 : vector<16xi1>
      %or3A_1463 = arith.ori %gt3A_1459, %and3A_1462 : vector<16xi1>
      %select_n3A_1464 = arith.select %or3A_1463, %get3A_1455, %select_n3A_1451 : vector<16xi1>, vector<16xf32>
      %select_n3A_1465 = arith.select %or3A_1463, %get3A_1458, %select_n3A_1452 : vector<16xi1>, vector<16xi32>
      %get3A_1466 = arith.constant 480 : index
      %get3A_1467 = tpu.vector_load %arg12[%get3A_1466] {strides = array<i32>} : memref<512xf32, #tpu.memory_space<vmem>>, vector<16xf32>,
      %get3A_1468 = vector.shape_cast %get3A_1467 : vector<16xf32> to vector<16xf32>
      %get3A_1469 = arith.constant 480 : index
      %get3A_1470 = tpu.vector_load %arg13[%get3A_1469] {strides = array<i32>} : memref<512xi32, #tpu.memory_space<vmem>>, vector<16xi32>,
      %get3A_1471 = vector.shape_cast %get3A_1470 : vector<16xi32> to vector<16xi32>
      %gt3A_1472 = arith.cmpf ogt, %get3A_1468, %select_n3A_1464 : vector<16xf32>
      %eq3A_1473 = arith.cmpf oeq, %get3A_1468, %select_n3A_1464 : vector<16xf32>
      %lt3A_1474 = arith.cmpi slt, %get3A_1471, %select_n3A_1465 : vector<16xi32>
      %and3A_1475 = arith.andi %eq3A_1473, %lt3A_1474 : vector<16xi1>
      %or3A_1476 = arith.ori %gt3A_1472, %and3A_1475 : vector<16xi1>
      %select_n3A_1477 = arith.select %or3A_1476, %get3A_1468, %select_n3A_1464 : vector<16xi1>, vector<16xf32>
      %select_n3A_1478 = arith.select %or3A_1476, %get3A_1471, %select_n3A_1465 : vector<16xi1>, vector<16xi32>
      %swap3A_1479 = arith.constant 0 : index
      %swap3A_1480 = tpu.vector_load %arg14[%swap3A_1479] {strides = array<i32>} : memref<16xi32, #tpu.memory_space<vmem>>, vector<16xi32>,
      %swap3A_1481 = vector.shape_cast %swap3A_1480 : vector<16xi32> to vector<16xi32>
      %swap3A_1482 = vector.shape_cast %select_n3A_1478 : vector<16xi32> to vector<16xi32>
      tpu.vector_store %arg14[%swap3A_1479], %swap3A_1482 {strides = array<i32>} : memref<16xi32, #tpu.memory_space<vmem>>, vector<16xi32>,
      %swap3A_1483 = arith.constant 0 : index
      %swap3A_1484 = tpu.vector_load %arg15[%swap3A_1483] {strides = array<i32>} : memref<16xf32, #tpu.memory_space<vmem>>, vector<16xf32>,
      %swap3A_1485 = vector.shape_cast %swap3A_1484 : vector<16xf32> to vector<16xf32>
      %swap3A_1486 = vector.shape_cast %select_n3A_1477 : vector<16xf32> to vector<16xf32>
      tpu.vector_store %arg15[%swap3A_1483], %swap3A_1486 {strides = array<i32>} : memref<16xf32, #tpu.memory_space<vmem>>, vector<16xf32>,
      %mul3A_1487 = arith.constant 8 : i32
      %mul3A_1488 = arith.muli %select_n3A, %mul3A_1487 : i32
      %add3A_1489 = arith.constant 6 : i32
      %add3A_1490 = arith.addi %mul3A_1488, %add3A_1489 : i32
      %mul3A_1491 = arith.constant 16 : i32
      %mul3A_1492 = arith.muli %add3A_1490, %mul3A_1491 : i32
      %multiple_of3A_1493 = tpu.assume_multiple %mul3A_1492, 16 : i32
      "tpu.region"() ({
        %run_scoped3A = tpu.sem_alloc : memref<!tpu.dma_semaphore, #tpu.memory_space<semaphore_mem>>
        %dma_start3A_1560 = tpu.memref_slice %arg3[%multiple_of3A_1493] : memref<1024xi32, #tpu.memory_space<hbm>> -> memref<16xi32, #tpu.memory_space<hbm>>
        %dma_start3A_1561 = tpu.memref_slice %arg3[%multiple_of3A_1493] : memref<1024xi32, #tpu.memory_space<hbm>> -> memref<16xi32, #tpu.memory_space<hbm>>
        tpu.enqueue_dma source(%arg14 : memref<16xi32, #tpu.memory_space<vmem>>) target(%dma_start3A_1561 : memref<16xi32, #tpu.memory_space<hbm>>) target_semaphore(%run_scoped3A : memref<!tpu.dma_semaphore, #tpu.memory_space<semaphore_mem>>)
        %dma_wait3A_1562 = tpu.memref_slice %arg3[%multiple_of3A_1493] : memref<1024xi32, #tpu.memory_space<hbm>> -> memref<16xi32, #tpu.memory_space<hbm>>
        %dma_wait3A_1563 = tpu.memref_slice %arg3[%multiple_of3A_1493] : memref<1024xi32, #tpu.memory_space<hbm>> -> memref<16xi32, #tpu.memory_space<hbm>>
        tpu.wait_dma2 semaphore(%run_scoped3A : memref<!tpu.dma_semaphore, #tpu.memory_space<semaphore_mem>>) src(%arg14 : memref<16xi32, #tpu.memory_space<vmem>>) dst(%dma_wait3A_1563 : memref<16xi32, #tpu.memory_space<hbm>>)
        tpu.yield
      }) : () -> ()
      %mul3A_1494 = arith.constant 16 : i32
      %mul3A_1495 = arith.muli %add3A_1490, %mul3A_1494 : i32
      %multiple_of3A_1496 = tpu.assume_multiple %mul3A_1495, 16 : i32
      "tpu.region"() ({
        %run_scoped3A = tpu.sem_alloc : memref<!tpu.dma_semaphore, #tpu.memory_space<semaphore_mem>>
        %dma_start3A_1560 = tpu.memref_slice %arg4[%multiple_of3A_1496] : memref<1024xf32, #tpu.memory_space<hbm>> -> memref<16xf32, #tpu.memory_space<hbm>>
        %dma_start3A_1561 = tpu.memref_slice %arg4[%multiple_of3A_1496] : memref<1024xf32, #tpu.memory_space<hbm>> -> memref<16xf32, #tpu.memory_space<hbm>>
        tpu.enqueue_dma source(%arg15 : memref<16xf32, #tpu.memory_space<vmem>>) target(%dma_start3A_1561 : memref<16xf32, #tpu.memory_space<hbm>>) target_semaphore(%run_scoped3A : memref<!tpu.dma_semaphore, #tpu.memory_space<semaphore_mem>>)
        %dma_wait3A_1562 = tpu.memref_slice %arg4[%multiple_of3A_1496] : memref<1024xf32, #tpu.memory_space<hbm>> -> memref<16xf32, #tpu.memory_space<hbm>>
        %dma_wait3A_1563 = tpu.memref_slice %arg4[%multiple_of3A_1496] : memref<1024xf32, #tpu.memory_space<hbm>> -> memref<16xf32, #tpu.memory_space<hbm>>
        tpu.wait_dma2 semaphore(%run_scoped3A : memref<!tpu.dma_semaphore, #tpu.memory_space<semaphore_mem>>) src(%arg15 : memref<16xf32, #tpu.memory_space<vmem>>) dst(%dma_wait3A_1563 : memref<16xf32, #tpu.memory_space<hbm>>)
        tpu.yield
      }) : () -> ()
      %get3A_1497 = arith.constant 112 : index
      %get3A_1498 = tpu.vector_load %arg12[%get3A_1497] {strides = array<i32>} : memref<512xf32, #tpu.memory_space<vmem>>, vector<16xf32>,
      %get3A_1499 = vector.shape_cast %get3A_1498 : vector<16xf32> to vector<16xf32>
      %get3A_1500 = arith.constant 112 : index
      %get3A_1501 = tpu.vector_load %arg13[%get3A_1500] {strides = array<i32>} : memref<512xi32, #tpu.memory_space<vmem>>, vector<16xi32>,
      %get3A_1502 = vector.shape_cast %get3A_1501 : vector<16xi32> to vector<16xi32>
      %get3A_1503 = arith.constant 240 : index
      %get3A_1504 = tpu.vector_load %arg12[%get3A_1503] {strides = array<i32>} : memref<512xf32, #tpu.memory_space<vmem>>, vector<16xf32>,
      %get3A_1505 = vector.shape_cast %get3A_1504 : vector<16xf32> to vector<16xf32>
      %get3A_1506 = arith.constant 240 : index
      %get3A_1507 = tpu.vector_load %arg13[%get3A_1506] {strides = array<i32>} : memref<512xi32, #tpu.memory_space<vmem>>, vector<16xi32>,
      %get3A_1508 = vector.shape_cast %get3A_1507 : vector<16xi32> to vector<16xi32>
      %gt3A_1509 = arith.cmpf ogt, %get3A_1505, %get3A_1499 : vector<16xf32>
      %eq3A_1510 = arith.cmpf oeq, %get3A_1505, %get3A_1499 : vector<16xf32>
      %lt3A_1511 = arith.cmpi slt, %get3A_1508, %get3A_1502 : vector<16xi32>
      %and3A_1512 = arith.andi %eq3A_1510, %lt3A_1511 : vector<16xi1>
      %or3A_1513 = arith.ori %gt3A_1509, %and3A_1512 : vector<16xi1>
      %select_n3A_1514 = arith.select %or3A_1513, %get3A_1505, %get3A_1499 : vector<16xi1>, vector<16xf32>
      %select_n3A_1515 = arith.select %or3A_1513, %get3A_1508, %get3A_1502 : vector<16xi1>, vector<16xi32>
      %get3A_1516 = arith.constant 368 : index
      %get3A_1517 = tpu.vector_load %arg12[%get3A_1516] {strides = array<i32>} : memref<512xf32, #tpu.memory_space<vmem>>, vector<16xf32>,
      %get3A_1518 = vector.shape_cast %get3A_1517 : vector<16xf32> to vector<16xf32>
      %get3A_1519 = arith.constant 368 : index
      %get3A_1520 = tpu.vector_load %arg13[%get3A_1519] {strides = array<i32>} : memref<512xi32, #tpu.memory_space<vmem>>, vector<16xi32>,
      %get3A_1521 = vector.shape_cast %get3A_1520 : vector<16xi32> to vector<16xi32>
      %gt3A_1522 = arith.cmpf ogt, %get3A_1518, %select_n3A_1514 : vector<16xf32>
      %eq3A_1523 = arith.cmpf oeq, %get3A_1518, %select_n3A_1514 : vector<16xf32>
      %lt3A_1524 = arith.cmpi slt, %get3A_1521, %select_n3A_1515 : vector<16xi32>
      %and3A_1525 = arith.andi %eq3A_1523, %lt3A_1524 : vector<16xi1>
      %or3A_1526 = arith.ori %gt3A_1522, %and3A_1525 : vector<16xi1>
      %select_n3A_1527 = arith.select %or3A_1526, %get3A_1518, %select_n3A_1514 : vector<16xi1>, vector<16xf32>
      %select_n3A_1528 = arith.select %or3A_1526, %get3A_1521, %select_n3A_1515 : vector<16xi1>, vector<16xi32>
      %get3A_1529 = arith.constant 496 : index
      %get3A_1530 = tpu.vector_load %arg12[%get3A_1529] {strides = array<i32>} : memref<512xf32, #tpu.memory_space<vmem>>, vector<16xf32>,
      %get3A_1531 = vector.shape_cast %get3A_1530 : vector<16xf32> to vector<16xf32>
      %get3A_1532 = arith.constant 496 : index
      %get3A_1533 = tpu.vector_load %arg13[%get3A_1532] {strides = array<i32>} : memref<512xi32, #tpu.memory_space<vmem>>, vector<16xi32>,
      %get3A_1534 = vector.shape_cast %get3A_1533 : vector<16xi32> to vector<16xi32>
      %gt3A_1535 = arith.cmpf ogt, %get3A_1531, %select_n3A_1527 : vector<16xf32>
      %eq3A_1536 = arith.cmpf oeq, %get3A_1531, %select_n3A_1527 : vector<16xf32>
      %lt3A_1537 = arith.cmpi slt, %get3A_1534, %select_n3A_1528 : vector<16xi32>
      %and3A_1538 = arith.andi %eq3A_1536, %lt3A_1537 : vector<16xi1>
      %or3A_1539 = arith.ori %gt3A_1535, %and3A_1538 : vector<16xi1>
      %select_n3A_1540 = arith.select %or3A_1539, %get3A_1531, %select_n3A_1527 : vector<16xi1>, vector<16xf32>
      %select_n3A_1541 = arith.select %or3A_1539, %get3A_1534, %select_n3A_1528 : vector<16xi1>, vector<16xi32>
      %swap3A_1542 = arith.constant 0 : index
      %swap3A_1543 = tpu.vector_load %arg14[%swap3A_1542] {strides = array<i32>} : memref<16xi32, #tpu.memory_space<vmem>>, vector<16xi32>,
      %swap3A_1544 = vector.shape_cast %swap3A_1543 : vector<16xi32> to vector<16xi32>
      %swap3A_1545 = vector.shape_cast %select_n3A_1541 : vector<16xi32> to vector<16xi32>
      tpu.vector_store %arg14[%swap3A_1542], %swap3A_1545 {strides = array<i32>} : memref<16xi32, #tpu.memory_space<vmem>>, vector<16xi32>,
      %swap3A_1546 = arith.constant 0 : index
      %swap3A_1547 = tpu.vector_load %arg15[%swap3A_1546] {strides = array<i32>} : memref<16xf32, #tpu.memory_space<vmem>>, vector<16xf32>,
      %swap3A_1548 = vector.shape_cast %swap3A_1547 : vector<16xf32> to vector<16xf32>
      %swap3A_1549 = vector.shape_cast %select_n3A_1540 : vector<16xf32> to vector<16xf32>
      tpu.vector_store %arg15[%swap3A_1546], %swap3A_1549 {strides = array<i32>} : memref<16xf32, #tpu.memory_space<vmem>>, vector<16xf32>,
      %mul3A_1550 = arith.constant 8 : i32
      %mul3A_1551 = arith.muli %select_n3A, %mul3A_1550 : i32
      %add3A_1552 = arith.constant 7 : i32
      %add3A_1553 = arith.addi %mul3A_1551, %add3A_1552 : i32
      %mul3A_1554 = arith.constant 16 : i32
      %mul3A_1555 = arith.muli %add3A_1553, %mul3A_1554 : i32
      %multiple_of3A_1556 = tpu.assume_multiple %mul3A_1555, 16 : i32
      "tpu.region"() ({
        %run_scoped3A = tpu.sem_alloc : memref<!tpu.dma_semaphore, #tpu.memory_space<semaphore_mem>>
        %dma_start3A_1560 = tpu.memref_slice %arg3[%multiple_of3A_1556] : memref<1024xi32, #tpu.memory_space<hbm>> -> memref<16xi32, #tpu.memory_space<hbm>>
        %dma_start3A_1561 = tpu.memref_slice %arg3[%multiple_of3A_1556] : memref<1024xi32, #tpu.memory_space<hbm>> -> memref<16xi32, #tpu.memory_space<hbm>>
        tpu.enqueue_dma source(%arg14 : memref<16xi32, #tpu.memory_space<vmem>>) target(%dma_start3A_1561 : memref<16xi32, #tpu.memory_space<hbm>>) target_semaphore(%run_scoped3A : memref<!tpu.dma_semaphore, #tpu.memory_space<semaphore_mem>>)
        %dma_wait3A_1562 = tpu.memref_slice %arg3[%multiple_of3A_1556] : memref<1024xi32, #tpu.memory_space<hbm>> -> memref<16xi32, #tpu.memory_space<hbm>>
        %dma_wait3A_1563 = tpu.memref_slice %arg3[%multiple_of3A_1556] : memref<1024xi32, #tpu.memory_space<hbm>> -> memref<16xi32, #tpu.memory_space<hbm>>
        tpu.wait_dma2 semaphore(%run_scoped3A : memref<!tpu.dma_semaphore, #tpu.memory_space<semaphore_mem>>) src(%arg14 : memref<16xi32, #tpu.memory_space<vmem>>) dst(%dma_wait3A_1563 : memref<16xi32, #tpu.memory_space<hbm>>)
        tpu.yield
      }) : () -> ()
      %mul3A_1557 = arith.constant 16 : i32
      %mul3A_1558 = arith.muli %add3A_1553, %mul3A_1557 : i32
      %multiple_of3A_1559 = tpu.assume_multiple %mul3A_1558, 16 : i32
      "tpu.region"() ({
        %run_scoped3A = tpu.sem_alloc : memref<!tpu.dma_semaphore, #tpu.memory_space<semaphore_mem>>
        %dma_start3A_1560 = tpu.memref_slice %arg4[%multiple_of3A_1559] : memref<1024xf32, #tpu.memory_space<hbm>> -> memref<16xf32, #tpu.memory_space<hbm>>
        %dma_start3A_1561 = tpu.memref_slice %arg4[%multiple_of3A_1559] : memref<1024xf32, #tpu.memory_space<hbm>> -> memref<16xf32, #tpu.memory_space<hbm>>
        tpu.enqueue_dma source(%arg15 : memref<16xf32, #tpu.memory_space<vmem>>) target(%dma_start3A_1561 : memref<16xf32, #tpu.memory_space<hbm>>) target_semaphore(%run_scoped3A : memref<!tpu.dma_semaphore, #tpu.memory_space<semaphore_mem>>)
        %dma_wait3A_1562 = tpu.memref_slice %arg4[%multiple_of3A_1559] : memref<1024xf32, #tpu.memory_space<hbm>> -> memref<16xf32, #tpu.memory_space<hbm>>
        %dma_wait3A_1563 = tpu.memref_slice %arg4[%multiple_of3A_1559] : memref<1024xf32, #tpu.memory_space<hbm>> -> memref<16xf32, #tpu.memory_space<hbm>>
        tpu.wait_dma2 semaphore(%run_scoped3A : memref<!tpu.dma_semaphore, #tpu.memory_space<semaphore_mem>>) src(%arg15 : memref<16xf32, #tpu.memory_space<vmem>>) dst(%dma_wait3A_1563 : memref<16xf32, #tpu.memory_space<hbm>>)
        tpu.yield
      }) : () -> ()
    } else {
    }
    return
  }
}

module attributes {stable_mosaic.version = 14 : i64} {
  func.func @_merge_body(%arg0: memref<64x1xf32, #tpu.memory_space<vmem>>, %arg1: memref<64x1xi32, #tpu.memory_space<vmem>>, %arg2: memref<64x1xf32, #tpu.memory_space<vmem>>, %arg3: memref<64x1xi32, #tpu.memory_space<vmem>>, %arg4: memref<64x1xi32, #tpu.memory_space<vmem>>) attributes {dimension_semantics = [], scalar_prefetch = 0 : i64, scratch_operands = 0 : i64, tpu.core_type = #tpu.core_type<tc>} {
    %get3A = arith.constant 0 : index
    %get3A_0 = arith.constant 0 : index
    %get3A_1 = vector.load %arg0[%get3A, %get3A_0] : memref<64x1xf32, #tpu.memory_space<vmem>>, vector<64x1xf32>
    %get3A_2 = arith.constant 0 : index
    %get3A_3 = arith.constant 0 : index
    %get3A_4 = vector.load %arg1[%get3A_2, %get3A_3] : memref<64x1xi32, #tpu.memory_space<vmem>>, vector<64x1xi32>
    %get3A_5 = arith.constant 0 : index
    %get3A_6 = arith.constant 0 : index
    %get3A_7 = vector.load %arg2[%get3A_5, %get3A_6] : memref<64x1xf32, #tpu.memory_space<vmem>>, vector<64x1xf32>
    %get3A_8 = arith.constant 0 : index
    %get3A_9 = arith.constant 0 : index
    %get3A_10 = vector.load %arg3[%get3A_8, %get3A_9] : memref<64x1xi32, #tpu.memory_space<vmem>>, vector<64x1xi32>
    %gt3A = arith.cmpf ogt, %get3A_7, %get3A_1 : vector<64x1xf32>
    %eq3A = arith.cmpf oeq, %get3A_7, %get3A_1 : vector<64x1xf32>
    %lt3A = arith.cmpi slt, %get3A_10, %get3A_4 : vector<64x1xi32>
    %and3A = arith.andi %eq3A, %lt3A : vector<64x1xi1>
    %or3A = arith.ori %gt3A, %and3A : vector<64x1xi1>
    %select_n3A = arith.select %or3A, %get3A_10, %get3A_4 : vector<64x1xi1>, vector<64x1xi32>
    %swap3A = arith.constant 0 : index
    %swap3A_11 = arith.constant 0 : index
    %swap3A_12 = vector.load %arg4[%swap3A, %swap3A_11] : memref<64x1xi32, #tpu.memory_space<vmem>>, vector<64x1xi32>
    tpu.vector_store %arg4[%swap3A, %swap3A_11], %select_n3A {strides = array<i32>} : memref<64x1xi32, #tpu.memory_space<vmem>>, vector<64x1xi32>,
    return
  }
}

module attributes {stable_mosaic.version = 14 : i64} {
  func.func @_tc_partial_body(%arg0: i32, %arg1: memref<64x15872xf32, #tpu.memory_space<vmem>>, %arg2: memref<64x1xf32, #tpu.memory_space<vmem>>, %arg3: memref<64x1xi32, #tpu.memory_space<vmem>>) attributes {dimension_semantics = [#tpu.dimension_semantics<arbitrary>], iteration_bounds = array<i64: 38>, scalar_prefetch = 0 : i64, scratch_operands = 0 : i64, tpu.core_type = #tpu.core_type<tc>, window_params = [{transform_indices = @transform_0, window_bounds = array<i64: 64, 15872>}, {pipeline_mode = #tpu.pipeline_mode<synchronous>, transform_indices = @transform_1, window_bounds = array<i64: 64, 1>}, {pipeline_mode = #tpu.pipeline_mode<synchronous>, transform_indices = @transform_2, window_bounds = array<i64: 64, 1>}]} {
    %get3A = arith.constant 0 : index
    %get3A_0 = arith.constant 0 : index
    %get3A_1 = vector.load %arg1[%get3A, %get3A_0] : memref<64x15872xf32, #tpu.memory_space<vmem>>, vector<64x15872xf32>
    %reduce_max3A = arith.constant dense<0xFF800000> : vector<64xf32>
    %reduce_max3A_2 = vector.multi_reduction <maximumf>, %get3A_1, %reduce_max3A [1] : vector<64x15872xf32> to vector<64xf32>
    %broadcast_in_dim3A = vector.shape_cast %reduce_max3A_2 : vector<64xf32> to vector<64x1xf32>
    %iota3A = tpu.iota {dimensions = array<i32: 1>} : vector<64x15872xi32>
    %mul3A = arith.constant 15872 : i32
    %mul3A_3 = arith.muli %arg0, %mul3A : i32
    %add3A = vector.broadcast %mul3A_3 : i32 to vector<64x15872xi32>
    %add3A_4 = arith.addi %iota3A, %add3A : vector<64x15872xi32>
    %eq3A = vector.broadcast %broadcast_in_dim3A : vector<64x1xf32> to vector<64x15872xf32>
    %eq3A_5 = arith.cmpf oeq, %get3A_1, %eq3A : vector<64x15872xf32>
    %jit3A = arith.constant 2147483647 : i32
    %broadcast_in_dim3A_6 = vector.broadcast %jit3A : i32 to vector<64x15872xi32>
    %select_n3A = arith.select %eq3A_5, %add3A_4, %broadcast_in_dim3A_6 : vector<64x15872xi1>, vector<64x15872xi32>
    %reduce_min3A = arith.constant dense<2147483647> : vector<64xi32>
    %reduce_min3A_7 = vector.multi_reduction <minsi>, %select_n3A, %reduce_min3A [1] : vector<64x15872xi32> to vector<64xi32>
    %broadcast_in_dim3A_8 = vector.shape_cast %reduce_min3A_7 : vector<64xi32> to vector<64x1xi32>
    %eq3A_9 = arith.constant 0 : i32
    %eq3A_10 = arith.cmpi eq, %arg0, %eq3A_9 : i32
    %convert_element_type3A = arith.extui %eq3A_10 : i1 to i32
    %cond3A = arith.constant 0 : i32
    %cond3A_11 = arith.cmpi ne, %convert_element_type3A, %cond3A : i32
    scf.if %cond3A_11 {
      %swap3A = arith.constant 0 : index
      %swap3A_16 = arith.constant 0 : index
      %swap3A_17 = vector.load %arg2[%swap3A, %swap3A_16] : memref<64x1xf32, #tpu.memory_space<vmem>>, vector<64x1xf32>
      tpu.vector_store %arg2[%swap3A, %swap3A_16], %broadcast_in_dim3A {strides = array<i32>} : memref<64x1xf32, #tpu.memory_space<vmem>>, vector<64x1xf32>,
      %swap3A_18 = arith.constant 0 : index
      %swap3A_19 = arith.constant 0 : index
      %swap3A_20 = vector.load %arg3[%swap3A_18, %swap3A_19] : memref<64x1xi32, #tpu.memory_space<vmem>>, vector<64x1xi32>
      tpu.vector_store %arg3[%swap3A_18, %swap3A_19], %broadcast_in_dim3A_8 {strides = array<i32>} : memref<64x1xi32, #tpu.memory_space<vmem>>, vector<64x1xi32>,
    } else {
    }
    %gt3A = arith.constant 0 : i32
    %gt3A_12 = arith.cmpi sgt, %arg0, %gt3A : i32
    %convert_element_type3A_13 = arith.extui %gt3A_12 : i1 to i32
    %cond3A_14 = arith.constant 0 : i32
    %cond3A_15 = arith.cmpi ne, %convert_element_type3A_13, %cond3A_14 : i32
    scf.if %cond3A_15 {
      %get3A_16 = arith.constant 0 : index
      %get3A_17 = arith.constant 0 : index
      %get3A_18 = vector.load %arg2[%get3A_16, %get3A_17] : memref<64x1xf32, #tpu.memory_space<vmem>>, vector<64x1xf32>
      %gt3A_19 = arith.cmpf ogt, %broadcast_in_dim3A, %get3A_18 : vector<64x1xf32>
      %get3A_20 = arith.constant 0 : index
      %get3A_21 = arith.constant 0 : index
      %get3A_22 = vector.load %arg2[%get3A_20, %get3A_21] : memref<64x1xf32, #tpu.memory_space<vmem>>, vector<64x1xf32>
      %select_n3A_23 = arith.select %gt3A_19, %broadcast_in_dim3A, %get3A_22 : vector<64x1xi1>, vector<64x1xf32>
      %swap3A = arith.constant 0 : index
      %swap3A_24 = arith.constant 0 : index
      %swap3A_25 = vector.load %arg2[%swap3A, %swap3A_24] : memref<64x1xf32, #tpu.memory_space<vmem>>, vector<64x1xf32>
      tpu.vector_store %arg2[%swap3A, %swap3A_24], %select_n3A_23 {strides = array<i32>} : memref<64x1xf32, #tpu.memory_space<vmem>>, vector<64x1xf32>,
      %get3A_26 = arith.constant 0 : index
      %get3A_27 = arith.constant 0 : index
      %get3A_28 = vector.load %arg3[%get3A_26, %get3A_27] : memref<64x1xi32, #tpu.memory_space<vmem>>, vector<64x1xi32>
      %select_n3A_29 = arith.select %gt3A_19, %broadcast_in_dim3A_8, %get3A_28 : vector<64x1xi1>, vector<64x1xi32>
      %swap3A_30 = arith.constant 0 : index
      %swap3A_31 = arith.constant 0 : index
      %swap3A_32 = vector.load %arg3[%swap3A_30, %swap3A_31] : memref<64x1xi32, #tpu.memory_space<vmem>>, vector<64x1xi32>
      tpu.vector_store %arg3[%swap3A_30, %swap3A_31], %select_n3A_29 {strides = array<i32>} : memref<64x1xi32, #tpu.memory_space<vmem>>, vector<64x1xi32>,
    } else {
    }
    return
  }
  func.func @transform_0(%arg0: i32) -> (i32, i32) {
    %c0_i32 = arith.constant 0 : i32
    %c0_i32_0 = arith.constant 0 : i32
    return %c0_i32, %arg0 : i32, i32
  }
  func.func @transform_1(%arg0: i32) -> (i32, i32) {
    %c0_i32 = arith.constant 0 : i32
    %c0_i32_0 = arith.constant 0 : i32
    %c0_i32_1 = arith.constant 0 : i32
    return %c0_i32, %c0_i32_0 : i32, i32
  }
  func.func @transform_2(%arg0: i32) -> (i32, i32) {
    %c0_i32 = arith.constant 0 : i32
    %c0_i32_0 = arith.constant 0 : i32
    %c0_i32_1 = arith.constant 0 : i32
    return %c0_i32, %c0_i32_0 : i32, i32
  }
}

</mosaic_0001>

<sc_bundles>
// kernel: kernel.5.cloned.1.call-start
scs
__scs_entry_jumppad:
0x0: {  	(pc) =	sbr.rel $0x88, $3  }
0x1: {  	(tag) =	ssettag $0x0;
	lr =	simm.s32 $0x1  }
0x2: {  	[smem:$0x3FA0] =	sst lr;
	_ =	strace $0xD0000000  }
0x3: {  	_ = 	snop  }
0x4: {  	_ = 	snop  }
0x5: {  	_ = 	snop  }
0x6: {  	_ = 	snop  }
0x7: {  	_ = 	snop  }
__scs_overlays_trampoline_lowered:
0x8: {  	[smem:$0x3FAF] =	sst s0  }
0x9: {  	[smem:$0x3FB0] =	sst s1  }
0xa: {  	[smem:$0x3FB1] =	sst s2  }
0xb: {  	[smem:$0x3FB2] =	sst s3  }
0xc: {  	[smem:$0x3FB3] =	sst s4  }
0xd: {  	[smem:$0x3FB4] =	sst s5  }
0xe: {  	[smem:$0x3FB5] =	sst s6  }
0xf: {  	[smem:$0x3FB6] =	sst s7  }
0x10: {  	[smem:$0x3FB7] =	sst s8  }
0x11: {  	[smem:$0x3FB8] =	sst s9;
	s0 =	simm.s32 @!p0 $0x0  }
0x12: {  	s1 =	sld [smem:$0x3F9E];
	s0 =	simm.s32 @p0 $0x1  }
0x13: {  	[smem:$0x3FB9] =	sst s0;
	s0 =	simm.s32 @!p1 $0x0  }
0x14: {  	s2 =	sld [smem:$0x3F9D];
	s0 =	simm.s32 @p1 $0x1  }
0x15: {  	[smem:$0x3FBA] =	sst s0;
	s0 =	simm.s32 @!p2 $0x0  }
0x16: {  	s3 =	sld [smem:$0x3FDB];
	s0 =	simm.s32 @p2 $0x1  }
0x17: {  	s4 =	simm.s32 $0x1BF5;
	[smem:$0x3FBC] =	sst s0  }
0x18: {  	s0 =	sld [smem:$0x3F9F];
	_ =	swait.ge [sflag:s4], $0x0  }
0x19: {  	s7 =	sld [smem:$0x3FA0]  }
0x1a: {  	s8 =	sadd.s32 $0xFFFFE003, lr  }
0x1b: {  	s9 =	sadd.s32 $0xFFFFFEF7, lr;
	s5 =	simm.s32 $0xFFFFFFFF;
	p2 =	slt.u32 s8, $0xFFFFF086  }
0x1c: {  	p1 =	slt.u32 s9, $0xF7A;
	s5 =	simm.s32 @!p2 $0x0  }
0x1d: {  	s5 =	simm.s32 @p1 $0x1;
	p0 =	seq.s32 s7, s2  }
0x1e: {  	s7 =	smul.u32 @!p0 $0xF7A, s2;
	p2 =	seq.s32 @!p0 s5, $0x0  }
0x1f: {  	s9 =	smul.u32 $0xF7A, s1;
	s8 =	simm.s32 @!p0 $0x1BF5;
	p2 =	por !p2, p0  }
0x20: {  	[sflag:s8] =	ssyncset.s32 @!p0 $0xFFFFF086;
	s6 =	sadd.s32 @!p0 s3, s7;
	s7 =	simm.s32 @!p0 $0x108  }
0x21: {  	s3 =	sadd.s32 s3, s9;
	s6 =	sadd.s32 @!p0 $0x88, s6;
	s7 =	simm.s32 @p2 $0x1082  }
0x22: {  	[simem:s7], [sflag:s8] =	dma.local @!p0 [hbm:s6], $0xF7A  }
0x23: {  	s9 =	sor.u32 $0xD0000000, s2;
	s6 =	simm.s32 $0x108;
	_ =	swait.ge @!p0 [sflag:s8], $0x0  }
0x24: {  	s3 =	sadd.s32 $0x88, s3;
	s6 =	simm.s32 @!p1 $0x1082;
	[sflag:s4] =	ssyncset.s32 $0xFFFFF086  }
0x25: {  	[simem:s6], [sflag:s4] =	dma.local [hbm:s3], $0xF7A  }
0x26: {  	[smem:$0x3FA0] =	sst s1;
	(tag) =	ssettag s2;
	_ =	strace s9  }
0x27: {  	s1 =	sld [smem:$0x3FB0]  }
0x28: {  	s2 =	sld [smem:$0x3FB1]  }
0x29: {  	s4 =	sld [smem:$0x3FB3]  }
0x2a: {  	p0 =	seq.s32 s5, $0x0;
	s5 =	sld [smem:$0x3FB4]  }
0x2b: {  	s6 =	sld [smem:$0x3FB5]  }
0x2c: {  	s7 =	sld [smem:$0x3FB6]  }
0x2d: {  	s3 =	simm.s32 $0x108;
	s8 =	sld [smem:$0x3FB7]  }
0x2e: {  	s3 =	simm.s32 @!p0 $0x1082;
	s9 =	sld [smem:$0x3FB8]  }
0x2f: {  	lr =	sadd.s32 s0, s3;
	s0 =	sld [smem:$0x3FAF]  }
0x30: {  	s3 =	sld [smem:$0x3FB2]  }
0x31: {  	[smem:$0x3FBB] =	sst s10  }
0x32: {  	s10 =	sld [smem:$0x3FB9];
	_ =	sdelay $0x3  }
0x33: {  	p0 =	seq.s32 s10, $0x1;
	s10 =	sld [smem:$0x3FBB];
	_ =	sdelay $0x3  }
0x34: {  	[smem:$0x3FBB] =	sst s10  }
0x35: {  	s10 =	sld [smem:$0x3FBA];
	_ =	sdelay $0x3  }
0x36: {  	p1 =	seq.s32 s10, $0x1;
	s10 =	sld [smem:$0x3FBB];
	_ =	sdelay $0x3  }
0x37: {  	[smem:$0x3FBB] =	sst s10  }
0x38: {  	s10 =	sld [smem:$0x3FBC]  }
0x39: {  	_ = 	snop;
	(pc) =	sbr.ind lr, $3  }
0x3a: {  	_ = 	snop  }
0x3b: {  	_ = 	snop  }
0x3c: {  	p2 =	seq.s32 s10, $0x1;
	s10 =	sld [smem:$0x3FBB]  }
0x3d: {  	_ =	shalt  }
0x3e: {  	_ =	shalt  }
0x3f: {  	_ =	shalt  }
0x40: {  	_ =	shalt  }
0x41: {  	_ =	shalt  }
0x42: {  	_ =	shalt  }
0x43: {  	_ =	shalt  }
0x44: {  	_ =	shalt  }
0x45: {  	_ =	shalt  }
0x46: {  	_ =	shalt  }
0x47: {  	_ =	shalt  }
0x48: {  	_ =	shalt  }
0x49: {  	_ =	shalt  }
0x4a: {  	_ =	shalt  }
0x4b: {  	_ =	shalt  }
0x4c: {  	_ =	shalt  }
0x4d: {  	_ =	shalt  }
0x4e: {  	_ =	shalt  }
0x4f: {  	_ =	shalt  }
0x50: {  	_ =	shalt  }
0x51: {  	_ =	shalt  }
0x52: {  	_ =	shalt  }
0x53: {  	_ =	shalt  }
0x54: {  	_ =	shalt  }
0x55: {  	_ =	shalt  }
0x56: {  	_ =	shalt  }
0x57: {  	_ =	shalt  }
0x58: {  	_ =	shalt  }
0x59: {  	_ =	shalt  }
0x5a: {  	_ =	shalt  }
0x5b: {  	_ =	shalt  }
0x5c: {  	_ =	shalt  }
0x5d: {  	_ =	shalt  }
0x5e: {  	_ =	shalt  }
0x5f: {  	_ =	shalt  }
0x60: {  	_ =	shalt  }
0x61: {  	_ =	shalt  }
0x62: {  	_ =	shalt  }
0x63: {  	_ =	shalt  }
0x64: {  	_ =	shalt  }
0x65: {  	_ =	shalt  }
0x66: {  	_ =	shalt  }
0x67: {  	_ =	shalt  }
0x68: {  	_ =	shalt  }
0x69: {  	_ =	shalt  }
0x6a: {  	_ =	shalt  }
0x6b: {  	_ =	shalt  }
0x6c: {  	_ =	shalt  }
0x6d: {  	_ =	shalt  }
0x6e: {  	_ =	shalt  }
0x6f: {  	_ =	shalt  }
0x70: {  	_ =	shalt  }
0x71: {  	_ =	shalt  }
0x72: {  	_ =	shalt  }
0x73: {  	_ =	shalt  }
0x74: {  	_ =	shalt  }
0x75: {  	_ =	shalt  }
0x76: {  	_ =	shalt  }
0x77: {  	_ =	shalt  }
0x78: {  	_ =	shalt  }
0x79: {  	_ =	shalt  }
0x7a: {  	_ =	shalt  }
0x7b: {  	_ =	shalt  }
0x7c: {  	_ =	shalt  }
0x7d: {  	_ =	shalt  }
0x7e: {  	_ =	shalt  }
0x7f: {  	_ =	shalt  }
0x80: {  	_ =	shalt  }
0x81: {  	_ =	shalt  }
0x82: {  	_ =	shalt  }
0x83: {  	_ =	shalt  }
0x84: {  	_ =	shalt  }
0x85: {  	_ =	shalt  }
0x86: {  	_ =	shalt  }
0x87: {  	_ =	shalt  }
.Lfunc_end0:
.L_simem_size_0:
called_computation_lowered:
.L_overlay_start_0:
0x88: {  	s2 =	sld [smem:$0x3FD9]  }
0x89: {  	s3 =	sld [smem:$0x3FFE];
	_ =	sdelay $0x1  }
0x8a: {  	s1 =	srdreg.scid  }
0x8b: {  	s0 =	sand.u32 $0x1, s1  }
0x8c: {  	s17 =	sshll.u32 s0, $0xA;
	s2 =	sadd.s32 s3, s2  }
0x8d: {  	s2 =	sadd.s32 s2, s17  }
0x8e: {  	[smem:$0x3FC7] =	sst s2  }
0x8f: {  	_ = 	snop  }
0x90: {  	s2 =	sld [smem:$0x3FC9];
	(tm) =	ssettm $0x1  }
0x91: {  	s18 =	sld [smem:$0x3FFB];
	_ =	sdelay $0x3  }
0x92: {  	_ =	strace s18  }
0x93: {  	s3 =	sld [smem:$0x3FFC];
	_ =	sdelay $0x3  }
0x94: {  	_ =	strace s3  }
0x95: {  	s3 =	sld [smem:$0x3FFD];
	_ =	sdelay $0x3  }
0x96: {  	_ =	strace s3  }
0x97: {  	_ =	strace $0x8FFFFFFF  }
0x98: {  	s19 =	sld [smem:$0x3FDB];
	_ =	sdelay $0x1  }
0x99: {  	s4 =	simm.s32 $_scs_section_size  }
0x9a: {  	s5 =	simm.s32 $_size__tile_overlayer_lowered;
	s6 =	simm.s32 $_tile_overlayer_lowered  }
0x9b: {  	s22 =	simm.s32 $0x1BFF;
	s21 =	sshll.u32 s6, $0x1;
	s3 =	sadd.s32 s4, s19  }
0x9c: {  	s7 =	simm.s32 $0x0;
	s20 =	sshll.u32 s5, $0x1;
	s5 =	sadd.s32 s21, s3  }
0x9d: {  	[timem:s7], [sflag:s22] =	dma.local [hbm:s5], s20  }
0x9e: {  	_ =	swait.ge [sflag:s22], s20  }
0x9f: {  	s4 =	ssub.s32 $0x0, s20;
	[sflag:s22] =	ssyncset.done $0x0  }
0xa0: {  	[sflag:s22] =	ssyncadd.s32 s4;
	_ =	sdelay $0x1  }
0xa1: {  	s23 =	simm.s32 $0x1B8B  }
0xa2: {  	_ =	swait.ge [sflag:s23], $0x1  }
0xa3: {  	[sflag:s23] =	ssyncset.done $0x0  }
0xa4: {  	s25 =	simm.s32 $0x1B8E;
	s24 =	sld [smem:$0x3FFE];
	[sflag:s23] =	ssyncadd.s32 $0xFFFFFFFF  }
0xa5: {  	s26 =	simm.s32 $execute0_lowered;
	[smem:$0x3FD2] =	sst s25  }
0xa6: {  	s5 =	sshll.u32 s26, $0x1;
	_ =	strace $0x80000046;
	[dreg:$0x1] =	wrdreg $0xFFFFFFFF  }
0xa7: {  	s28 =	simm.s32 $_size_execute0_lowered;
	s3 =	sadd.s32 s3, s5;
	[dreg:$0x0] =	wrdreg $0x0  }
0xa8: {  	s5 =	sshll.u32 s28, $0x1;
	[dreg:$0x2] =	wrdreg s3  }
0xa9: {  	[dreg:$0x3] =	wrdreg s5  }
0xaa: {  	[dreg:$0x4] =	wrdreg $0xC0  }
0xab: {  	_ =	task [dreg:s7], $0x5FFFF  }
0xac: {  	[dreg:$0x1] =	wrdreg $0xFFFFFFFF  }
0xad: {  	[dreg:$0x0] =	wrdreg $0x60  }
0xae: {  	[dreg:$0x2] =	wrdreg s2  }
0xaf: {  	[dreg:$0x3] =	wrdreg s24  }
0xb0: {  	[dreg:$0x4] =	wrdreg $0x9  }
0xb1: {  	_ =	task.clear_ibuf [dreg:s7], $0x5FFFF;
	_ =	strace $0x90000046  }
0xb2: {  	s29 =	simm.s32 $0x9;
	_ =	strace $0x80000048  }
0xb3: {  	_ =	swait.ge [sflag:s29], $0x1  }
0xb4: {  	[sflag:s29] =	ssyncadd.s32 $0xFFFFFFFF  }
0xb5: {  	_ =	strace $0x90000048  }
0xb6: {  	_ =	sfence  }
0xb7: {  	s30 =	sld [smem:$0x0];
	_ =	sdelay $0x2  }
0xb8: {  	s31 =	sshll.u32 s1, $0xD;
	s1 =	sshrl.u32 s1, $0x2  }
0xb9: {  	s3 =	sand.u32 $0x4000, s31;
	s1 =	sadd.s32 s1, s30  }
0xba: {  	s0 =	sor.u32 s3, s0;
	s1 =	sshll.u32 s1, $0x11  }
0xbb: {  	s0 =	sor.u32 s1, s0  }
0xbc: {  	s0 =	sadd.s32 $0x8F2B, s0  }
0xbd: {  	[sflag:s0] =	ssyncadd.remote.s32 $0x1  }
0xbe: {  	_ =	sfence.sel $0xFFFF  }
0xbf: {  	[dreg:$0x0] =	wrdreg $0xFFFFFFFF;
	(pc) =	sbr.abs _section_cstart, $3  }
0xc0: {  	[dreg:$0x1] =	wrdreg $0xFFFFFFFF  }
0xc1: {  	_ =	task.clear_ibuf [dreg:s7], $0x2FFFF;
	_ =	strace $0x9FFFFFFF  }
0xc2: {  	(tm) =	ssettm $0x7FFFFFFF  }
0xc3: {  	_ =	shalt  }
tec
execute0_lowered:
.L_overlay_start_1:
0x0: {  	(tag) =	ssettag $0x1  }
0x1: {  	s0 =	srdreg.scid;
	s7 =	rddreg [dreg:$0x0]  }
0x2: {  	s1 =	stileid.u32;
	s4 =	rddreg [dreg:$0x1];
	s5 =	simm.s32 $0x1  }
0x3: {  	s29 =	simm.s32 $0xF800;
	s30 =	simm.s32 $0x2;
	s2 =	sand.u32 $0x1, s0  }
0x4: {  	s31 =	simm.s32 $0x7C00;
	s3 =	sand.u32 $0x3, s1;
	s0 =	sshll.u32 s2, $0x4  }
0x5: {  	s6 =	sadd.s32 $0xE00, s4;
	s9 =	sadd.s32 $0xA00, s4;
	s0 =	sor.u32 s1, s0  }
0x6: {  	s11 =	sadd.s32 $0xC00, s4;
	p0 =	sne.s32 s3, $0x0;
	p1 =	seq.s32 s0, $0x0  }
0x7: {  	s2 =	ssub.s32 $0x2, s2;
	s12 =	smul.u32 $0x18380, s3;
	p1 =	por !p0, !p1  }
0x8: {  	s1 =	simm.s32 $0x0;
	s21 =	sshrl.u32 s2, $0x1;
	p1 =	por !p1, !p1  }
0x9: {  	[smem:$0x7FF] =	sst s1;
	s8 =	sshrl.u32 s0, $0x2;
	s5 =	simm.s32 @!p1 $0x0  }
0xa: {  	s0 =	sadd.s32 $0x1000, s4;
	s4 =	sadd.s32 $0x93400, s12;
	s8 =	ssub.s32 s8, s5  }
0xb: {  	p1 =	seq.s32 s3, $0x3;
	s10 =	smul.u32 $0x7A1400, s8;
	s23 =	sshll.u32 s8, $0x2  }
0xc: {  	s25 =	sshll.u32 s8, $0x6;
	s8 =	sshll.u32 s8, $0x4;
	s24 =	sand.u32 $0x1FFFFFC, s23  }
0xd: {  	s5 =	ssub.s32 s2, s21;
	s12 =	sand.u32 $0x1FFFFFC0, s25;
	s8 =	sand.u32 $0x1FFFFFF0, s8  }
0xe: {  	s22 =	sshrl.u32 s10, $0x3;
	s10 =	simm.f32 $0.0e+00;
	s2 =	sor.u32 s3, s24  }
0xf: {  	s26 =	sadd.s32 s11, s12;
	s13 =	sadd.s32 s0, s8;
	s15 =	sor.u32 $0x4, s8  }
0x10: {  	s17 =	sor.u32 $0x6, s8;
	s19 =	sor.u32 $0x8, s8;
	s21 =	sor.u32 $0xA, s8  }
0x11: {  	s24 =	sor.u32 $0xC, s8;
	s7 =	sadd.s32 s7, s22;
	[dreg:$0x4] =	wrdreg s26  }
0x12: {  	s10 =	simm.s32 @!p1 $0xFF800000;
	[dreg:$0x6] =	wrdreg s13;
	s16 =	sadd.s32 s6, s15  }
0x13: {  	s3 =	sshll.u32 s2, $0x4;
	s18 =	sadd.s32 s6, s17;
	[dreg:$0x9] =	wrdreg s16  }
0x14: {  	s20 =	sadd.s32 s6, s19;
	s22 =	sadd.s32 s0, s19;
	[dreg:$0xb] =	wrdreg s18  }
0x15: {  	s23 =	sadd.s32 s6, s21;
	s25 =	sadd.s32 s6, s24;
	[dreg:$0xd] =	wrdreg s20  }
0x16: {  	v0 =	vimm.s32 $0xEFCDAB89;
	v2 =	vimm.s32 $0xDCFE98BA;
	s26 =	sadd.s32 s0, s24;
	s19 =	simm.s32 $0xFC00;
	[dreg:$0xe] =	wrdreg s22  }
0x17: {  	v4 =	vimm.s32 $0x54761032;
	v1 =	vunpack.c.l.s4.s8 v0;
	v0 =	vimm.s32 $0x67452301;
	s2 =	sadd.s32 s9, s3;
	s3 =	sadd.s32 s11, s3;
	[dreg:$0xf] =	wrdreg s23  }
0x18: {  	v5 =	vimm.s32 $0xBA98FEDC;
	v6 =	vimm.s32 $0x32107654;
	v3 =	vunpack.c.l.s4.s8 v0;
	s9 =	sadd.s32 s9, s12;
	s11 =	sadd.s32 s6, s8;
	[dreg:$0x11] =	wrdreg s25  }
0x19: {  	v7 =	vimm.s32 $0xFEDCBA98;
	v8 =	vimm.s32 $0x76543210;
	s12 =	sor.u32 $0x2, s8;
	s8 =	sor.u32 $0xE, s8;
	[dreg:$0x12] =	wrdreg s26  }
0x1a: {  	v2 =	vunpack.c.l.s4.s8 v2;
	v1 =	vunpack.c.0.s8.s32 v1;
	v3 =	vunpack.c.0.s8.s32 v3;
	s23 =	sadd.s32 s4, s7;
	s24 =	sadd.s32 $0xF4200, s7;
	[dreg:$0x3] =	wrdreg s9  }
0x1b: {  	v4 =	vunpack.c.l.s4.s8 v4;
	v5 =	vunpack.c.l.s4.s8 v5;
	v6 =	vunpack.c.l.s4.s8 v6;
	s25 =	smax.u32 s5, $0x1;
	[dreg:$0x5] =	wrdreg s11;
	s14 =	sadd.s32 s6, s12  }
0x1c: {  	v7 =	vunpack.c.l.s4.s8 v7;
	v3 =	vcombine.low v3, v1;
	v1 =	vlaneseq.u32;
	s26 =	simm.s32 $0x1;
	s9 =	sadd.s32 s0, s12;
	[dreg:$0x7] =	wrdreg s14  }
0x1d: {  	v2 =	vunpack.c.0.s8.s32 v2;
	v4 =	vunpack.c.0.s8.s32 v4;
	v1 =	vor.u32 s4, v1;
	s4 =	simm.s32 $0xFC80;
	s11 =	sadd.s32 s0, s15;
	[dreg:$0x8] =	wrdreg s9  }
.Ltmp0:
0x1e: {  	v8 =	vunpack.c.l.s4.s8 v8;
	v5 =	vunpack.c.0.s8.s32 v5;
	v6 =	vunpack.c.0.s8.s32 v6;
	s6 =	sadd.s32 s6, s8;
	[dreg:$0xa] =	wrdreg s11;
	(pc) =	sbr.rel .LBB2_1-.Ltmp0, $4  }
0x1f: {  	v7 =	vunpack.c.0.s8.s32 v7;
	v4 =	vcombine.low v4, v2;
	s5 =	simm.s32 $0x10100;
	s9 =	sadd.s32 s0, s17;
	[dreg:$0x13] =	wrdreg s6  }
0x20: {  	v5 =	vcombine.low v6, v5;
	v6 =	vunpack.c.0.s8.s32 v8;
	s7 =	simm.s32 $0x0;
	[dreg:$0xc] =	wrdreg s9;
	s9 =	sadd.s32 s0, s21  }
0x21: {  	v7 =	vand.u32 $0xF, v7;
	v2 =	vand.u32 $0xF, v3;
	v3 =	vand.u32 $0xF, v4;
	s22 =	sadd.s32 s0, s8;
	s28 =	sadd.s32 $0x1F00, s23;
	[dreg:$0x10] =	wrdreg s9  }
0x22: {  	v4 =	vand.u32 $0xF, v5;
	v5 =	vcombine.low v7, v6;
	v0 =	vmov s10;
	s6 =	simm.s32 $0x10180;
	s0 =	simm.s32 $0x3;
	_ =	strace $0x80000047  }
.LBB2_11:
0x23: {  	s7 =	sadd.s32 $0x1, s7  }
0x24: {  	p1 =	sne.s32 s7, s25  }
.Ltmp1:
0x25: {  	_ = 	snop;
	(pc) =	sbr.rel @!p1 .LBB2_12-.Ltmp1, $1  }
0x26: {  	_ =	sdelay $0x3  }
.LBB2_1:
0x27: {  	[tilespmem:s1], [sflag:$0x1] =	stream.linear.gather [hbm4b:s23+s1], $0x7C00, $0x38;
	v12 =	vimm.f32 $-Inf;
	[tilespmem:$0x10200] =	vst v63  }
0x28: {  	v9 =	vimm.s32 $0x0;
	v10 =	vimm.s32 $0x0;
	v11 =	vimm.s32 $0x0  }
0x29: {  	v8 =	vimm.s32 $0x0;
	v7 =	vimm.s32 $0x0;
	v6 =	vimm.s32 $0x0;
	[tilespmem:s29], [sflag:$0x2] =	stream.linear.gather [hbm4b:s24+s1], $0x400, $0x38;
	[tilespmem:$0x10200] =	vst v63  }
0x2a: {  	v22 =	vimm.s32 $0x0;
	v31 =	vimm.s32 $0x0;
	v13 =	vimm.f32 $-Inf;
	_ =	swait.ge [sflag:s30], $0x400  }
0x2b: {  	v14 =	vimm.f32 $-Inf;
	v32 =	vimm.f32 $-Inf;
	v27 =	vimm.f32 $-Inf;
	[sflag:s30] =	ssyncset.done $0x0  }
0x2c: {  	s8 =	simm.s32 $0x0;
	v33 =	vimm.f32 $-Inf;
	v23 =	vimm.f32 $-Inf;
	v25 =	vimm.f32 $-Inf;
	s9 =	simm.s32 $0x0;
	[sflag:s30] =	ssyncadd.s32 $0xFFFFFC00  }
.LBB2_2:
0x2d: {  	s10 =	sshllo.u32 s9, $0x1  }
0x2e: {  	s10 =	smul.u32 $0xF80, s10;
	_ =	sdelay $0x1  }
0x2f: {  	s11 =	simm.s32 $0x0;
	s10 =	sadd.s32 s10, s23  }
0x30: {  	[tilespmem:s31], [sflag:$0x2] =	stream.linear.gather [hbm4b:s10+s11], $0x7C00, $0x38;
	[tilespmem:$0x10200] =	vst v63  }
0x31: {  	_ =	swait.ge [sflag:s26], $0x7C00  }
0x32: {  	[sflag:s26] =	ssyncset.done $0x0  }
0x33: {  	s10 =	simm.s32 $0x200;
	[sflag:s26] =	ssyncadd.s32 $0xFFFF8400  }
0x34: {  	v15 =	vld [tilespmem:s10+$0xFFFFFE70]  }
0x35: {  	v16 =	vld [tilespmem:s10+$0xFFFFFEF0]  }
0x36: {  	v19 =	vld [tilespmem:s10+$0xFFFFFF70]  }
0x37: {  	v20 =	vld [tilespmem:s10+$0xFFFFFFF0]  }
0x38: {  	v21 =	vld [tilespmem:s10+$0x70]  }
0x39: {  	v18 =	vld [tilespmem:s10+$0xF0]  }
0x3a: {  	v24 =	vld [tilespmem:s10+$0xFFFFFE60]  }
0x3b: {  	v26 =	vld [tilespmem:s10+$0xFFFFFEE0]  }
0x3c: {  	v28 =	vld [tilespmem:s10+$0xFFFFFF60]  }
0x3d: {  	v38 =	vld [tilespmem:s10+$0xFFFFFE00]  }
0x3e: {  	v39 =	vld [tilespmem:s10+$0xFFFFFE80]  }
0x3f: {  	v51 =	vld [tilespmem:s10+$0xFFFFFF00]  }
0x40: {  	v52 =	vld [tilespmem:s10+$0xFFFFFF80]  }
0x41: {  	v53 =	vld [tilespmem:s10+$0x0]  }
0x42: {  	v40 =	vld [tilespmem:s10+$0xFFFFFE10]  }
0x43: {  	v41 =	vld [tilespmem:s10+$0xFFFFFE90]  }
0x44: {  	v42 =	vld [tilespmem:s10+$0xFFFFFE20]  }
0x45: {  	v43 =	vld [tilespmem:s10+$0xFFFFFEA0];
	vm0 =	vgt.f32 v38, v25;
	vm1 =	vgt.f32 v39, v23;
	vm2 =	vgt.f32 v51, v33  }
0x46: {  	s11 =	sadd.s32 $0x0, s8;
	v44 =	vld [tilespmem:s10+$0xFFFFFE30];
	vm3 =	vgt.f32 v52, v27;
	vm4 =	vgt.f32 v53, v32;
	v25 =	vsel vm0, v38, v25  }
0x47: {  	v60 =	vld [tilespmem:s10+$0xFFFFFEB0];
	v23 =	vsel vm1, v39, v23;
	v31 =	vsel vm0, s11, v31;
	vm0 =	vgt.f32 v40, v25  }
0x48: {  	s12 =	sadd.s32 $0x1, s11;
	v61 =	vld [tilespmem:s10+$0xFFFFFE40];
	v22 =	vsel vm1, s11, v22;
	vm1 =	vgt.f32 v41, v23;
	v25 =	vsel vm0, v40, v25  }
0x49: {  	v62 =	vld [tilespmem:s10+$0xFFFFFEC0];
	v23 =	vsel vm1, v41, v23;
	v31 =	vsel vm0, s12, v31;
	vm0 =	vgt.f32 v42, v25  }
0x4a: {  	s13 =	sadd.s32 $0x2, s11;
	v34 =	vld [tilespmem:s10+$0xFFFFFE50];
	v22 =	vsel vm1, s12, v22;
	vm1 =	vgt.f32 v43, v23;
	v25 =	vsel vm0, v42, v25  }
0x4b: {  	v35 =	vld [tilespmem:s10+$0xFFFFFED0];
	v23 =	vsel vm1, v43, v23;
	v31 =	vsel vm0, s13, v31;
	vm0 =	vgt.f32 v44, v25  }
0x4c: {  	s14 =	sadd.s32 $0x3, s11;
	v29 =	vld [tilespmem:s10+$0xFFFFFFE0];
	v22 =	vsel vm1, s13, v22;
	vm1 =	vgt.f32 v60, v23;
	v25 =	vsel vm0, v44, v25  }
0x4d: {  	v30 =	vld [tilespmem:s10+$0x60];
	v23 =	vsel vm1, v60, v23;
	v31 =	vsel vm0, s14, v31;
	vm0 =	vgt.f32 v61, v25  }
0x4e: {  	s15 =	sadd.s32 $0x4, s11;
	v17 =	vld [tilespmem:s10+$0xE0];
	v22 =	vsel vm1, s14, v22;
	vm1 =	vgt.f32 v62, v23;
	v25 =	vsel vm0, v61, v25  }
0x4f: {  	v48 =	vld [tilespmem:s10+$0xFFFFFF30];
	v23 =	vsel vm1, v62, v23;
	v31 =	vsel vm0, s15, v31;
	vm0 =	vgt.f32 v34, v25  }
0x50: {  	s16 =	sadd.s32 $0x5, s11;
	v49 =	vld [tilespmem:s10+$0xFFFFFF20];
	v22 =	vsel vm1, s15, v22;
	vm1 =	vgt.f32 v35, v23;
	v25 =	vsel vm0, v34, v25  }
0x51: {  	v50 =	vld [tilespmem:s10+$0xFFFFFF10];
	v23 =	vsel vm1, v35, v23;
	v31 =	vsel vm0, s16, v31;
	vm0 =	vgt.f32 v24, v25  }
0x52: {  	s17 =	sadd.s32 $0x6, s11;
	v54 =	vld [tilespmem:s10+$0xFFFFFF90];
	v22 =	vsel vm1, s16, v22;
	vm1 =	vgt.f32 v26, v23;
	v24 =	vsel vm0, v24, v25  }
0x53: {  	v55 =	vld [tilespmem:s10+$0x10];
	v25 =	vsel vm1, v26, v23;
	v26 =	vsel vm1, s17, v22;
	v22 =	vsel vm0, s17, v31  }
0x54: {  	v46 =	vld [tilespmem:s10+$0xFFFFFFA0];
	v23 =	vimm.s32 $0x0;
	vm1 =	vgt.f32 v15, v24;
	vm0 =	vgt.f32 v16, v25  }
0x55: {  	s18 =	sadd.s32 $0x7, s11;
	v61 =	vimm.s32 $0x0;
	v23 =	vsel vm1, $0xFFFFFFFF, v23;
	v25 =	vsel vm0, v16, v25;
	v16 =	vld [tilespmem:s10+$0xFFFFFFB0]  }
0x56: {  	v31 =	vsel vm0, s18, v26;
	v26 =	vsel vm3, v52, v27;
	[tilespmem:$0x1FFA0] =	vst v23;
	v23 =	vsel vm1, v15, v24;
	v15 =	vld [tilespmem:s10+$0x20]  }
0x57: {  	v56 =	vld [tilespmem:s10+$0x30];
	v62 =	vimm.s32 $0x0;
	v24 =	vsel vm2, v51, v33;
	vm7 =	vgt.f32 v54, v26  }
0x58: {  	v57 =	vld [tilespmem:s10+$0xFFFFFFC0];
	v27 =	vsel vm4, v53, v32;
	vm9 =	vgt.f32 v50, v24;
	v58 =	vsel vm7, v54, v26  }
0x59: {  	v63 =	vld [tilespmem:s10+$0xFFFFFF40];
	vm8 =	vgt.f32 v55, v27;
	v24 =	vsel vm9, v50, v24;
	vm10 =	vgt.f32 v46, v58  }
0x5a: {  	v59 =	vld [tilespmem:s10+$0x40];
	v27 =	vsel vm8, v55, v27;
	vm11 =	vgt.f32 v49, v24;
	v60 =	vsel vm10, v46, v58  }
0x5b: {  	v36 =	vld [tilespmem:s10+$0xFFFFFF50];
	v24 =	vsel vm11, v49, v24;
	vm13 =	vgt.f32 v16, v60;
	vm5 =	vgt.f32 v15, v27  }
0x5c: {  	v37 =	vld [tilespmem:s10+$0xFFFFFFD0];
	vm12 =	vgt.f32 v48, v24;
	v16 =	vsel vm13, v16, v60;
	v15 =	vsel vm5, v15, v27  }
0x5d: {  	v45 =	vld [tilespmem:s10+$0x50];
	v24 =	vsel vm12, v48, v24;
	vm0 =	vgt.f32 v57, v16;
	vm14 =	vgt.f32 v56, v15  }
0x5e: {  	v38 =	vld [tilespmem:s10+$0xA0];
	vm15 =	vgt.f32 v63, v24;
	v33 =	vsel vm0, $0xFFFFFFFF, v61;
	v15 =	vsel vm14, v56, v15  }
0x5f: {  	v39 =	vld [tilespmem:s10+$0x90];
	v16 =	vsel vm0, v57, v16;
	v24 =	vsel vm15, v63, v24;
	vm1 =	vgt.f32 v59, v15  }
0x60: {  	v40 =	vld [tilespmem:s10+$0x80];
	[tilespmem:$0x1FFB0] =	vst v33;
	v63 =	vimm.s32 $0x0;
	vm0 =	vgt.f32 v36, v24;
	v33 =	vsel vm1, $0xFFFFFFFF, v62  }
0x61: {  	v41 =	vld [tilespmem:s10+$0x100];
	v15 =	vsel vm1, v59, v15;
	vm1 =	vgt.f32 v37, v16;
	v35 =	vsel vm0, v36, v24  }
0x62: {  	v32 =	vld [tilespmem:s10+$0xB0];
	v24 =	vimm.s32 $0x0;
	[tilespmem:$0x1FFC0] =	vst v33;
	vm6 =	vgt.f32 v45, v15;
	v33 =	vsel vm0, $0xFFFFFFFF, v63  }
0x63: {  	v26 =	vld [tilespmem:s10+$0xD0];
	v24 =	vsel vm1, $0xFFFFFFFF, v24;
	v36 =	vsel vm1, v37, v16;
	v16 =	vimm.s32 $0x0;
	[tilespmem:$0x1FFD0] =	vst v33  }
0x64: {  	v27 =	vld [tilespmem:s10+$0xC0];
	[tilespmem:$0x1FFE0] =	vst v24;
	v16 =	vsel vm6, $0xFFFFFFFF, v16  }
0x65: {  	s20 =	simm.s32 $0x8;
	v37 =	vsel vm6, v45, v15;
	v33 =	vld [tilespmem:s10+$0x180];
	[tilespmem:$0x1FFF0] =	vst v16  }
.LBB2_3:
0x66: {  	v15 =	vimm.s32 $0x0  }
0x67: {  	v15 =	vsel vm2, $0xFFFFFFFF, v15  }
0x68: {  	[tilespmem:$0x1FE70] =	vst v15;
	v15 =	vimm.s32 $0x0  }
0x69: {  	v15 =	vsel vm4, $0xFFFFFFFF, v15  }
0x6a: {  	[tilespmem:$0x1FE90] =	vst v15;
	v15 =	vimm.s32 $0x0  }
0x6b: {  	v15 =	vsel vm3, $0xFFFFFFFF, v15  }
0x6c: {  	[tilespmem:$0x1FE80] =	vst v15;
	v15 =	vimm.s32 $0x0  }
0x6d: {  	v15 =	vsel vm5, $0xFFFFFFFF, v15  }
0x6e: {  	[tilespmem:$0x1FEF0] =	vst v15;
	v15 =	vimm.s32 $0x0  }
0x6f: {  	v15 =	vsel vm8, $0xFFFFFFFF, v15  }
0x70: {  	[tilespmem:$0x1FEC0] =	vst v15;
	v15 =	vimm.s32 $0x0  }
0x71: {  	v15 =	vsel vm7, $0xFFFFFFFF, v15  }
0x72: {  	[tilespmem:$0x1FEB0] =	vst v15;
	v15 =	vimm.s32 $0x0  }
0x73: {  	v15 =	vsel vm9, $0xFFFFFFFF, v15  }
0x74: {  	[tilespmem:$0x1FEA0] =	vst v15;
	v15 =	vimm.s32 $0x0  }
0x75: {  	v15 =	vsel vm11, $0xFFFFFFFF, v15  }
0x76: {  	[tilespmem:$0x1FED0] =	vst v15;
	v15 =	vimm.s32 $0x0  }
0x77: {  	v15 =	vsel vm10, $0xFFFFFFFF, v15  }
0x78: {  	[tilespmem:$0x1FEE0] =	vst v15;
	v15 =	vimm.s32 $0x0  }
0x79: {  	v15 =	vsel vm12, $0xFFFFFFFF, v15  }
0x7a: {  	[tilespmem:$0x1FF00] =	vst v15;
	v15 =	vimm.s32 $0x0  }
0x7b: {  	v15 =	vsel vm13, $0xFFFFFFFF, v15  }
0x7c: {  	[tilespmem:$0x1FF10] =	vst v15;
	v15 =	vimm.s32 $0x0  }
0x7d: {  	v15 =	vsel vm14, $0xFFFFFFFF, v15  }
0x7e: {  	[tilespmem:$0x1FF20] =	vst v15;
	v15 =	vimm.s32 $0x0  }
0x7f: {  	v15 =	vsel vm15, $0xFFFFFFFF, v15  }
0x80: {  	vm0 =	vgt.f32 v28, v35;
	[tilespmem:$0x1FF30] =	vst v15;
	v15 =	vimm.s32 $0x0  }
0x81: {  	v15 =	vsel vm0, $0xFFFFFFFF, v15  }
0x82: {  	vm1 =	vgt.f32 v29, v36;
	[tilespmem:$0x1FF40] =	vst v15;
	v15 =	vimm.s32 $0x0  }
0x83: {  	v15 =	vsel vm1, $0xFFFFFFFF, v15  }
0x84: {  	vm6 =	vgt.f32 v30, v37;
	[tilespmem:$0x1FF50] =	vst v15;
	v15 =	vimm.s32 $0x0  }
0x85: {  	v15 =	vsel vm6, $0xFFFFFFFF, v15  }
0x86: {  	v16 =	vsel vm1, v29, v36;
	[tilespmem:$0x1FF60] =	vst v15;
	v15 =	vsel vm0, v28, v35  }
0x87: {  	v29 =	vimm.s32 $0x0;
	vm1 =	vgt.f32 v20, v16;
	vm0 =	vgt.f32 v19, v15  }
0x88: {  	v29 =	vsel vm0, $0xFFFFFFFF, v29;
	v15 =	vsel vm0, v19, v15;
	vm0 =	vgt.f32 v40, v14  }
0x89: {  	v16 =	vsel vm1, v20, v16;
	v20 =	vimm.s32 $0x0;
	v14 =	vsel vm0, v40, v14  }
0x8a: {  	v45 =	vimm.s32 $0x0;
	v20 =	vsel vm0, $0xFFFFFFFF, v20;
	vm0 =	vgt.f32 v39, v14  }
0x8b: {  	v24 =	vsel vm6, v30, v37;
	v30 =	vimm.s32 $0x0;
	v14 =	vsel vm0, v39, v14  }
0x8c: {  	v28 =	vld [tilespmem:s10+$0x190];
	[tilespmem:$0x1FF70] =	vst v29;
	v29 =	vimm.s32 $0x0;
	v30 =	vsel vm0, $0xFFFFFFFF, v30;
	vm0 =	vgt.f32 v38, v14  }
0x8d: {  	vm6 =	vgt.f32 v21, v24;
	v29 =	vsel vm1, $0xFFFFFFFF, v29;
	v14 =	vsel vm0, v38, v14  }
0x8e: {  	v24 =	vsel vm6, v21, v24;
	[tilespmem:$0x1FF80] =	vst v29;
	v29 =	vimm.s32 $0x0;
	vm14 =	vgt.f32 v32, v14  }
0x8f: {  	v29 =	vsel vm6, $0xFFFFFFFF, v29;
	vm6 =	vgt.f32 v33, v12;
	v14 =	vsel vm14, v32, v14  }
0x90: {  	v21 =	vimm.s32 $0x0;
	v12 =	vsel vm6, v33, v12;
	vm10 =	vgt.f32 v27, v14  }
0x91: {  	v21 =	vsel vm6, $0xFFFFFFFF, v21;
	vm6 =	vgt.f32 v28, v12;
	v14 =	vsel vm10, v27, v14  }
0x92: {  	v33 =	vsel vm6, $0xFFFFFFFF, v45;
	v12 =	vsel vm6, v28, v12;
	vm6 =	vgt.f32 v26, v14  }
0x93: {  	v14 =	vsel vm6, v26, v14  }
0x94: {  	v34 =	vld [tilespmem:s10+$0x110];
	[tilespmem:$0x1FDE0] =	vst v20;
	vm3 =	vgt.f32 v17, v14  }
0x95: {  	v14 =	vsel vm3, v17, v14;
	v17 =	vld [tilespmem:$0x1FDE0]  }
0x96: {  	v48 =	vld [tilespmem:s10+$0x150]  }
0x97: {  	v50 =	vld [tilespmem:s10+$0x170];
	vm1 =	vgt.f32 v41, v13;
	v20 =	vimm.s32 $0x0  }
0x98: {  	v42 =	vld [tilespmem:$0x1FFD0];
	v20 =	vsel vm1, $0xFFFFFFFF, v20  }
0x99: {  	v51 =	vld [tilespmem:$0x1FE70];
	[tilespmem:$0x1FDF0] =	vst v20  }
0x9a: {  	vm15 =	vnez.u8 v17;
	v17 =	vld [tilespmem:$0x1FDF0]  }
0x9b: {  	v53 =	vld [tilespmem:$0x1FE90]  }
0x9c: {  	v52 =	vld [tilespmem:$0x1FE80]  }
0x9d: {  	v59 =	vld [tilespmem:$0x1FEF0]  }
0x9e: {  	v56 =	vld [tilespmem:$0x1FEC0];
	[tilespmem:$0x1FE00] =	vst v21  }
0x9f: {  	v11 =	vsel vm15, s11, v11;
	vm15 =	vnez.u8 v17;
	v17 =	vld [tilespmem:$0x1FE00]  }
0xa0: {  	v55 =	vld [tilespmem:$0x1FEB0]  }
0xa1: {  	v54 =	vld [tilespmem:$0x1FEA0]  }
0xa2: {  	v57 =	vld [tilespmem:$0x1FED0]  }
0xa3: {  	v58 =	vld [tilespmem:$0x1FEE0];
	[tilespmem:$0x1FE10] =	vst v30  }
0xa4: {  	v10 =	vsel vm15, s11, v10;
	vm15 =	vnez.u8 v17;
	v17 =	vld [tilespmem:$0x1FE10]  }
0xa5: {  	v60 =	vld [tilespmem:$0x1FF00];
	v13 =	vsel vm1, v41, v13  }
0xa6: {  	v61 =	vld [tilespmem:$0x1FF10];
	vm1 =	vgt.f32 v34, v13;
	v30 =	vimm.s32 $0x0  }
0xa7: {  	v62 =	vld [tilespmem:$0x1FF20];
	v30 =	vsel vm1, $0xFFFFFFFF, v30  }
0xa8: {  	v43 =	vld [tilespmem:$0x1FF40];
	[tilespmem:$0x1FE20] =	vst v30  }
0xa9: {  	v9 =	vsel vm15, s11, v9;
	vm15 =	vnez.u8 v17;
	v17 =	vld [tilespmem:$0x1FE20]  }
0xaa: {  	v19 =	vld [tilespmem:s10+$0x1A0]  }
0xab: {  	v20 =	vld [tilespmem:s10+$0x130]  }
0xac: {  	[tilespmem:$0x1FF90] =	vst v29;
	v29 =	vld [tilespmem:s10+$0x120]  }
0xad: {  	v21 =	vld [tilespmem:s10+$0x1B0];
	[tilespmem:$0x1FE30] =	vst v33  }
0xae: {  	v11 =	vsel vm15, s12, v11;
	vm15 =	vnez.u8 v17;
	v17 =	vld [tilespmem:$0x1FE30]  }
0xaf: {  	v46 =	vimm.s32 $0x0;
	v30 =	vld [tilespmem:s10+$0x140]  }
0xb0: {  	v47 =	vimm.s32 $0x0;
	v13 =	vsel vm1, v34, v13;
	v28 =	vld [tilespmem:s10+$0x1C0];
	vm5 =	vgt.f32 v19, v12  }
0xb1: {  	v44 =	vld [tilespmem:$0x1FF70];
	v33 =	vsel vm0, $0xFFFFFFFF, v46;
	v12 =	vsel vm5, v19, v12;
	vm1 =	vgt.f32 v29, v13  }
0xb2: {  	v49 =	vimm.s32 $0x0;
	[tilespmem:$0x1FE40] =	vst v33;
	v19 =	vld [tilespmem:s10+$0x1D0];
	v13 =	vsel vm1, v29, v13;
	vm12 =	vgt.f32 v21, v12  }
0xb3: {  	vm13 =	vgt.f32 v20, v13;
	v10 =	vsel vm15, s12, v10;
	vm15 =	vnez.u8 v17;
	v17 =	vld [tilespmem:$0x1FE40]  }
0xb4: {  	v34 =	vsel vm5, $0xFFFFFFFF, v49;
	v12 =	vsel vm12, v21, v12;
	v21 =	vld [tilespmem:s10+$0x1E0];
	v13 =	vsel vm13, v20, v13  }
0xb5: {  	v33 =	vsel vm1, $0xFFFFFFFF, v47;
	v29 =	vld [tilespmem:s10+$0x160];
	vm9 =	vgt.f32 v28, v12;
	vm11 =	vgt.f32 v30, v13  }
0xb6: {  	v12 =	vsel vm9, v28, v12;
	v28 =	vld [tilespmem:s10+$0x1F0];
	vm0 =	vgt.f32 v18, v14;
	v13 =	vsel vm11, v30, v13  }
0xb7: {  	v45 =	vld [tilespmem:$0x1FFA0];
	[tilespmem:$0x1FE50] =	vst v33;
	vm8 =	vgt.f32 v19, v12;
	v14 =	vsel vm0, v18, v14;
	vm7 =	vgt.f32 v48, v13  }
0xb8: {  	v12 =	vsel vm8, v19, v12;
	v9 =	vsel vm15, s12, v9;
	vm15 =	vnez.u8 v17;
	v17 =	vld [tilespmem:$0x1FE50]  }
0xb9: {  	v49 =	vld [tilespmem:$0x1FFB0];
	s10 =	sadd.s32 $0x400, s10;
	v13 =	vsel vm7, v48, v13;
	vm5 =	vgt.f32 v21, v12;
	v11 =	vsel vm15, s13, v11  }
0xba: {  	v27 =	vld [tilespmem:s10+$0xFFFFFE70];
	vm4 =	vgt.f32 v29, v13;
	v12 =	vsel vm5, v21, v12;
	v11 =	vsel vm14, s14, v11  }
0xbb: {  	v32 =	vld [tilespmem:s10+$0xFFFFFEF0];
	v13 =	vsel vm4, v29, v13;
	vm2 =	vgt.f32 v28, v12;
	v11 =	vsel vm10, s15, v11  }
0xbc: {  	[tilespmem:$0x1FE60] =	vst v34;
	v20 =	vld [tilespmem:s10+$0xFFFFFFF0];
	vm1 =	vgt.f32 v50, v13;
	v12 =	vsel vm2, v28, v12;
	v11 =	vsel vm6, s16, v11  }
0xbd: {  	v13 =	vsel vm1, v50, v13;
	vm15 =	vnez.u8 v17;
	v17 =	vld [tilespmem:$0x1FE60];
	v11 =	vsel vm3, s17, v11  }
0xbe: {  	v18 =	vld [tilespmem:s10+$0xF0];
	v10 =	vsel vm15, s13, v10;
	v11 =	vsel vm0, s18, v11;
	vm0 =	vnez.u8 v51  }
0xbf: {  	v39 =	vld [tilespmem:s10+$0xFFFFFE80];
	v10 =	vsel vm13, s14, v10;
	v6 =	vsel vm0, s11, v6;
	vm0 =	vnez.u8 v52  }
0xc0: {  	v26 =	vld [tilespmem:s10+$0xFFFFFE60];
	v10 =	vsel vm11, s15, v10;
	v7 =	vsel vm0, s11, v7;
	vm0 =	vnez.u8 v53  }
0xc1: {  	v35 =	vld [tilespmem:s10+$0xFFFFFEE0];
	v10 =	vsel vm7, s16, v10;
	v8 =	vsel vm0, s11, v8;
	vm0 =	vnez.u8 v54  }
0xc2: {  	v30 =	vld [tilespmem:s10+$0x60];
	vm15 =	vnez.u8 v17;
	v10 =	vsel vm4, s17, v10;
	v6 =	vsel vm0, s12, v6  }
0xc3: {  	v36 =	vld [tilespmem:s10+$0xFFFFFE50];
	vm0 =	vnez.u8 v55;
	v9 =	vsel vm15, s13, v9;
	v10 =	vsel vm1, s18, v10  }
0xc4: {  	v51 =	vld [tilespmem:s10+$0xFFFFFE90];
	v7 =	vsel vm0, s12, v7;
	vm0 =	vnez.u8 v56;
	vm1 =	vgt.f32 v39, v25  }
0xc5: {  	v38 =	vld [tilespmem:s10+$0xFFFFFE00];
	v9 =	vsel vm12, s14, v9;
	v8 =	vsel vm0, s12, v8;
	vm0 =	vnez.u8 v57  }
0xc6: {  	v48 =	vld [tilespmem:$0x1FF30];
	s11 =	sadd.s32 s20, s8;
	v25 =	vsel vm1, v39, v25;
	v6 =	vsel vm0, s13, v6;
	vm0 =	vnez.u8 v58  }
0xc7: {  	v63 =	vld [tilespmem:s10+$0xFFFFFE10];
	v31 =	vsel vm1, s11, v31;
	v7 =	vsel vm0, s13, v7;
	vm0 =	vnez.u8 v59  }
0xc8: {  	v50 =	vld [tilespmem:$0x1FFC0];
	v9 =	vsel vm9, s15, v9;
	v8 =	vsel vm0, s13, v8;
	vm0 =	vnez.u8 v60  }
0xc9: {  	v52 =	vld [tilespmem:$0x1FFE0];
	vm1 =	vgt.f32 v51, v25;
	v6 =	vsel vm0, s14, v6;
	vm0 =	vnez.u8 v61  }
0xca: {  	v53 =	vld [tilespmem:$0x1FFF0];
	v9 =	vsel vm8, s16, v9;
	v7 =	vsel vm0, s14, v7;
	vm0 =	vnez.u8 v62  }
0xcb: {  	v54 =	vld [tilespmem:s10+$0xFFFFFE20];
	s12 =	sadd.s32 $0x1, s11;
	v25 =	vsel vm1, v51, v25;
	v8 =	vsel vm0, s14, v8;
	vm0 =	vnez.u8 v48  }
0xcc: {  	v57 =	vld [tilespmem:s10+$0xFFFFFEA0];
	v31 =	vsel vm1, s12, v31;
	v6 =	vsel vm0, s15, v6;
	vm0 =	vnez.u8 v49  }
0xcd: {  	v55 =	vld [tilespmem:$0x1FF50];
	v9 =	vsel vm5, s17, v9;
	v7 =	vsel vm0, s15, v7;
	vm0 =	vnez.u8 v50  }
0xce: {  	v56 =	vld [tilespmem:$0x1FF60];
	v9 =	vsel vm2, s18, v9;
	v8 =	vsel vm0, s15, v8;
	vm0 =	vnez.u8 v42  }
0xcf: {  	vm2 =	vnez.u8 v45;
	v61 =	vld [tilespmem:s10+$0xFFFFFEB0];
	v6 =	vsel vm0, s16, v6;
	vm0 =	vnez.u8 v52  }
0xd0: {  	v58 =	vld [tilespmem:$0x1FF80];
	v22 =	vsel vm2, s18, v22;
	v7 =	vsel vm0, s16, v7;
	vm0 =	vnez.u8 v53  }
0xd1: {  	v59 =	vld [tilespmem:$0x1FF90];
	vm1 =	vgt.f32 v57, v25;
	v8 =	vsel vm0, s16, v8;
	vm0 =	vnez.u8 v43  }
0xd2: {  	s13 =	sadd.s32 $0x2, s11;
	v25 =	vsel vm1, v57, v25;
	v52 =	vld [tilespmem:s10+$0xFFFFFF00];
	v6 =	vsel vm0, s17, v6;
	vm0 =	vnez.u8 v55  }
0xd3: {  	v31 =	vsel vm1, s13, v31;
	v53 =	vld [tilespmem:s10+$0xFFFFFF80];
	v7 =	vsel vm0, s17, v7;
	vm0 =	vnez.u8 v56  }
0xd4: {  	v51 =	vld [tilespmem:s10+$0xFFFFFF10];
	vm1 =	vgt.f32 v61, v25;
	v8 =	vsel vm0, s17, v8;
	vm0 =	vnez.u8 v44  }
0xd5: {  	v60 =	vld [tilespmem:s10+$0xFFFFFE30];
	s14 =	sadd.s32 $0x3, s11;
	v25 =	vsel vm1, v61, v25;
	v6 =	vsel vm0, s18, v6;
	vm0 =	vnez.u8 v58  }
0xd6: {  	v31 =	vsel vm1, s14, v31;
	v55 =	vld [tilespmem:s10+$0xFFFFFF90];
	v7 =	vsel vm0, s18, v7;
	vm0 =	vnez.u8 v59  }
0xd7: {  	v62 =	vld [tilespmem:s10+$0xFFFFFE40];
	v61 =	vimm.s32 $0x0;
	v8 =	vsel vm0, s18, v8;
	vm0 =	vgt.f32 v38, v23  }
0xd8: {  	v50 =	vld [tilespmem:s10+$0xFFFFFF20];
	vm2 =	vgt.f32 v52, v15;
	vm3 =	vgt.f32 v53, v16;
	v23 =	vsel vm0, v38, v23  }
0xd9: {  	v57 =	vld [tilespmem:s10+$0xFFFFFFA0];
	v15 =	vsel vm2, v52, v15;
	v22 =	vsel vm0, s11, v22;
	vm0 =	vgt.f32 v63, v23  }
0xda: {  	v49 =	vld [tilespmem:s10+$0xFFFFFF30];
	v16 =	vsel vm3, v53, v16;
	vm9 =	vgt.f32 v51, v15;
	v23 =	vsel vm0, v63, v23  }
0xdb: {  	vm7 =	vgt.f32 v55, v16;
	v63 =	vld [tilespmem:s10+$0xFFFFFEC0];
	v22 =	vsel vm0, s12, v22;
	vm0 =	vgt.f32 v54, v23  }
0xdc: {  	v37 =	vld [tilespmem:s10+$0xFFFFFED0];
	v15 =	vsel vm9, v51, v15;
	v16 =	vsel vm7, v55, v16;
	v23 =	vsel vm0, v54, v23  }
0xdd: {  	v33 =	vld [tilespmem:s10+$0xFFFFFF50];
	vm11 =	vgt.f32 v50, v15;
	v22 =	vsel vm0, s13, v22;
	vm0 =	vgt.f32 v60, v23  }
0xde: {  	v34 =	vld [tilespmem:s10+$0xFFFFFFD0];
	vm10 =	vgt.f32 v57, v16;
	v15 =	vsel vm11, v50, v15;
	v23 =	vsel vm0, v60, v23  }
0xdf: {  	v46 =	vld [tilespmem:s10+$0xFFFFFFB0];
	v16 =	vsel vm10, v57, v16;
	v22 =	vsel vm0, s14, v22;
	vm0 =	vgt.f32 v62, v23  }
0xe0: {  	v40 =	vld [tilespmem:s10+$0x80];
	s15 =	sadd.s32 $0x4, s11;
	vm12 =	vgt.f32 v49, v15;
	vm1 =	vgt.f32 v63, v25;
	v23 =	vsel vm0, v62, v23  }
0xe1: {  	v54 =	vld [tilespmem:s10+$0x0];
	v25 =	vsel vm1, v63, v25;
	v22 =	vsel vm0, s15, v22;
	vm0 =	vgt.f32 v36, v23  }
0xe2: {  	v48 =	vld [tilespmem:s10+$0xFFFFFF40];
	s16 =	sadd.s32 $0x5, s11;
	v31 =	vsel vm1, s15, v31;
	vm1 =	vgt.f32 v37, v25;
	v23 =	vsel vm0, v36, v23  }
0xe3: {  	v56 =	vld [tilespmem:s10+$0x10];
	v25 =	vsel vm1, v37, v25;
	v22 =	vsel vm0, s16, v22;
	vm0 =	vgt.f32 v26, v23  }
0xe4: {  	v41 =	vld [tilespmem:s10+$0x100];
	s17 =	sadd.s32 $0x6, s11;
	v31 =	vsel vm1, s16, v31;
	vm1 =	vgt.f32 v35, v25;
	v23 =	vsel vm0, v26, v23  }
0xe5: {  	v59 =	vld [tilespmem:s10+$0xFFFFFFC0];
	v25 =	vsel vm1, v35, v25;
	v26 =	vsel vm1, s17, v31;
	vm1 =	vgt.f32 v27, v23  }
0xe6: {  	v15 =	vsel vm12, v49, v15;
	vm4 =	vgt.f32 v54, v24;
	v23 =	vsel vm1, v27, v23;
	v27 =	vld [tilespmem:s10+$0x20]  }
0xe7: {  	v19 =	vld [tilespmem:s10+$0xFFFFFF70];
	vm13 =	vgt.f32 v46, v16;
	vm15 =	vgt.f32 v48, v15;
	v24 =	vsel vm4, v54, v24  }
0xe8: {  	v58 =	vld [tilespmem:s10+$0x30];
	v16 =	vsel vm13, v46, v16;
	v15 =	vsel vm15, v48, v15;
	vm8 =	vgt.f32 v56, v24  }
0xe9: {  	v21 =	vld [tilespmem:s10+$0x70];
	v22 =	vsel vm0, s17, v22;
	v31 =	vimm.s32 $0x0;
	vm0 =	vgt.f32 v32, v25  }
0xea: {  	s18 =	sadd.s32 $0x7, s11;
	v60 =	vld [tilespmem:s10+$0x40];
	v24 =	vsel vm8, v56, v24;
	v31 =	vsel vm1, $0xFFFFFFFF, v31;
	v25 =	vsel vm0, v32, v25  }
0xeb: {  	v29 =	vld [tilespmem:s10+$0xFFFFFFE0];
	[tilespmem:$0x1FFA0] =	vst v31;
	v31 =	vsel vm0, s18, v26;
	vm0 =	vgt.f32 v59, v16;
	vm5 =	vgt.f32 v27, v24  }
0xec: {  	v28 =	vld [tilespmem:s10+$0xFFFFFF60];
	v63 =	vimm.s32 $0x0;
	v36 =	vsel vm0, $0xFFFFFFFF, v61;
	v24 =	vsel vm5, v27, v24  }
0xed: {  	v45 =	vld [tilespmem:s10+$0x50];
	v16 =	vsel vm0, v59, v16;
	vm0 =	vgt.f32 v33, v15;
	vm14 =	vgt.f32 v58, v24  }
0xee: {  	v17 =	vld [tilespmem:s10+$0xE0];
	v62 =	vimm.s32 $0x0;
	v35 =	vsel vm0, $0xFFFFFFFF, v63;
	v24 =	vsel vm14, v58, v24  }
0xef: {  	p1 =	sne.s32 s20, $0xF0;
	v39 =	vld [tilespmem:s10+$0x90];
	[tilespmem:$0x1FFD0] =	vst v35;
	v35 =	vsel vm0, v33, v15;
	v15 =	vimm.s32 $0x0;
	vm1 =	vgt.f32 v60, v24  }
.Ltmp2:
0xf0: {  	v38 =	vld [tilespmem:s10+$0xA0];
	[tilespmem:$0x1FFB0] =	vst v36;
	v36 =	vsel vm1, $0xFFFFFFFF, v62;
	v24 =	vsel vm1, v60, v24;
	vm1 =	vgt.f32 v34, v16;
	(pc) =	sbr.rel @p1 .LBB2_3-.Ltmp2, $4  }
0xf1: {  	v32 =	vld [tilespmem:s10+$0xB0];
	v15 =	vsel vm1, $0xFFFFFFFF, v15  }
0xf2: {  	v26 =	vld [tilespmem:s10+$0xD0];
	vm6 =	vgt.f32 v45, v24;
	[tilespmem:$0x1FFE0] =	vst v15;
	v15 =	vimm.s32 $0x0  }
0xf3: {  	v33 =	vld [tilespmem:s10+$0x180];
	[tilespmem:$0x1FFC0] =	vst v36;
	v15 =	vsel vm6, $0xFFFFFFFF, v15  }
0xf4: {  	s20 =	sadd.s32 $0x8, s20;
	v27 =	vld [tilespmem:s10+$0xC0];
	v36 =	vsel vm1, v34, v16;
	v37 =	vsel vm6, v45, v24;
	[tilespmem:$0x1FFF0] =	vst v15  }
0xf5: {  	vm0 =	vgt.f32 v40, v14  }
0xf6: {  	vm1 =	vgt.f32 v41, v13;
	v6 =	vsel vm2, s11, v6;
	v7 =	vsel vm3, s11, v7  }
0xf7: {  	v15 =	vld [tilespmem:s10+$0x110];
	v8 =	vsel vm4, s11, v8;
	vm2 =	vgt.f32 v30, v37;
	v14 =	vsel vm0, v40, v14  }
0xf8: {  	v16 =	vld [tilespmem:s10+$0x190];
	v11 =	vsel vm0, s11, v11;
	v13 =	vsel vm1, v41, v13;
	v10 =	vsel vm1, s11, v10  }
0xf9: {  	v24 =	vld [tilespmem:s10+$0x120];
	v7 =	vsel vm7, s12, v7;
	v8 =	vsel vm8, s12, v8;
	v30 =	vsel vm2, v30, v37  }
0xfa: {  	v34 =	vld [tilespmem:s10+$0x1A0];
	vm1 =	vgt.f32 v39, v14;
	v7 =	vsel vm10, s13, v7;
	v8 =	vsel vm5, s13, v8  }
0xfb: {  	v42 =	vld [tilespmem:s10+$0x130];
	vm5 =	vgt.f32 v21, v30;
	vm0 =	vgt.f32 v33, v12;
	v14 =	vsel vm1, v39, v14  }
0xfc: {  	v46 =	vld [tilespmem:s10+$0x1B0];
	v11 =	vsel vm1, s12, v11;
	v21 =	vsel vm5, v21, v30;
	v7 =	vsel vm13, s14, v7  }
0xfd: {  	v47 =	vld [tilespmem:s10+$0x140];
	v12 =	vsel vm0, v33, v12;
	v9 =	vsel vm0, s11, v9;
	vm0 =	vgt.f32 v15, v13  }
0xfe: {  	v48 =	vld [tilespmem:s10+$0x1C0];
	v8 =	vsel vm14, s14, v8;
	vm1 =	vgt.f32 v16, v12;
	v13 =	vsel vm0, v15, v13  }
0xff: {  	v49 =	vld [tilespmem:s10+$0x160];
	v10 =	vsel vm0, s12, v10;
	v12 =	vsel vm1, v16, v12;
	vm0 =	vgt.f32 v38, v14  }
0x100: {  	v50 =	vld [tilespmem:s10+$0x170];
	v9 =	vsel vm1, s12, v9;
	v14 =	vsel vm0, v38, v14;
	vm1 =	vgt.f32 v24, v13  }
0x101: {  	s20 =	smul.u32 $0x1F00, s9;
	v51 =	vld [tilespmem:s10+$0x1F0];
	v11 =	vsel vm0, s13, v11;
	vm0 =	vgt.f32 v34, v12;
	v13 =	vsel vm1, v24, v13  }
0x102: {  	v15 =	vld [tilespmem:s10+$0x150];
	v10 =	vsel vm1, s13, v10;
	v12 =	vsel vm0, v34, v12;
	vm1 =	vgt.f32 v32, v14  }
0x103: {  	s21 =	simm.s32 $0x0;
	s20 =	sadd.s32 s20, s28;
	v16 =	vld [tilespmem:s10+$0x1D0];
	v9 =	vsel vm0, s13, v9;
	v14 =	vsel vm1, v32, v14;
	vm0 =	vgt.f32 v42, v13  }
0x104: {  	v24 =	vld [tilespmem:s10+$0x1E0];
	[tilespmem:s21], [sflag:$0x1] =	stream.linear.gather [hbm4b:s20+s21], $0x7C00, $0x38;
	v11 =	vsel vm1, s14, v11;
	vm1 =	vgt.f32 v46, v12;
	v13 =	vsel vm0, v42, v13  }
0x105: {  	_ =	swait.ge [sflag:s30], $0x7C00;
	v10 =	vsel vm0, s14, v10;
	v12 =	vsel vm1, v46, v12;
	vm0 =	vgt.f32 v27, v14  }
0x106: {  	v9 =	vsel vm1, s14, v9;
	v30 =	vld [tilespmem:$0x1FFB0];
	v14 =	vsel vm0, v27, v14;
	vm1 =	vgt.f32 v47, v13  }
0x107: {  	v56 =	vld [tilespmem:$0x1FFD0];
	v11 =	vsel vm0, s15, v11;
	vm0 =	vgt.f32 v48, v12;
	v13 =	vsel vm1, v47, v13  }
0x108: {  	v57 =	vld [tilespmem:$0x1FFE0];
	v10 =	vsel vm1, s15, v10;
	v12 =	vsel vm0, v48, v12;
	vm1 =	vgt.f32 v26, v14  }
0x109: {  	[sflag:s30] =	ssyncset.done $0x0;
	v58 =	vld [tilespmem:$0x1FFF0];
	v9 =	vsel vm0, s15, v9;
	v14 =	vsel vm1, v26, v14;
	vm0 =	vgt.f32 v15, v13  }
0x10a: {  	s10 =	simm.s32 $0x7E00;
	v62 =	vld [tilespmem:$0x1FFA0];
	[sflag:s30] =	ssyncadd.s32 $0xFFFF8400;
	v11 =	vsel vm1, s16, v11;
	vm1 =	vgt.f32 v16, v12;
	v13 =	vsel vm0, v15, v13  }
0x10b: {  	v33 =	vld [tilespmem:s10+$0xFFFFFE70];
	v10 =	vsel vm0, s16, v10;
	v12 =	vsel vm1, v16, v12;
	vm0 =	vgt.f32 v17, v14  }
0x10c: {  	v34 =	vld [tilespmem:s10+$0xFFFFFEF0];
	v26 =	vsel vm1, s16, v9;
	v14 =	vsel vm0, v17, v14;
	vm1 =	vgt.f32 v49, v13  }
0x10d: {  	v39 =	vld [tilespmem:s10+$0xFFFFFE60];
	v11 =	vsel vm0, s17, v11;
	vm0 =	vgt.f32 v24, v12;
	vm7 =	vnez.u8 v30  }
0x10e: {  	v40 =	vld [tilespmem:s10+$0xFFFFFEE0];
	v27 =	vsel vm1, v49, v13;
	v10 =	vsel vm1, s17, v10;
	v52 =	vsel vm0, v24, v12  }
0x10f: {  	v53 =	vld [tilespmem:s10+$0xFFFFFE50];
	vm1 =	vgt.f32 v18, v14;
	v26 =	vsel vm0, s17, v26;
	v7 =	vsel vm7, s15, v7  }
0x110: {  	v30 =	vld [tilespmem:$0x1FFC0];
	v13 =	vsel vm1, v18, v14;
	vm0 =	vgt.f32 v50, v27;
	v11 =	vsel vm1, s18, v11  }
0x111: {  	v55 =	vld [tilespmem:s10+$0xFFFFFED0];
	vm1 =	vgt.f32 v51, v52;
	v18 =	vsel vm9, s12, v6;
	v14 =	vsel vm0, v50, v27  }
0x112: {  	v59 =	vld [tilespmem:s10+$0xFFFFFE90];
	v12 =	vsel vm0, s18, v10;
	v32 =	vsel vm1, v51, v52;
	v10 =	vsel vm1, s18, v26  }
0x113: {  	v44 =	vld [tilespmem:s10+$0xFFFFFE20];
	vm0 =	vgt.f32 v28, v35;
	vm1 =	vgt.f32 v29, v36;
	v18 =	vsel vm11, s13, v18  }
0x114: {  	v61 =	vld [tilespmem:s10+$0xFFFFFEA0];
	v54 =	vsel vm0, v28, v35;
	v29 =	vsel vm1, v29, v36;
	v18 =	vsel vm12, s14, v18  }
0x115: {  	v63 =	vld [tilespmem:s10+$0xFFFFFE30];
	vm3 =	vgt.f32 v19, v54;
	vm4 =	vgt.f32 v20, v29;
	vm7 =	vnez.u8 v30  }
0x116: {  	v51 =	vld [tilespmem:s10+$0x0];
	v18 =	vsel vm15, s15, v18;
	v8 =	vsel vm7, s15, v8;
	vm7 =	vnez.u8 v56  }
0x117: {  	v37 =	vsel vm3, v19, v54;
	v19 =	vld [tilespmem:s10+$0xFFFFFE00];
	v18 =	vsel vm7, s16, v18;
	vm7 =	vnez.u8 v57  }
0x118: {  	v20 =	vsel vm4, v20, v29;
	v29 =	vld [tilespmem:s10+$0xFFFFFE80];
	v56 =	vimm.s32 $0x0;
	v7 =	vsel vm7, s16, v7  }
0x119: {  	v45 =	vld [tilespmem:s10+$0x10];
	vm7 =	vnez.u8 v58;
	v18 =	vsel vm0, s17, v18;
	vm0 =	vnez.u8 v62  }
0x11a: {  	v30 =	vld [tilespmem:s10+$0xFFFFFE10];
	v8 =	vsel vm7, s16, v8;
	v60 =	vsel vm1, s17, v7;
	v7 =	vsel vm3, s18, v18  }
0x11b: {  	v41 =	vld [tilespmem:s10+$0x50];
	v22 =	vsel vm0, s18, v22;
	v43 =	vsel vm2, s17, v8;
	v8 =	vsel vm4, s18, v60  }
0x11c: {  	s21 =	sadd.s32 $0x0, s8;
	v48 =	vld [tilespmem:s10+$0xFFFFFF40];
	vm4 =	vgt.f32 v51, v21;
	v18 =	vsel vm5, s18, v43;
	vm0 =	vgt.f32 v19, v23  }
0x11d: {  	s11 =	sadd.s32 $0xF8, s21;
	v46 =	vld [tilespmem:s10+$0xFFFFFFA0];
	vm1 =	vgt.f32 v29, v25;
	v21 =	vsel vm4, v51, v21;
	v19 =	vsel vm0, v19, v23  }
0x11e: {  	v23 =	vsel vm1, v29, v25;
	v25 =	vsel vm1, s11, v31;
	v29 =	vld [tilespmem:s10+$0xFFFFFEB0];
	v22 =	vsel vm0, s11, v22  }
0x11f: {  	s12 =	sadd.s32 $0xF9, s21;
	v31 =	vld [tilespmem:s10+$0xFFFFFE40];
	vm7 =	vgt.f32 v45, v21;
	vm0 =	vgt.f32 v30, v19;
	vm1 =	vgt.f32 v59, v23  }
0x120: {  	v19 =	vsel vm0, v30, v19;
	v23 =	vsel vm1, v59, v23;
	v25 =	vsel vm1, s12, v25;
	v30 =	vld [tilespmem:s10+$0xFFFFFEC0]  }
0x121: {  	v38 =	vld [tilespmem:s10+$0x80];
	s13 =	sadd.s32 $0xFA, s21;
	v22 =	vsel vm0, s12, v22;
	vm0 =	vgt.f32 v44, v19;
	vm1 =	vgt.f32 v61, v23  }
0x122: {  	v15 =	vld [tilespmem:s10+$0xFFFFFF70];
	v19 =	vsel vm0, v44, v19;
	v23 =	vsel vm1, v61, v23;
	v25 =	vsel vm1, s13, v25  }
0x123: {  	v16 =	vld [tilespmem:s10+$0xFFFFFFF0];
	s14 =	sadd.s32 $0xFB, s21;
	v22 =	vsel vm0, s13, v22;
	vm0 =	vgt.f32 v63, v19;
	vm1 =	vgt.f32 v29, v23  }
0x124: {  	v9 =	vld [tilespmem:s10+$0xF0];
	v19 =	vsel vm0, v63, v19;
	v23 =	vsel vm1, v29, v23;
	v25 =	vsel vm1, s14, v25  }
0x125: {  	v17 =	vld [tilespmem:s10+$0x70];
	s15 =	sadd.s32 $0xFC, s21;
	v22 =	vsel vm0, s14, v22;
	vm0 =	vgt.f32 v31, v19;
	vm1 =	vgt.f32 v30, v23  }
0x126: {  	v50 =	vld [tilespmem:s10+$0xFFFFFF20];
	v19 =	vsel vm0, v31, v19;
	v23 =	vsel vm1, v30, v23;
	v25 =	vsel vm1, s15, v25  }
0x127: {  	v54 =	vld [tilespmem:s10+$0x20];
	s16 =	sadd.s32 $0xFD, s21;
	v22 =	vsel vm0, s15, v22;
	vm0 =	vgt.f32 v53, v19;
	vm1 =	vgt.f32 v55, v23  }
0x128: {  	v30 =	vld [tilespmem:s10+$0xFFFFFF00];
	v19 =	vsel vm0, v53, v19;
	v23 =	vsel vm1, v55, v23;
	v25 =	vsel vm1, s16, v25  }
0x129: {  	s18 =	sadd.s32 $0xFE, s21;
	v29 =	vld [tilespmem:s10+$0xFFFFFF10];
	v22 =	vsel vm0, s16, v22;
	vm0 =	vgt.f32 v39, v19;
	vm1 =	vgt.f32 v40, v23  }
0x12a: {  	v31 =	vld [tilespmem:s10+$0xFFFFFF80];
	v39 =	vsel vm0, v39, v19;
	v23 =	vsel vm1, v40, v23;
	v53 =	vsel vm1, s18, v25  }
0x12b: {  	v57 =	vld [tilespmem:s10+$0x30];
	v19 =	vsel vm0, s18, v22;
	v22 =	vimm.s32 $0x0;
	vm1 =	vgt.f32 v33, v39  }
0x12c: {  	v52 =	vld [tilespmem:s10+$0xFFFFFF90];
	s17 =	sadd.s32 $0xFF, s21;
	v21 =	vsel vm7, v45, v21;
	vm0 =	vgt.f32 v34, v23;
	v22 =	vsel vm1, $0xFFFFFFFF, v22  }
0x12d: {  	v24 =	vld [tilespmem:s10+$0xFFFFFF60];
	v23 =	vsel vm0, v34, v23;
	[tilespmem:$0x1FD80] =	vst v22;
	v22 =	vsel vm0, s17, v53;
	vm0 =	vgt.f32 v30, v37  }
0x12e: {  	v49 =	vld [tilespmem:s10+$0xFFFFFF30];
	v62 =	vimm.s32 $0x0;
	vm10 =	vgt.f32 v54, v21;
	v30 =	vsel vm0, v30, v37  }
0x12f: {  	v59 =	vld [tilespmem:s10+$0x40];
	v21 =	vsel vm10, v54, v21;
	vm3 =	vgt.f32 v31, v20;
	vm5 =	vgt.f32 v29, v30  }
0x130: {  	vm13 =	vgt.f32 v57, v21;
	v55 =	vld [tilespmem:s10+$0xFFFFFFB0];
	v20 =	vsel vm3, v31, v20;
	v30 =	vsel vm5, v29, v30  }
0x131: {  	v28 =	vld [tilespmem:s10+$0xFFFFFF50];
	v21 =	vsel vm13, v57, v21;
	vm6 =	vgt.f32 v52, v20;
	vm8 =	vgt.f32 v50, v30  }
0x132: {  	v58 =	vld [tilespmem:s10+$0xFFFFFFC0];
	v25 =	vsel vm1, v33, v39;
	v20 =	vsel vm6, v52, v20;
	v60 =	vsel vm8, v50, v30  }
0x133: {  	v6 =	vld [tilespmem:s10+$0xE0];
	v39 =	vsel vm0, $0xFFFFFFFF, v56;
	vm9 =	vgt.f32 v46, v20;
	vm11 =	vgt.f32 v49, v60  }
0x134: {  	v35 =	vld [tilespmem:s10+$0xFFFFFFD0];
	vm0 =	vgt.f32 v59, v21;
	v20 =	vsel vm9, v46, v20;
	v61 =	vsel vm11, v49, v60  }
0x135: {  	v26 =	vld [tilespmem:s10+$0xFFFFFFE0];
	v34 =	vsel vm0, $0xFFFFFFFF, v62;
	vm12 =	vgt.f32 v55, v20;
	vm14 =	vgt.f32 v48, v61  }
0x136: {  	v27 =	vld [tilespmem:s10+$0x60];
	v63 =	vsel vm0, v59, v21;
	v20 =	vsel vm12, v55, v20;
	v33 =	vsel vm14, v48, v61  }
0x137: {  	v36 =	vld [tilespmem:s10+$0xA0];
	v21 =	vimm.s32 $0x0;
	vm15 =	vgt.f32 v58, v20;
	vm0 =	vgt.f32 v28, v33  }
0x138: {  	v31 =	vld [tilespmem:s10+$0xB0];
	v20 =	vsel vm15, v58, v20;
	v21 =	vsel vm0, $0xFFFFFFFF, v21  }
0x139: {  	v37 =	vld [tilespmem:s10+$0x90];
	vm2 =	vgt.f32 v35, v20;
	[tilespmem:$0x1FDB0] =	vst v21;
	v21 =	vimm.s32 $0x0  }
0x13a: {  	[tilespmem:$0x1FD90] =	vst v39;
	v39 =	vld [tilespmem:s10+$0x100];
	v21 =	vsel vm2, $0xFFFFFFFF, v21  }
0x13b: {  	v29 =	vld [tilespmem:s10+$0xD0];
	vm1 =	vgt.f32 v41, v63;
	[tilespmem:$0x1FDC0] =	vst v21;
	v21 =	vsel vm2, v35, v20;
	v20 =	vimm.s32 $0x0  }
0x13c: {  	[tilespmem:$0x1FDA0] =	vst v34;
	v30 =	vld [tilespmem:s10+$0xC0];
	v20 =	vsel vm1, $0xFFFFFFFF, v20  }
0x13d: {  	s20 =	simm.s32 $0x8;
	v28 =	vsel vm0, v28, v33;
	v33 =	vld [tilespmem:s10+$0x180];
	[tilespmem:$0x1FDD0] =	vst v20;
	v20 =	vsel vm1, v41, v63  }
.LBB2_5:
0x13e: {  	v34 =	vimm.s32 $0x0  }
0x13f: {  	v54 =	vimm.s32 $0x0;
	v34 =	vsel vm4, $0xFFFFFFFF, v34  }
0x140: {  	v55 =	vimm.s32 $0x0;
	[tilespmem:$0x1FC60] =	vst v34;
	v34 =	vsel vm3, $0xFFFFFFFF, v54  }
0x141: {  	v56 =	vimm.s32 $0x0;
	[tilespmem:$0x1FC50] =	vst v34;
	v34 =	vsel vm5, $0xFFFFFFFF, v55  }
0x142: {  	v57 =	vimm.s32 $0x0;
	[tilespmem:$0x1FC70] =	vst v34;
	v34 =	vsel vm7, $0xFFFFFFFF, v56  }
0x143: {  	v58 =	vimm.s32 $0x0;
	[tilespmem:$0x1FC90] =	vst v34;
	v34 =	vsel vm6, $0xFFFFFFFF, v57  }
0x144: {  	v59 =	vimm.s32 $0x0;
	[tilespmem:$0x1FC80] =	vst v34;
	v34 =	vsel vm8, $0xFFFFFFFF, v58  }
0x145: {  	v60 =	vimm.s32 $0x0;
	[tilespmem:$0x1FCA0] =	vst v34;
	v34 =	vsel vm9, $0xFFFFFFFF, v59  }
0x146: {  	v61 =	vimm.s32 $0x0;
	v62 =	vimm.s32 $0x0;
	[tilespmem:$0x1FCB0] =	vst v34;
	v34 =	vsel vm10, $0xFFFFFFFF, v60  }
0x147: {  	v63 =	vimm.s32 $0x0;
	v40 =	vimm.s32 $0x0;
	[tilespmem:$0x1FCC0] =	vst v34;
	v34 =	vsel vm11, $0xFFFFFFFF, v61  }
0x148: {  	v41 =	vimm.s32 $0x0;
	v42 =	vimm.s32 $0x0;
	[tilespmem:$0x1FCD0] =	vst v34;
	v34 =	vsel vm12, $0xFFFFFFFF, v62  }
0x149: {  	vm0 =	vgt.f32 v24, v28;
	vm1 =	vgt.f32 v26, v21;
	[tilespmem:$0x1FCE0] =	vst v34;
	v34 =	vsel vm13, $0xFFFFFFFF, v63  }
0x14a: {  	vm2 =	vgt.f32 v27, v20;
	v24 =	vsel vm0, v24, v28;
	[tilespmem:$0x1FCF0] =	vst v34;
	v34 =	vsel vm15, $0xFFFFFFFF, v40  }
0x14b: {  	v21 =	vsel vm1, v26, v21;
	v26 =	vsel vm2, v27, v20;
	[tilespmem:$0x1FD10] =	vst v34;
	v34 =	vsel vm14, $0xFFFFFFFF, v41  }
0x14c: {  	v20 =	vimm.s32 $0x0;
	[tilespmem:$0x1FD00] =	vst v34;
	v34 =	vsel vm0, $0xFFFFFFFF, v42;
	vm0 =	vgt.f32 v15, v24  }
0x14d: {  	v43 =	vimm.s32 $0x0;
	[tilespmem:$0x1FD20] =	vst v34;
	v20 =	vsel vm0, $0xFFFFFFFF, v20  }
0x14e: {  	v34 =	vsel vm1, $0xFFFFFFFF, v43;
	vm1 =	vgt.f32 v16, v21;
	[tilespmem:$0x1FD50] =	vst v20;
	v20 =	vimm.s32 $0x0  }
0x14f: {  	v44 =	vimm.s32 $0x0;
	[tilespmem:$0x1FD30] =	vst v34;
	v20 =	vsel vm1, $0xFFFFFFFF, v20  }
0x150: {  	v34 =	vsel vm2, $0xFFFFFFFF, v44;
	vm2 =	vgt.f32 v17, v26;
	[tilespmem:$0x1FD60] =	vst v20;
	v20 =	vimm.s32 $0x0  }
0x151: {  	v20 =	vsel vm2, $0xFFFFFFFF, v20  }
0x152: {  	[tilespmem:$0x1FD70] =	vst v20;
	v20 =	vsel vm0, v15, v24;
	vm0 =	vgt.f32 v38, v13  }
0x153: {  	v21 =	vsel vm1, v16, v21;
	v16 =	vimm.s32 $0x0;
	v13 =	vsel vm0, v38, v13  }
0x154: {  	v16 =	vsel vm0, $0xFFFFFFFF, v16;
	vm0 =	vgt.f32 v37, v13  }
0x155: {  	v28 =	vsel vm2, v17, v26;
	v26 =	vimm.s32 $0x0;
	v13 =	vsel vm0, v37, v13  }
0x156: {  	v26 =	vsel vm0, $0xFFFFFFFF, v26;
	vm0 =	vgt.f32 v36, v13  }
0x157: {  	v13 =	vsel vm0, v36, v13  }
0x158: {  	vm15 =	vgt.f32 v31, v13  }
0x159: {  	v27 =	vld [tilespmem:s10+$0x190];
	v13 =	vsel vm15, v31, v13  }
0x15a: {  	vm11 =	vgt.f32 v30, v13  }
0x15b: {  	v17 =	vimm.s32 $0x0;
	vm2 =	vgt.f32 v33, v32;
	v13 =	vsel vm11, v30, v13  }
0x15c: {  	v17 =	vsel vm2, $0xFFFFFFFF, v17;
	vm8 =	vgt.f32 v29, v13  }
0x15d: {  	[tilespmem:$0x1FBE0] =	vst v17;
	v17 =	vsel vm2, v33, v32;
	v13 =	vsel vm8, v29, v13  }
0x15e: {  	v46 =	vimm.s32 $0x0;
	vm2 =	vgt.f32 v27, v17;
	vm3 =	vgt.f32 v6, v13  }
0x15f: {  	v47 =	vimm.s32 $0x0;
	[tilespmem:$0x1FBC0] =	vst v16;
	v32 =	vsel vm2, $0xFFFFFFFF, v46;
	v6 =	vsel vm3, v6, v13  }
0x160: {  	[tilespmem:$0x1FC10] =	vst v32;
	v32 =	vsel vm0, $0xFFFFFFFF, v47;
	vm0 =	vgt.f32 v9, v6  }
0x161: {  	v13 =	vsel vm0, v9, v6;
	v6 =	vld [tilespmem:$0x1FBC0];
	_ =	sdelay $0x2  }
0x162: {  	vm1 =	vgt.f32 v39, v14;
	v16 =	vimm.s32 $0x0  }
0x163: {  	v16 =	vsel vm1, $0xFFFFFFFF, v16  }
0x164: {  	[tilespmem:$0x1FBD0] =	vst v16;
	vm14 =	vnez.u8 v6  }
0x165: {  	v6 =	vsel vm14, s11, v11;
	v11 =	vld [tilespmem:$0x1FBD0];
	_ =	sdelay $0x4  }
0x166: {  	vm14 =	vnez.u8 v11  }
0x167: {  	v11 =	vsel vm14, s11, v12;
	v12 =	vld [tilespmem:$0x1FBE0]  }
0x168: {  	v45 =	vld [tilespmem:s10+$0x110]  }
0x169: {  	v35 =	vld [tilespmem:s10+$0x120]  }
0x16a: {  	v49 =	vld [tilespmem:s10+$0x150]  }
0x16b: {  	v51 =	vld [tilespmem:s10+$0x160];
	[tilespmem:$0x1FBF0] =	vst v26  }
0x16c: {  	vm14 =	vnez.u8 v12;
	v12 =	vld [tilespmem:$0x1FBF0]  }
0x16d: {  	v52 =	vld [tilespmem:s10+$0x170];
	v14 =	vsel vm1, v39, v14  }
0x16e: {  	v54 =	vld [tilespmem:$0x1FD90];
	vm1 =	vgt.f32 v45, v14;
	v26 =	vimm.s32 $0x0  }
0x16f: {  	v55 =	vld [tilespmem:$0x1FC50];
	v26 =	vsel vm1, $0xFFFFFFFF, v26  }
0x170: {  	v56 =	vld [tilespmem:$0x1FC60];
	[tilespmem:$0x1FC00] =	vst v26  }
0x171: {  	v10 =	vsel vm14, s11, v10;
	vm14 =	vnez.u8 v12;
	v12 =	vld [tilespmem:$0x1FC00]  }
0x172: {  	v57 =	vld [tilespmem:$0x1FC70]  }
0x173: {  	v58 =	vld [tilespmem:$0x1FC80]  }
0x174: {  	v59 =	vld [tilespmem:$0x1FC90]  }
0x175: {  	v60 =	vld [tilespmem:$0x1FCA0]  }
0x176: {  	v6 =	vsel vm14, s12, v6;
	vm14 =	vnez.u8 v12;
	v12 =	vld [tilespmem:$0x1FC10]  }
0x177: {  	v61 =	vld [tilespmem:$0x1FCB0]  }
0x178: {  	v62 =	vld [tilespmem:$0x1FCC0]  }
0x179: {  	v40 =	vld [tilespmem:$0x1FCD0]  }
0x17a: {  	v42 =	vld [tilespmem:$0x1FDB0];
	[tilespmem:$0x1FC20] =	vst v32  }
0x17b: {  	v11 =	vsel vm14, s12, v11;
	vm14 =	vnez.u8 v12;
	v12 =	vld [tilespmem:$0x1FC20]  }
0x17c: {  	v41 =	vld [tilespmem:$0x1FD00];
	v14 =	vsel vm1, v45, v14  }
0x17d: {  	v48 =	vimm.s32 $0x0;
	v15 =	vld [tilespmem:s10+$0x1A0];
	vm1 =	vgt.f32 v35, v14  }
0x17e: {  	v24 =	vld [tilespmem:s10+$0x1B0];
	v32 =	vsel vm1, $0xFFFFFFFF, v48  }
0x17f: {  	v16 =	vld [tilespmem:s10+$0x130];
	[tilespmem:$0x1FC30] =	vst v32  }
0x180: {  	v10 =	vsel vm14, s12, v10;
	vm14 =	vnez.u8 v12;
	v12 =	vld [tilespmem:$0x1FC30]  }
0x181: {  	v17 =	vsel vm2, v27, v17;
	v27 =	vld [tilespmem:s10+$0x1C0]  }
0x182: {  	v50 =	vimm.s32 $0x0;
	vm2 =	vgt.f32 v15, v17;
	v26 =	vld [tilespmem:s10+$0x140]  }
0x183: {  	v43 =	vld [tilespmem:$0x1FD20];
	v33 =	vsel vm2, $0xFFFFFFFF, v50;
	v15 =	vsel vm2, v15, v17  }
0x184: {  	v44 =	vld [tilespmem:$0x1FD50];
	v14 =	vsel vm1, v35, v14;
	[tilespmem:$0x1FC40] =	vst v33;
	vm12 =	vgt.f32 v24, v15  }
0x185: {  	vm13 =	vgt.f32 v16, v14;
	v6 =	vsel vm14, s13, v6;
	vm14 =	vnez.u8 v12;
	v12 =	vld [tilespmem:$0x1FC40]  }
0x186: {  	v46 =	vld [tilespmem:$0x1FCE0];
	v15 =	vsel vm12, v24, v15;
	v14 =	vsel vm13, v16, v14  }
0x187: {  	v45 =	vld [tilespmem:$0x1FD80];
	vm9 =	vgt.f32 v27, v15;
	vm10 =	vgt.f32 v26, v14  }
0x188: {  	v47 =	vld [tilespmem:$0x1FCF0];
	v15 =	vsel vm9, v27, v15;
	v14 =	vsel vm10, v26, v14  }
0x189: {  	v17 =	vld [tilespmem:s10+$0x1D0];
	vm6 =	vgt.f32 v49, v14;
	v6 =	vsel vm15, s14, v6;
	v11 =	vsel vm14, s13, v11  }
0x18a: {  	v50 =	vld [tilespmem:$0x1FDA0];
	v11 =	vsel vm13, s14, v11;
	vm14 =	vnez.u8 v12;
	v12 =	vsel vm11, s15, v6  }
0x18b: {  	v24 =	vld [tilespmem:s10+$0x1E0];
	v14 =	vsel vm6, v49, v14;
	v11 =	vsel vm10, s15, v11;
	v12 =	vsel vm8, s16, v12  }
0x18c: {  	v26 =	vld [tilespmem:s10+$0x1F0];
	s10 =	sadd.s32 $0x400, s10;
	vm4 =	vgt.f32 v51, v14;
	v11 =	vsel vm6, s16, v11;
	v12 =	vsel vm3, s18, v12  }
0x18d: {  	v30 =	vld [tilespmem:s10+$0xFFFFFE70];
	v53 =	vsel vm4, s18, v11;
	v11 =	vsel vm0, s17, v12;
	vm0 =	vnez.u8 v54  }
0x18e: {  	vm7 =	vgt.f32 v17, v15;
	v31 =	vld [tilespmem:s10+$0xFFFFFEF0];
	v7 =	vsel vm0, s11, v7;
	vm0 =	vnez.u8 v55  }
0x18f: {  	v17 =	vsel vm7, v17, v15;
	v15 =	vld [tilespmem:s10+$0xFFFFFF70];
	v8 =	vsel vm0, s11, v8;
	vm0 =	vnez.u8 v56  }
0x190: {  	v16 =	vld [tilespmem:s10+$0xFFFFFFF0];
	v18 =	vsel vm0, s11, v18;
	vm0 =	vnez.u8 v57  }
0x191: {  	vm5 =	vgt.f32 v24, v17;
	v29 =	vld [tilespmem:s10+$0xFFFFFE60];
	v7 =	vsel vm0, s12, v7;
	vm0 =	vnez.u8 v58  }
0x192: {  	v35 =	vld [tilespmem:s10+$0xFFFFFEE0];
	v24 =	vsel vm5, v24, v17;
	v8 =	vsel vm0, s12, v8;
	vm0 =	vnez.u8 v59  }
0x193: {  	v27 =	vld [tilespmem:s10+$0x60];
	v14 =	vsel vm4, v51, v14;
	v18 =	vsel vm0, s12, v18;
	vm0 =	vnez.u8 v60  }
0x194: {  	v36 =	vld [tilespmem:s10+$0xFFFFFE50];
	vm1 =	vgt.f32 v52, v14;
	v7 =	vsel vm0, s13, v7;
	vm0 =	vnez.u8 v61  }
0x195: {  	v49 =	vld [tilespmem:$0x1FD10];
	vm2 =	vgt.f32 v26, v24;
	v8 =	vsel vm0, s13, v8;
	vm0 =	vnez.u8 v62  }
0x196: {  	v37 =	vld [tilespmem:s10+$0xFFFFFED0];
	v14 =	vsel vm1, v52, v14;
	v18 =	vsel vm0, s13, v18;
	vm0 =	vnez.u8 v40  }
0x197: {  	v63 =	vld [tilespmem:s10+$0xFFFFFE80];
	v32 =	vsel vm2, v26, v24;
	v7 =	vsel vm0, s14, v7;
	vm0 =	vnez.u8 v46  }
0x198: {  	v52 =	vld [tilespmem:$0x1FDC0];
	v10 =	vsel vm14, s13, v10;
	v8 =	vsel vm0, s14, v8;
	vm0 =	vnez.u8 v47  }
0x199: {  	v12 =	vsel vm1, s17, v53;
	v53 =	vld [tilespmem:$0x1FDD0];
	v18 =	vsel vm0, s14, v18;
	vm0 =	vnez.u8 v41  }
0x19a: {  	v33 =	vld [tilespmem:s10+$0xFFFFFF50];
	v10 =	vsel vm12, s14, v10;
	v7 =	vsel vm0, s15, v7;
	vm0 =	vnez.u8 v49  }
0x19b: {  	[tilespmem:$0x1FD40] =	vst v34;
	v10 =	vsel vm9, s15, v10;
	v55 =	vld [tilespmem:$0x1FD30];
	v8 =	vsel vm0, s15, v8;
	vm0 =	vnez.u8 v50  }
0x19c: {  	vm1 =	vgt.f32 v63, v23;
	v56 =	vld [tilespmem:$0x1FD40];
	v18 =	vsel vm0, s15, v18;
	vm0 =	vnez.u8 v42  }
0x19d: {  	v51 =	vld [tilespmem:s10+$0xFFFFFE90];
	v10 =	vsel vm7, s16, v10;
	v7 =	vsel vm0, s16, v7;
	vm0 =	vnez.u8 v52  }
0x19e: {  	v23 =	vsel vm1, v63, v23;
	v58 =	vld [tilespmem:$0x1FD60];
	v8 =	vsel vm0, s16, v8;
	vm0 =	vnez.u8 v53  }
0x19f: {  	v10 =	vsel vm5, s18, v10;
	v59 =	vld [tilespmem:$0x1FD70];
	v18 =	vsel vm0, s16, v18;
	vm0 =	vnez.u8 v43  }
0x1a0: {  	v38 =	vld [tilespmem:s10+$0xFFFFFE00];
	v10 =	vsel vm2, s17, v10;
	v7 =	vsel vm0, s18, v7;
	vm0 =	vnez.u8 v55  }
0x1a1: {  	s21 =	sadd.s32 s20, s8;
	v57 =	vld [tilespmem:s10+$0xFFFFFEA0];
	vm2 =	vnez.u8 v45;
	v8 =	vsel vm0, s18, v8;
	vm0 =	vnez.u8 v56  }
0x1a2: {  	v48 =	vld [tilespmem:s10+$0xFFFFFE10];
	s11 =	sadd.s32 $0xF8, s21;
	v19 =	vsel vm2, s17, v19;
	v18 =	vsel vm0, s18, v18;
	vm0 =	vnez.u8 v44  }
0x1a3: {  	v54 =	vld [tilespmem:s10+$0xFFFFFE20];
	v22 =	vsel vm1, s11, v22;
	v7 =	vsel vm0, s17, v7;
	vm0 =	vnez.u8 v58  }
0x1a4: {  	vm1 =	vgt.f32 v51, v23;
	v61 =	vld [tilespmem:s10+$0xFFFFFEB0];
	v8 =	vsel vm0, s17, v8;
	vm0 =	vnez.u8 v59  }
0x1a5: {  	v63 =	vld [tilespmem:s10+$0xFFFFFEC0];
	v23 =	vsel vm1, v51, v23;
	s12 =	sadd.s32 $0xF9, s21;
	v18 =	vsel vm0, s17, v18;
	vm0 =	vgt.f32 v38, v25  }
0x1a6: {  	v60 =	vld [tilespmem:s10+$0xFFFFFE30];
	v22 =	vsel vm1, s12, v22;
	vm1 =	vgt.f32 v57, v23;
	v25 =	vsel vm0, v38, v25  }
0x1a7: {  	v34 =	vld [tilespmem:s10+$0xFFFFFFD0];
	s13 =	sadd.s32 $0xFA, s21;
	v23 =	vsel vm1, v57, v23;
	v19 =	vsel vm0, s11, v19;
	vm0 =	vgt.f32 v48, v25  }
0x1a8: {  	v62 =	vld [tilespmem:s10+$0xFFFFFE40];
	v57 =	vimm.s32 $0x0;
	v22 =	vsel vm1, s13, v22;
	v25 =	vsel vm0, v48, v25  }
0x1a9: {  	v39 =	vld [tilespmem:s10+$0x100];
	s14 =	sadd.s32 $0xFB, s21;
	vm1 =	vgt.f32 v61, v23;
	v19 =	vsel vm0, s12, v19;
	vm0 =	vgt.f32 v54, v25  }
0x1aa: {  	v51 =	vld [tilespmem:s10+$0xFFFFFF10];
	v23 =	vsel vm1, v61, v23;
	v22 =	vsel vm1, s14, v22;
	v25 =	vsel vm0, v54, v25  }
0x1ab: {  	vm1 =	vgt.f32 v63, v23;
	s15 =	sadd.s32 $0xFC, s21;
	v53 =	vld [tilespmem:s10+$0xFFFFFF80];
	v19 =	vsel vm0, s13, v19;
	vm0 =	vgt.f32 v60, v25  }
0x1ac: {  	v49 =	vld [tilespmem:s10+$0xFFFFFF30];
	v23 =	vsel vm1, v63, v23;
	v22 =	vsel vm1, s15, v22;
	v25 =	vsel vm0, v60, v25  }
0x1ad: {  	vm1 =	vgt.f32 v37, v23;
	s16 =	sadd.s32 $0xFD, s21;
	v55 =	vld [tilespmem:s10+$0xFFFFFF90];
	v19 =	vsel vm0, s14, v19;
	vm0 =	vgt.f32 v62, v25  }
0x1ae: {  	v23 =	vsel vm1, v37, v23;
	v22 =	vsel vm1, s16, v22;
	v54 =	vld [tilespmem:s10+$0x0];
	v25 =	vsel vm0, v62, v25  }
0x1af: {  	v50 =	vld [tilespmem:s10+$0xFFFFFF20];
	vm1 =	vgt.f32 v35, v23;
	v19 =	vsel vm0, s15, v19;
	vm0 =	vgt.f32 v36, v25  }
0x1b0: {  	v52 =	vld [tilespmem:s10+$0xFFFFFF00];
	v23 =	vsel vm1, v35, v23;
	vm3 =	vgt.f32 v53, v21;
	v25 =	vsel vm0, v36, v25  }
0x1b1: {  	v56 =	vld [tilespmem:s10+$0xFFFFFFA0];
	s18 =	sadd.s32 $0xFE, s21;
	v21 =	vsel vm3, v53, v21;
	v19 =	vsel vm0, s16, v19;
	vm0 =	vgt.f32 v29, v25  }
0x1b2: {  	v22 =	vsel vm1, s18, v22;
	vm6 =	vgt.f32 v55, v21;
	v25 =	vsel vm0, v29, v25;
	v29 =	vld [tilespmem:s10+$0x10]  }
0x1b3: {  	v58 =	vld [tilespmem:s10+$0xFFFFFFB0];
	v21 =	vsel vm6, v55, v21;
	vm4 =	vgt.f32 v54, v28;
	vm1 =	vgt.f32 v30, v25  }
0x1b4: {  	s17 =	sadd.s32 $0xFF, s21;
	v19 =	vsel vm0, s18, v19;
	vm0 =	vgt.f32 v31, v23;
	v25 =	vsel vm1, v30, v25;
	v30 =	vld [tilespmem:s10+$0x20]  }
0x1b5: {  	v59 =	vld [tilespmem:s10+$0x30];
	v23 =	vsel vm0, v31, v23;
	v22 =	vsel vm0, s17, v22;
	vm0 =	vgt.f32 v52, v20  }
0x1b6: {  	vm9 =	vgt.f32 v56, v21;
	v60 =	vld [tilespmem:s10+$0xFFFFFFC0];
	v28 =	vsel vm4, v54, v28;
	v20 =	vsel vm0, v52, v20  }
0x1b7: {  	v61 =	vld [tilespmem:s10+$0x40];
	v21 =	vsel vm9, v56, v21;
	vm5 =	vgt.f32 v51, v20;
	vm7 =	vgt.f32 v29, v28  }
0x1b8: {  	v48 =	vld [tilespmem:s10+$0xFFFFFF40];
	vm12 =	vgt.f32 v58, v21;
	v20 =	vsel vm5, v51, v20;
	v28 =	vsel vm7, v29, v28  }
0x1b9: {  	v17 =	vld [tilespmem:s10+$0x70];
	v21 =	vsel vm12, v58, v21;
	vm8 =	vgt.f32 v50, v20;
	vm10 =	vgt.f32 v30, v28  }
0x1ba: {  	v9 =	vld [tilespmem:s10+$0xF0];
	v62 =	vimm.s32 $0x0;
	v20 =	vsel vm8, v50, v20;
	v28 =	vsel vm10, v30, v28  }
0x1bb: {  	v24 =	vld [tilespmem:s10+$0xFFFFFF60];
	vm15 =	vgt.f32 v60, v21;
	vm11 =	vgt.f32 v49, v20;
	vm13 =	vgt.f32 v59, v28  }
0x1bc: {  	v26 =	vld [tilespmem:s10+$0xFFFFFFE0];
	v31 =	vimm.s32 $0x0;
	v20 =	vsel vm11, v49, v20;
	v28 =	vsel vm13, v59, v28  }
0x1bd: {  	v6 =	vld [tilespmem:s10+$0xE0];
	v31 =	vsel vm0, $0xFFFFFFFF, v31;
	vm14 =	vgt.f32 v48, v20;
	vm0 =	vgt.f32 v61, v28  }
0x1be: {  	v41 =	vld [tilespmem:s10+$0x50];
	v45 =	vsel vm1, $0xFFFFFFFF, v57;
	v20 =	vsel vm14, v48, v20;
	v35 =	vsel vm0, $0xFFFFFFFF, v62  }
0x1bf: {  	v37 =	vld [tilespmem:s10+$0x90];
	v63 =	vsel vm0, v61, v28;
	vm0 =	vgt.f32 v33, v20;
	v28 =	vimm.s32 $0x0  }
0x1c0: {  	p1 =	sne.s32 s20, $0xF0;
	v38 =	vld [tilespmem:s10+$0x80];
	v21 =	vsel vm15, v60, v21;
	[tilespmem:$0x1FD80] =	vst v45;
	v28 =	vsel vm0, $0xFFFFFFFF, v28  }
.Ltmp3:
0x1c1: {  	v36 =	vld [tilespmem:s10+$0xA0];
	vm1 =	vgt.f32 v34, v21;
	[tilespmem:$0x1FDB0] =	vst v28;
	v28 =	vsel vm0, v33, v20;
	v20 =	vimm.s32 $0x0;
	(pc) =	sbr.rel @p1 .LBB2_5-.Ltmp3, $4  }
0x1c2: {  	[tilespmem:$0x1FD90] =	vst v31;
	v31 =	vld [tilespmem:s10+$0xB0];
	v20 =	vsel vm1, $0xFFFFFFFF, v20  }
0x1c3: {  	v29 =	vld [tilespmem:s10+$0xD0];
	vm2 =	vgt.f32 v41, v63;
	[tilespmem:$0x1FDC0] =	vst v20;
	v20 =	vimm.s32 $0x0  }
0x1c4: {  	v30 =	vld [tilespmem:s10+$0xC0];
	[tilespmem:$0x1FDA0] =	vst v35;
	v20 =	vsel vm2, $0xFFFFFFFF, v20  }
0x1c5: {  	s20 =	sadd.s32 $0x8, s20;
	v21 =	vsel vm1, v34, v21;
	v33 =	vld [tilespmem:s10+$0x180];
	[tilespmem:$0x1FDD0] =	vst v20;
	v20 =	vsel vm2, v41, v63  }
0x1c6: {  	_ = 	snop  }
0x1c7: {  	v34 =	vld [tilespmem:s10+$0x110]  }
0x1c8: {  	v35 =	vld [tilespmem:s10+$0x190];
	vm0 =	vgt.f32 v38, v13  }
0x1c9: {  	v13 =	vsel vm0, v38, v13;
	v11 =	vsel vm0, s11, v11;
	vm0 =	vgt.f32 v39, v14  }
0x1ca: {  	v50 =	vld [tilespmem:s10+$0x120];
	v14 =	vsel vm0, v39, v14;
	v12 =	vsel vm0, s11, v12;
	vm0 =	vgt.f32 v33, v32  }
0x1cb: {  	v51 =	vld [tilespmem:s10+$0x1A0];
	v32 =	vsel vm0, v33, v32;
	v10 =	vsel vm0, s11, v10;
	vm0 =	vgt.f32 v37, v13  }
0x1cc: {  	v13 =	vsel vm0, v37, v13;
	v11 =	vsel vm0, s12, v11;
	vm0 =	vgt.f32 v34, v14  }
0x1cd: {  	v52 =	vld [tilespmem:s10+$0x130];
	v14 =	vsel vm0, v34, v14;
	v12 =	vsel vm0, s12, v12;
	vm0 =	vgt.f32 v35, v32  }
0x1ce: {  	v53 =	vld [tilespmem:s10+$0x1B0];
	v32 =	vsel vm0, v35, v32;
	v10 =	vsel vm0, s12, v10;
	vm0 =	vgt.f32 v36, v13  }
0x1cf: {  	v13 =	vsel vm0, v36, v13;
	v11 =	vsel vm0, s13, v11;
	vm0 =	vgt.f32 v50, v14  }
0x1d0: {  	v54 =	vld [tilespmem:s10+$0x140];
	v14 =	vsel vm0, v50, v14;
	v12 =	vsel vm0, s13, v12;
	vm0 =	vgt.f32 v51, v32  }
0x1d1: {  	v55 =	vld [tilespmem:s10+$0x1C0];
	v32 =	vsel vm0, v51, v32;
	v10 =	vsel vm0, s13, v10;
	vm0 =	vgt.f32 v31, v13  }
0x1d2: {  	v13 =	vsel vm0, v31, v13;
	v11 =	vsel vm0, s14, v11;
	vm0 =	vgt.f32 v52, v14  }
0x1d3: {  	v31 =	vld [tilespmem:s10+$0x150];
	v14 =	vsel vm0, v52, v14;
	v12 =	vsel vm0, s14, v12;
	vm0 =	vgt.f32 v53, v32  }
0x1d4: {  	v56 =	vld [tilespmem:s10+$0x1D0];
	v32 =	vsel vm0, v53, v32;
	v10 =	vsel vm0, s14, v10;
	vm0 =	vgt.f32 v30, v13  }
0x1d5: {  	v13 =	vsel vm0, v30, v13;
	v11 =	vsel vm0, s15, v11;
	vm0 =	vgt.f32 v54, v14  }
0x1d6: {  	v30 =	vld [tilespmem:s10+$0x160];
	v14 =	vsel vm0, v54, v14;
	v12 =	vsel vm0, s15, v12;
	vm0 =	vgt.f32 v55, v32  }
0x1d7: {  	v57 =	vld [tilespmem:s10+$0x1E0];
	v32 =	vsel vm0, v55, v32;
	v10 =	vsel vm0, s15, v10;
	vm0 =	vgt.f32 v29, v13  }
0x1d8: {  	v13 =	vsel vm0, v29, v13;
	v11 =	vsel vm0, s16, v11;
	vm0 =	vgt.f32 v31, v14  }
0x1d9: {  	v14 =	vsel vm0, v31, v14;
	v12 =	vsel vm0, s16, v12;
	vm0 =	vgt.f32 v56, v32  }
0x1da: {  	v31 =	vsel vm0, v56, v32;
	v10 =	vsel vm0, s16, v10;
	vm0 =	vgt.f32 v6, v13  }
0x1db: {  	v6 =	vsel vm0, v6, v13;
	v11 =	vsel vm0, s18, v11;
	vm0 =	vgt.f32 v30, v14  }
0x1dc: {  	v29 =	vld [tilespmem:s10+$0x170];
	v13 =	vsel vm0, v30, v14;
	v12 =	vsel vm0, s18, v12;
	vm0 =	vgt.f32 v57, v31  }
0x1dd: {  	v58 =	vld [tilespmem:s10+$0x1F0];
	v30 =	vsel vm0, v57, v31;
	v31 =	vsel vm0, s18, v10;
	vm0 =	vgt.f32 v9, v6  }
0x1de: {  	v14 =	vsel vm0, v9, v6;
	v6 =	vld [tilespmem:$0x1FD90]  }
0x1df: {  	v59 =	vld [tilespmem:$0x1FDA0]  }
0x1e0: {  	v60 =	vld [tilespmem:$0x1FDB0]  }
0x1e1: {  	v61 =	vld [tilespmem:$0x1FDC0];
	v11 =	vsel vm0, s17, v11;
	vm0 =	vgt.f32 v29, v13  }
0x1e2: {  	v13 =	vsel vm0, v29, v13;
	v10 =	vsel vm0, s17, v12;
	vm0 =	vgt.f32 v58, v30  }
0x1e3: {  	v62 =	vld [tilespmem:$0x1FDD0];
	v12 =	vsel vm0, v58, v30;
	v9 =	vsel vm0, s17, v31;
	vm0 =	vnez.u8 v6  }
0x1e4: {  	v6 =	vsel vm0, s11, v7;
	v7 =	vsel vm3, s11, v8;
	v8 =	vsel vm4, s11, v18  }
0x1e5: {  	v6 =	vsel vm5, s12, v6;
	v7 =	vsel vm6, s12, v7;
	v8 =	vsel vm7, s12, v8  }
0x1e6: {  	vm5 =	vnez.u8 v59;
	vm6 =	vnez.u8 v60;
	vm7 =	vnez.u8 v61  }
0x1e7: {  	v6 =	vsel vm8, s13, v6;
	v7 =	vsel vm9, s13, v7;
	v8 =	vsel vm10, s13, v8  }
0x1e8: {  	vm8 =	vnez.u8 v62;
	vm9 =	vgt.f32 v24, v28;
	vm10 =	vgt.f32 v26, v21  }
0x1e9: {  	v6 =	vsel vm11, s14, v6;
	v7 =	vsel vm12, s14, v7;
	v63 =	vsel vm9, v24, v28  }
0x1ea: {  	v8 =	vsel vm13, s14, v8;
	v21 =	vsel vm10, v26, v21;
	vm12 =	vgt.f32 v15, v63  }
0x1eb: {  	s9 =	sadd.s32 $0x1, s9;
	vm11 =	vgt.f32 v27, v20;
	v6 =	vsel vm14, s15, v6;
	v33 =	vsel vm12, v15, v63;
	v15 =	vld [tilespmem:$0x1FD80]  }
0x1ec: {  	p1 =	sne.s32 s9, $0xC;
	v7 =	vsel vm15, s15, v7;
	v8 =	vsel vm5, s15, v8;
	v20 =	vsel vm11, v27, v20  }
.Ltmp4:
0x1ed: {  	vm13 =	vgt.f32 v16, v21;
	v6 =	vsel vm6, s16, v6;
	v7 =	vsel vm7, s16, v7;
	(pc) =	sbr.rel @p1 .LBB2_2-.Ltmp4, $4  }
0x1ee: {  	v8 =	vsel vm8, s16, v8;
	v27 =	vsel vm13, v16, v21;
	vm14 =	vgt.f32 v17, v20  }
0x1ef: {  	v6 =	vsel vm9, s18, v6;
	v7 =	vsel vm10, s18, v7;
	v8 =	vsel vm11, s18, v8  }
0x1f0: {  	v32 =	vsel vm14, v17, v20;
	v6 =	vsel vm12, s17, v6;
	vm15 =	vnez.u8 v15  }
0x1f1: {  	s8 =	sadd.s32 $0x1F0, s8;
	v7 =	vsel vm13, s17, v7;
	v8 =	vsel vm14, s17, v8;
	v31 =	vsel vm15, s17, v19  }
0x1f2: {  	_ =	swait.ge [sflag:s26], $0x7C00  }
0x1f3: {  	[sflag:s26] =	ssyncset.done $0x0  }
0x1f4: {  	s9 =	simm.s32 $0x200;
	[sflag:s26] =	ssyncadd.s32 $0xFFFF8400  }
0x1f5: {  	v19 =	vld [tilespmem:s9+$0xFFFFFE70]  }
0x1f6: {  	v28 =	vld [tilespmem:s9+$0xFFFFFEF0]  }
0x1f7: {  	v16 =	vld [tilespmem:s9+$0xFFFFFF70]  }
0x1f8: {  	v17 =	vld [tilespmem:s9+$0xFFFFFFF0]  }
0x1f9: {  	v18 =	vld [tilespmem:s9+$0x70]  }
0x1fa: {  	v15 =	vld [tilespmem:s9+$0xF0]  }
0x1fb: {  	v29 =	vld [tilespmem:s9+$0xFFFFFE60]  }
0x1fc: {  	v30 =	vld [tilespmem:s9+$0xFFFFFEE0]  }
0x1fd: {  	v21 =	vld [tilespmem:s9+$0xFFFFFF60]  }
0x1fe: {  	v24 =	vld [tilespmem:s9+$0xFFFFFFE0]  }
0x1ff: {  	v36 =	vld [tilespmem:s9+$0xFFFFFE00]  }
0x200: {  	v37 =	vld [tilespmem:s9+$0xFFFFFE80]  }
0x201: {  	v53 =	vld [tilespmem:s9+$0xFFFFFF00]  }
0x202: {  	v54 =	vld [tilespmem:s9+$0xFFFFFF80]  }
0x203: {  	v55 =	vld [tilespmem:s9+$0x0]  }
0x204: {  	v38 =	vld [tilespmem:s9+$0xFFFFFE10]  }
0x205: {  	v41 =	vld [tilespmem:s9+$0xFFFFFE90]  }
0x206: {  	v45 =	vimm.s32 $0x0;
	v52 =	vld [tilespmem:s9+$0xFFFFFF10]  }
0x207: {  	v60 =	vimm.s32 $0x0;
	v42 =	vld [tilespmem:s9+$0xFFFFFE20];
	vm0 =	vgt.f32 v36, v25;
	vm1 =	vgt.f32 v37, v23  }
0x208: {  	s8 =	simm.s32 $0x1740;
	v43 =	vld [tilespmem:s9+$0xFFFFFEA0];
	vm2 =	vgt.f32 v53, v33;
	vm3 =	vgt.f32 v54, v27;
	vm4 =	vgt.f32 v55, v32  }
0x209: {  	v44 =	vld [tilespmem:s9+$0xFFFFFE30];
	v25 =	vsel vm0, v36, v25;
	v23 =	vsel vm1, v37, v23;
	v22 =	vsel vm1, s8, v22  }
0x20a: {  	v61 =	vld [tilespmem:s9+$0xFFFFFEB0];
	v31 =	vsel vm0, s8, v31;
	v33 =	vsel vm2, v53, v33;
	v27 =	vsel vm3, v54, v27  }
0x20b: {  	s11 =	simm.s32 $0x1741;
	v62 =	vld [tilespmem:s9+$0xFFFFFE40];
	vm0 =	vgt.f32 v38, v25;
	vm1 =	vgt.f32 v41, v23;
	vm5 =	vgt.f32 v52, v33  }
0x20c: {  	v63 =	vld [tilespmem:s9+$0xFFFFFEC0];
	v25 =	vsel vm0, v38, v25;
	v23 =	vsel vm1, v41, v23;
	v22 =	vsel vm1, s11, v22  }
0x20d: {  	s12 =	simm.s32 $0x1742;
	v34 =	vld [tilespmem:s9+$0xFFFFFE50];
	v31 =	vsel vm0, s11, v31;
	vm0 =	vgt.f32 v42, v25;
	vm1 =	vgt.f32 v43, v23  }
0x20e: {  	v35 =	vld [tilespmem:s9+$0xFFFFFED0];
	v25 =	vsel vm0, v42, v25;
	v23 =	vsel vm1, v43, v23;
	v22 =	vsel vm1, s12, v22  }
0x20f: {  	s13 =	simm.s32 $0x1743;
	v26 =	vld [tilespmem:s9+$0x60];
	v31 =	vsel vm0, s12, v31;
	vm0 =	vgt.f32 v44, v25;
	vm1 =	vgt.f32 v61, v23  }
0x210: {  	v20 =	vld [tilespmem:s9+$0xE0];
	v25 =	vsel vm0, v44, v25;
	v23 =	vsel vm1, v61, v23;
	v22 =	vsel vm1, s13, v22  }
0x211: {  	s15 =	simm.s32 $0x1744;
	v39 =	vld [tilespmem:s9+$0xFFFFFF50];
	v31 =	vsel vm0, s13, v31;
	vm0 =	vgt.f32 v62, v25;
	vm1 =	vgt.f32 v63, v23  }
0x212: {  	v49 =	vld [tilespmem:s9+$0xFFFFFF40];
	v25 =	vsel vm0, v62, v25;
	v23 =	vsel vm1, v63, v23;
	v22 =	vsel vm1, s15, v22  }
0x213: {  	s16 =	simm.s32 $0x1745;
	v51 =	vld [tilespmem:s9+$0xFFFFFF20];
	v31 =	vsel vm0, s15, v31;
	vm0 =	vgt.f32 v34, v25;
	vm1 =	vgt.f32 v35, v23  }
0x214: {  	v50 =	vld [tilespmem:s9+$0xFFFFFF30];
	v25 =	vsel vm0, v34, v25;
	v23 =	vsel vm1, v35, v23;
	v22 =	vsel vm1, s16, v22  }
0x215: {  	v56 =	vld [tilespmem:s9+$0xFFFFFF90];
	v31 =	vsel vm0, s16, v31;
	vm0 =	vgt.f32 v29, v25;
	vm1 =	vgt.f32 v30, v23  }
0x216: {  	s14 =	simm.s32 $0x1746;
	v33 =	vsel vm5, v52, v33;
	v25 =	vsel vm0, v29, v25;
	v23 =	vsel vm1, v30, v23;
	v30 =	vld [tilespmem:s9+$0x10]  }
0x217: {  	v29 =	vsel vm1, s14, v22;
	v22 =	vsel vm0, s14, v31;
	v31 =	vld [tilespmem:s9+$0xFFFFFFA0];
	vm0 =	vgt.f32 v28, v23  }
0x218: {  	s10 =	simm.s32 $0x1747;
	vm9 =	vgt.f32 v51, v33;
	vm1 =	vgt.f32 v19, v25;
	v23 =	vsel vm0, v28, v23;
	v28 =	vld [tilespmem:s9+$0x20]  }
0x219: {  	v33 =	vsel vm9, v51, v33;
	v25 =	vsel vm1, v19, v25;
	v19 =	vsel vm0, s10, v29;
	v29 =	vld [tilespmem:s9+$0xFFFFFFB0]  }
0x21a: {  	v57 =	vld [tilespmem:s9+$0x30];
	v32 =	vsel vm4, v55, v32;
	vm6 =	vgt.f32 v56, v27;
	vm13 =	vgt.f32 v50, v33  }
0x21b: {  	v58 =	vld [tilespmem:s9+$0xFFFFFFC0];
	v27 =	vsel vm6, v56, v27;
	v33 =	vsel vm13, v50, v33;
	v61 =	vimm.s32 $0x0  }
0x21c: {  	v40 =	vld [tilespmem:s9+$0xFFFFFFD0];
	v62 =	vimm.s32 $0x0;
	vm7 =	vgt.f32 v30, v32;
	vm11 =	vgt.f32 v31, v27  }
0x21d: {  	v59 =	vld [tilespmem:s9+$0x40];
	v45 =	vsel vm1, $0xFFFFFFFF, v45;
	v32 =	vsel vm7, v30, v32;
	v27 =	vsel vm11, v31, v27  }
0x21e: {  	v48 =	vld [tilespmem:s9+$0x50];
	vm1 =	vgt.f32 v49, v33;
	vm8 =	vgt.f32 v28, v32;
	vm14 =	vgt.f32 v29, v27  }
0x21f: {  	v36 =	vld [tilespmem:s9+$0x90];
	v28 =	vsel vm8, v28, v32;
	v27 =	vsel vm14, v29, v27;
	v29 =	vimm.s32 $0x0  }
0x220: {  	v37 =	vld [tilespmem:s9+$0x80];
	vm12 =	vgt.f32 v57, v28;
	vm0 =	vgt.f32 v58, v27;
	v29 =	vsel vm1, $0xFFFFFFFF, v29  }
0x221: {  	v38 =	vld [tilespmem:s9+$0x100];
	v28 =	vsel vm12, v57, v28;
	[tilespmem:$0x1FB70] =	vst v29;
	v29 =	vsel vm1, v49, v33;
	v33 =	vsel vm0, $0xFFFFFFFF, v60  }
0x222: {  	v35 =	vld [tilespmem:s9+$0xA0];
	[tilespmem:$0x1FB60] =	vst v45;
	v27 =	vsel vm0, v58, v27;
	vm15 =	vgt.f32 v59, v28;
	vm1 =	vgt.f32 v39, v29  }
0x223: {  	v30 =	vld [tilespmem:s9+$0xD0];
	[tilespmem:$0x1FB80] =	vst v33;
	vm10 =	vgt.f32 v40, v27;
	v28 =	vsel vm15, v59, v28;
	v33 =	vsel vm1, $0xFFFFFFFF, v61  }
0x224: {  	v63 =	vimm.s32 $0x0;
	v31 =	vld [tilespmem:s9+$0xC0];
	vm0 =	vgt.f32 v48, v28;
	[tilespmem:$0x1FB90] =	vst v33;
	v33 =	vsel vm10, $0xFFFFFFFF, v62  }
0x225: {  	v32 =	vld [tilespmem:s9+$0xB0];
	[tilespmem:$0x1FBA0] =	vst v33;
	v33 =	vsel vm0, $0xFFFFFFFF, v63  }
0x226: {  	s17 =	simm.s32 $0x1748;
	v29 =	vsel vm1, v39, v29;
	v27 =	vsel vm10, v40, v27;
	v28 =	vsel vm0, v48, v28;
	[tilespmem:$0x1FBB0] =	vst v33;
	v33 =	vld [tilespmem:s9+$0x180]  }
.LBB2_8:
0x227: {  	v34 =	vimm.s32 $0x0  }
0x228: {  	v57 =	vimm.s32 $0x0;
	v34 =	vsel vm2, $0xFFFFFFFF, v34  }
0x229: {  	v58 =	vimm.s32 $0x0;
	[tilespmem:$0x1FA30] =	vst v34;
	v34 =	vsel vm4, $0xFFFFFFFF, v57  }
0x22a: {  	v59 =	vimm.s32 $0x0;
	[tilespmem:$0x1FA50] =	vst v34;
	v34 =	vsel vm3, $0xFFFFFFFF, v58  }
0x22b: {  	v60 =	vimm.s32 $0x0;
	[tilespmem:$0x1FA40] =	vst v34;
	v34 =	vsel vm5, $0xFFFFFFFF, v59  }
0x22c: {  	v61 =	vimm.s32 $0x0;
	[tilespmem:$0x1FA60] =	vst v34;
	v34 =	vsel vm7, $0xFFFFFFFF, v60  }
0x22d: {  	v62 =	vimm.s32 $0x0;
	[tilespmem:$0x1FA80] =	vst v34;
	v34 =	vsel vm6, $0xFFFFFFFF, v61  }
0x22e: {  	v63 =	vimm.s32 $0x0;
	[tilespmem:$0x1FA70] =	vst v34;
	v34 =	vsel vm8, $0xFFFFFFFF, v62  }
0x22f: {  	v39 =	vimm.s32 $0x0;
	[tilespmem:$0x1FAB0] =	vst v34;
	v34 =	vsel vm9, $0xFFFFFFFF, v63  }
0x230: {  	v40 =	vimm.s32 $0x0;
	[tilespmem:$0x1FA90] =	vst v34;
	v34 =	vsel vm11, $0xFFFFFFFF, v39  }
0x231: {  	v41 =	vimm.s32 $0x0;
	v42 =	vimm.s32 $0x0;
	[tilespmem:$0x1FAA0] =	vst v34;
	v34 =	vsel vm13, $0xFFFFFFFF, v40  }
0x232: {  	v43 =	vimm.s32 $0x0;
	v44 =	vimm.s32 $0x0;
	[tilespmem:$0x1FAC0] =	vst v34;
	v34 =	vsel vm12, $0xFFFFFFFF, v41  }
0x233: {  	vm0 =	vgt.f32 v21, v29;
	vm1 =	vgt.f32 v24, v27;
	[tilespmem:$0x1FAE0] =	vst v34;
	v34 =	vsel vm14, $0xFFFFFFFF, v42  }
0x234: {  	v21 =	vsel vm0, v21, v29;
	v24 =	vsel vm1, v24, v27;
	[tilespmem:$0x1FAD0] =	vst v34;
	v34 =	vsel vm15, $0xFFFFFFFF, v43  }
0x235: {  	v27 =	vimm.s32 $0x0;
	[tilespmem:$0x1FAF0] =	vst v34;
	v34 =	vsel vm0, $0xFFFFFFFF, v44;
	vm0 =	vgt.f32 v16, v21  }
0x236: {  	v45 =	vimm.s32 $0x0;
	vm10 =	vgt.f32 v26, v28;
	[tilespmem:$0x1FB00] =	vst v34;
	v27 =	vsel vm0, $0xFFFFFFFF, v27  }
0x237: {  	v34 =	vsel vm1, $0xFFFFFFFF, v45;
	vm1 =	vgt.f32 v17, v24;
	[tilespmem:$0x1FB30] =	vst v27;
	v27 =	vimm.s32 $0x0  }
0x238: {  	v46 =	vimm.s32 $0x0;
	v26 =	vsel vm10, v26, v28;
	[tilespmem:$0x1FB10] =	vst v34;
	v27 =	vsel vm1, $0xFFFFFFFF, v27  }
0x239: {  	v34 =	vsel vm10, $0xFFFFFFFF, v46;
	vm10 =	vgt.f32 v18, v26;
	[tilespmem:$0x1FB40] =	vst v27;
	v27 =	vimm.s32 $0x0  }
0x23a: {  	v27 =	vsel vm10, $0xFFFFFFFF, v27  }
0x23b: {  	[tilespmem:$0x1FB50] =	vst v27;
	v27 =	vsel vm0, v16, v21;
	vm0 =	vgt.f32 v37, v14  }
0x23c: {  	v28 =	vsel vm1, v17, v24;
	v17 =	vimm.s32 $0x0;
	v14 =	vsel vm0, v37, v14  }
0x23d: {  	v39 =	vld [tilespmem:s9+$0x190];
	v17 =	vsel vm0, $0xFFFFFFFF, v17;
	vm0 =	vgt.f32 v36, v14  }
0x23e: {  	v21 =	vimm.s32 $0x0;
	v14 =	vsel vm0, v36, v14  }
0x23f: {  	vm6 =	vgt.f32 v33, v12;
	v16 =	vld [tilespmem:s9+$0x1A0];
	v21 =	vsel vm0, $0xFFFFFFFF, v21;
	vm0 =	vgt.f32 v35, v14  }
0x240: {  	v48 =	vimm.s32 $0x0;
	v12 =	vsel vm6, v33, v12;
	v14 =	vsel vm0, v35, v14  }
0x241: {  	v29 =	vsel vm10, v18, v26;
	v18 =	vimm.s32 $0x0;
	vm14 =	vgt.f32 v32, v14  }
0x242: {  	v18 =	vsel vm6, $0xFFFFFFFF, v18;
	vm6 =	vgt.f32 v39, v12;
	v14 =	vsel vm14, v32, v14  }
0x243: {  	v24 =	vimm.s32 $0x0;
	v12 =	vsel vm6, v39, v12;
	vm10 =	vgt.f32 v31, v14  }
0x244: {  	v24 =	vsel vm6, $0xFFFFFFFF, v24;
	vm6 =	vgt.f32 v16, v12;
	v14 =	vsel vm10, v31, v14  }
0x245: {  	v33 =	vsel vm6, $0xFFFFFFFF, v48;
	v12 =	vsel vm6, v16, v12;
	vm6 =	vgt.f32 v30, v14  }
0x246: {  	v14 =	vsel vm6, v30, v14  }
0x247: {  	[tilespmem:$0x1F9A0] =	vst v17;
	vm3 =	vgt.f32 v20, v14  }
0x248: {  	v14 =	vsel vm3, v20, v14;
	v20 =	vld [tilespmem:$0x1F9A0];
	_ =	sdelay $0x1  }
0x249: {  	v47 =	vld [tilespmem:s9+$0x110];
	vm1 =	vgt.f32 v38, v13;
	v17 =	vimm.s32 $0x0  }
0x24a: {  	v49 =	vld [tilespmem:s9+$0x160];
	v17 =	vsel vm1, $0xFFFFFFFF, v17  }
0x24b: {  	v50 =	vld [tilespmem:s9+$0x170];
	[tilespmem:$0x1F9B0] =	vst v17  }
0x24c: {  	vm15 =	vnez.u8 v20;
	v20 =	vld [tilespmem:$0x1F9B0]  }
0x24d: {  	v51 =	vld [tilespmem:$0x1FA30]  }
0x24e: {  	v53 =	vld [tilespmem:$0x1FA50]  }
0x24f: {  	v52 =	vld [tilespmem:$0x1FA40]  }
0x250: {  	v54 =	vld [tilespmem:$0x1FA60];
	[tilespmem:$0x1F9C0] =	vst v18  }
0x251: {  	v11 =	vsel vm15, s8, v11;
	vm15 =	vnez.u8 v20;
	v20 =	vld [tilespmem:$0x1F9C0]  }
0x252: {  	v56 =	vld [tilespmem:$0x1FA80]  }
0x253: {  	v55 =	vld [tilespmem:$0x1FA70]  }
0x254: {  	v59 =	vld [tilespmem:$0x1FAB0]  }
0x255: {  	v40 =	vld [tilespmem:s9+$0x120];
	[tilespmem:$0x1F9D0] =	vst v21  }
0x256: {  	v10 =	vsel vm15, s8, v10;
	vm15 =	vnez.u8 v20;
	v20 =	vld [tilespmem:$0x1F9D0]  }
0x257: {  	v57 =	vld [tilespmem:$0x1FA90];
	v13 =	vsel vm1, v38, v13  }
0x258: {  	v58 =	vld [tilespmem:$0x1FAA0];
	vm1 =	vgt.f32 v47, v13;
	v21 =	vimm.s32 $0x0  }
0x259: {  	v41 =	vld [tilespmem:$0x1FB70];
	v21 =	vsel vm1, $0xFFFFFFFF, v21  }
0x25a: {  	v60 =	vld [tilespmem:$0x1FAC0];
	[tilespmem:$0x1F9E0] =	vst v21  }
0x25b: {  	v9 =	vsel vm15, s8, v9;
	vm15 =	vnez.u8 v20;
	v20 =	vld [tilespmem:$0x1F9E0]  }
0x25c: {  	v42 =	vld [tilespmem:$0x1FB90]  }
0x25d: {  	v62 =	vld [tilespmem:$0x1FAE0]  }
0x25e: {  	v18 =	vld [tilespmem:s9+$0x1B0]  }
0x25f: {  	[tilespmem:$0x1F9F0] =	vst v24;
	v24 =	vld [tilespmem:s9+$0x1C0]  }
0x260: {  	v26 =	vimm.s32 $0x0;
	v11 =	vsel vm15, s11, v11;
	vm15 =	vnez.u8 v20;
	v20 =	vld [tilespmem:$0x1F9F0]  }
0x261: {  	v17 =	vld [tilespmem:s9+$0x130];
	v13 =	vsel vm1, v47, v13;
	v26 =	vsel vm0, $0xFFFFFFFF, v26  }
0x262: {  	vm1 =	vgt.f32 v40, v13;
	v21 =	vld [tilespmem:s9+$0x140];
	[tilespmem:$0x1FA00] =	vst v26;
	v26 =	vimm.s32 $0x0  }
0x263: {  	v16 =	vld [tilespmem:s9+$0x1D0];
	v26 =	vsel vm1, $0xFFFFFFFF, v26  }
0x264: {  	v13 =	vsel vm1, v40, v13;
	[tilespmem:$0x1FA10] =	vst v26;
	v26 =	vld [tilespmem:s9+$0x150]  }
0x265: {  	vm12 =	vgt.f32 v18, v12;
	v10 =	vsel vm15, s11, v10;
	vm15 =	vnez.u8 v20;
	v20 =	vld [tilespmem:$0x1FA00]  }
0x266: {  	v12 =	vsel vm12, v18, v12;
	v18 =	vld [tilespmem:s9+$0x1E0];
	vm13 =	vgt.f32 v17, v13  }
0x267: {  	v61 =	vld [tilespmem:$0x1FAD0];
	vm9 =	vgt.f32 v24, v12;
	v13 =	vsel vm13, v17, v13  }
0x268: {  	v45 =	vld [tilespmem:$0x1FB60];
	v12 =	vsel vm9, v24, v12;
	vm11 =	vgt.f32 v21, v13  }
0x269: {  	v43 =	vld [tilespmem:$0x1FB00];
	vm8 =	vgt.f32 v16, v12;
	v13 =	vsel vm11, v21, v13  }
0x26a: {  	v21 =	vld [tilespmem:s9+$0x1F0];
	v12 =	vsel vm8, v16, v12;
	v9 =	vsel vm15, s11, v9;
	vm15 =	vnez.u8 v20  }
0x26b: {  	v44 =	vld [tilespmem:$0x1FB30];
	vm7 =	vgt.f32 v26, v13;
	vm5 =	vgt.f32 v18, v12;
	v11 =	vsel vm15, s12, v11  }
0x26c: {  	v48 =	vld [tilespmem:$0x1FB80];
	v13 =	vsel vm7, v26, v13;
	v12 =	vsel vm5, v18, v12;
	v11 =	vsel vm14, s13, v11  }
0x26d: {  	s9 =	sadd.s32 $0x400, s9;
	vm0 =	vgt.f32 v15, v14;
	vm4 =	vgt.f32 v49, v13;
	v20 =	vld [tilespmem:$0x1FA10];
	v11 =	vsel vm10, s15, v11  }
0x26e: {  	v31 =	vld [tilespmem:s9+$0xFFFFFE70];
	v14 =	vsel vm0, v15, v14;
	v13 =	vsel vm4, v49, v13;
	v11 =	vsel vm6, s16, v11  }
0x26f: {  	v32 =	vld [tilespmem:s9+$0xFFFFFEF0];
	vm1 =	vgt.f32 v50, v13;
	vm2 =	vgt.f32 v21, v12;
	v11 =	vsel vm3, s14, v11  }
0x270: {  	v16 =	vld [tilespmem:s9+$0xFFFFFF70];
	v13 =	vsel vm1, v50, v13;
	v11 =	vsel vm0, s10, v11;
	vm0 =	vnez.u8 v51  }
0x271: {  	[tilespmem:$0x1FA20] =	vst v33;
	v17 =	vld [tilespmem:s9+$0xFFFFFFF0];
	v12 =	vsel vm2, v21, v12;
	v6 =	vsel vm0, s8, v6;
	vm0 =	vnez.u8 v52  }
0x272: {  	vm15 =	vnez.u8 v20;
	v20 =	vld [tilespmem:$0x1FA20];
	v7 =	vsel vm0, s8, v7;
	vm0 =	vnez.u8 v53  }
0x273: {  	v30 =	vld [tilespmem:s9+$0xFFFFFE60];
	v10 =	vsel vm15, s12, v10;
	v8 =	vsel vm0, s8, v8;
	vm0 =	vnez.u8 v54  }
0x274: {  	v35 =	vld [tilespmem:s9+$0xFFFFFEE0];
	v10 =	vsel vm13, s13, v10;
	v6 =	vsel vm0, s11, v6;
	vm0 =	vnez.u8 v55  }
0x275: {  	v24 =	vld [tilespmem:s9+$0xFFFFFFE0];
	v10 =	vsel vm11, s15, v10;
	v7 =	vsel vm0, s11, v7;
	vm0 =	vnez.u8 v56  }
0x276: {  	v39 =	vld [tilespmem:s9+$0xFFFFFE80];
	v10 =	vsel vm7, s16, v10;
	v8 =	vsel vm0, s11, v8;
	vm0 =	vnez.u8 v57  }
0x277: {  	v36 =	vld [tilespmem:s9+$0xFFFFFE50];
	vm15 =	vnez.u8 v20;
	v6 =	vsel vm0, s12, v6;
	vm0 =	vnez.u8 v58  }
0x278: {  	v37 =	vld [tilespmem:s9+$0xFFFFFED0];
	v10 =	vsel vm4, s14, v10;
	v7 =	vsel vm0, s12, v7;
	vm0 =	vnez.u8 v59  }
0x279: {  	v49 =	vld [tilespmem:$0x1FAF0];
	v9 =	vsel vm15, s12, v9;
	v8 =	vsel vm0, s12, v8;
	vm0 =	vnez.u8 v60  }
0x27a: {  	v50 =	vld [tilespmem:s9+$0xFFFFFE90];
	v10 =	vsel vm1, s10, v10;
	v6 =	vsel vm0, s13, v6;
	vm0 =	vnez.u8 v61  }
0x27b: {  	v51 =	vld [tilespmem:$0x1FBA0];
	vm1 =	vgt.f32 v39, v23;
	v7 =	vsel vm0, s13, v7;
	vm0 =	vnez.u8 v62  }
0x27c: {  	v52 =	vld [tilespmem:$0x1FBB0];
	v9 =	vsel vm12, s13, v9;
	v8 =	vsel vm0, s13, v8;
	vm0 =	vnez.u8 v41  }
0x27d: {  	v33 =	vld [tilespmem:s9+$0xFFFFFF50];
	v23 =	vsel vm1, v39, v23;
	v6 =	vsel vm0, s15, v6;
	vm0 =	vnez.u8 v48  }
0x27e: {  	[tilespmem:$0x1FB20] =	vst v34;
	v54 =	vld [tilespmem:$0x1FB10];
	v19 =	vsel vm1, s17, v19;
	v7 =	vsel vm0, s15, v7;
	vm0 =	vnez.u8 v49  }
0x27f: {  	v55 =	vld [tilespmem:$0x1FB20];
	v9 =	vsel vm9, s15, v9;
	v8 =	vsel vm0, s15, v8;
	vm0 =	vnez.u8 v42  }
0x280: {  	v56 =	vld [tilespmem:s9+$0xFFFFFEA0];
	vm1 =	vgt.f32 v50, v23;
	v6 =	vsel vm0, s16, v6;
	vm0 =	vnez.u8 v51  }
0x281: {  	v57 =	vld [tilespmem:$0x1FB40];
	v9 =	vsel vm8, s16, v9;
	v7 =	vsel vm0, s16, v7;
	vm0 =	vnez.u8 v52  }
0x282: {  	s11 =	sadd.s32 $0x1, s17;
	v58 =	vld [tilespmem:$0x1FB50];
	v23 =	vsel vm1, v50, v23;
	v8 =	vsel vm0, s16, v8;
	vm0 =	vnez.u8 v43  }
0x283: {  	v38 =	vld [tilespmem:s9+$0xFFFFFE00];
	v19 =	vsel vm1, s11, v19;
	v6 =	vsel vm0, s14, v6;
	vm0 =	vnez.u8 v54  }
0x284: {  	v63 =	vld [tilespmem:s9+$0xFFFFFE10];
	v9 =	vsel vm5, s14, v9;
	v7 =	vsel vm0, s14, v7;
	vm0 =	vnez.u8 v55  }
0x285: {  	v60 =	vld [tilespmem:s9+$0xFFFFFEB0];
	v9 =	vsel vm2, s10, v9;
	v8 =	vsel vm0, s14, v8;
	vm0 =	vnez.u8 v44  }
0x286: {  	v53 =	vld [tilespmem:s9+$0xFFFFFE20];
	vm2 =	vnez.u8 v45;
	v6 =	vsel vm0, s10, v6;
	vm0 =	vnez.u8 v57  }
0x287: {  	vm1 =	vgt.f32 v56, v23;
	v62 =	vld [tilespmem:s9+$0xFFFFFEC0];
	v7 =	vsel vm0, s10, v7;
	vm0 =	vnez.u8 v58  }
0x288: {  	v34 =	vld [tilespmem:s9+$0xFFFFFFD0];
	s12 =	sadd.s32 $0x2, s17;
	v22 =	vsel vm2, s10, v22;
	v8 =	vsel vm0, s10, v8;
	vm0 =	vgt.f32 v38, v25  }
0x289: {  	v59 =	vld [tilespmem:s9+$0xFFFFFE30];
	v23 =	vsel vm1, v56, v23;
	v19 =	vsel vm1, s12, v19;
	v25 =	vsel vm0, v38, v25  }
0x28a: {  	v18 =	vld [tilespmem:s9+$0x70];
	s13 =	sadd.s32 $0x3, s17;
	vm1 =	vgt.f32 v60, v23;
	v22 =	vsel vm0, s17, v22;
	vm0 =	vgt.f32 v63, v25  }
0x28b: {  	v61 =	vld [tilespmem:s9+$0xFFFFFE40];
	v23 =	vsel vm1, v60, v23;
	v19 =	vsel vm1, s13, v19;
	v25 =	vsel vm0, v63, v25  }
0x28c: {  	v50 =	vld [tilespmem:s9+$0xFFFFFF10];
	s15 =	sadd.s32 $0x4, s17;
	vm1 =	vgt.f32 v62, v23;
	v22 =	vsel vm0, s11, v22;
	vm0 =	vgt.f32 v53, v25  }
0x28d: {  	v51 =	vld [tilespmem:s9+$0xFFFFFF00];
	v23 =	vsel vm1, v62, v23;
	v19 =	vsel vm1, s15, v19;
	v25 =	vsel vm0, v53, v25  }
0x28e: {  	v52 =	vld [tilespmem:s9+$0xFFFFFF80];
	s16 =	sadd.s32 $0x5, s17;
	vm1 =	vgt.f32 v37, v23;
	v22 =	vsel vm0, s12, v22;
	vm0 =	vgt.f32 v59, v25  }
0x28f: {  	v48 =	vld [tilespmem:s9+$0xFFFFFF30];
	v23 =	vsel vm1, v37, v23;
	v19 =	vsel vm1, s16, v19;
	v25 =	vsel vm0, v59, v25  }
0x290: {  	v49 =	vld [tilespmem:s9+$0xFFFFFF20];
	vm1 =	vgt.f32 v35, v23;
	v22 =	vsel vm0, s13, v22;
	vm0 =	vgt.f32 v61, v25  }
0x291: {  	v56 =	vimm.s32 $0x0;
	v54 =	vld [tilespmem:s9+$0xFFFFFF90];
	v23 =	vsel vm1, v35, v23;
	v25 =	vsel vm0, v61, v25  }
0x292: {  	v55 =	vld [tilespmem:s9+$0xFFFFFFA0];
	s14 =	sadd.s32 $0x6, s17;
	vm2 =	vgt.f32 v51, v27;
	v22 =	vsel vm0, s15, v22;
	vm0 =	vgt.f32 v36, v25  }
0x293: {  	v19 =	vsel vm1, s14, v19;
	vm3 =	vgt.f32 v52, v28;
	v53 =	vld [tilespmem:s9+$0x0];
	v25 =	vsel vm0, v36, v25  }
0x294: {  	v57 =	vld [tilespmem:s9+$0xFFFFFFB0];
	v27 =	vsel vm2, v51, v27;
	v22 =	vsel vm0, s16, v22;
	vm0 =	vgt.f32 v30, v25  }
0x295: {  	v28 =	vsel vm3, v52, v28;
	vm5 =	vgt.f32 v50, v27;
	v25 =	vsel vm0, v30, v25;
	v30 =	vld [tilespmem:s9+$0x10]  }
0x296: {  	v26 =	vld [tilespmem:s9+$0x60];
	vm6 =	vgt.f32 v54, v28;
	v27 =	vsel vm5, v50, v27;
	vm1 =	vgt.f32 v31, v25  }
0x297: {  	v28 =	vsel vm6, v54, v28;
	vm9 =	vgt.f32 v49, v27;
	v25 =	vsel vm1, v31, v25;
	v31 =	vld [tilespmem:s9+$0x20]  }
0x298: {  	v58 =	vld [tilespmem:s9+$0x30];
	vm11 =	vgt.f32 v55, v28;
	v27 =	vsel vm9, v49, v27;
	vm4 =	vgt.f32 v53, v29  }
0x299: {  	v28 =	vsel vm11, v55, v28;
	vm13 =	vgt.f32 v48, v27;
	v59 =	vld [tilespmem:s9+$0xFFFFFFC0];
	v29 =	vsel vm4, v53, v29  }
0x29a: {  	v63 =	vld [tilespmem:s9+$0xFFFFFF40];
	vm14 =	vgt.f32 v57, v28;
	v27 =	vsel vm13, v48, v27;
	vm7 =	vgt.f32 v30, v29  }
0x29b: {  	v60 =	vld [tilespmem:s9+$0x40];
	v28 =	vsel vm14, v57, v28;
	v61 =	vimm.s32 $0x0;
	v29 =	vsel vm7, v30, v29  }
0x29c: {  	v15 =	vld [tilespmem:s9+$0xF0];
	s10 =	sadd.s32 $0x7, s17;
	v22 =	vsel vm0, s14, v22;
	vm0 =	vgt.f32 v32, v23;
	vm8 =	vgt.f32 v31, v29  }
0x29d: {  	v21 =	vld [tilespmem:s9+$0xFFFFFF60];
	v23 =	vsel vm0, v32, v23;
	v19 =	vsel vm0, s10, v19;
	v29 =	vsel vm8, v31, v29  }
0x29e: {  	v20 =	vld [tilespmem:s9+$0xE0];
	vm0 =	vgt.f32 v59, v28;
	v45 =	vsel vm1, $0xFFFFFFFF, v56;
	vm12 =	vgt.f32 v58, v29  }
0x29f: {  	v41 =	vld [tilespmem:s9+$0x50];
	vm1 =	vgt.f32 v63, v27;
	v28 =	vsel vm0, v59, v28;
	v29 =	vsel vm12, v58, v29  }
0x2a0: {  	v37 =	vld [tilespmem:s9+$0x80];
	v38 =	vsel vm1, $0xFFFFFFFF, v61;
	v27 =	vsel vm1, v63, v27;
	vm15 =	vgt.f32 v60, v29  }
0x2a1: {  	v35 =	vld [tilespmem:s9+$0xA0];
	vm1 =	vgt.f32 v33, v27;
	v63 =	vsel vm15, v60, v29;
	v29 =	vimm.s32 $0x0  }
0x2a2: {  	p1 =	sne.s32 s17, $0x1830;
	v62 =	vimm.s32 $0x0;
	v36 =	vld [tilespmem:s9+$0x90];
	vm10 =	vgt.f32 v34, v28;
	[tilespmem:$0x1FB70] =	vst v38;
	v29 =	vsel vm1, $0xFFFFFFFF, v29  }
.Ltmp5:
0x2a3: {  	v32 =	vld [tilespmem:s9+$0xB0];
	v38 =	vsel vm0, $0xFFFFFFFF, v62;
	[tilespmem:$0x1FB90] =	vst v29;
	v29 =	vsel vm1, v33, v27;
	v27 =	vimm.s32 $0x0;
	(pc) =	sbr.rel @p1 .LBB2_8-.Ltmp5, $4  }
0x2a4: {  	[tilespmem:$0x1FB80] =	vst v38;
	v38 =	vld [tilespmem:s9+$0x100];
	v27 =	vsel vm10, $0xFFFFFFFF, v27  }
0x2a5: {  	v30 =	vld [tilespmem:s9+$0xD0];
	vm0 =	vgt.f32 v41, v63;
	[tilespmem:$0x1FBA0] =	vst v27;
	v27 =	vsel vm10, v34, v28;
	v28 =	vimm.s32 $0x0  }
0x2a6: {  	[tilespmem:$0x1FB60] =	vst v45;
	v31 =	vld [tilespmem:s9+$0xC0];
	v28 =	vsel vm0, $0xFFFFFFFF, v28  }
0x2a7: {  	s8 =	smov.u32 s17;
	s17 =	sadd.s32 $0x8, s17;
	v33 =	vld [tilespmem:s9+$0x180];
	[tilespmem:$0x1FBB0] =	vst v28;
	v28 =	vsel vm0, v41, v63  }
0x2a8: {  	vm0 =	vgt.f32 v37, v14;
	v6 =	vsel vm2, s8, v6;
	v7 =	vsel vm3, s8, v7  }
0x2a9: {  	v8 =	vsel vm4, s8, v8;
	v19 =	vshll.u32 v19, $0x4;
	v14 =	vsel vm0, v37, v14  }
0x2aa: {  	vm1 =	vgt.f32 v38, v13;
	v11 =	vsel vm0, s8, v11;
	v6 =	vsel vm5, s11, v6  }
0x2ab: {  	v34 =	vld [tilespmem:s9+$0x110];
	v7 =	vsel vm6, s11, v7;
	v8 =	vsel vm7, s11, v8;
	v13 =	vsel vm1, v38, v13  }
0x2ac: {  	v60 =	vld [tilespmem:$0xF820];
	v10 =	vsel vm1, s8, v10;
	vm10 =	vgt.f32 v36, v14;
	v6 =	vsel vm9, s12, v6  }
0x2ad: {  	v63 =	vld [tilespmem:$0x1FB70];
	v7 =	vsel vm11, s12, v7;
	v8 =	vsel vm8, s12, v8;
	vm1 =	vgt.f32 v21, v29  }
0x2ae: {  	v39 =	vld [tilespmem:s9+$0x190];
	v14 =	vsel vm10, v36, v14;
	v11 =	vsel vm10, s11, v11;
	v6 =	vsel vm13, s13, v6  }
0x2af: {  	v61 =	vld [tilespmem:$0xF830];
	v7 =	vsel vm14, s13, v7;
	v8 =	vsel vm12, s13, v8;
	vm12 =	vgt.f32 v26, v28  }
0x2b0: {  	v42 =	vld [tilespmem:$0x1FBB0];
	v21 =	vsel vm1, v21, v29;
	vm0 =	vgt.f32 v33, v12;
	v8 =	vsel vm15, s15, v8  }
0x2b1: {  	vm15 =	vgt.f32 v24, v27;
	v12 =	vsel vm0, v33, v12;
	v9 =	vsel vm0, s8, v9  }
0x2b2: {  	v46 =	vld [tilespmem:s9+$0x120];
	vm0 =	vgt.f32 v34, v13;
	v62 =	vadd.f32 v60, v0;
	vm13 =	vnez.u8 v63  }
0x2b3: {  	v47 =	vld [tilespmem:s9+$0x1A0];
	v38 =	vsel vm15, v24, v27;
	v13 =	vsel vm0, v34, v13;
	vm10 =	vgt.f32 v39, v12  }
0x2b4: {  	v40 =	vld [tilespmem:$0xF890];
	v10 =	vsel vm0, s11, v10;
	vm0 =	vgt.f32 v35, v14;
	v6 =	vsel vm13, s15, v6  }
0x2b5: {  	v36 =	vld [tilespmem:$0x1FBA0];
	v34 =	vadd.f32 v61, v0;
	vm13 =	vnez.u8 v42;
	vm2 =	vgt.f32 v17, v38  }
0x2b6: {  	v48 =	vld [tilespmem:s9+$0x130];
	v12 =	vsel vm10, v39, v12;
	v9 =	vsel vm10, s11, v9;
	v14 =	vsel vm0, v35, v14  }
0x2b7: {  	vm10 =	vgt.f32 v46, v13;
	v11 =	vsel vm0, s12, v11;
	v39 =	vsel vm12, v26, v28  }
0x2b8: {  	v49 =	vld [tilespmem:s9+$0x1B0];
	v8 =	vsel vm13, s16, v8;
	v17 =	vsel vm2, v17, v38;
	v13 =	vsel vm10, v46, v13  }
0x2b9: {  	v33 =	vld [tilespmem:$0x1FB80];
	vm0 =	vgt.f32 v47, v12;
	v10 =	vsel vm10, s12, v10;
	vm10 =	vgt.f32 v32, v14  }
0x2ba: {  	v50 =	vld [tilespmem:s9+$0x140];
	vm11 =	vnez.u8 v36;
	v46 =	vadd.f32 v40, v0;
	v8 =	vsel vm12, s14, v8  }
0x2bb: {  	v51 =	vld [tilespmem:s9+$0x1C0];
	v12 =	vsel vm0, v47, v12;
	v9 =	vsel vm0, s12, v9;
	vm0 =	vgt.f32 v48, v13  }
0x2bc: {  	v52 =	vld [tilespmem:s9+$0x150];
	v14 =	vsel vm10, v32, v14;
	v11 =	vsel vm10, s13, v11;
	v13 =	vsel vm0, v48, v13  }
0x2bd: {  	v45 =	vld [tilespmem:$0x1FB60];
	vm10 =	vgt.f32 v49, v12;
	v10 =	vsel vm0, s13, v10;
	vm0 =	vgt.f32 v31, v14  }
0x2be: {  	v53 =	vld [tilespmem:s9+$0x1D0];
	vm14 =	vnez.u8 v33;
	v12 =	vsel vm10, v49, v12;
	v9 =	vsel vm10, s13, v9  }
0x2bf: {  	v43 =	vld [tilespmem:$0xF8A0];
	v14 =	vsel vm0, v31, v14;
	vm10 =	vgt.f32 v50, v13;
	v11 =	vsel vm0, s15, v11  }
0x2c0: {  	v36 =	vld [tilespmem:$0xFA00];
	v7 =	vsel vm14, s15, v7;
	vm14 =	vgt.f32 v16, v21;
	v13 =	vsel vm10, v50, v13  }
0x2c1: {  	v54 =	vld [tilespmem:s9+$0x160];
	vm0 =	vgt.f32 v51, v12;
	v10 =	vsel vm10, s15, v10;
	vm10 =	vgt.f32 v30, v14  }
0x2c2: {  	v55 =	vld [tilespmem:s9+$0x1E0];
	v7 =	vsel vm11, s16, v7;
	v16 =	vsel vm14, v16, v21;
	vm11 =	vnez.u8 v45  }
0x2c3: {  	v56 =	vld [tilespmem:s9+$0x170];
	v12 =	vsel vm0, v51, v12;
	v9 =	vsel vm0, s15, v9;
	v14 =	vsel vm10, v30, v14  }
0x2c4: {  	v58 =	vld [tilespmem:$0xF800];
	vm0 =	vgt.f32 v52, v13;
	v11 =	vsel vm10, s16, v11;
	v7 =	vsel vm15, s14, v7  }
0x2c5: {  	v48 =	vld [tilespmem:$0xF900];
	vm15 =	vgt.f32 v18, v39;
	v51 =	vadd.f32 v43, v0;
	v40 =	vadd.f32 v36, v0  }
0x2c6: {  	v57 =	vld [tilespmem:s9+$0x1F0];
	v13 =	vsel vm0, v52, v13;
	vm10 =	vgt.f32 v53, v12;
	v10 =	vsel vm0, s16, v10  }
0x2c7: {  	v59 =	vld [tilespmem:$0xF810];
	vm0 =	vgt.f32 v20, v14;
	v18 =	vsel vm15, v18, v39;
	v28 =	vsel vm2, s10, v7  }
0x2c8: {  	v37 =	vld [tilespmem:$0xF880];
	v12 =	vsel vm10, v53, v12;
	v9 =	vsel vm10, s16, v9;
	v14 =	vsel vm0, v20, v14  }
0x2c9: {  	v61 =	vld [tilespmem:$0xF980];
	vm10 =	vgt.f32 v54, v13;
	v11 =	vsel vm0, s14, v11;
	v20 =	vadd.f32 v58, v0  }
0x2ca: {  	v50 =	vld [tilespmem:$0xF8B0];
	v24 =	vadd.f32 v48, v0;
	v28 =	vshll.u32 v28, $0x4;
	v13 =	vsel vm10, v54, v13  }
0x2cb: {  	v35 =	vld [tilespmem:$0x1FB90];
	vm0 =	vgt.f32 v55, v12;
	v10 =	vsel vm10, s14, v10;
	vm10 =	vgt.f32 v15, v14  }
0x2cc: {  	v52 =	vld [tilespmem:$0xF910];
	v12 =	vsel vm0, v55, v12;
	v9 =	vsel vm0, s14, v9;
	v14 =	vsel vm10, v15, v14  }
0x2cd: {  	v7 =	vld [tilespmem:$0xF9A0];
	vm0 =	vgt.f32 v56, v13;
	v11 =	vsel vm10, s10, v11;
	v15 =	vadd.f32 v59, v0  }
0x2ce: {  	v13 =	vsel vm0, v56, v13;
	vm10 =	vgt.f32 v57, v12;
	v10 =	vsel vm0, s10, v10  }
0x2cf: {  	vm0 =	vgt.f32 v20, v25;
	v56 =	vadd.f32 v50, v0;
	v11 =	vshll.u32 v11, $0x4  }
0x2d0: {  	v12 =	vsel vm10, v57, v12;
	v9 =	vsel vm10, s10, v9;
	v20 =	vsel vm0, v20, v25  }
0x2d1: {  	vm10 =	vnez.u8 v35;
	v25 =	vadd.f32 v37, v0;
	v58 =	vadd.f32 v52, v0  }
0x2d2: {  	v35 =	vadd.f32 v61, v0;
	v7 =	vadd.f32 v7, v0;
	v10 =	vshll.u32 v10, $0x4  }
0x2d3: {  	v55 =	vld [tilespmem:$0xF920];
	vm4 =	vgt.f32 v15, v20;
	v6 =	vsel vm10, s16, v6;
	v9 =	vshll.u32 v9, $0x4  }
0x2d4: {  	v15 =	vsel vm4, v15, v20;
	v6 =	vsel vm1, s14, v6;
	v20 =	vsel vm11, s10, v22  }
0x2d5: {  	vm1 =	vgt.f32 v25, v23;
	vm5 =	vgt.f32 v35, v17;
	vm6 =	vgt.f32 v62, v15  }
0x2d6: {  	v23 =	vsel vm1, v25, v23;
	v20 =	vshll.u32 v20, $0x4;
	v15 =	vsel vm6, v62, v15  }
0x2d7: {  	v54 =	vsel vm14, s10, v6;
	vm3 =	vgt.f32 v46, v23;
	vm7 =	vgt.f32 v34, v15  }
0x2d8: {  	v60 =	vadd.f32 v55, v0;
	v21 =	vsel vm3, v46, v23;
	v15 =	vsel vm7, v34, v15  }
0x2d9: {  	v57 =	vld [tilespmem:$0xF930];
	v19 =	vsel vm1, $0x18380, v19;
	vm9 =	vgt.f32 v51, v21;
	v41 =	vperm.xlane v15, v2  }
0x2da: {  	vm1 =	vgt.f32 v40, v18;
	v20 =	vsel vm0, $0x18380, v20;
	v21 =	vsel vm9, v51, v21  }
0x2db: {  	vm0 =	vgt.f32 v24, v16;
	vm10 =	vgt.f32 v56, v21;
	v27 =	vmax.f32 v15, v41  }
0x2dc: {  	v18 =	vsel vm1, v40, v18;
	v21 =	vsel vm10, v56, v21;
	v44 =	vperm.xlane v27, v3  }
0x2dd: {  	v32 =	vld [tilespmem:$0xF990];
	v50 =	vshll.u32 v54, $0x4;
	v20 =	vsel vm4, $0x18390, v20;
	v34 =	vperm.xlane v21, v2  }
0x2de: {  	v16 =	vsel vm0, v24, v16;
	v63 =	vadd.f32 v57, v0;
	v57 =	vld [tilespmem:$0xFA90];
	v47 =	vmax.f32 v27, v44  }
0x2df: {  	v19 =	vsel vm3, $0x18390, v19;
	v41 =	vld [tilespmem:$0xF9B0];
	v26 =	vmax.f32 v21, v34;
	v49 =	vperm.xlane v47, v4  }
0x2e0: {  	v48 =	vld [tilespmem:$0xFA30];
	v20 =	vsel vm6, $0x183A0, v20;
	vm4 =	vgt.f32 v58, v16;
	v37 =	vperm.xlane v26, v3  }
0x2e1: {  	v20 =	vsel vm7, $0x183B0, v20;
	v19 =	vsel vm9, $0x183A0, v19;
	v22 =	vmax.f32 v47, v49  }
0x2e2: {  	v19 =	vsel vm10, $0x183B0, v19;
	v23 =	vmax.f32 v26, v37;
	v49 =	vld [tilespmem:$0xFA80];
	v53 =	vperm.xlane v22, v5  }
0x2e3: {  	v20 =	vadd.s32 v1, v20;
	v19 =	vadd.s32 v1, v19;
	v39 =	vperm.xlane v23, v4  }
0x2e4: {  	v38 =	vld [tilespmem:$0xFA10];
	v47 =	vadd.f32 v41, v0;
	v26 =	vadd.f32 v57, v0;
	v6 =	vmax.f32 v22, v53  }
0x2e5: {  	v22 =	vadd.f32 v32, v0;
	v23 =	vmax.f32 v23, v39;
	v53 =	vadd.f32 v48, v0  }
0x2e6: {  	vm12 =	veq.f32 v15, v6;
	v15 =	vsel vm4, v58, v16;
	v43 =	vperm.xlane v23, v5  }
0x2e7: {  	v20 =	vnsel vm12, $0x7FFFFFFF, v20;
	vm14 =	vgt.f32 v60, v15;
	v56 =	vadd.f32 v49, v0  }
0x2e8: {  	v32 =	vld [tilespmem:$0xFB00];
	v59 =	vperm.xlane v20, v2;
	v33 =	vsel vm14, v60, v15;
	v15 =	vsel vm15, s10, v8  }
0x2e9: {  	v8 =	vsel vm5, v35, v17;
	v17 =	vadd.f32 v38, v0;
	v35 =	vsel vm5, $0x18380, v28  }
0x2ea: {  	vm15 =	vgt.f32 v63, v33;
	vm2 =	vgt.f32 v22, v8;
	v15 =	vshll.u32 v15, $0x4  }
0x2eb: {  	vm13 =	vlt.s32 v20, v59;
	v8 =	vsel vm2, v22, v8;
	vm3 =	vgt.f32 v17, v18  }
0x2ec: {  	v22 =	vsel vm0, $0x18380, v50;
	vm0 =	vgt.f32 v56, v14;
	v38 =	vsel vm2, $0x18390, v35  }
0x2ed: {  	v39 =	vadd.f32 v32, v0;
	v15 =	vsel vm1, $0x18380, v15;
	v62 =	vsel vm13, v20, v59  }
0x2ee: {  	v49 =	vld [tilespmem:$0xFB20];
	v20 =	vsel vm15, v63, v33;
	vm7 =	vgt.f32 v7, v8;
	v17 =	vsel vm3, v17, v18  }
0x2ef: {  	v22 =	vsel vm4, $0x18390, v22;
	v14 =	vsel vm0, v56, v14;
	v15 =	vsel vm3, $0x18390, v15  }
0x2f0: {  	v11 =	vsel vm0, $0x18380, v11;
	v24 =	vperm.xlane v62, v3;
	v44 =	vperm.xlane v20, v2  }
0x2f1: {  	v36 =	vld [tilespmem:$0xFAB0];
	v8 =	vsel vm7, v7, v8;
	v7 =	vmax.f32 v23, v43;
	v22 =	vsel vm14, $0x183A0, v22  }
0x2f2: {  	v61 =	vld [tilespmem:$0xFAA0];
	vm5 =	vgt.f32 v26, v14;
	v41 =	vsel vm7, $0x183A0, v38;
	vm2 =	vgt.f32 v39, v13  }
0x2f3: {  	v40 =	vld [tilespmem:$0xFB10];
	v56 =	vadd.f32 v49, v0;
	vm13 =	veq.f32 v21, v7;
	vm9 =	vgt.f32 v47, v8  }
0x2f4: {  	v42 =	vld [tilespmem:$0xFA20];
	v22 =	vsel vm15, $0x183B0, v22;
	v14 =	vsel vm5, v26, v14;
	v25 =	vsel vm2, v39, v13  }
0x2f5: {  	v11 =	vsel vm5, $0x18390, v11;
	v10 =	vsel vm2, $0x18380, v10;
	vm12 =	vlt.s32 v62, v24  }
0x2f6: {  	v45 =	vmax.f32 v20, v44;
	v19 =	vnsel vm13, $0x7FFFFFFF, v19;
	v23 =	vsel vm9, v47, v8  }
0x2f7: {  	v59 =	vadd.s32 v1, v22;
	v22 =	vadd.f32 v61, v0;
	v44 =	vadd.f32 v36, v0  }
0x2f8: {  	v47 =	vadd.f32 v40, v0;
	v16 =	vsel vm12, v62, v24;
	v46 =	vperm.xlane v45, v3  }
0x2f9: {  	v24 =	vadd.f32 v42, v0;
	v54 =	vperm.xlane v19, v2;
	v63 =	vperm.xlane v23, v2  }
0x2fa: {  	v61 =	vld [tilespmem:$0xFB90];
	v58 =	vperm.xlane v16, v4;
	vm6 =	vgt.f32 v22, v14;
	vm7 =	vgt.f32 v47, v25  }
0x2fb: {  	v36 =	vld [tilespmem:$0xFBB0];
	v21 =	vmax.f32 v45, v46;
	vm4 =	vgt.f32 v24, v17;
	vm14 =	vlt.s32 v19, v54  }
0x2fc: {  	v33 =	vmax.f32 v23, v63;
	v22 =	vsel vm6, v22, v14;
	v11 =	vsel vm6, $0x183A0, v11  }
0x2fd: {  	v10 =	vsel vm7, $0x18390, v10;
	v51 =	vperm.xlane v21, v4;
	v17 =	vsel vm4, v24, v17  }
0x2fe: {  	v19 =	vsel vm14, v19, v54;
	vm10 =	vlt.s32 v16, v58;
	v34 =	vperm.xlane v33, v3  }
0x2ff: {  	v15 =	vsel vm4, $0x183A0, v15;
	v60 =	vperm.xlane v19, v3;
	v16 =	vsel vm10, v16, v58  }
0x300: {  	v54 =	vld [tilespmem:$0xFB80];
	vm13 =	vgt.f32 v53, v17;
	v26 =	vadd.f32 v61, v0;
	v40 =	vadd.f32 v36, v0  }
0x301: {  	v52 =	vmax.f32 v21, v51;
	v17 =	vsel vm13, v53, v17;
	v15 =	vsel vm13, $0x183B0, v15  }
0x302: {  	v55 =	vperm.xlane v52, v5;
	vm11 =	vlt.s32 v19, v60;
	v51 =	vperm.xlane v17, v2  }
0x303: {  	v45 =	vperm.xlane v16, v5;
	v15 =	vadd.s32 v1, v15;
	v19 =	vsel vm11, v19, v60  }
0x304: {  	v8 =	vmax.f32 v52, v55;
	v48 =	vperm.xlane v19, v4;
	v53 =	vmax.f32 v17, v51  }
0x305: {  	v58 =	vadd.f32 v54, v0;
	vm15 =	veq.f32 v20, v8;
	v20 =	vmax.f32 v33, v34  }
0x306: {  	v55 =	vperm.xlane v53, v3;
	v21 =	vnsel vm15, $0x7FFFFFFF, v59;
	v37 =	vperm.xlane v20, v4  }
0x307: {  	v34 =	vld [tilespmem:$0xFBA0];
	vm10 =	vlt.s32 v19, v48;
	vm3 =	vgt.f32 v58, v12;
	v62 =	vperm.xlane v21, v2  }
0x308: {  	v19 =	vsel vm10, v19, v48;
	v12 =	vsel vm3, v58, v12;
	v9 =	vsel vm3, $0x18380, v9  }
0x309: {  	v18 =	vmax.f32 v20, v37;
	v20 =	vsel vm9, $0x183B0, v41;
	vm9 =	vlt.s32 v16, v45  }
0x30a: {  	vm12 =	vlt.s32 v21, v62;
	v43 =	vperm.xlane v18, v5;
	v20 =	vadd.s32 v1, v20  }
0x30b: {  	v14 =	vsel vm9, v16, v45;
	vm9 =	vgt.f32 v44, v22;
	v21 =	vsel vm12, v21, v62  }
0x30c: {  	v22 =	vsel vm9, v44, v22;
	v62 =	vperm.xlane v19, v5;
	v38 =	vadd.f32 v34, v0  }
0x30d: {  	v32 =	vld [tilespmem:$0xFB30];
	v11 =	vsel vm9, $0x183B0, v11;
	v42 =	vperm.xlane v21, v3;
	v13 =	vmax.f32 v18, v43  }
0x30e: {  	v37 =	vperm.xlane v22, v2;
	v11 =	vadd.s32 v1, v11;
	vm15 =	veq.f32 v23, v13  }
0x30f: {  	v23 =	vmax.f32 v53, v55;
	vm14 =	vlt.s32 v21, v42;
	v20 =	vnsel vm15, $0x7FFFFFFF, v20  }
0x310: {  	v57 =	vperm.xlane v23, v4;
	vm15 =	vlt.s32 v19, v62;
	v46 =	vsel vm14, v21, v42  }
0x311: {  	v52 =	vperm.xlane v20, v2;
	v21 =	vsel vm7, v47, v25;
	v19 =	vsel vm15, v19, v62  }
0x312: {  	v25 =	vadd.f32 v32, v0;
	v50 =	vperm.xlane v46, v4;
	v23 =	vmax.f32 v23, v57  }
0x313: {  	vm1 =	vgt.f32 v56, v21;
	vm12 =	vlt.s32 v20, v52;
	v60 =	vperm.xlane v23, v5  }
0x314: {  	v10 =	vsel vm1, $0x183A0, v10;
	vm11 =	vlt.s32 v46, v50;
	v16 =	vsel vm12, v20, v52  }
0x315: {  	v20 =	vsel vm1, v56, v21;
	vm12 =	vgt.f32 v26, v12;
	v18 =	vsel vm11, v46, v50  }
0x316: {  	v59 =	vperm.xlane v16, v3;
	v23 =	vmax.f32 v23, v60;
	v12 =	vsel vm12, v26, v12  }
0x317: {  	v9 =	vsel vm12, $0x18390, v9;
	v63 =	vperm.xlane v18, v5;
	vm14 =	veq.f32 v17, v23  }
0x318: {  	v17 =	vmax.f32 v22, v37;
	vm13 =	vlt.s32 v16, v59;
	v15 =	vnsel vm14, $0x7FFFFFFF, v15  }
0x319: {  	v39 =	vperm.xlane v17, v3;
	vm14 =	vgt.f32 v38, v12;
	v16 =	vsel vm13, v16, v59  }
0x31a: {  	vm8 =	vlt.s32 v18, v63;
	vm13 =	vgt.f32 v25, v20;
	v12 =	vsel vm14, v38, v12  }
0x31b: {  	v35 =	vperm.xlane v15, v2;
	v20 =	vsel vm13, v25, v20;
	vm15 =	vgt.f32 v40, v12  }
0x31c: {  	v9 =	vsel vm14, $0x183A0, v9;
	v42 =	vperm.xlane v20, v2;
	v12 =	vsel vm15, v40, v12  }
0x31d: {  	v33 =	vperm.xlane v16, v4;
	v18 =	vsel vm8, v18, v63;
	v45 =	vperm.xlane v12, v2  }
0x31e: {  	v17 =	vmax.f32 v17, v39;
	v10 =	vsel vm13, $0x183B0, v10;
	v24 =	vmax.f32 v20, v42  }
0x31f: {  	v41 =	vperm.xlane v17, v4;
	v44 =	vperm.xlane v24, v3;
	v47 =	vmax.f32 v12, v45  }
0x320: {  	vm11 =	vlt.s32 v15, v35;
	v10 =	vadd.s32 v1, v10;
	v49 =	vperm.xlane v47, v3  }
0x321: {  	v9 =	vsel vm15, $0x183B0, v9;
	v17 =	vmax.f32 v17, v41;
	v46 =	vmax.f32 v24, v44  }
0x322: {  	v21 =	vperm.xlane v17, v5;
	v48 =	vperm.xlane v46, v4;
	v50 =	vmax.f32 v47, v49  }
0x323: {  	vm10 =	vlt.s32 v16, v33;
	v15 =	vsel vm11, v15, v35;
	v52 =	vperm.xlane v50, v4  }
0x324: {  	v16 =	vsel vm10, v16, v33;
	v17 =	vmax.f32 v17, v21;
	v21 =	vmax.f32 v46, v48  }
0x325: {  	vm10 =	veq.f32 v22, v17;
	v51 =	vperm.xlane v21, v5;
	v22 =	vmax.f32 v50, v52  }
0x326: {  	v43 =	vperm.xlane v15, v3;
	v11 =	vnsel vm10, $0x7FFFFFFF, v11;
	v54 =	vperm.xlane v22, v5  }
0x327: {  	v9 =	vadd.s32 v1, v9;
	v53 =	vperm.xlane v11, v2;
	v21 =	vmax.f32 v21, v51  }
0x328: {  	vm9 =	vlt.s32 v15, v43;
	vm11 =	veq.f32 v20, v21;
	v20 =	vmax.f32 v22, v54  }
0x329: {  	vm12 =	vlt.s32 v11, v53;
	v10 =	vnsel vm11, $0x7FFFFFFF, v10;
	vm13 =	veq.f32 v12, v20  }
0x32a: {  	v11 =	vsel vm12, v11, v53;
	v56 =	vperm.xlane v10, v2;
	v9 =	vnsel vm13, $0x7FFFFFFF, v9  }
0x32b: {  	v15 =	vsel vm9, v15, v43;
	v57 =	vperm.xlane v11, v3;
	v58 =	vperm.xlane v9, v2  }
0x32c: {  	[tilespmem:$0xFC00] =	vst v6;
	v6 =	vperm.xlane v16, v5;
	v55 =	vperm.xlane v15, v4;
	vm15 =	vlt.s32 v10, v56  }
0x32d: {  	[tilespmem:$0xFC10] =	vst v7;
	vm4 =	vlt.s32 v11, v57;
	v10 =	vsel vm15, v10, v56;
	vm5 =	vlt.s32 v9, v58  }
0x32e: {  	[tilespmem:$0xFC20] =	vst v8;
	v7 =	vsel vm4, v11, v57;
	v59 =	vperm.xlane v10, v3;
	v9 =	vsel vm5, v9, v58  }
0x32f: {  	[tilespmem:$0xFC80] =	vst v14;
	vm6 =	vlt.s32 v16, v6;
	v11 =	vperm.xlane v7, v4;
	v60 =	vperm.xlane v9, v3  }
0x330: {  	[tilespmem:$0xFC30] =	vst v13;
	v6 =	vsel vm6, v16, v6;
	vm14 =	vlt.s32 v15, v55;
	vm7 =	vlt.s32 v10, v59  }
0x331: {  	[tilespmem:$0xFC90] =	vst v19;
	vm8 =	vlt.s32 v7, v11;
	v10 =	vsel vm7, v10, v59;
	vm9 =	vlt.s32 v9, v60  }
0x332: {  	[tilespmem:$0xFC40] =	vst v23;
	v7 =	vsel vm8, v7, v11;
	v14 =	vperm.xlane v10, v4;
	v9 =	vsel vm9, v9, v60  }
0x333: {  	[tilespmem:$0xFCB0] =	vst v6;
	v15 =	vsel vm14, v15, v55;
	v6 =	vperm.xlane v7, v5;
	v62 =	vperm.xlane v9, v4  }
0x334: {  	[tilespmem:$0xFCA0] =	vst v18;
	v61 =	vperm.xlane v15, v5;
	vm11 =	vlt.s32 v10, v14  }
0x335: {  	[tilespmem:$0xFC50] =	vst v17;
	vm12 =	vlt.s32 v7, v6;
	v10 =	vsel vm11, v10, v14;
	vm13 =	vlt.s32 v9, v62  }
0x336: {  	[tilespmem:$0xFC60] =	vst v21;
	v6 =	vsel vm12, v7, v6;
	v63 =	vperm.xlane v10, v5;
	v7 =	vsel vm13, v9, v62  }
0x337: {  	vm10 =	vlt.s32 v15, v61;
	[tilespmem:$0xFCD0] =	vst v6;
	v6 =	vperm.xlane v7, v5  }
0x338: {  	v8 =	vsel vm10, v15, v61;
	[tilespmem:$0xFC70] =	vst v20;
	vm14 =	vlt.s32 v10, v63  }
0x339: {  	[tilespmem:$0xFCC0] =	vst v8;
	v8 =	vsel vm14, v10, v63;
	vm15 =	vlt.s32 v7, v6  }
0x33a: {  	[tilespmem:$0xFCE0] =	vst v8;
	v6 =	vsel vm15, v7, v6  }
0x33b: {  	[tilespmem:$0xFCF0] =	vst v6  }
0x33c: {  	[hbm4b:s2+s1] =	stream.linear.scatter [tilespmem:s19], [sflag:$0x3], $0x80, $0x38;
	[tilespmem:$0x10200] =	vst v63  }
0x33d: {  	_ =	swait.ge [sflag:s0], $0x80  }
0x33e: {  	[sflag:s0] =	ssyncset.done $0x0  }
0x33f: {  	[sflag:s0] =	ssyncadd.s32 $0xFFFFFF80  }
0x340: {  	[hbm4b:s3+s1] =	stream.linear.scatter [tilespmem:s4], [sflag:$0x3], $0x80, $0x38;
	[tilespmem:$0x10200] =	vst v63  }
.Ltmp6:
0x341: {  	_ =	swait.ge [sflag:s0], $0x80;
	(pc) =	sbr.rel @p0 .LBB2_11-.Ltmp6, $3  }
0x342: {  	[sflag:s0] =	ssyncset.done $0x0  }
0x343: {  	[sflag:s0] =	ssyncadd.s32 $0xFFFFFF80  }
0x344: {  	[bflag:$0x0] =	sbarrier.arrive $0xFFFF;
	_ =	sdelay $0x1  }
0x345: {  	s8 =	rddreg [dreg:$0x3];
	s9 =	simm.s32 $0xFD00  }
0x346: {  	[tilespmem:s9], [sflag:$0x3] =	stream.linear.gather [hbm4b:s8+s1], $0x200, $0x38;
	[tilespmem:$0x10200] =	vst v63  }
0x347: {  	_ =	swait.ge [sflag:s0], $0x200  }
0x348: {  	[sflag:s0] =	ssyncset.done $0x0  }
0x349: {  	s17 =	simm.s32 $0xFF00;
	s16 =	rddreg [dreg:$0x4];
	[sflag:s0] =	ssyncadd.s32 $0xFFFFFE00  }
0x34a: {  	[tilespmem:s17], [sflag:$0x3] =	stream.linear.gather [hbm4b:s16+s1], $0x200, $0x38;
	[tilespmem:$0x10200] =	vst v63  }
0x34b: {  	_ =	swait.ge [sflag:s0], $0x200  }
0x34c: {  	[sflag:s0] =	ssyncset.done $0x0  }
0x34d: {  	[sflag:s0] =	ssyncadd.s32 $0xFFFFFE00  }
0x34e: {  	v6 =	vld [tilespmem:$0xFD00]  }
0x34f: {  	v7 =	vld [tilespmem:$0xFF00]  }
0x350: {  	v8 =	vld [tilespmem:$0xFD80]  }
0x351: {  	v9 =	vld [tilespmem:$0xFF80];
	_ =	sdelay $0x2  }
0x352: {  	v10 =	vld [tilespmem:$0xFE00]  }
0x353: {  	v11 =	vld [tilespmem:$0x10000]  }
0x354: {  	vm0 =	veq.f32 v8, v6;
	vm1 =	vlt.s32 v9, v7  }
0x355: {  	vm7 =	vgt.f32 v8, v6;
	vm0 =	vmand vm0, vm1  }
0x356: {  	v12 =	vld [tilespmem:$0xFE80];
	vm0 =	vmor vm7, vm0  }
0x357: {  	v21 =	vld [tilespmem:$0x10080];
	v6 =	vsel vm0, v8, v6;
	v7 =	vsel vm0, v9, v7  }
0x358: {  	vm8 =	veq.f32 v10, v6;
	vm9 =	vlt.s32 v11, v7  }
0x359: {  	vm10 =	vgt.f32 v10, v6;
	vm0 =	vmand vm8, vm9  }
0x35a: {  	vm0 =	vmor vm10, vm0  }
0x35b: {  	v6 =	vsel vm0, v10, v6;
	v7 =	vsel vm0, v11, v7  }
0x35c: {  	vm11 =	veq.f32 v12, v6;
	vm12 =	vlt.s32 v21, v7  }
0x35d: {  	vm2 =	vgt.f32 v12, v6;
	vm0 =	vmand vm11, vm12  }
0x35e: {  	vm0 =	vmor vm2, vm0  }
0x35f: {  	v7 =	vsel vm0, v21, v7  }
0x360: {  	v6 =	vsel vm0, v12, v6;
	[tilespmem:$0x10100] =	vst v7  }
0x361: {  	s18 =	rddreg [dreg:$0x5];
	[tilespmem:$0x10180] =	vst v6  }
0x362: {  	[hbm4b:s18+s1] =	stream.linear.scatter [tilespmem:s5], [sflag:$0x3], $0x10, $0x38;
	[tilespmem:$0x10200] =	vst v63  }
0x363: {  	_ =	swait.ge [sflag:s0], $0x10  }
0x364: {  	[sflag:s0] =	ssyncset.done $0x0  }
0x365: {  	s20 =	rddreg [dreg:$0x6];
	[sflag:s0] =	ssyncadd.s32 $0xFFFFFFF0  }
0x366: {  	[hbm4b:s20+s1] =	stream.linear.scatter [tilespmem:s6], [sflag:$0x3], $0x10, $0x38;
	[tilespmem:$0x10200] =	vst v63  }
0x367: {  	_ =	swait.ge [sflag:s0], $0x10  }
0x368: {  	[sflag:s0] =	ssyncset.done $0x0  }
0x369: {  	[sflag:s0] =	ssyncadd.s32 $0xFFFFFFF0  }
0x36a: {  	v6 =	vld [tilespmem:$0xFD10]  }
0x36b: {  	v7 =	vld [tilespmem:$0xFF10]  }
0x36c: {  	v22 =	vld [tilespmem:$0xFD90]  }
0x36d: {  	v23 =	vld [tilespmem:$0xFF90];
	_ =	sdelay $0x2  }
0x36e: {  	v24 =	vld [tilespmem:$0xFE10]  }
0x36f: {  	v25 =	vld [tilespmem:$0x10010]  }
0x370: {  	vm13 =	veq.f32 v22, v6;
	vm14 =	vlt.s32 v23, v7  }
0x371: {  	vm15 =	vgt.f32 v22, v6;
	vm0 =	vmand vm13, vm14  }
0x372: {  	v26 =	vld [tilespmem:$0xFE90];
	vm0 =	vmor vm15, vm0  }
0x373: {  	v27 =	vld [tilespmem:$0x10090];
	v6 =	vsel vm0, v22, v6;
	v7 =	vsel vm0, v23, v7  }
0x374: {  	vm4 =	veq.f32 v24, v6;
	vm5 =	vlt.s32 v25, v7  }
0x375: {  	vm6 =	vgt.f32 v24, v6;
	vm0 =	vmand vm4, vm5  }
0x376: {  	vm0 =	vmor vm6, vm0  }
0x377: {  	v6 =	vsel vm0, v24, v6;
	v7 =	vsel vm0, v25, v7  }
0x378: {  	vm7 =	veq.f32 v26, v6;
	vm8 =	vlt.s32 v27, v7  }
0x379: {  	vm9 =	vgt.f32 v26, v6;
	vm0 =	vmand vm7, vm8  }
0x37a: {  	vm0 =	vmor vm9, vm0  }
0x37b: {  	v7 =	vsel vm0, v27, v7  }
0x37c: {  	v6 =	vsel vm0, v26, v6;
	[tilespmem:$0x10100] =	vst v7  }
0x37d: {  	s21 =	rddreg [dreg:$0x7];
	[tilespmem:$0x10180] =	vst v6  }
0x37e: {  	[hbm4b:s21+s1] =	stream.linear.scatter [tilespmem:s5], [sflag:$0x3], $0x10, $0x38;
	[tilespmem:$0x10200] =	vst v63  }
0x37f: {  	_ =	swait.ge [sflag:s0], $0x10  }
0x380: {  	[sflag:s0] =	ssyncset.done $0x0  }
0x381: {  	s9 =	rddreg [dreg:$0x8];
	[sflag:s0] =	ssyncadd.s32 $0xFFFFFFF0  }
0x382: {  	[hbm4b:s9+s1] =	stream.linear.scatter [tilespmem:s6], [sflag:$0x3], $0x10, $0x38;
	[tilespmem:$0x10200] =	vst v63  }
0x383: {  	_ =	swait.ge [sflag:s0], $0x10  }
0x384: {  	[sflag:s0] =	ssyncset.done $0x0  }
0x385: {  	[sflag:s0] =	ssyncadd.s32 $0xFFFFFFF0  }
0x386: {  	v6 =	vld [tilespmem:$0xFD20]  }
0x387: {  	v7 =	vld [tilespmem:$0xFF20]  }
0x388: {  	v28 =	vld [tilespmem:$0xFDA0]  }
0x389: {  	v29 =	vld [tilespmem:$0xFFA0];
	_ =	sdelay $0x2  }
0x38a: {  	v30 =	vld [tilespmem:$0xFE20]  }
0x38b: {  	v31 =	vld [tilespmem:$0x10020]  }
0x38c: {  	vm10 =	veq.f32 v28, v6;
	vm11 =	vlt.s32 v29, v7  }
0x38d: {  	vm12 =	vgt.f32 v28, v6;
	vm0 =	vmand vm10, vm11  }
0x38e: {  	v32 =	vld [tilespmem:$0xFEA0];
	vm0 =	vmor vm12, vm0  }
0x38f: {  	v33 =	vld [tilespmem:$0x100A0];
	v6 =	vsel vm0, v28, v6;
	v7 =	vsel vm0, v29, v7  }
0x390: {  	vm13 =	veq.f32 v30, v6;
	vm14 =	vlt.s32 v31, v7  }
0x391: {  	vm15 =	vgt.f32 v30, v6;
	vm0 =	vmand vm13, vm14  }
0x392: {  	vm0 =	vmor vm15, vm0  }
0x393: {  	v6 =	vsel vm0, v30, v6;
	v7 =	vsel vm0, v31, v7  }
0x394: {  	vm4 =	veq.f32 v32, v6;
	vm5 =	vlt.s32 v33, v7  }
0x395: {  	vm6 =	vgt.f32 v32, v6;
	vm0 =	vmand vm4, vm5  }
0x396: {  	vm0 =	vmor vm6, vm0  }
0x397: {  	v7 =	vsel vm0, v33, v7  }
0x398: {  	v6 =	vsel vm0, v32, v6;
	[tilespmem:$0x10100] =	vst v7  }
0x399: {  	s10 =	rddreg [dreg:$0x9];
	[tilespmem:$0x10180] =	vst v6  }
0x39a: {  	[hbm4b:s10+s1] =	stream.linear.scatter [tilespmem:s5], [sflag:$0x3], $0x10, $0x38;
	[tilespmem:$0x10200] =	vst v63  }
0x39b: {  	_ =	swait.ge [sflag:s0], $0x10  }
0x39c: {  	[sflag:s0] =	ssyncset.done $0x0  }
0x39d: {  	s11 =	rddreg [dreg:$0xa];
	[sflag:s0] =	ssyncadd.s32 $0xFFFFFFF0  }
0x39e: {  	[hbm4b:s11+s1] =	stream.linear.scatter [tilespmem:s6], [sflag:$0x3], $0x10, $0x38;
	[tilespmem:$0x10200] =	vst v63  }
0x39f: {  	_ =	swait.ge [sflag:s0], $0x10  }
0x3a0: {  	[sflag:s0] =	ssyncset.done $0x0  }
0x3a1: {  	[sflag:s0] =	ssyncadd.s32 $0xFFFFFFF0  }
0x3a2: {  	v6 =	vld [tilespmem:$0xFD30]  }
0x3a3: {  	v7 =	vld [tilespmem:$0xFF30]  }
0x3a4: {  	v34 =	vld [tilespmem:$0xFDB0]  }
0x3a5: {  	v35 =	vld [tilespmem:$0xFFB0];
	_ =	sdelay $0x2  }
0x3a6: {  	v36 =	vld [tilespmem:$0xFE30]  }
0x3a7: {  	v37 =	vld [tilespmem:$0x10030]  }
0x3a8: {  	vm7 =	veq.f32 v34, v6;
	vm8 =	vlt.s32 v35, v7  }
0x3a9: {  	vm9 =	vgt.f32 v34, v6;
	vm0 =	vmand vm7, vm8  }
0x3aa: {  	v38 =	vld [tilespmem:$0xFEB0];
	vm0 =	vmor vm9, vm0  }
0x3ab: {  	v39 =	vld [tilespmem:$0x100B0];
	v6 =	vsel vm0, v34, v6;
	v7 =	vsel vm0, v35, v7  }
0x3ac: {  	vm10 =	veq.f32 v36, v6;
	vm11 =	vlt.s32 v37, v7  }
0x3ad: {  	vm12 =	vgt.f32 v36, v6;
	vm0 =	vmand vm10, vm11  }
0x3ae: {  	vm0 =	vmor vm12, vm0  }
0x3af: {  	v6 =	vsel vm0, v36, v6;
	v7 =	vsel vm0, v37, v7  }
0x3b0: {  	vm13 =	veq.f32 v38, v6;
	vm14 =	vlt.s32 v39, v7  }
0x3b1: {  	vm15 =	vgt.f32 v38, v6;
	vm0 =	vmand vm13, vm14  }
0x3b2: {  	vm0 =	vmor vm15, vm0  }
0x3b3: {  	v7 =	vsel vm0, v39, v7  }
0x3b4: {  	v6 =	vsel vm0, v38, v6;
	[tilespmem:$0x10100] =	vst v7  }
0x3b5: {  	s12 =	rddreg [dreg:$0xb];
	[tilespmem:$0x10180] =	vst v6  }
0x3b6: {  	[hbm4b:s12+s1] =	stream.linear.scatter [tilespmem:s5], [sflag:$0x3], $0x10, $0x38;
	[tilespmem:$0x10200] =	vst v63  }
0x3b7: {  	_ =	swait.ge [sflag:s0], $0x10  }
0x3b8: {  	[sflag:s0] =	ssyncset.done $0x0  }
0x3b9: {  	s13 =	rddreg [dreg:$0xc];
	[sflag:s0] =	ssyncadd.s32 $0xFFFFFFF0  }
0x3ba: {  	[hbm4b:s13+s1] =	stream.linear.scatter [tilespmem:s6], [sflag:$0x3], $0x10, $0x38;
	[tilespmem:$0x10200] =	vst v63  }
0x3bb: {  	_ =	swait.ge [sflag:s0], $0x10  }
0x3bc: {  	[sflag:s0] =	ssyncset.done $0x0  }
0x3bd: {  	[sflag:s0] =	ssyncadd.s32 $0xFFFFFFF0  }
0x3be: {  	v6 =	vld [tilespmem:$0xFD40]  }
0x3bf: {  	v7 =	vld [tilespmem:$0xFF40]  }
0x3c0: {  	v40 =	vld [tilespmem:$0xFDC0]  }
0x3c1: {  	v41 =	vld [tilespmem:$0xFFC0];
	_ =	sdelay $0x2  }
0x3c2: {  	v42 =	vld [tilespmem:$0xFE40]  }
0x3c3: {  	v43 =	vld [tilespmem:$0x10040]  }
0x3c4: {  	vm4 =	veq.f32 v40, v6;
	vm5 =	vlt.s32 v41, v7  }
0x3c5: {  	vm6 =	vgt.f32 v40, v6;
	vm0 =	vmand vm4, vm5  }
0x3c6: {  	v44 =	vld [tilespmem:$0xFEC0];
	vm0 =	vmor vm6, vm0  }
0x3c7: {  	v45 =	vld [tilespmem:$0x100C0];
	v6 =	vsel vm0, v40, v6;
	v7 =	vsel vm0, v41, v7  }
0x3c8: {  	vm7 =	veq.f32 v42, v6;
	vm8 =	vlt.s32 v43, v7  }
0x3c9: {  	vm9 =	vgt.f32 v42, v6;
	vm0 =	vmand vm7, vm8  }
0x3ca: {  	vm0 =	vmor vm9, vm0  }
0x3cb: {  	v6 =	vsel vm0, v42, v6;
	v7 =	vsel vm0, v43, v7  }
0x3cc: {  	vm10 =	veq.f32 v44, v6;
	vm11 =	vlt.s32 v45, v7  }
0x3cd: {  	vm12 =	vgt.f32 v44, v6;
	vm0 =	vmand vm10, vm11  }
0x3ce: {  	vm0 =	vmor vm12, vm0  }
0x3cf: {  	v7 =	vsel vm0, v45, v7  }
0x3d0: {  	v6 =	vsel vm0, v44, v6;
	[tilespmem:$0x10100] =	vst v7  }
0x3d1: {  	s14 =	rddreg [dreg:$0xd];
	[tilespmem:$0x10180] =	vst v6  }
0x3d2: {  	[hbm4b:s14+s1] =	stream.linear.scatter [tilespmem:s5], [sflag:$0x3], $0x10, $0x38;
	[tilespmem:$0x10200] =	vst v63  }
0x3d3: {  	_ =	swait.ge [sflag:s0], $0x10  }
0x3d4: {  	[sflag:s0] =	ssyncset.done $0x0  }
0x3d5: {  	s15 =	rddreg [dreg:$0xe];
	[sflag:s0] =	ssyncadd.s32 $0xFFFFFFF0  }
0x3d6: {  	[hbm4b:s15+s1] =	stream.linear.scatter [tilespmem:s6], [sflag:$0x3], $0x10, $0x38;
	[tilespmem:$0x10200] =	vst v63  }
0x3d7: {  	_ =	swait.ge [sflag:s0], $0x10  }
0x3d8: {  	[sflag:s0] =	ssyncset.done $0x0  }
0x3d9: {  	[sflag:s0] =	ssyncadd.s32 $0xFFFFFFF0  }
0x3da: {  	v6 =	vld [tilespmem:$0xFD50]  }
0x3db: {  	v7 =	vld [tilespmem:$0xFF50]  }
0x3dc: {  	v46 =	vld [tilespmem:$0xFDD0]  }
0x3dd: {  	v47 =	vld [tilespmem:$0xFFD0];
	_ =	sdelay $0x2  }
0x3de: {  	v48 =	vld [tilespmem:$0xFE50]  }
0x3df: {  	v49 =	vld [tilespmem:$0x10050]  }
0x3e0: {  	vm13 =	veq.f32 v46, v6;
	vm14 =	vlt.s32 v47, v7  }
0x3e1: {  	vm15 =	vgt.f32 v46, v6;
	vm0 =	vmand vm13, vm14  }
0x3e2: {  	v50 =	vld [tilespmem:$0xFED0];
	vm0 =	vmor vm15, vm0  }
0x3e3: {  	v51 =	vld [tilespmem:$0x100D0];
	v6 =	vsel vm0, v46, v6;
	v7 =	vsel vm0, v47, v7  }
0x3e4: {  	vm4 =	veq.f32 v48, v6;
	vm5 =	vlt.s32 v49, v7  }
0x3e5: {  	vm6 =	vgt.f32 v48, v6;
	vm0 =	vmand vm4, vm5  }
0x3e6: {  	vm0 =	vmor vm6, vm0  }
0x3e7: {  	v6 =	vsel vm0, v48, v6;
	v7 =	vsel vm0, v49, v7  }
0x3e8: {  	vm7 =	veq.f32 v50, v6;
	vm8 =	vlt.s32 v51, v7  }
0x3e9: {  	vm9 =	vgt.f32 v50, v6;
	vm0 =	vmand vm7, vm8  }
0x3ea: {  	vm0 =	vmor vm9, vm0  }
0x3eb: {  	v7 =	vsel vm0, v51, v7  }
0x3ec: {  	v6 =	vsel vm0, v50, v6;
	[tilespmem:$0x10100] =	vst v7  }
0x3ed: {  	s16 =	rddreg [dreg:$0xf];
	[tilespmem:$0x10180] =	vst v6  }
0x3ee: {  	[hbm4b:s16+s1] =	stream.linear.scatter [tilespmem:s5], [sflag:$0x3], $0x10, $0x38;
	[tilespmem:$0x10200] =	vst v63  }
0x3ef: {  	_ =	swait.ge [sflag:s0], $0x10  }
0x3f0: {  	[sflag:s0] =	ssyncset.done $0x0  }
0x3f1: {  	s17 =	rddreg [dreg:$0x10];
	[sflag:s0] =	ssyncadd.s32 $0xFFFFFFF0  }
0x3f2: {  	[hbm4b:s17+s1] =	stream.linear.scatter [tilespmem:s6], [sflag:$0x3], $0x10, $0x38;
	[tilespmem:$0x10200] =	vst v63  }
0x3f3: {  	_ =	swait.ge [sflag:s0], $0x10  }
0x3f4: {  	[sflag:s0] =	ssyncset.done $0x0  }
0x3f5: {  	[sflag:s0] =	ssyncadd.s32 $0xFFFFFFF0  }
0x3f6: {  	v6 =	vld [tilespmem:$0xFD60]  }
0x3f7: {  	v7 =	vld [tilespmem:$0xFF60]  }
0x3f8: {  	v52 =	vld [tilespmem:$0xFDE0]  }
0x3f9: {  	v53 =	vld [tilespmem:$0xFFE0];
	_ =	sdelay $0x2  }
0x3fa: {  	v54 =	vld [tilespmem:$0xFE60]  }
0x3fb: {  	v55 =	vld [tilespmem:$0x10060]  }
0x3fc: {  	vm10 =	veq.f32 v52, v6;
	vm11 =	vlt.s32 v53, v7  }
0x3fd: {  	vm12 =	vgt.f32 v52, v6;
	vm0 =	vmand vm10, vm11  }
0x3fe: {  	v56 =	vld [tilespmem:$0xFEE0];
	vm0 =	vmor vm12, vm0  }
0x3ff: {  	v57 =	vld [tilespmem:$0x100E0];
	v6 =	vsel vm0, v52, v6;
	v7 =	vsel vm0, v53, v7  }
0x400: {  	vm13 =	veq.f32 v54, v6;
	vm14 =	vlt.s32 v55, v7  }
0x401: {  	vm15 =	vgt.f32 v54, v6;
	vm0 =	vmand vm13, vm14  }
0x402: {  	vm0 =	vmor vm15, vm0  }
0x403: {  	v6 =	vsel vm0, v54, v6;
	v7 =	vsel vm0, v55, v7  }
0x404: {  	vm4 =	veq.f32 v56, v6;
	vm5 =	vlt.s32 v57, v7  }
0x405: {  	vm6 =	vgt.f32 v56, v6;
	vm0 =	vmand vm4, vm5  }
0x406: {  	vm0 =	vmor vm6, vm0  }
0x407: {  	v7 =	vsel vm0, v57, v7  }
0x408: {  	v6 =	vsel vm0, v56, v6;
	[tilespmem:$0x10100] =	vst v7  }
0x409: {  	s18 =	rddreg [dreg:$0x11];
	[tilespmem:$0x10180] =	vst v6  }
0x40a: {  	[hbm4b:s18+s1] =	stream.linear.scatter [tilespmem:s5], [sflag:$0x3], $0x10, $0x38;
	[tilespmem:$0x10200] =	vst v63  }
0x40b: {  	_ =	swait.ge [sflag:s0], $0x10  }
0x40c: {  	[sflag:s0] =	ssyncset.done $0x0  }
0x40d: {  	s20 =	rddreg [dreg:$0x12];
	[sflag:s0] =	ssyncadd.s32 $0xFFFFFFF0  }
0x40e: {  	[hbm4b:s20+s1] =	stream.linear.scatter [tilespmem:s6], [sflag:$0x3], $0x10, $0x38;
	[tilespmem:$0x10200] =	vst v63  }
0x40f: {  	_ =	swait.ge [sflag:s0], $0x10  }
0x410: {  	[sflag:s0] =	ssyncset.done $0x0  }
0x411: {  	[sflag:s0] =	ssyncadd.s32 $0xFFFFFFF0  }
0x412: {  	v6 =	vld [tilespmem:$0xFD70]  }
0x413: {  	v7 =	vld [tilespmem:$0xFF70]  }
0x414: {  	v58 =	vld [tilespmem:$0xFDF0]  }
0x415: {  	v59 =	vld [tilespmem:$0xFFF0];
	_ =	sdelay $0x2  }
0x416: {  	v60 =	vld [tilespmem:$0xFE70]  }
0x417: {  	v61 =	vld [tilespmem:$0x10070]  }
0x418: {  	vm7 =	veq.f32 v58, v6;
	vm8 =	vlt.s32 v59, v7  }
0x419: {  	vm9 =	vgt.f32 v58, v6;
	vm0 =	vmand vm7, vm8  }
0x41a: {  	v62 =	vld [tilespmem:$0xFEF0];
	vm0 =	vmor vm9, vm0  }
0x41b: {  	v63 =	vld [tilespmem:$0x100F0];
	v6 =	vsel vm0, v58, v6;
	v7 =	vsel vm0, v59, v7  }
0x41c: {  	vm10 =	veq.f32 v60, v6;
	vm11 =	vlt.s32 v61, v7  }
0x41d: {  	vm12 =	vgt.f32 v60, v6;
	vm0 =	vmand vm10, vm11  }
0x41e: {  	vm0 =	vmor vm12, vm0  }
0x41f: {  	v6 =	vsel vm0, v60, v6;
	v7 =	vsel vm0, v61, v7  }
0x420: {  	vm13 =	veq.f32 v62, v6;
	vm14 =	vlt.s32 v63, v7  }
0x421: {  	vm15 =	vgt.f32 v62, v6;
	vm0 =	vmand vm13, vm14  }
0x422: {  	vm0 =	vmor vm15, vm0  }
0x423: {  	v7 =	vsel vm0, v63, v7  }
0x424: {  	v6 =	vsel vm0, v62, v6;
	[tilespmem:$0x10100] =	vst v7  }
0x425: {  	s21 =	rddreg [dreg:$0x13];
	[tilespmem:$0x10180] =	vst v6  }
0x426: {  	[hbm4b:s21+s1] =	stream.linear.scatter [tilespmem:s5], [sflag:$0x3], $0x10, $0x38;
	[tilespmem:$0x10200] =	vst v63  }
0x427: {  	_ =	swait.ge [sflag:s0], $0x10  }
0x428: {  	[sflag:s0] =	ssyncset.done $0x0  }
.Ltmp7:
0x429: {  	[sflag:s0] =	ssyncadd.s32 $0xFFFFFFF0;
	(pc) =	sbr.rel .LBB2_11-.Ltmp7, $4  }
0x42a: {  	[hbm4b:s22+s1] =	stream.linear.scatter [tilespmem:s6], [sflag:$0x3], $0x10, $0x38;
	[tilespmem:$0x10200] =	vst v63  }
0x42b: {  	_ =	swait.ge [sflag:s0], $0x10  }
0x42c: {  	[sflag:s0] =	ssyncset.done $0x0  }
0x42d: {  	[sflag:s0] =	ssyncadd.s32 $0xFFFFFFF0  }
.LBB2_12:
0x42e: {  	_ =	sfence.sel $0x180000  }
0x42f: {  	[bflag:$0x0] =	sbarrier.arrive $0xFFFF  }
0x430: {  	_ =	strace $0x90000047  }
0x431: {  	s0 =	stileid.u32;
	[bflag:$0x2] =	sbarrier.arrive $0xFFFF  }
0x432: {  	p0 =	sne.s32 s0, $0x0;
	s0 =	rddreg [dreg:$0x2]  }
0x433: {  	s0 =	sadd.s32 @!p0 $0x100000, s0  }
0x434: {  	[sflag:s0] =	ssyncadd.tile.s32 @!p0 $0x1;
	_ =	shalt  }
.Lfunc_end2:
_tile_overlayer_lowered:
.L_overlay_start_2:
0x435: {  	(tag) =	ssettag $0x2  }
0x436: {  	s0 =	rddreg [dreg:$0x0];
	s2 =	stileid.u32  }
0x437: {  	s1 =	rddreg [dreg:$0x1];
	p0 =	sne.s32 s2, $0x0  }
0x438: {  	s3 =	rddreg [dreg:$0x2];
	[bflag:$0x3] =	sbarrier.arrive $0xFFFF;
	s2 =	simm.s32 @!p0 $0x1C03  }
0x439: {  	[timem:s3], [sflag:s2] =	dma.local @!p0 [hbm:s0], s1  }
0x43a: {  	s0 =	simm.s32 @!p0 $0x3  }
0x43b: {  	_ =	swait.ge @!p0 [sflag:s0], s1  }
0x43c: {  	s1 =	ssub.s32 @!p0 $0x0, s1;
	[sflag:s0] =	ssyncset.done @!p0 $0x0  }
0x43d: {  	[sflag:s0] =	ssyncadd.s32 @!p0 s1  }
0x43e: {  	[bflag:$0x3] =	sbarrier.arrive $0xFFFF  }
0x43f: {  	_ =	shalt  }

</sc_bundles>
